<compile_context>
chip_gen: v7x
topology: tpu7x:2x2x1
jax: 0.10.2.dev20260603
libtpu: 0.0.44.dev20260713+nightly
codegen_flags: <defaults>
</compile_context>

<pallas_src>
import functools

import jax
import jax.numpy as jnp
from jax import lax
from jax.experimental import pallas as pl
from jax.experimental.pallas import tpu as pltpu
from jax.experimental.pallas import tpu_sc as plsc

N_NODES = 10000
N_EDGES = 320000
D = 128
K_HOPS = 3

NC = 2
NS = 16
NW = NC * NS
C = 80
Q = 3
L = 2
EPW = N_EDGES // NW
CH = EPW // C
BLK = 5
NB = CH // BLK
RPS = 624
ZR = 16
TAIL = N_NODES - NS * RPS

assert N_EDGES == NW * CH * C and CH == NB * BLK and BLK >= L and Q > L
assert RPS % ZR == 0 and TAIL == 16 and N_NODES % 16 == 0

_mesh = plsc.VectorSubcoreMesh(
    core_axis_name="c", subcore_axis_name="s", num_cores=NC, num_subcores=NS
)


@functools.partial(
    pl.kernel,
    out_type=jax.ShapeDtypeStruct((NW, 1, N_NODES), jnp.float32),
    mesh=_mesh,
    scratch_types=[
        pltpu.VMEM((CH, C), jnp.int32),
        pltpu.VMEM((N_NODES,), jnp.float32),
    ],
    compiler_params=pltpu.CompilerParams(needs_layout_passes=False),
)
def _deg_kernel(dst_hbm, out_hbm, dst_v, cnt_v):
    c = lax.axis_index("c")
    s = lax.axis_index("s")
    wid = c * NS + s
    zero16 = jnp.zeros((16,), jnp.float32)

    def zbody(i, carry):
        cnt_v[pl.ds(i * 16, 16)] = zero16
        return carry

    lax.fori_loop(0, N_NODES // 16, zbody, 0)

    pltpu.sync_copy(dst_hbm.at[wid], dst_v)
    ones16 = jnp.ones((16,), jnp.float32)

    def ebody(i, carry):
        for j in range(C // 16):
            idx = dst_v[i, pl.ds(j * 16, 16)]
            plsc.addupdate_scatter(cnt_v, [idx], ones16)
        return carry

    lax.fori_loop(0, CH, ebody, 0)
    pltpu.sync_copy(cnt_v, out_hbm.at[wid, 0])


@functools.partial(
    pl.kernel,
    out_type=jax.ShapeDtypeStruct((NC, N_NODES, D), jnp.float32),
    mesh=_mesh,
    scratch_types=[
        pltpu.VMEM((2, BLK, C), jnp.int32),
        pltpu.VMEM((2, BLK, C), jnp.int32),
        pltpu.VMEM((Q, C, D), jnp.float32),
        pltpu.VMEM((ZR, D), jnp.float32),
        pltpu.VMEM_SHARED((N_NODES, D), jnp.float32),
        pltpu.SemaphoreType.DMA((Q,)),
        pltpu.SemaphoreType.DMA((Q,)),
        pltpu.SemaphoreType.DMA,
        pltpu.SemaphoreType.DMA,
    ],
)
def _hop_kernel(
    g_hbm, src_hbm, dst_hbm, out_hbm,
    src_b, dst_b, rows_v, zbuf_v, acc_sh, sem_g, sem_s, sem_is, sem_id,
):
    c = lax.axis_index("c")
    s = lax.axis_index("s")
    wid = c * NS + s
    zero16 = jnp.zeros((16,), jnp.float32)

    pltpu.sync_copy(src_hbm.at[wid, 0], src_b.at[0])
    pltpu.sync_copy(dst_hbm.at[wid, 0], dst_b.at[0])
    for j in range(L):
        pltpu.async_copy(g_hbm.at[src_b.at[0, j]], rows_v.at[j], sem_g.at[j])

    def zbody(i, carry):
        for j in range(D // 16):
            zbuf_v[i, pl.ds(j * 16, 16)] = zero16
        return carry

    lax.fori_loop(0, ZR, zbody, 0)
    base = pl.multiple_of(s * RPS, 8)
    for r in range(RPS // ZR):
        pltpu.async_copy(zbuf_v, acc_sh.at[pl.ds(base + r * ZR, ZR), :], sem_is)

    @pl.when(s == NS - 1)
    def _zero_tail():
        pltpu.sync_copy(
            zbuf_v.at[pl.ds(0, TAIL), :], acc_sh.at[pl.ds(NS * RPS, TAIL), :]
        )

    for r in range(RPS // ZR):
        pltpu.make_async_copy(
            zbuf_v, acc_sh.at[pl.ds(base + r * ZR, ZR), :], sem_is
        ).wait()
    plsc.subcore_barrier()

    def ebody(i, carry):
        b = i // BLK
        r = i % BLK
        bp = b & 1
        p = lax.rem(i, Q)
        pn = lax.rem(i + L, Q)
        pltpu.make_async_copy(
            g_hbm.at[src_b.at[bp, r]], rows_v.at[p], sem_g.at[p]
        ).wait()

        @pl.when(i >= Q - L)
        def _wait_scatter():
            pltpu.make_async_copy(
                rows_v.at[pn], acc_sh.at[pl.ds(0, C), :], sem_s.at[pn]
            ).wait()

        @pl.when((r == 0) & (b + 1 < NB))
        def _prefetch_src_idx():
            pltpu.async_copy(src_hbm.at[wid, b + 1], src_b.at[1 - bp], sem_is)

        @pl.when((r == Q - L) & (b + 1 < NB))
        def _prefetch_dst_idx():
            pltpu.async_copy(dst_hbm.at[wid, b + 1], dst_b.at[1 - bp], sem_id)

        @pl.when((r == BLK - L) & (b + 1 < NB))
        def _drain_src_idx():
            pltpu.make_async_copy(src_hbm.at[wid, 0], src_b.at[0], sem_is).wait()

        @pl.when((r == 0) & (b > 0))
        def _drain_dst_idx():
            pltpu.make_async_copy(dst_hbm.at[wid, 0], dst_b.at[0], sem_id).wait()

        @pl.when(i + L < CH)
        def _issue_next():
            i2 = i + L
            b2 = i2 // BLK
            pltpu.async_copy(
                g_hbm.at[src_b.at[b2 & 1, lax.rem(i2, BLK)]],
                rows_v.at[pn],
                sem_g.at[pn],
            )

        pltpu.async_copy(
            rows_v.at[p], acc_sh.at[dst_b.at[bp, r]], sem_s.at[p], add=True
        )
        return carry

    lax.fori_loop(0, CH, ebody, 0)
    for j in range(Q - L):
        pj = (CH - 1 - j) % Q
        pltpu.make_async_copy(
            rows_v.at[pj], acc_sh.at[pl.ds(0, C), :], sem_s.at[pj]
        ).wait()
    plsc.subcore_barrier()
    pltpu.sync_copy(
        acc_sh.at[pl.ds(base, RPS), :], out_hbm.at[c, pl.ds(base, RPS), :]
    )

    @pl.when(s == NS - 1)
    def _copy_tail():
        pltpu.sync_copy(
            acc_sh.at[pl.ds(NS * RPS, TAIL), :],
            out_hbm.at[c, pl.ds(NS * RPS, TAIL), :],
        )


def _reduce_deg_scale(deg_part, x):
    def body(dp_ref, x_ref, g0_ref, dinv_ref, dinv2_ref):
        deg = jnp.sum(dp_ref[...], axis=0, keepdims=True) + 1.0
        dinv_col = jnp.transpose(lax.rsqrt(deg))
        dinv_ref[...] = dinv_col
        dinv2_ref[...] = jnp.transpose(1.0 / deg)
        g0_ref[...] = x_ref[...] * dinv_col

    return pl.pallas_call(
        body,
        out_shape=[
            jax.ShapeDtypeStruct((N_NODES, D), jnp.float32),
            jax.ShapeDtypeStruct((N_NODES, 1), jnp.float32),
            jax.ShapeDtypeStruct((N_NODES, 1), jnp.float32),
        ],
    )(deg_part, x)


def _scale_rows(scale_col, *mats):
    BR = 2000

    def body(*refs):
        s_ref, *in_refs, o_ref = refs
        acc = in_refs[0][...]
        for r in in_refs[1:]:
            acc = acc + r[...]
        o_ref[...] = acc * s_ref[...]

    return pl.pallas_call(
        body,
        grid=(N_NODES // BR,),
        in_specs=[pl.BlockSpec((BR, 1), lambda i: (i, 0))]
        + [pl.BlockSpec((BR, D), lambda i: (i, 0)) for _ in mats],
        out_specs=pl.BlockSpec((BR, D), lambda i: (i, 0)),
        out_shape=jax.ShapeDtypeStruct((N_NODES, D), jnp.float32),
    )(scale_col, *mats)


def _final(p0, p1, g, dinv_col, wt, b2):
    BR = 2000

    def body(a_ref, b_ref, c_ref, s_ref, w_ref, bias_ref, o_ref):
        h = (a_ref[...] + b_ref[...] + c_ref[...]) * s_ref[...]
        o_ref[...] = (
            jnp.dot(h, w_ref[...], preferred_element_type=jnp.float32) + bias_ref[...]
        )

    return pl.pallas_call(
        body,
        grid=(N_NODES // BR,),
        in_specs=[
            pl.BlockSpec((BR, D), lambda i: (i, 0)),
            pl.BlockSpec((BR, D), lambda i: (i, 0)),
            pl.BlockSpec((BR, D), lambda i: (i, 0)),
            pl.BlockSpec((BR, 1), lambda i: (i, 0)),
            pl.BlockSpec((D, D), lambda i: (0, 0)),
            pl.BlockSpec((1, D), lambda i: (0, 0)),
        ],
        out_specs=pl.BlockSpec((BR, D), lambda i: (i, 0)),
        out_shape=jax.ShapeDtypeStruct((N_NODES, D), jnp.float32),
    )(p0, p1, g, dinv_col, wt, b2)


def kernel(V, E, X, W, b):
    del V
    n, d = X.shape
    assert (n, d) == (N_NODES, D) and E.shape == (2, N_EDGES)
    dst3 = E[1].reshape(NW, CH, C)
    src4 = E[0].reshape(NW, NB, BLK, C)
    dst4 = E[1].reshape(NW, NB, BLK, C)

    deg_part = _deg_kernel(dst3).reshape(NW, N_NODES)
    g, dinv_col, dinv2_col = _reduce_deg_scale(deg_part, X)
    out = None
    for k in range(K_HOPS):
        p = _hop_kernel(g, src4, dst4)
        if k < K_HOPS - 1:
            g = _scale_rows(dinv2_col, p[0], p[1], g)
        else:
            out = _final(p[0], p[1], g, dinv_col, W.T, b.reshape(1, D))
    return out

# --- scband reference (transcript-rebuilt; emitter-appended) ---
"""Pipeline reference for scband-py-g-sgc-paper-15874199126235 (READ-ONLY COPY).

The authoritative reference and input builder live on the scoring server;
editing this copy changes nothing except your own understanding.
"""

import jax, jax.numpy as jnp
import numpy as np

N_NODES = 10000
N_EDGES = 320000
D_IN = 128
D_OUT = 128
K_HOPS = 3


def setup_inputs(seed: int = 0) -> dict:
    key = jax.random.key(seed)
    k1, k2, k3, k4 = jax.random.split(key, 4)
    X = jax.random.normal(k1, (N_NODES, D_IN), dtype=jnp.float32)
    E = jax.random.randint(k2, (2, N_EDGES), 0, N_NODES, dtype=jnp.int32)
    # Linear layer params (PyG Linear: y = x @ W.T + b, W: [out, in])
    W = jax.random.normal(k3, (D_OUT, D_IN), dtype=jnp.float32) * (1.0 / np.sqrt(D_IN))
    b = jnp.zeros((D_OUT,), dtype=jnp.float32)
    return {"V": N_NODES, "E": E, "X": X, "W": W, "b": b}


def reference(V, E, X, W, b):
    n = X.shape[0]
    src = E[0]
    dst = E[1]
    # add self loops
    loop = jnp.arange(n, dtype=src.dtype)
    src = jnp.concatenate([src, loop])
    dst = jnp.concatenate([dst, loop])
    ew = jnp.ones(src.shape[0], dtype=X.dtype)
    # symmetric GCN normalization: deg computed at target nodes
    deg = jax.ops.segment_sum(ew, dst, num_segments=n)
    dinv = jnp.where(deg > 0, 1.0 / jnp.sqrt(deg), 0.0)
    norm = dinv[src] * dinv[dst] * ew
    # K hops of propagation: h <- A_hat @ h
    h = X
    for _ in range(K_HOPS):
        msgs = norm[:, None] * h[src]
        h = jax.ops.segment_sum(msgs, dst, num_segments=n)
    # final linear transform
    out = h @ W.T + b
    return out

if __name__ == "__main__":
    import jax
    _d = setup_inputs()
    print(jax.jit(kernel)(*tuple(_d.values())))

</pallas_src>

<mosaic_0001>
#map = affine_map<(d0, d1) -> (0, 0, 0)>
module attributes {stable_mosaic.version = 14 : i64} {
  func.func @_deg_kernel(%arg0: i32, %arg1: i32, %arg2: memref<32x125x80xi32, #tpu.memory_space<hbm>>, %arg3: memref<32x1x10000xf32, #tpu.memory_space<hbm>>, %arg4: memref<125x80xi32, #tpu.memory_space<vmem>>, %arg5: memref<10000xf32, #tpu.memory_space<vmem>>) attributes {dimension_semantics = [#tpu.dimension_semantics<core_parallel>, #tpu.dimension_semantics<subcore_parallel>], iteration_bounds = array<i64: 2, 16>, scalar_prefetch = 0 : i64, scratch_operands = 2 : i64, tpu.core_type = #tpu.core_type<sc_vector_subcore>, window_params = [{transform_indices = #map}, {transform_indices = #map}]} {
    %mul3A = arith.constant 16 : i32
    %mul3A_0 = arith.muli %arg0, %mul3A : i32
    %add3A = arith.addi %mul3A_0, %arg1 : i32
    %broadcast_in_dim3A = arith.constant 0.000000e+00 : f32
    %broadcast_in_dim3A_1 = vector.broadcast %broadcast_in_dim3A : f32 to vector<16xf32>
    %scan3A = arith.constant 0 : i32
    %scan3A_2 = arith.constant 0 : i32
    %scan3A_3 = arith.constant 625 : i32
    %scan3A_4 = arith.addi %scan3A_2, %scan3A_3 : i32
    %scan3A_5 = arith.constant 1 : i32
    scf.for %scan3A_15 = %scan3A_2 to %scan3A_4 step %scan3A_5  : i32 {
      %mul3A_16 = arith.constant 16 : i32
      %mul3A_17 = arith.muli %scan3A_15, %mul3A_16 : i32
      %swap3A = arith.index_cast %mul3A_17 : i32 to index
      %swap3A_18 = tpu.vector_load %arg5[%swap3A] {strides = array<i32>} : memref<10000xf32, #tpu.memory_space<vmem>>, vector<16xf32>,
      tpu.vector_store %arg5[%swap3A], %broadcast_in_dim3A_1 {strides = array<i32>} : memref<10000xf32, #tpu.memory_space<vmem>>, vector<16xf32>,
    }
    %scan3A_6 = arith.constant 625 : i32
    "tpu.region"() ({
      %run_scoped3A_15 = tpu.sem_alloc : memref<!tpu.dma_semaphore, #tpu.memory_space<semaphore_mem>>
      %dma_start3A = arith.constant 0 : i32
      %dma_start3A_16 = arith.constant 0 : i32
      %dma_start3A_17 = tpu.memref_slice %arg2[%add3A, %dma_start3A, %dma_start3A_16] : memref<32x125x80xi32, #tpu.memory_space<hbm>> -> memref<1x125x80xi32, #tpu.memory_space<hbm>>
      %dma_start3A_18 = tpu.memref_squeeze %dma_start3A_17 : memref<1x125x80xi32, #tpu.memory_space<hbm>> -> memref<125x80xi32, #tpu.memory_space<hbm>>
      %dma_start3A_19 = arith.constant 0 : i32
      %dma_start3A_20 = arith.constant 0 : i32
      %dma_start3A_21 = tpu.memref_slice %arg2[%add3A, %dma_start3A_19, %dma_start3A_20] : memref<32x125x80xi32, #tpu.memory_space<hbm>> -> memref<1x125x80xi32, #tpu.memory_space<hbm>>
      %dma_start3A_22 = tpu.memref_squeeze %dma_start3A_21 : memref<1x125x80xi32, #tpu.memory_space<hbm>> -> memref<125x80xi32, #tpu.memory_space<hbm>>
      tpu.enqueue_dma source(%dma_start3A_22 : memref<125x80xi32, #tpu.memory_space<hbm>>) target(%arg4 : memref<125x80xi32, #tpu.memory_space<vmem>>) target_semaphore(%run_scoped3A_15 : memref<!tpu.dma_semaphore, #tpu.memory_space<semaphore_mem>>)
      %dma_wait3A = arith.constant 0 : i32
      %dma_wait3A_23 = arith.constant 0 : i32
      %dma_wait3A_24 = tpu.memref_slice %arg2[%add3A, %dma_wait3A, %dma_wait3A_23] : memref<32x125x80xi32, #tpu.memory_space<hbm>> -> memref<1x125x80xi32, #tpu.memory_space<hbm>>
      %dma_wait3A_25 = tpu.memref_squeeze %dma_wait3A_24 : memref<1x125x80xi32, #tpu.memory_space<hbm>> -> memref<125x80xi32, #tpu.memory_space<hbm>>
      %dma_wait3A_26 = arith.constant 0 : i32
      %dma_wait3A_27 = arith.constant 0 : i32
      %dma_wait3A_28 = tpu.memref_slice %arg2[%add3A, %dma_wait3A_26, %dma_wait3A_27] : memref<32x125x80xi32, #tpu.memory_space<hbm>> -> memref<1x125x80xi32, #tpu.memory_space<hbm>>
      %dma_wait3A_29 = tpu.memref_squeeze %dma_wait3A_28 : memref<1x125x80xi32, #tpu.memory_space<hbm>> -> memref<125x80xi32, #tpu.memory_space<hbm>>
      tpu.wait_dma2 semaphore(%run_scoped3A_15 : memref<!tpu.dma_semaphore, #tpu.memory_space<semaphore_mem>>) src(%dma_wait3A_29 : memref<125x80xi32, #tpu.memory_space<hbm>>) dst(%arg4 : memref<125x80xi32, #tpu.memory_space<vmem>>)
      tpu.yield
    }) : () -> ()
    %broadcast_in_dim3A_7 = arith.constant 1.000000e+00 : f32
    %broadcast_in_dim3A_8 = vector.broadcast %broadcast_in_dim3A_7 : f32 to vector<16xf32>
    %scan3A_9 = arith.constant 0 : i32
    %scan3A_10 = arith.constant 0 : i32
    %scan3A_11 = arith.constant 125 : i32
    %scan3A_12 = arith.addi %scan3A_10, %scan3A_11 : i32
    %scan3A_13 = arith.constant 1 : i32
    scf.for %scan3A_15 = %scan3A_10 to %scan3A_12 step %scan3A_13  : i32 {
      %get3A = arith.index_cast %scan3A_15 : i32 to index
      %get3A_16 = arith.constant 0 : index
      %get3A_17 = tpu.vector_load %arg4[%get3A, %get3A_16] {strides = array<i32>} : memref<125x80xi32, #tpu.memory_space<vmem>>, vector<16xi32>,
      tpu.vector_store_idx %arg5[%get3A_17], %broadcast_in_dim3A_8 {add = true} : memref<10000xf32, #tpu.memory_space<vmem>>[vector<16xi32>], vector<16xf32>,
      %get3A_18 = arith.index_cast %scan3A_15 : i32 to index
      %get3A_19 = arith.constant 16 : index
      %get3A_20 = tpu.vector_load %arg4[%get3A_18, %get3A_19] {strides = array<i32>} : memref<125x80xi32, #tpu.memory_space<vmem>>, vector<16xi32>,
      tpu.vector_store_idx %arg5[%get3A_20], %broadcast_in_dim3A_8 {add = true} : memref<10000xf32, #tpu.memory_space<vmem>>[vector<16xi32>], vector<16xf32>,
      %get3A_21 = arith.index_cast %scan3A_15 : i32 to index
      %get3A_22 = arith.constant 32 : index
      %get3A_23 = tpu.vector_load %arg4[%get3A_21, %get3A_22] {strides = array<i32>} : memref<125x80xi32, #tpu.memory_space<vmem>>, vector<16xi32>,
      tpu.vector_store_idx %arg5[%get3A_23], %broadcast_in_dim3A_8 {add = true} : memref<10000xf32, #tpu.memory_space<vmem>>[vector<16xi32>], vector<16xf32>,
      %get3A_24 = arith.index_cast %scan3A_15 : i32 to index
      %get3A_25 = arith.constant 48 : index
      %get3A_26 = tpu.vector_load %arg4[%get3A_24, %get3A_25] {strides = array<i32>} : memref<125x80xi32, #tpu.memory_space<vmem>>, vector<16xi32>,
      tpu.vector_store_idx %arg5[%get3A_26], %broadcast_in_dim3A_8 {add = true} : memref<10000xf32, #tpu.memory_space<vmem>>[vector<16xi32>], vector<16xf32>,
      %get3A_27 = arith.index_cast %scan3A_15 : i32 to index
      %get3A_28 = arith.constant 64 : index
      %get3A_29 = tpu.vector_load %arg4[%get3A_27, %get3A_28] {strides = array<i32>} : memref<125x80xi32, #tpu.memory_space<vmem>>, vector<16xi32>,
      tpu.vector_store_idx %arg5[%get3A_29], %broadcast_in_dim3A_8 {add = true} : memref<10000xf32, #tpu.memory_space<vmem>>[vector<16xi32>], vector<16xf32>,
    }
    %scan3A_14 = arith.constant 125 : i32
    %run_scoped3A = arith.constant 0 : i32
    "tpu.region"() ({
      %run_scoped3A_15 = tpu.sem_alloc : memref<!tpu.dma_semaphore, #tpu.memory_space<semaphore_mem>>
      %dma_start3A = arith.constant 0 : i32
      %dma_start3A_16 = tpu.memref_slice %arg3[%add3A, %run_scoped3A, %dma_start3A] : memref<32x1x10000xf32, #tpu.memory_space<hbm>> -> memref<1x1x10000xf32, #tpu.memory_space<hbm>>
      %dma_start3A_17 = tpu.memref_squeeze %dma_start3A_16 : memref<1x1x10000xf32, #tpu.memory_space<hbm>> -> memref<10000xf32, #tpu.memory_space<hbm>>
      %dma_start3A_18 = arith.constant 0 : i32
      %dma_start3A_19 = tpu.memref_slice %arg3[%add3A, %run_scoped3A, %dma_start3A_18] : memref<32x1x10000xf32, #tpu.memory_space<hbm>> -> memref<1x1x10000xf32, #tpu.memory_space<hbm>>
      %dma_start3A_20 = tpu.memref_squeeze %dma_start3A_19 : memref<1x1x10000xf32, #tpu.memory_space<hbm>> -> memref<10000xf32, #tpu.memory_space<hbm>>
      tpu.enqueue_dma source(%arg5 : memref<10000xf32, #tpu.memory_space<vmem>>) target(%dma_start3A_20 : memref<10000xf32, #tpu.memory_space<hbm>>) target_semaphore(%run_scoped3A_15 : memref<!tpu.dma_semaphore, #tpu.memory_space<semaphore_mem>>)
      %dma_wait3A = arith.constant 0 : i32
      %dma_wait3A_21 = tpu.memref_slice %arg3[%add3A, %run_scoped3A, %dma_wait3A] : memref<32x1x10000xf32, #tpu.memory_space<hbm>> -> memref<1x1x10000xf32, #tpu.memory_space<hbm>>
      %dma_wait3A_22 = tpu.memref_squeeze %dma_wait3A_21 : memref<1x1x10000xf32, #tpu.memory_space<hbm>> -> memref<10000xf32, #tpu.memory_space<hbm>>
      %dma_wait3A_23 = arith.constant 0 : i32
      %dma_wait3A_24 = tpu.memref_slice %arg3[%add3A, %run_scoped3A, %dma_wait3A_23] : memref<32x1x10000xf32, #tpu.memory_space<hbm>> -> memref<1x1x10000xf32, #tpu.memory_space<hbm>>
      %dma_wait3A_25 = tpu.memref_squeeze %dma_wait3A_24 : memref<1x1x10000xf32, #tpu.memory_space<hbm>> -> memref<10000xf32, #tpu.memory_space<hbm>>
      tpu.wait_dma2 semaphore(%run_scoped3A_15 : memref<!tpu.dma_semaphore, #tpu.memory_space<semaphore_mem>>) src(%arg5 : memref<10000xf32, #tpu.memory_space<vmem>>) dst(%dma_wait3A_25 : memref<10000xf32, #tpu.memory_space<hbm>>)
      tpu.yield
    }) : () -> ()
    return
  }
}

#map = affine_map<(d0, d1) -> (0, 0)>
#map1 = affine_map<(d0, d1) -> (0, 0, 0, 0)>
#map2 = affine_map<(d0, d1) -> (0, 0, 0)>
module attributes {stable_mosaic.version = 14 : i64} {
  func.func @_hop_kernel(%arg0: i32, %arg1: i32, %arg2: memref<10000x128xf32, #tpu.memory_space<hbm>>, %arg3: memref<32x25x5x80xi32, #tpu.memory_space<hbm>>, %arg4: memref<32x25x5x80xi32, #tpu.memory_space<hbm>>, %arg5: memref<2x10000x128xf32, #tpu.memory_space<hbm>>, %arg6: memref<2x5x80xi32, #tpu.memory_space<vmem>>, %arg7: memref<2x5x80xi32, #tpu.memory_space<vmem>>, %arg8: memref<3x80x128xf32, #tpu.memory_space<vmem>>, %arg9: memref<16x128xf32, #tpu.memory_space<vmem>>, %arg10: memref<10000x128xf32, #tpu.memory_space<vmem_shared>>, %arg11: memref<3x!tpu.dma_semaphore, #tpu.memory_space<semaphore_mem>>, %arg12: memref<3x!tpu.dma_semaphore, #tpu.memory_space<semaphore_mem>>, %arg13: memref<!tpu.dma_semaphore, #tpu.memory_space<semaphore_mem>>, %arg14: memref<!tpu.dma_semaphore, #tpu.memory_space<semaphore_mem>>) attributes {dimension_semantics = [#tpu.dimension_semantics<core_parallel>, #tpu.dimension_semantics<subcore_parallel>], iteration_bounds = array<i64: 2, 16>, scalar_prefetch = 0 : i64, scratch_operands = 9 : i64, tpu.core_type = #tpu.core_type<sc_vector_subcore>, window_params = [{transform_indices = #map}, {transform_indices = #map1}, {transform_indices = #map1}, {transform_indices = #map2}]} {
    %mul3A = arith.constant 16 : i32
    %mul3A_0 = arith.muli %arg0, %mul3A : i32
    %add3A = arith.addi %mul3A_0, %arg1 : i32
    %broadcast_in_dim3A = arith.constant 0.000000e+00 : f32
    %broadcast_in_dim3A_1 = vector.broadcast %broadcast_in_dim3A : f32 to vector<16xf32>
    %run_scoped3A = arith.constant 0 : i32
    %run_scoped3A_2 = arith.constant 0 : i32
    "tpu.region"() ({
      %run_scoped3A_542 = tpu.sem_alloc : memref<!tpu.dma_semaphore, #tpu.memory_space<semaphore_mem>>
      %dma_start3A_543 = arith.constant 0 : i32
      %dma_start3A_544 = arith.constant 0 : i32
      %dma_start3A_545 = tpu.memref_slice %arg6[%run_scoped3A_2, %dma_start3A_543, %dma_start3A_544] : memref<2x5x80xi32, #tpu.memory_space<vmem>> -> memref<1x5x80xi32, #tpu.memory_space<vmem>>
      %dma_start3A_546 = tpu.memref_squeeze %dma_start3A_545 : memref<1x5x80xi32, #tpu.memory_space<vmem>> -> memref<5x80xi32, #tpu.memory_space<vmem>>
      %dma_start3A_547 = arith.constant 0 : i32
      %dma_start3A_548 = arith.constant 0 : i32
      %dma_start3A_549 = tpu.memref_slice %arg3[%add3A, %run_scoped3A, %dma_start3A_547, %dma_start3A_548] : memref<32x25x5x80xi32, #tpu.memory_space<hbm>> -> memref<1x1x5x80xi32, #tpu.memory_space<hbm>>
      %dma_start3A_550 = tpu.memref_squeeze %dma_start3A_549 : memref<1x1x5x80xi32, #tpu.memory_space<hbm>> -> memref<5x80xi32, #tpu.memory_space<hbm>>
      %dma_start3A_551 = arith.constant 0 : i32
      %dma_start3A_552 = arith.constant 0 : i32
      %dma_start3A_553 = tpu.memref_slice %arg6[%run_scoped3A_2, %dma_start3A_551, %dma_start3A_552] : memref<2x5x80xi32, #tpu.memory_space<vmem>> -> memref<1x5x80xi32, #tpu.memory_space<vmem>>
      %dma_start3A_554 = tpu.memref_squeeze %dma_start3A_553 : memref<1x5x80xi32, #tpu.memory_space<vmem>> -> memref<5x80xi32, #tpu.memory_space<vmem>>
      %dma_start3A_555 = arith.constant 0 : i32
      %dma_start3A_556 = arith.constant 0 : i32
      %dma_start3A_557 = tpu.memref_slice %arg3[%add3A, %run_scoped3A, %dma_start3A_555, %dma_start3A_556] : memref<32x25x5x80xi32, #tpu.memory_space<hbm>> -> memref<1x1x5x80xi32, #tpu.memory_space<hbm>>
      %dma_start3A_558 = tpu.memref_squeeze %dma_start3A_557 : memref<1x1x5x80xi32, #tpu.memory_space<hbm>> -> memref<5x80xi32, #tpu.memory_space<hbm>>
      tpu.enqueue_dma source(%dma_start3A_558 : memref<5x80xi32, #tpu.memory_space<hbm>>) target(%dma_start3A_554 : memref<5x80xi32, #tpu.memory_space<vmem>>) target_semaphore(%run_scoped3A_542 : memref<!tpu.dma_semaphore, #tpu.memory_space<semaphore_mem>>)
      %dma_wait3A_559 = arith.constant 0 : i32
      %dma_wait3A_560 = arith.constant 0 : i32
      %dma_wait3A_561 = tpu.memref_slice %arg6[%run_scoped3A_2, %dma_wait3A_559, %dma_wait3A_560] : memref<2x5x80xi32, #tpu.memory_space<vmem>> -> memref<1x5x80xi32, #tpu.memory_space<vmem>>
      %dma_wait3A_562 = tpu.memref_squeeze %dma_wait3A_561 : memref<1x5x80xi32, #tpu.memory_space<vmem>> -> memref<5x80xi32, #tpu.memory_space<vmem>>
      %dma_wait3A_563 = arith.constant 0 : i32
      %dma_wait3A_564 = arith.constant 0 : i32
      %dma_wait3A_565 = tpu.memref_slice %arg3[%add3A, %run_scoped3A, %dma_wait3A_563, %dma_wait3A_564] : memref<32x25x5x80xi32, #tpu.memory_space<hbm>> -> memref<1x1x5x80xi32, #tpu.memory_space<hbm>>
      %dma_wait3A_566 = tpu.memref_squeeze %dma_wait3A_565 : memref<1x1x5x80xi32, #tpu.memory_space<hbm>> -> memref<5x80xi32, #tpu.memory_space<hbm>>
      %dma_wait3A_567 = arith.constant 0 : i32
      %dma_wait3A_568 = arith.constant 0 : i32
      %dma_wait3A_569 = tpu.memref_slice %arg6[%run_scoped3A_2, %dma_wait3A_567, %dma_wait3A_568] : memref<2x5x80xi32, #tpu.memory_space<vmem>> -> memref<1x5x80xi32, #tpu.memory_space<vmem>>
      %dma_wait3A_570 = tpu.memref_squeeze %dma_wait3A_569 : memref<1x5x80xi32, #tpu.memory_space<vmem>> -> memref<5x80xi32, #tpu.memory_space<vmem>>
      %dma_wait3A_571 = arith.constant 0 : i32
      %dma_wait3A_572 = arith.constant 0 : i32
      %dma_wait3A_573 = tpu.memref_slice %arg3[%add3A, %run_scoped3A, %dma_wait3A_571, %dma_wait3A_572] : memref<32x25x5x80xi32, #tpu.memory_space<hbm>> -> memref<1x1x5x80xi32, #tpu.memory_space<hbm>>
      %dma_wait3A_574 = tpu.memref_squeeze %dma_wait3A_573 : memref<1x1x5x80xi32, #tpu.memory_space<hbm>> -> memref<5x80xi32, #tpu.memory_space<hbm>>
      tpu.wait_dma2 semaphore(%run_scoped3A_542 : memref<!tpu.dma_semaphore, #tpu.memory_space<semaphore_mem>>) src(%dma_wait3A_574 : memref<5x80xi32, #tpu.memory_space<hbm>>) dst(%dma_wait3A_570 : memref<5x80xi32, #tpu.memory_space<vmem>>)
      tpu.yield
    }) : () -> ()
    %run_scoped3A_3 = arith.constant 0 : i32
    %run_scoped3A_4 = arith.constant 0 : i32
    "tpu.region"() ({
      %run_scoped3A_542 = tpu.sem_alloc : memref<!tpu.dma_semaphore, #tpu.memory_space<semaphore_mem>>
      %dma_start3A_543 = arith.constant 0 : i32
      %dma_start3A_544 = arith.constant 0 : i32
      %dma_start3A_545 = tpu.memref_slice %arg7[%run_scoped3A_4, %dma_start3A_543, %dma_start3A_544] : memref<2x5x80xi32, #tpu.memory_space<vmem>> -> memref<1x5x80xi32, #tpu.memory_space<vmem>>
      %dma_start3A_546 = tpu.memref_squeeze %dma_start3A_545 : memref<1x5x80xi32, #tpu.memory_space<vmem>> -> memref<5x80xi32, #tpu.memory_space<vmem>>
      %dma_start3A_547 = arith.constant 0 : i32
      %dma_start3A_548 = arith.constant 0 : i32
      %dma_start3A_549 = tpu.memref_slice %arg4[%add3A, %run_scoped3A_3, %dma_start3A_547, %dma_start3A_548] : memref<32x25x5x80xi32, #tpu.memory_space<hbm>> -> memref<1x1x5x80xi32, #tpu.memory_space<hbm>>
      %dma_start3A_550 = tpu.memref_squeeze %dma_start3A_549 : memref<1x1x5x80xi32, #tpu.memory_space<hbm>> -> memref<5x80xi32, #tpu.memory_space<hbm>>
      %dma_start3A_551 = arith.constant 0 : i32
      %dma_start3A_552 = arith.constant 0 : i32
      %dma_start3A_553 = tpu.memref_slice %arg7[%run_scoped3A_4, %dma_start3A_551, %dma_start3A_552] : memref<2x5x80xi32, #tpu.memory_space<vmem>> -> memref<1x5x80xi32, #tpu.memory_space<vmem>>
      %dma_start3A_554 = tpu.memref_squeeze %dma_start3A_553 : memref<1x5x80xi32, #tpu.memory_space<vmem>> -> memref<5x80xi32, #tpu.memory_space<vmem>>
      %dma_start3A_555 = arith.constant 0 : i32
      %dma_start3A_556 = arith.constant 0 : i32
      %dma_start3A_557 = tpu.memref_slice %arg4[%add3A, %run_scoped3A_3, %dma_start3A_555, %dma_start3A_556] : memref<32x25x5x80xi32, #tpu.memory_space<hbm>> -> memref<1x1x5x80xi32, #tpu.memory_space<hbm>>
      %dma_start3A_558 = tpu.memref_squeeze %dma_start3A_557 : memref<1x1x5x80xi32, #tpu.memory_space<hbm>> -> memref<5x80xi32, #tpu.memory_space<hbm>>
      tpu.enqueue_dma source(%dma_start3A_558 : memref<5x80xi32, #tpu.memory_space<hbm>>) target(%dma_start3A_554 : memref<5x80xi32, #tpu.memory_space<vmem>>) target_semaphore(%run_scoped3A_542 : memref<!tpu.dma_semaphore, #tpu.memory_space<semaphore_mem>>)
      %dma_wait3A_559 = arith.constant 0 : i32
      %dma_wait3A_560 = arith.constant 0 : i32
      %dma_wait3A_561 = tpu.memref_slice %arg7[%run_scoped3A_4, %dma_wait3A_559, %dma_wait3A_560] : memref<2x5x80xi32, #tpu.memory_space<vmem>> -> memref<1x5x80xi32, #tpu.memory_space<vmem>>
      %dma_wait3A_562 = tpu.memref_squeeze %dma_wait3A_561 : memref<1x5x80xi32, #tpu.memory_space<vmem>> -> memref<5x80xi32, #tpu.memory_space<vmem>>
      %dma_wait3A_563 = arith.constant 0 : i32
      %dma_wait3A_564 = arith.constant 0 : i32
      %dma_wait3A_565 = tpu.memref_slice %arg4[%add3A, %run_scoped3A_3, %dma_wait3A_563, %dma_wait3A_564] : memref<32x25x5x80xi32, #tpu.memory_space<hbm>> -> memref<1x1x5x80xi32, #tpu.memory_space<hbm>>
      %dma_wait3A_566 = tpu.memref_squeeze %dma_wait3A_565 : memref<1x1x5x80xi32, #tpu.memory_space<hbm>> -> memref<5x80xi32, #tpu.memory_space<hbm>>
      %dma_wait3A_567 = arith.constant 0 : i32
      %dma_wait3A_568 = arith.constant 0 : i32
      %dma_wait3A_569 = tpu.memref_slice %arg7[%run_scoped3A_4, %dma_wait3A_567, %dma_wait3A_568] : memref<2x5x80xi32, #tpu.memory_space<vmem>> -> memref<1x5x80xi32, #tpu.memory_space<vmem>>
      %dma_wait3A_570 = tpu.memref_squeeze %dma_wait3A_569 : memref<1x5x80xi32, #tpu.memory_space<vmem>> -> memref<5x80xi32, #tpu.memory_space<vmem>>
      %dma_wait3A_571 = arith.constant 0 : i32
      %dma_wait3A_572 = arith.constant 0 : i32
      %dma_wait3A_573 = tpu.memref_slice %arg4[%add3A, %run_scoped3A_3, %dma_wait3A_571, %dma_wait3A_572] : memref<32x25x5x80xi32, #tpu.memory_space<hbm>> -> memref<1x1x5x80xi32, #tpu.memory_space<hbm>>
      %dma_wait3A_574 = tpu.memref_squeeze %dma_wait3A_573 : memref<1x1x5x80xi32, #tpu.memory_space<hbm>> -> memref<5x80xi32, #tpu.memory_space<hbm>>
      tpu.wait_dma2 semaphore(%run_scoped3A_542 : memref<!tpu.dma_semaphore, #tpu.memory_space<semaphore_mem>>) src(%dma_wait3A_574 : memref<5x80xi32, #tpu.memory_space<hbm>>) dst(%dma_wait3A_570 : memref<5x80xi32, #tpu.memory_space<vmem>>)
      tpu.yield
    }) : () -> ()
    %dma_start3A = arith.constant 0 : i32
    %dma_start3A_5 = arith.constant 0 : i32
    %dma_start3A_6 = arith.constant 0 : i32
    %dma_start3A_7 = arith.constant 0 : i32
    %dma_start3A_8 = arith.constant 0 : i32
    %dma_start3A_9 = arith.constant 0 : i32
    %dma_start3A_10 = tpu.memref_slice %arg8[%dma_start3A_6, %dma_start3A_8, %dma_start3A_9] : memref<3x80x128xf32, #tpu.memory_space<vmem>> -> memref<1x80x128xf32, #tpu.memory_space<vmem>>
    %dma_start3A_11 = tpu.memref_squeeze %dma_start3A_10 : memref<1x80x128xf32, #tpu.memory_space<vmem>> -> memref<80x128xf32, #tpu.memory_space<vmem>>
    %dma_start3A_12 = arith.constant 0 : i32
    %dma_start3A_13 = tpu.memref_slice %arg6[%dma_start3A, %dma_start3A_5, %dma_start3A_12] : memref<2x5x80xi32, #tpu.memory_space<vmem>> -> memref<1x1x80xi32, #tpu.memory_space<vmem>>
    %dma_start3A_14 = tpu.memref_squeeze %dma_start3A_13 : memref<1x1x80xi32, #tpu.memory_space<vmem>> -> memref<80xi32, #tpu.memory_space<vmem>>
    %dma_start3A_15 = arith.constant 0 : i32
    %dma_start3A_16 = arith.constant 0 : i32
    %dma_start3A_17 = tpu.memref_slice %arg2[%dma_start3A_15, %dma_start3A_16] : memref<10000x128xf32, #tpu.memory_space<hbm>> -> memref<10000x128xf32, #tpu.memory_space<hbm>>
    %dma_start3A_18 = tpu.memref_slice %arg11[%dma_start3A_7] : memref<3x!tpu.dma_semaphore, #tpu.memory_space<semaphore_mem>> -> memref<1x!tpu.dma_semaphore, #tpu.memory_space<semaphore_mem>>
    %dma_start3A_19 = tpu.memref_squeeze %dma_start3A_18 : memref<1x!tpu.dma_semaphore, #tpu.memory_space<semaphore_mem>> -> memref<!tpu.dma_semaphore, #tpu.memory_space<semaphore_mem>>
    tpu.enqueue_indirect_dma source(%dma_start3A_17 : memref<10000x128xf32, #tpu.memory_space<hbm>>) target(%dma_start3A_11 : memref<80x128xf32, #tpu.memory_space<vmem>>) offsets(%dma_start3A_14 : memref<80xi32, #tpu.memory_space<vmem>>) semaphore(%dma_start3A_19 : memref<!tpu.dma_semaphore, #tpu.memory_space<semaphore_mem>>)
    %dma_start3A_20 = arith.constant 0 : i32
    %dma_start3A_21 = arith.constant 1 : i32
    %dma_start3A_22 = arith.constant 1 : i32
    %dma_start3A_23 = arith.constant 1 : i32
    %dma_start3A_24 = arith.constant 0 : i32
    %dma_start3A_25 = arith.constant 0 : i32
    %dma_start3A_26 = tpu.memref_slice %arg8[%dma_start3A_22, %dma_start3A_24, %dma_start3A_25] : memref<3x80x128xf32, #tpu.memory_space<vmem>> -> memref<1x80x128xf32, #tpu.memory_space<vmem>>
    %dma_start3A_27 = tpu.memref_squeeze %dma_start3A_26 : memref<1x80x128xf32, #tpu.memory_space<vmem>> -> memref<80x128xf32, #tpu.memory_space<vmem>>
    %dma_start3A_28 = arith.constant 0 : i32
    %dma_start3A_29 = tpu.memref_slice %arg6[%dma_start3A_20, %dma_start3A_21, %dma_start3A_28] : memref<2x5x80xi32, #tpu.memory_space<vmem>> -> memref<1x1x80xi32, #tpu.memory_space<vmem>>
    %dma_start3A_30 = tpu.memref_squeeze %dma_start3A_29 : memref<1x1x80xi32, #tpu.memory_space<vmem>> -> memref<80xi32, #tpu.memory_space<vmem>>
    %dma_start3A_31 = arith.constant 0 : i32
    %dma_start3A_32 = arith.constant 0 : i32
    %dma_start3A_33 = tpu.memref_slice %arg2[%dma_start3A_31, %dma_start3A_32] : memref<10000x128xf32, #tpu.memory_space<hbm>> -> memref<10000x128xf32, #tpu.memory_space<hbm>>
    %dma_start3A_34 = tpu.memref_slice %arg11[%dma_start3A_23] : memref<3x!tpu.dma_semaphore, #tpu.memory_space<semaphore_mem>> -> memref<1x!tpu.dma_semaphore, #tpu.memory_space<semaphore_mem>>
    %dma_start3A_35 = tpu.memref_squeeze %dma_start3A_34 : memref<1x!tpu.dma_semaphore, #tpu.memory_space<semaphore_mem>> -> memref<!tpu.dma_semaphore, #tpu.memory_space<semaphore_mem>>
    tpu.enqueue_indirect_dma source(%dma_start3A_33 : memref<10000x128xf32, #tpu.memory_space<hbm>>) target(%dma_start3A_27 : memref<80x128xf32, #tpu.memory_space<vmem>>) offsets(%dma_start3A_30 : memref<80xi32, #tpu.memory_space<vmem>>) semaphore(%dma_start3A_35 : memref<!tpu.dma_semaphore, #tpu.memory_space<semaphore_mem>>)
    %scan3A = arith.constant 0 : i32
    %scan3A_36 = arith.constant 0 : i32
    %scan3A_37 = arith.constant 16 : i32
    %scan3A_38 = arith.addi %scan3A_36, %scan3A_37 : i32
    %scan3A_39 = arith.constant 1 : i32
    scf.for %scan3A_542 = %scan3A_36 to %scan3A_38 step %scan3A_39  : i32 {
      %swap3A = arith.index_cast %scan3A_542 : i32 to index
      %swap3A_543 = arith.constant 0 : index
      %swap3A_544 = tpu.vector_load %arg9[%swap3A, %swap3A_543] {strides = array<i32>} : memref<16x128xf32, #tpu.memory_space<vmem>>, vector<1x16xf32>,
      %swap3A_545 = vector.shape_cast %swap3A_544 : vector<1x16xf32> to vector<16xf32>
      %swap3A_546 = vector.shape_cast %broadcast_in_dim3A_1 : vector<16xf32> to vector<1x16xf32>
      tpu.vector_store %arg9[%swap3A, %swap3A_543], %swap3A_546 {strides = array<i32>} : memref<16x128xf32, #tpu.memory_space<vmem>>, vector<1x16xf32>,
      %swap3A_547 = arith.index_cast %scan3A_542 : i32 to index
      %swap3A_548 = arith.constant 16 : index
      %swap3A_549 = tpu.vector_load %arg9[%swap3A_547, %swap3A_548] {strides = array<i32>} : memref<16x128xf32, #tpu.memory_space<vmem>>, vector<1x16xf32>,
      %swap3A_550 = vector.shape_cast %swap3A_549 : vector<1x16xf32> to vector<16xf32>
      %swap3A_551 = vector.shape_cast %broadcast_in_dim3A_1 : vector<16xf32> to vector<1x16xf32>
      tpu.vector_store %arg9[%swap3A_547, %swap3A_548], %swap3A_551 {strides = array<i32>} : memref<16x128xf32, #tpu.memory_space<vmem>>, vector<1x16xf32>,
      %swap3A_552 = arith.index_cast %scan3A_542 : i32 to index
      %swap3A_553 = arith.constant 32 : index
      %swap3A_554 = tpu.vector_load %arg9[%swap3A_552, %swap3A_553] {strides = array<i32>} : memref<16x128xf32, #tpu.memory_space<vmem>>, vector<1x16xf32>,
      %swap3A_555 = vector.shape_cast %swap3A_554 : vector<1x16xf32> to vector<16xf32>
      %swap3A_556 = vector.shape_cast %broadcast_in_dim3A_1 : vector<16xf32> to vector<1x16xf32>
      tpu.vector_store %arg9[%swap3A_552, %swap3A_553], %swap3A_556 {strides = array<i32>} : memref<16x128xf32, #tpu.memory_space<vmem>>, vector<1x16xf32>,
      %swap3A_557 = arith.index_cast %scan3A_542 : i32 to index
      %swap3A_558 = arith.constant 48 : index
      %swap3A_559 = tpu.vector_load %arg9[%swap3A_557, %swap3A_558] {strides = array<i32>} : memref<16x128xf32, #tpu.memory_space<vmem>>, vector<1x16xf32>,
      %swap3A_560 = vector.shape_cast %swap3A_559 : vector<1x16xf32> to vector<16xf32>
      %swap3A_561 = vector.shape_cast %broadcast_in_dim3A_1 : vector<16xf32> to vector<1x16xf32>
      tpu.vector_store %arg9[%swap3A_557, %swap3A_558], %swap3A_561 {strides = array<i32>} : memref<16x128xf32, #tpu.memory_space<vmem>>, vector<1x16xf32>,
      %swap3A_562 = arith.index_cast %scan3A_542 : i32 to index
      %swap3A_563 = arith.constant 64 : index
      %swap3A_564 = tpu.vector_load %arg9[%swap3A_562, %swap3A_563] {strides = array<i32>} : memref<16x128xf32, #tpu.memory_space<vmem>>, vector<1x16xf32>,
      %swap3A_565 = vector.shape_cast %swap3A_564 : vector<1x16xf32> to vector<16xf32>
      %swap3A_566 = vector.shape_cast %broadcast_in_dim3A_1 : vector<16xf32> to vector<1x16xf32>
      tpu.vector_store %arg9[%swap3A_562, %swap3A_563], %swap3A_566 {strides = array<i32>} : memref<16x128xf32, #tpu.memory_space<vmem>>, vector<1x16xf32>,
      %swap3A_567 = arith.index_cast %scan3A_542 : i32 to index
      %swap3A_568 = arith.constant 80 : index
      %swap3A_569 = tpu.vector_load %arg9[%swap3A_567, %swap3A_568] {strides = array<i32>} : memref<16x128xf32, #tpu.memory_space<vmem>>, vector<1x16xf32>,
      %swap3A_570 = vector.shape_cast %swap3A_569 : vector<1x16xf32> to vector<16xf32>
      %swap3A_571 = vector.shape_cast %broadcast_in_dim3A_1 : vector<16xf32> to vector<1x16xf32>
      tpu.vector_store %arg9[%swap3A_567, %swap3A_568], %swap3A_571 {strides = array<i32>} : memref<16x128xf32, #tpu.memory_space<vmem>>, vector<1x16xf32>,
      %swap3A_572 = arith.index_cast %scan3A_542 : i32 to index
      %swap3A_573 = arith.constant 96 : index
      %swap3A_574 = tpu.vector_load %arg9[%swap3A_572, %swap3A_573] {strides = array<i32>} : memref<16x128xf32, #tpu.memory_space<vmem>>, vector<1x16xf32>,
      %swap3A_575 = vector.shape_cast %swap3A_574 : vector<1x16xf32> to vector<16xf32>
      %swap3A_576 = vector.shape_cast %broadcast_in_dim3A_1 : vector<16xf32> to vector<1x16xf32>
      tpu.vector_store %arg9[%swap3A_572, %swap3A_573], %swap3A_576 {strides = array<i32>} : memref<16x128xf32, #tpu.memory_space<vmem>>, vector<1x16xf32>,
      %swap3A_577 = arith.index_cast %scan3A_542 : i32 to index
      %swap3A_578 = arith.constant 112 : index
      %swap3A_579 = tpu.vector_load %arg9[%swap3A_577, %swap3A_578] {strides = array<i32>} : memref<16x128xf32, #tpu.memory_space<vmem>>, vector<1x16xf32>,
      %swap3A_580 = vector.shape_cast %swap3A_579 : vector<1x16xf32> to vector<16xf32>
      %swap3A_581 = vector.shape_cast %broadcast_in_dim3A_1 : vector<16xf32> to vector<1x16xf32>
      tpu.vector_store %arg9[%swap3A_577, %swap3A_578], %swap3A_581 {strides = array<i32>} : memref<16x128xf32, #tpu.memory_space<vmem>>, vector<1x16xf32>,
    }
    %scan3A_40 = arith.constant 16 : i32
    %mul3A_41 = arith.constant 624 : i32
    %mul3A_42 = arith.muli %arg1, %mul3A_41 : i32
    %multiple_of3A = tpu.assume_multiple %mul3A_42, 8 : i32
    %add3A_43 = arith.constant 0 : i32
    %add3A_44 = arith.addi %multiple_of3A, %add3A_43 : i32
    %dma_start3A_45 = arith.constant 0 : i32
    %dma_start3A_46 = tpu.memref_slice %arg10[%add3A_44, %dma_start3A_45] : memref<10000x128xf32, #tpu.memory_space<vmem_shared>> -> memref<16x128xf32, #tpu.memory_space<vmem_shared>>
    %dma_start3A_47 = arith.constant 0 : i32
    %dma_start3A_48 = tpu.memref_slice %arg10[%add3A_44, %dma_start3A_47] : memref<10000x128xf32, #tpu.memory_space<vmem_shared>> -> memref<16x128xf32, #tpu.memory_space<vmem_shared>>
    tpu.enqueue_dma source(%arg9 : memref<16x128xf32, #tpu.memory_space<vmem>>) target(%dma_start3A_48 : memref<16x128xf32, #tpu.memory_space<vmem_shared>>) target_semaphore(%arg13 : memref<!tpu.dma_semaphore, #tpu.memory_space<semaphore_mem>>)
    %add3A_49 = arith.constant 16 : i32
    %add3A_50 = arith.addi %multiple_of3A, %add3A_49 : i32
    %dma_start3A_51 = arith.constant 0 : i32
    %dma_start3A_52 = tpu.memref_slice %arg10[%add3A_50, %dma_start3A_51] : memref<10000x128xf32, #tpu.memory_space<vmem_shared>> -> memref<16x128xf32, #tpu.memory_space<vmem_shared>>
    %dma_start3A_53 = arith.constant 0 : i32
    %dma_start3A_54 = tpu.memref_slice %arg10[%add3A_50, %dma_start3A_53] : memref<10000x128xf32, #tpu.memory_space<vmem_shared>> -> memref<16x128xf32, #tpu.memory_space<vmem_shared>>
    tpu.enqueue_dma source(%arg9 : memref<16x128xf32, #tpu.memory_space<vmem>>) target(%dma_start3A_54 : memref<16x128xf32, #tpu.memory_space<vmem_shared>>) target_semaphore(%arg13 : memref<!tpu.dma_semaphore, #tpu.memory_space<semaphore_mem>>)
    %add3A_55 = arith.constant 32 : i32
    %add3A_56 = arith.addi %multiple_of3A, %add3A_55 : i32
    %dma_start3A_57 = arith.constant 0 : i32
    %dma_start3A_58 = tpu.memref_slice %arg10[%add3A_56, %dma_start3A_57] : memref<10000x128xf32, #tpu.memory_space<vmem_shared>> -> memref<16x128xf32, #tpu.memory_space<vmem_shared>>
    %dma_start3A_59 = arith.constant 0 : i32
    %dma_start3A_60 = tpu.memref_slice %arg10[%add3A_56, %dma_start3A_59] : memref<10000x128xf32, #tpu.memory_space<vmem_shared>> -> memref<16x128xf32, #tpu.memory_space<vmem_shared>>
    tpu.enqueue_dma source(%arg9 : memref<16x128xf32, #tpu.memory_space<vmem>>) target(%dma_start3A_60 : memref<16x128xf32, #tpu.memory_space<vmem_shared>>) target_semaphore(%arg13 : memref<!tpu.dma_semaphore, #tpu.memory_space<semaphore_mem>>)
    %add3A_61 = arith.constant 48 : i32
    %add3A_62 = arith.addi %multiple_of3A, %add3A_61 : i32
    %dma_start3A_63 = arith.constant 0 : i32
    %dma_start3A_64 = tpu.memref_slice %arg10[%add3A_62, %dma_start3A_63] : memref<10000x128xf32, #tpu.memory_space<vmem_shared>> -> memref<16x128xf32, #tpu.memory_space<vmem_shared>>
    %dma_start3A_65 = arith.constant 0 : i32
    %dma_start3A_66 = tpu.memref_slice %arg10[%add3A_62, %dma_start3A_65] : memref<10000x128xf32, #tpu.memory_space<vmem_shared>> -> memref<16x128xf32, #tpu.memory_space<vmem_shared>>
    tpu.enqueue_dma source(%arg9 : memref<16x128xf32, #tpu.memory_space<vmem>>) target(%dma_start3A_66 : memref<16x128xf32, #tpu.memory_space<vmem_shared>>) target_semaphore(%arg13 : memref<!tpu.dma_semaphore, #tpu.memory_space<semaphore_mem>>)
    %add3A_67 = arith.constant 64 : i32
    %add3A_68 = arith.addi %multiple_of3A, %add3A_67 : i32
    %dma_start3A_69 = arith.constant 0 : i32
    %dma_start3A_70 = tpu.memref_slice %arg10[%add3A_68, %dma_start3A_69] : memref<10000x128xf32, #tpu.memory_space<vmem_shared>> -> memref<16x128xf32, #tpu.memory_space<vmem_shared>>
    %dma_start3A_71 = arith.constant 0 : i32
    %dma_start3A_72 = tpu.memref_slice %arg10[%add3A_68, %dma_start3A_71] : memref<10000x128xf32, #tpu.memory_space<vmem_shared>> -> memref<16x128xf32, #tpu.memory_space<vmem_shared>>
    tpu.enqueue_dma source(%arg9 : memref<16x128xf32, #tpu.memory_space<vmem>>) target(%dma_start3A_72 : memref<16x128xf32, #tpu.memory_space<vmem_shared>>) target_semaphore(%arg13 : memref<!tpu.dma_semaphore, #tpu.memory_space<semaphore_mem>>)
    %add3A_73 = arith.constant 80 : i32
    %add3A_74 = arith.addi %multiple_of3A, %add3A_73 : i32
    %dma_start3A_75 = arith.constant 0 : i32
    %dma_start3A_76 = tpu.memref_slice %arg10[%add3A_74, %dma_start3A_75] : memref<10000x128xf32, #tpu.memory_space<vmem_shared>> -> memref<16x128xf32, #tpu.memory_space<vmem_shared>>
    %dma_start3A_77 = arith.constant 0 : i32
    %dma_start3A_78 = tpu.memref_slice %arg10[%add3A_74, %dma_start3A_77] : memref<10000x128xf32, #tpu.memory_space<vmem_shared>> -> memref<16x128xf32, #tpu.memory_space<vmem_shared>>
    tpu.enqueue_dma source(%arg9 : memref<16x128xf32, #tpu.memory_space<vmem>>) target(%dma_start3A_78 : memref<16x128xf32, #tpu.memory_space<vmem_shared>>) target_semaphore(%arg13 : memref<!tpu.dma_semaphore, #tpu.memory_space<semaphore_mem>>)
    %add3A_79 = arith.constant 96 : i32
    %add3A_80 = arith.addi %multiple_of3A, %add3A_79 : i32
    %dma_start3A_81 = arith.constant 0 : i32
    %dma_start3A_82 = tpu.memref_slice %arg10[%add3A_80, %dma_start3A_81] : memref<10000x128xf32, #tpu.memory_space<vmem_shared>> -> memref<16x128xf32, #tpu.memory_space<vmem_shared>>
    %dma_start3A_83 = arith.constant 0 : i32
    %dma_start3A_84 = tpu.memref_slice %arg10[%add3A_80, %dma_start3A_83] : memref<10000x128xf32, #tpu.memory_space<vmem_shared>> -> memref<16x128xf32, #tpu.memory_space<vmem_shared>>
    tpu.enqueue_dma source(%arg9 : memref<16x128xf32, #tpu.memory_space<vmem>>) target(%dma_start3A_84 : memref<16x128xf32, #tpu.memory_space<vmem_shared>>) target_semaphore(%arg13 : memref<!tpu.dma_semaphore, #tpu.memory_space<semaphore_mem>>)
    %add3A_85 = arith.constant 112 : i32
    %add3A_86 = arith.addi %multiple_of3A, %add3A_85 : i32
    %dma_start3A_87 = arith.constant 0 : i32
    %dma_start3A_88 = tpu.memref_slice %arg10[%add3A_86, %dma_start3A_87] : memref<10000x128xf32, #tpu.memory_space<vmem_shared>> -> memref<16x128xf32, #tpu.memory_space<vmem_shared>>
    %dma_start3A_89 = arith.constant 0 : i32
    %dma_start3A_90 = tpu.memref_slice %arg10[%add3A_86, %dma_start3A_89] : memref<10000x128xf32, #tpu.memory_space<vmem_shared>> -> memref<16x128xf32, #tpu.memory_space<vmem_shared>>
    tpu.enqueue_dma source(%arg9 : memref<16x128xf32, #tpu.memory_space<vmem>>) target(%dma_start3A_90 : memref<16x128xf32, #tpu.memory_space<vmem_shared>>) target_semaphore(%arg13 : memref<!tpu.dma_semaphore, #tpu.memory_space<semaphore_mem>>)
    %add3A_91 = arith.constant 128 : i32
    %add3A_92 = arith.addi %multiple_of3A, %add3A_91 : i32
    %dma_start3A_93 = arith.constant 0 : i32
    %dma_start3A_94 = tpu.memref_slice %arg10[%add3A_92, %dma_start3A_93] : memref<10000x128xf32, #tpu.memory_space<vmem_shared>> -> memref<16x128xf32, #tpu.memory_space<vmem_shared>>
    %dma_start3A_95 = arith.constant 0 : i32
    %dma_start3A_96 = tpu.memref_slice %arg10[%add3A_92, %dma_start3A_95] : memref<10000x128xf32, #tpu.memory_space<vmem_shared>> -> memref<16x128xf32, #tpu.memory_space<vmem_shared>>
    tpu.enqueue_dma source(%arg9 : memref<16x128xf32, #tpu.memory_space<vmem>>) target(%dma_start3A_96 : memref<16x128xf32, #tpu.memory_space<vmem_shared>>) target_semaphore(%arg13 : memref<!tpu.dma_semaphore, #tpu.memory_space<semaphore_mem>>)
    %add3A_97 = arith.constant 144 : i32
    %add3A_98 = arith.addi %multiple_of3A, %add3A_97 : i32
    %dma_start3A_99 = arith.constant 0 : i32
    %dma_start3A_100 = tpu.memref_slice %arg10[%add3A_98, %dma_start3A_99] : memref<10000x128xf32, #tpu.memory_space<vmem_shared>> -> memref<16x128xf32, #tpu.memory_space<vmem_shared>>
    %dma_start3A_101 = arith.constant 0 : i32
    %dma_start3A_102 = tpu.memref_slice %arg10[%add3A_98, %dma_start3A_101] : memref<10000x128xf32, #tpu.memory_space<vmem_shared>> -> memref<16x128xf32, #tpu.memory_space<vmem_shared>>
    tpu.enqueue_dma source(%arg9 : memref<16x128xf32, #tpu.memory_space<vmem>>) target(%dma_start3A_102 : memref<16x128xf32, #tpu.memory_space<vmem_shared>>) target_semaphore(%arg13 : memref<!tpu.dma_semaphore, #tpu.memory_space<semaphore_mem>>)
    %add3A_103 = arith.constant 160 : i32
    %add3A_104 = arith.addi %multiple_of3A, %add3A_103 : i32
    %dma_start3A_105 = arith.constant 0 : i32
    %dma_start3A_106 = tpu.memref_slice %arg10[%add3A_104, %dma_start3A_105] : memref<10000x128xf32, #tpu.memory_space<vmem_shared>> -> memref<16x128xf32, #tpu.memory_space<vmem_shared>>
    %dma_start3A_107 = arith.constant 0 : i32
    %dma_start3A_108 = tpu.memref_slice %arg10[%add3A_104, %dma_start3A_107] : memref<10000x128xf32, #tpu.memory_space<vmem_shared>> -> memref<16x128xf32, #tpu.memory_space<vmem_shared>>
    tpu.enqueue_dma source(%arg9 : memref<16x128xf32, #tpu.memory_space<vmem>>) target(%dma_start3A_108 : memref<16x128xf32, #tpu.memory_space<vmem_shared>>) target_semaphore(%arg13 : memref<!tpu.dma_semaphore, #tpu.memory_space<semaphore_mem>>)
    %add3A_109 = arith.constant 176 : i32
    %add3A_110 = arith.addi %multiple_of3A, %add3A_109 : i32
    %dma_start3A_111 = arith.constant 0 : i32
    %dma_start3A_112 = tpu.memref_slice %arg10[%add3A_110, %dma_start3A_111] : memref<10000x128xf32, #tpu.memory_space<vmem_shared>> -> memref<16x128xf32, #tpu.memory_space<vmem_shared>>
    %dma_start3A_113 = arith.constant 0 : i32
    %dma_start3A_114 = tpu.memref_slice %arg10[%add3A_110, %dma_start3A_113] : memref<10000x128xf32, #tpu.memory_space<vmem_shared>> -> memref<16x128xf32, #tpu.memory_space<vmem_shared>>
    tpu.enqueue_dma source(%arg9 : memref<16x128xf32, #tpu.memory_space<vmem>>) target(%dma_start3A_114 : memref<16x128xf32, #tpu.memory_space<vmem_shared>>) target_semaphore(%arg13 : memref<!tpu.dma_semaphore, #tpu.memory_space<semaphore_mem>>)
    %add3A_115 = arith.constant 192 : i32
    %add3A_116 = arith.addi %multiple_of3A, %add3A_115 : i32
    %dma_start3A_117 = arith.constant 0 : i32
    %dma_start3A_118 = tpu.memref_slice %arg10[%add3A_116, %dma_start3A_117] : memref<10000x128xf32, #tpu.memory_space<vmem_shared>> -> memref<16x128xf32, #tpu.memory_space<vmem_shared>>
    %dma_start3A_119 = arith.constant 0 : i32
    %dma_start3A_120 = tpu.memref_slice %arg10[%add3A_116, %dma_start3A_119] : memref<10000x128xf32, #tpu.memory_space<vmem_shared>> -> memref<16x128xf32, #tpu.memory_space<vmem_shared>>
    tpu.enqueue_dma source(%arg9 : memref<16x128xf32, #tpu.memory_space<vmem>>) target(%dma_start3A_120 : memref<16x128xf32, #tpu.memory_space<vmem_shared>>) target_semaphore(%arg13 : memref<!tpu.dma_semaphore, #tpu.memory_space<semaphore_mem>>)
    %add3A_121 = arith.constant 208 : i32
    %add3A_122 = arith.addi %multiple_of3A, %add3A_121 : i32
    %dma_start3A_123 = arith.constant 0 : i32
    %dma_start3A_124 = tpu.memref_slice %arg10[%add3A_122, %dma_start3A_123] : memref<10000x128xf32, #tpu.memory_space<vmem_shared>> -> memref<16x128xf32, #tpu.memory_space<vmem_shared>>
    %dma_start3A_125 = arith.constant 0 : i32
    %dma_start3A_126 = tpu.memref_slice %arg10[%add3A_122, %dma_start3A_125] : memref<10000x128xf32, #tpu.memory_space<vmem_shared>> -> memref<16x128xf32, #tpu.memory_space<vmem_shared>>
    tpu.enqueue_dma source(%arg9 : memref<16x128xf32, #tpu.memory_space<vmem>>) target(%dma_start3A_126 : memref<16x128xf32, #tpu.memory_space<vmem_shared>>) target_semaphore(%arg13 : memref<!tpu.dma_semaphore, #tpu.memory_space<semaphore_mem>>)
    %add3A_127 = arith.constant 224 : i32
    %add3A_128 = arith.addi %multiple_of3A, %add3A_127 : i32
    %dma_start3A_129 = arith.constant 0 : i32
    %dma_start3A_130 = tpu.memref_slice %arg10[%add3A_128, %dma_start3A_129] : memref<10000x128xf32, #tpu.memory_space<vmem_shared>> -> memref<16x128xf32, #tpu.memory_space<vmem_shared>>
    %dma_start3A_131 = arith.constant 0 : i32
    %dma_start3A_132 = tpu.memref_slice %arg10[%add3A_128, %dma_start3A_131] : memref<10000x128xf32, #tpu.memory_space<vmem_shared>> -> memref<16x128xf32, #tpu.memory_space<vmem_shared>>
    tpu.enqueue_dma source(%arg9 : memref<16x128xf32, #tpu.memory_space<vmem>>) target(%dma_start3A_132 : memref<16x128xf32, #tpu.memory_space<vmem_shared>>) target_semaphore(%arg13 : memref<!tpu.dma_semaphore, #tpu.memory_space<semaphore_mem>>)
    %add3A_133 = arith.constant 240 : i32
    %add3A_134 = arith.addi %multiple_of3A, %add3A_133 : i32
    %dma_start3A_135 = arith.constant 0 : i32
    %dma_start3A_136 = tpu.memref_slice %arg10[%add3A_134, %dma_start3A_135] : memref<10000x128xf32, #tpu.memory_space<vmem_shared>> -> memref<16x128xf32, #tpu.memory_space<vmem_shared>>
    %dma_start3A_137 = arith.constant 0 : i32
    %dma_start3A_138 = tpu.memref_slice %arg10[%add3A_134, %dma_start3A_137] : memref<10000x128xf32, #tpu.memory_space<vmem_shared>> -> memref<16x128xf32, #tpu.memory_space<vmem_shared>>
    tpu.enqueue_dma source(%arg9 : memref<16x128xf32, #tpu.memory_space<vmem>>) target(%dma_start3A_138 : memref<16x128xf32, #tpu.memory_space<vmem_shared>>) target_semaphore(%arg13 : memref<!tpu.dma_semaphore, #tpu.memory_space<semaphore_mem>>)
    %add3A_139 = arith.constant 256 : i32
    %add3A_140 = arith.addi %multiple_of3A, %add3A_139 : i32
    %dma_start3A_141 = arith.constant 0 : i32
    %dma_start3A_142 = tpu.memref_slice %arg10[%add3A_140, %dma_start3A_141] : memref<10000x128xf32, #tpu.memory_space<vmem_shared>> -> memref<16x128xf32, #tpu.memory_space<vmem_shared>>
    %dma_start3A_143 = arith.constant 0 : i32
    %dma_start3A_144 = tpu.memref_slice %arg10[%add3A_140, %dma_start3A_143] : memref<10000x128xf32, #tpu.memory_space<vmem_shared>> -> memref<16x128xf32, #tpu.memory_space<vmem_shared>>
    tpu.enqueue_dma source(%arg9 : memref<16x128xf32, #tpu.memory_space<vmem>>) target(%dma_start3A_144 : memref<16x128xf32, #tpu.memory_space<vmem_shared>>) target_semaphore(%arg13 : memref<!tpu.dma_semaphore, #tpu.memory_space<semaphore_mem>>)
    %add3A_145 = arith.constant 272 : i32
    %add3A_146 = arith.addi %multiple_of3A, %add3A_145 : i32
    %dma_start3A_147 = arith.constant 0 : i32
    %dma_start3A_148 = tpu.memref_slice %arg10[%add3A_146, %dma_start3A_147] : memref<10000x128xf32, #tpu.memory_space<vmem_shared>> -> memref<16x128xf32, #tpu.memory_space<vmem_shared>>
    %dma_start3A_149 = arith.constant 0 : i32
    %dma_start3A_150 = tpu.memref_slice %arg10[%add3A_146, %dma_start3A_149] : memref<10000x128xf32, #tpu.memory_space<vmem_shared>> -> memref<16x128xf32, #tpu.memory_space<vmem_shared>>
    tpu.enqueue_dma source(%arg9 : memref<16x128xf32, #tpu.memory_space<vmem>>) target(%dma_start3A_150 : memref<16x128xf32, #tpu.memory_space<vmem_shared>>) target_semaphore(%arg13 : memref<!tpu.dma_semaphore, #tpu.memory_space<semaphore_mem>>)
    %add3A_151 = arith.constant 288 : i32
    %add3A_152 = arith.addi %multiple_of3A, %add3A_151 : i32
    %dma_start3A_153 = arith.constant 0 : i32
    %dma_start3A_154 = tpu.memref_slice %arg10[%add3A_152, %dma_start3A_153] : memref<10000x128xf32, #tpu.memory_space<vmem_shared>> -> memref<16x128xf32, #tpu.memory_space<vmem_shared>>
    %dma_start3A_155 = arith.constant 0 : i32
    %dma_start3A_156 = tpu.memref_slice %arg10[%add3A_152, %dma_start3A_155] : memref<10000x128xf32, #tpu.memory_space<vmem_shared>> -> memref<16x128xf32, #tpu.memory_space<vmem_shared>>
    tpu.enqueue_dma source(%arg9 : memref<16x128xf32, #tpu.memory_space<vmem>>) target(%dma_start3A_156 : memref<16x128xf32, #tpu.memory_space<vmem_shared>>) target_semaphore(%arg13 : memref<!tpu.dma_semaphore, #tpu.memory_space<semaphore_mem>>)
    %add3A_157 = arith.constant 304 : i32
    %add3A_158 = arith.addi %multiple_of3A, %add3A_157 : i32
    %dma_start3A_159 = arith.constant 0 : i32
    %dma_start3A_160 = tpu.memref_slice %arg10[%add3A_158, %dma_start3A_159] : memref<10000x128xf32, #tpu.memory_space<vmem_shared>> -> memref<16x128xf32, #tpu.memory_space<vmem_shared>>
    %dma_start3A_161 = arith.constant 0 : i32
    %dma_start3A_162 = tpu.memref_slice %arg10[%add3A_158, %dma_start3A_161] : memref<10000x128xf32, #tpu.memory_space<vmem_shared>> -> memref<16x128xf32, #tpu.memory_space<vmem_shared>>
    tpu.enqueue_dma source(%arg9 : memref<16x128xf32, #tpu.memory_space<vmem>>) target(%dma_start3A_162 : memref<16x128xf32, #tpu.memory_space<vmem_shared>>) target_semaphore(%arg13 : memref<!tpu.dma_semaphore, #tpu.memory_space<semaphore_mem>>)
    %add3A_163 = arith.constant 320 : i32
    %add3A_164 = arith.addi %multiple_of3A, %add3A_163 : i32
    %dma_start3A_165 = arith.constant 0 : i32
    %dma_start3A_166 = tpu.memref_slice %arg10[%add3A_164, %dma_start3A_165] : memref<10000x128xf32, #tpu.memory_space<vmem_shared>> -> memref<16x128xf32, #tpu.memory_space<vmem_shared>>
    %dma_start3A_167 = arith.constant 0 : i32
    %dma_start3A_168 = tpu.memref_slice %arg10[%add3A_164, %dma_start3A_167] : memref<10000x128xf32, #tpu.memory_space<vmem_shared>> -> memref<16x128xf32, #tpu.memory_space<vmem_shared>>
    tpu.enqueue_dma source(%arg9 : memref<16x128xf32, #tpu.memory_space<vmem>>) target(%dma_start3A_168 : memref<16x128xf32, #tpu.memory_space<vmem_shared>>) target_semaphore(%arg13 : memref<!tpu.dma_semaphore, #tpu.memory_space<semaphore_mem>>)
    %add3A_169 = arith.constant 336 : i32
    %add3A_170 = arith.addi %multiple_of3A, %add3A_169 : i32
    %dma_start3A_171 = arith.constant 0 : i32
    %dma_start3A_172 = tpu.memref_slice %arg10[%add3A_170, %dma_start3A_171] : memref<10000x128xf32, #tpu.memory_space<vmem_shared>> -> memref<16x128xf32, #tpu.memory_space<vmem_shared>>
    %dma_start3A_173 = arith.constant 0 : i32
    %dma_start3A_174 = tpu.memref_slice %arg10[%add3A_170, %dma_start3A_173] : memref<10000x128xf32, #tpu.memory_space<vmem_shared>> -> memref<16x128xf32, #tpu.memory_space<vmem_shared>>
    tpu.enqueue_dma source(%arg9 : memref<16x128xf32, #tpu.memory_space<vmem>>) target(%dma_start3A_174 : memref<16x128xf32, #tpu.memory_space<vmem_shared>>) target_semaphore(%arg13 : memref<!tpu.dma_semaphore, #tpu.memory_space<semaphore_mem>>)
    %add3A_175 = arith.constant 352 : i32
    %add3A_176 = arith.addi %multiple_of3A, %add3A_175 : i32
    %dma_start3A_177 = arith.constant 0 : i32
    %dma_start3A_178 = tpu.memref_slice %arg10[%add3A_176, %dma_start3A_177] : memref<10000x128xf32, #tpu.memory_space<vmem_shared>> -> memref<16x128xf32, #tpu.memory_space<vmem_shared>>
    %dma_start3A_179 = arith.constant 0 : i32
    %dma_start3A_180 = tpu.memref_slice %arg10[%add3A_176, %dma_start3A_179] : memref<10000x128xf32, #tpu.memory_space<vmem_shared>> -> memref<16x128xf32, #tpu.memory_space<vmem_shared>>
    tpu.enqueue_dma source(%arg9 : memref<16x128xf32, #tpu.memory_space<vmem>>) target(%dma_start3A_180 : memref<16x128xf32, #tpu.memory_space<vmem_shared>>) target_semaphore(%arg13 : memref<!tpu.dma_semaphore, #tpu.memory_space<semaphore_mem>>)
    %add3A_181 = arith.constant 368 : i32
    %add3A_182 = arith.addi %multiple_of3A, %add3A_181 : i32
    %dma_start3A_183 = arith.constant 0 : i32
    %dma_start3A_184 = tpu.memref_slice %arg10[%add3A_182, %dma_start3A_183] : memref<10000x128xf32, #tpu.memory_space<vmem_shared>> -> memref<16x128xf32, #tpu.memory_space<vmem_shared>>
    %dma_start3A_185 = arith.constant 0 : i32
    %dma_start3A_186 = tpu.memref_slice %arg10[%add3A_182, %dma_start3A_185] : memref<10000x128xf32, #tpu.memory_space<vmem_shared>> -> memref<16x128xf32, #tpu.memory_space<vmem_shared>>
    tpu.enqueue_dma source(%arg9 : memref<16x128xf32, #tpu.memory_space<vmem>>) target(%dma_start3A_186 : memref<16x128xf32, #tpu.memory_space<vmem_shared>>) target_semaphore(%arg13 : memref<!tpu.dma_semaphore, #tpu.memory_space<semaphore_mem>>)
    %add3A_187 = arith.constant 384 : i32
    %add3A_188 = arith.addi %multiple_of3A, %add3A_187 : i32
    %dma_start3A_189 = arith.constant 0 : i32
    %dma_start3A_190 = tpu.memref_slice %arg10[%add3A_188, %dma_start3A_189] : memref<10000x128xf32, #tpu.memory_space<vmem_shared>> -> memref<16x128xf32, #tpu.memory_space<vmem_shared>>
    %dma_start3A_191 = arith.constant 0 : i32
    %dma_start3A_192 = tpu.memref_slice %arg10[%add3A_188, %dma_start3A_191] : memref<10000x128xf32, #tpu.memory_space<vmem_shared>> -> memref<16x128xf32, #tpu.memory_space<vmem_shared>>
    tpu.enqueue_dma source(%arg9 : memref<16x128xf32, #tpu.memory_space<vmem>>) target(%dma_start3A_192 : memref<16x128xf32, #tpu.memory_space<vmem_shared>>) target_semaphore(%arg13 : memref<!tpu.dma_semaphore, #tpu.memory_space<semaphore_mem>>)
    %add3A_193 = arith.constant 400 : i32
    %add3A_194 = arith.addi %multiple_of3A, %add3A_193 : i32
    %dma_start3A_195 = arith.constant 0 : i32
    %dma_start3A_196 = tpu.memref_slice %arg10[%add3A_194, %dma_start3A_195] : memref<10000x128xf32, #tpu.memory_space<vmem_shared>> -> memref<16x128xf32, #tpu.memory_space<vmem_shared>>
    %dma_start3A_197 = arith.constant 0 : i32
    %dma_start3A_198 = tpu.memref_slice %arg10[%add3A_194, %dma_start3A_197] : memref<10000x128xf32, #tpu.memory_space<vmem_shared>> -> memref<16x128xf32, #tpu.memory_space<vmem_shared>>
    tpu.enqueue_dma source(%arg9 : memref<16x128xf32, #tpu.memory_space<vmem>>) target(%dma_start3A_198 : memref<16x128xf32, #tpu.memory_space<vmem_shared>>) target_semaphore(%arg13 : memref<!tpu.dma_semaphore, #tpu.memory_space<semaphore_mem>>)
    %add3A_199 = arith.constant 416 : i32
    %add3A_200 = arith.addi %multiple_of3A, %add3A_199 : i32
    %dma_start3A_201 = arith.constant 0 : i32
    %dma_start3A_202 = tpu.memref_slice %arg10[%add3A_200, %dma_start3A_201] : memref<10000x128xf32, #tpu.memory_space<vmem_shared>> -> memref<16x128xf32, #tpu.memory_space<vmem_shared>>
    %dma_start3A_203 = arith.constant 0 : i32
    %dma_start3A_204 = tpu.memref_slice %arg10[%add3A_200, %dma_start3A_203] : memref<10000x128xf32, #tpu.memory_space<vmem_shared>> -> memref<16x128xf32, #tpu.memory_space<vmem_shared>>
    tpu.enqueue_dma source(%arg9 : memref<16x128xf32, #tpu.memory_space<vmem>>) target(%dma_start3A_204 : memref<16x128xf32, #tpu.memory_space<vmem_shared>>) target_semaphore(%arg13 : memref<!tpu.dma_semaphore, #tpu.memory_space<semaphore_mem>>)
    %add3A_205 = arith.constant 432 : i32
    %add3A_206 = arith.addi %multiple_of3A, %add3A_205 : i32
    %dma_start3A_207 = arith.constant 0 : i32
    %dma_start3A_208 = tpu.memref_slice %arg10[%add3A_206, %dma_start3A_207] : memref<10000x128xf32, #tpu.memory_space<vmem_shared>> -> memref<16x128xf32, #tpu.memory_space<vmem_shared>>
    %dma_start3A_209 = arith.constant 0 : i32
    %dma_start3A_210 = tpu.memref_slice %arg10[%add3A_206, %dma_start3A_209] : memref<10000x128xf32, #tpu.memory_space<vmem_shared>> -> memref<16x128xf32, #tpu.memory_space<vmem_shared>>
    tpu.enqueue_dma source(%arg9 : memref<16x128xf32, #tpu.memory_space<vmem>>) target(%dma_start3A_210 : memref<16x128xf32, #tpu.memory_space<vmem_shared>>) target_semaphore(%arg13 : memref<!tpu.dma_semaphore, #tpu.memory_space<semaphore_mem>>)
    %add3A_211 = arith.constant 448 : i32
    %add3A_212 = arith.addi %multiple_of3A, %add3A_211 : i32
    %dma_start3A_213 = arith.constant 0 : i32
    %dma_start3A_214 = tpu.memref_slice %arg10[%add3A_212, %dma_start3A_213] : memref<10000x128xf32, #tpu.memory_space<vmem_shared>> -> memref<16x128xf32, #tpu.memory_space<vmem_shared>>
    %dma_start3A_215 = arith.constant 0 : i32
    %dma_start3A_216 = tpu.memref_slice %arg10[%add3A_212, %dma_start3A_215] : memref<10000x128xf32, #tpu.memory_space<vmem_shared>> -> memref<16x128xf32, #tpu.memory_space<vmem_shared>>
    tpu.enqueue_dma source(%arg9 : memref<16x128xf32, #tpu.memory_space<vmem>>) target(%dma_start3A_216 : memref<16x128xf32, #tpu.memory_space<vmem_shared>>) target_semaphore(%arg13 : memref<!tpu.dma_semaphore, #tpu.memory_space<semaphore_mem>>)
    %add3A_217 = arith.constant 464 : i32
    %add3A_218 = arith.addi %multiple_of3A, %add3A_217 : i32
    %dma_start3A_219 = arith.constant 0 : i32
    %dma_start3A_220 = tpu.memref_slice %arg10[%add3A_218, %dma_start3A_219] : memref<10000x128xf32, #tpu.memory_space<vmem_shared>> -> memref<16x128xf32, #tpu.memory_space<vmem_shared>>
    %dma_start3A_221 = arith.constant 0 : i32
    %dma_start3A_222 = tpu.memref_slice %arg10[%add3A_218, %dma_start3A_221] : memref<10000x128xf32, #tpu.memory_space<vmem_shared>> -> memref<16x128xf32, #tpu.memory_space<vmem_shared>>
    tpu.enqueue_dma source(%arg9 : memref<16x128xf32, #tpu.memory_space<vmem>>) target(%dma_start3A_222 : memref<16x128xf32, #tpu.memory_space<vmem_shared>>) target_semaphore(%arg13 : memref<!tpu.dma_semaphore, #tpu.memory_space<semaphore_mem>>)
    %add3A_223 = arith.constant 480 : i32
    %add3A_224 = arith.addi %multiple_of3A, %add3A_223 : i32
    %dma_start3A_225 = arith.constant 0 : i32
    %dma_start3A_226 = tpu.memref_slice %arg10[%add3A_224, %dma_start3A_225] : memref<10000x128xf32, #tpu.memory_space<vmem_shared>> -> memref<16x128xf32, #tpu.memory_space<vmem_shared>>
    %dma_start3A_227 = arith.constant 0 : i32
    %dma_start3A_228 = tpu.memref_slice %arg10[%add3A_224, %dma_start3A_227] : memref<10000x128xf32, #tpu.memory_space<vmem_shared>> -> memref<16x128xf32, #tpu.memory_space<vmem_shared>>
    tpu.enqueue_dma source(%arg9 : memref<16x128xf32, #tpu.memory_space<vmem>>) target(%dma_start3A_228 : memref<16x128xf32, #tpu.memory_space<vmem_shared>>) target_semaphore(%arg13 : memref<!tpu.dma_semaphore, #tpu.memory_space<semaphore_mem>>)
    %add3A_229 = arith.constant 496 : i32
    %add3A_230 = arith.addi %multiple_of3A, %add3A_229 : i32
    %dma_start3A_231 = arith.constant 0 : i32
    %dma_start3A_232 = tpu.memref_slice %arg10[%add3A_230, %dma_start3A_231] : memref<10000x128xf32, #tpu.memory_space<vmem_shared>> -> memref<16x128xf32, #tpu.memory_space<vmem_shared>>
    %dma_start3A_233 = arith.constant 0 : i32
    %dma_start3A_234 = tpu.memref_slice %arg10[%add3A_230, %dma_start3A_233] : memref<10000x128xf32, #tpu.memory_space<vmem_shared>> -> memref<16x128xf32, #tpu.memory_space<vmem_shared>>
    tpu.enqueue_dma source(%arg9 : memref<16x128xf32, #tpu.memory_space<vmem>>) target(%dma_start3A_234 : memref<16x128xf32, #tpu.memory_space<vmem_shared>>) target_semaphore(%arg13 : memref<!tpu.dma_semaphore, #tpu.memory_space<semaphore_mem>>)
    %add3A_235 = arith.constant 512 : i32
    %add3A_236 = arith.addi %multiple_of3A, %add3A_235 : i32
    %dma_start3A_237 = arith.constant 0 : i32
    %dma_start3A_238 = tpu.memref_slice %arg10[%add3A_236, %dma_start3A_237] : memref<10000x128xf32, #tpu.memory_space<vmem_shared>> -> memref<16x128xf32, #tpu.memory_space<vmem_shared>>
    %dma_start3A_239 = arith.constant 0 : i32
    %dma_start3A_240 = tpu.memref_slice %arg10[%add3A_236, %dma_start3A_239] : memref<10000x128xf32, #tpu.memory_space<vmem_shared>> -> memref<16x128xf32, #tpu.memory_space<vmem_shared>>
    tpu.enqueue_dma source(%arg9 : memref<16x128xf32, #tpu.memory_space<vmem>>) target(%dma_start3A_240 : memref<16x128xf32, #tpu.memory_space<vmem_shared>>) target_semaphore(%arg13 : memref<!tpu.dma_semaphore, #tpu.memory_space<semaphore_mem>>)
    %add3A_241 = arith.constant 528 : i32
    %add3A_242 = arith.addi %multiple_of3A, %add3A_241 : i32
    %dma_start3A_243 = arith.constant 0 : i32
    %dma_start3A_244 = tpu.memref_slice %arg10[%add3A_242, %dma_start3A_243] : memref<10000x128xf32, #tpu.memory_space<vmem_shared>> -> memref<16x128xf32, #tpu.memory_space<vmem_shared>>
    %dma_start3A_245 = arith.constant 0 : i32
    %dma_start3A_246 = tpu.memref_slice %arg10[%add3A_242, %dma_start3A_245] : memref<10000x128xf32, #tpu.memory_space<vmem_shared>> -> memref<16x128xf32, #tpu.memory_space<vmem_shared>>
    tpu.enqueue_dma source(%arg9 : memref<16x128xf32, #tpu.memory_space<vmem>>) target(%dma_start3A_246 : memref<16x128xf32, #tpu.memory_space<vmem_shared>>) target_semaphore(%arg13 : memref<!tpu.dma_semaphore, #tpu.memory_space<semaphore_mem>>)
    %add3A_247 = arith.constant 544 : i32
    %add3A_248 = arith.addi %multiple_of3A, %add3A_247 : i32
    %dma_start3A_249 = arith.constant 0 : i32
    %dma_start3A_250 = tpu.memref_slice %arg10[%add3A_248, %dma_start3A_249] : memref<10000x128xf32, #tpu.memory_space<vmem_shared>> -> memref<16x128xf32, #tpu.memory_space<vmem_shared>>
    %dma_start3A_251 = arith.constant 0 : i32
    %dma_start3A_252 = tpu.memref_slice %arg10[%add3A_248, %dma_start3A_251] : memref<10000x128xf32, #tpu.memory_space<vmem_shared>> -> memref<16x128xf32, #tpu.memory_space<vmem_shared>>
    tpu.enqueue_dma source(%arg9 : memref<16x128xf32, #tpu.memory_space<vmem>>) target(%dma_start3A_252 : memref<16x128xf32, #tpu.memory_space<vmem_shared>>) target_semaphore(%arg13 : memref<!tpu.dma_semaphore, #tpu.memory_space<semaphore_mem>>)
    %add3A_253 = arith.constant 560 : i32
    %add3A_254 = arith.addi %multiple_of3A, %add3A_253 : i32
    %dma_start3A_255 = arith.constant 0 : i32
    %dma_start3A_256 = tpu.memref_slice %arg10[%add3A_254, %dma_start3A_255] : memref<10000x128xf32, #tpu.memory_space<vmem_shared>> -> memref<16x128xf32, #tpu.memory_space<vmem_shared>>
    %dma_start3A_257 = arith.constant 0 : i32
    %dma_start3A_258 = tpu.memref_slice %arg10[%add3A_254, %dma_start3A_257] : memref<10000x128xf32, #tpu.memory_space<vmem_shared>> -> memref<16x128xf32, #tpu.memory_space<vmem_shared>>
    tpu.enqueue_dma source(%arg9 : memref<16x128xf32, #tpu.memory_space<vmem>>) target(%dma_start3A_258 : memref<16x128xf32, #tpu.memory_space<vmem_shared>>) target_semaphore(%arg13 : memref<!tpu.dma_semaphore, #tpu.memory_space<semaphore_mem>>)
    %add3A_259 = arith.constant 576 : i32
    %add3A_260 = arith.addi %multiple_of3A, %add3A_259 : i32
    %dma_start3A_261 = arith.constant 0 : i32
    %dma_start3A_262 = tpu.memref_slice %arg10[%add3A_260, %dma_start3A_261] : memref<10000x128xf32, #tpu.memory_space<vmem_shared>> -> memref<16x128xf32, #tpu.memory_space<vmem_shared>>
    %dma_start3A_263 = arith.constant 0 : i32
    %dma_start3A_264 = tpu.memref_slice %arg10[%add3A_260, %dma_start3A_263] : memref<10000x128xf32, #tpu.memory_space<vmem_shared>> -> memref<16x128xf32, #tpu.memory_space<vmem_shared>>
    tpu.enqueue_dma source(%arg9 : memref<16x128xf32, #tpu.memory_space<vmem>>) target(%dma_start3A_264 : memref<16x128xf32, #tpu.memory_space<vmem_shared>>) target_semaphore(%arg13 : memref<!tpu.dma_semaphore, #tpu.memory_space<semaphore_mem>>)
    %add3A_265 = arith.constant 592 : i32
    %add3A_266 = arith.addi %multiple_of3A, %add3A_265 : i32
    %dma_start3A_267 = arith.constant 0 : i32
    %dma_start3A_268 = tpu.memref_slice %arg10[%add3A_266, %dma_start3A_267] : memref<10000x128xf32, #tpu.memory_space<vmem_shared>> -> memref<16x128xf32, #tpu.memory_space<vmem_shared>>
    %dma_start3A_269 = arith.constant 0 : i32
    %dma_start3A_270 = tpu.memref_slice %arg10[%add3A_266, %dma_start3A_269] : memref<10000x128xf32, #tpu.memory_space<vmem_shared>> -> memref<16x128xf32, #tpu.memory_space<vmem_shared>>
    tpu.enqueue_dma source(%arg9 : memref<16x128xf32, #tpu.memory_space<vmem>>) target(%dma_start3A_270 : memref<16x128xf32, #tpu.memory_space<vmem_shared>>) target_semaphore(%arg13 : memref<!tpu.dma_semaphore, #tpu.memory_space<semaphore_mem>>)
    %add3A_271 = arith.constant 608 : i32
    %add3A_272 = arith.addi %multiple_of3A, %add3A_271 : i32
    %dma_start3A_273 = arith.constant 0 : i32
    %dma_start3A_274 = tpu.memref_slice %arg10[%add3A_272, %dma_start3A_273] : memref<10000x128xf32, #tpu.memory_space<vmem_shared>> -> memref<16x128xf32, #tpu.memory_space<vmem_shared>>
    %dma_start3A_275 = arith.constant 0 : i32
    %dma_start3A_276 = tpu.memref_slice %arg10[%add3A_272, %dma_start3A_275] : memref<10000x128xf32, #tpu.memory_space<vmem_shared>> -> memref<16x128xf32, #tpu.memory_space<vmem_shared>>
    tpu.enqueue_dma source(%arg9 : memref<16x128xf32, #tpu.memory_space<vmem>>) target(%dma_start3A_276 : memref<16x128xf32, #tpu.memory_space<vmem_shared>>) target_semaphore(%arg13 : memref<!tpu.dma_semaphore, #tpu.memory_space<semaphore_mem>>)
    %eq3A = arith.constant 15 : i32
    %eq3A_277 = arith.cmpi eq, %arg1, %eq3A : i32
    %convert_element_type3A = arith.extui %eq3A_277 : i1 to i32
    %cond3A = arith.constant 0 : i32
    %cond3A_278 = arith.cmpi ne, %convert_element_type3A, %cond3A : i32
    scf.if %cond3A_278 {
      "tpu.region"() ({
        %run_scoped3A_542 = tpu.sem_alloc : memref<!tpu.dma_semaphore, #tpu.memory_space<semaphore_mem>>
        %dma_start3A_543 = arith.constant 0 : i32
        %dma_start3A_544 = arith.constant 0 : i32
        %dma_start3A_545 = tpu.memref_slice %arg9[%dma_start3A_543, %dma_start3A_544] : memref<16x128xf32, #tpu.memory_space<vmem>> -> memref<16x128xf32, #tpu.memory_space<vmem>>
        %dma_start3A_546 = arith.constant 9984 : i32
        %dma_start3A_547 = arith.constant 0 : i32
        %dma_start3A_548 = tpu.memref_slice %arg10[%dma_start3A_546, %dma_start3A_547] : memref<10000x128xf32, #tpu.memory_space<vmem_shared>> -> memref<16x128xf32, #tpu.memory_space<vmem_shared>>
        %dma_start3A_549 = arith.constant 9984 : i32
        %dma_start3A_550 = arith.constant 0 : i32
        %dma_start3A_551 = tpu.memref_slice %arg10[%dma_start3A_549, %dma_start3A_550] : memref<10000x128xf32, #tpu.memory_space<vmem_shared>> -> memref<16x128xf32, #tpu.memory_space<vmem_shared>>
        %dma_start3A_552 = arith.constant 0 : i32
        %dma_start3A_553 = arith.constant 0 : i32
        %dma_start3A_554 = tpu.memref_slice %arg9[%dma_start3A_552, %dma_start3A_553] : memref<16x128xf32, #tpu.memory_space<vmem>> -> memref<16x128xf32, #tpu.memory_space<vmem>>
        tpu.enqueue_dma source(%dma_start3A_554 : memref<16x128xf32, #tpu.memory_space<vmem>>) target(%dma_start3A_551 : memref<16x128xf32, #tpu.memory_space<vmem_shared>>) target_semaphore(%run_scoped3A_542 : memref<!tpu.dma_semaphore, #tpu.memory_space<semaphore_mem>>)
        %dma_wait3A_555 = arith.constant 0 : i32
        %dma_wait3A_556 = arith.constant 0 : i32
        %dma_wait3A_557 = tpu.memref_slice %arg9[%dma_wait3A_555, %dma_wait3A_556] : memref<16x128xf32, #tpu.memory_space<vmem>> -> memref<16x128xf32, #tpu.memory_space<vmem>>
        %dma_wait3A_558 = arith.constant 9984 : i32
        %dma_wait3A_559 = arith.constant 0 : i32
        %dma_wait3A_560 = tpu.memref_slice %arg10[%dma_wait3A_558, %dma_wait3A_559] : memref<10000x128xf32, #tpu.memory_space<vmem_shared>> -> memref<16x128xf32, #tpu.memory_space<vmem_shared>>
        %dma_wait3A_561 = arith.constant 9984 : i32
        %dma_wait3A_562 = arith.constant 0 : i32
        %dma_wait3A_563 = tpu.memref_slice %arg10[%dma_wait3A_561, %dma_wait3A_562] : memref<10000x128xf32, #tpu.memory_space<vmem_shared>> -> memref<16x128xf32, #tpu.memory_space<vmem_shared>>
        %dma_wait3A_564 = arith.constant 0 : i32
        %dma_wait3A_565 = arith.constant 0 : i32
        %dma_wait3A_566 = tpu.memref_slice %arg9[%dma_wait3A_564, %dma_wait3A_565] : memref<16x128xf32, #tpu.memory_space<vmem>> -> memref<16x128xf32, #tpu.memory_space<vmem>>
        tpu.wait_dma2 semaphore(%run_scoped3A_542 : memref<!tpu.dma_semaphore, #tpu.memory_space<semaphore_mem>>) src(%dma_wait3A_566 : memref<16x128xf32, #tpu.memory_space<vmem>>) dst(%dma_wait3A_563 : memref<16x128xf32, #tpu.memory_space<vmem_shared>>)
        tpu.yield
      }) : () -> ()
    } else {
    }
    %add3A_279 = arith.constant 0 : i32
    %add3A_280 = arith.addi %multiple_of3A, %add3A_279 : i32
    %dma_wait3A = arith.constant 0 : i32
    %dma_wait3A_281 = tpu.memref_slice %arg10[%add3A_280, %dma_wait3A] : memref<10000x128xf32, #tpu.memory_space<vmem_shared>> -> memref<16x128xf32, #tpu.memory_space<vmem_shared>>
    %dma_wait3A_282 = arith.constant 0 : i32
    %dma_wait3A_283 = tpu.memref_slice %arg10[%add3A_280, %dma_wait3A_282] : memref<10000x128xf32, #tpu.memory_space<vmem_shared>> -> memref<16x128xf32, #tpu.memory_space<vmem_shared>>
    tpu.wait_dma2 semaphore(%arg13 : memref<!tpu.dma_semaphore, #tpu.memory_space<semaphore_mem>>) src(%arg9 : memref<16x128xf32, #tpu.memory_space<vmem>>) dst(%dma_wait3A_283 : memref<16x128xf32, #tpu.memory_space<vmem_shared>>)
    %add3A_284 = arith.constant 16 : i32
    %add3A_285 = arith.addi %multiple_of3A, %add3A_284 : i32
    %dma_wait3A_286 = arith.constant 0 : i32
    %dma_wait3A_287 = tpu.memref_slice %arg10[%add3A_285, %dma_wait3A_286] : memref<10000x128xf32, #tpu.memory_space<vmem_shared>> -> memref<16x128xf32, #tpu.memory_space<vmem_shared>>
    %dma_wait3A_288 = arith.constant 0 : i32
    %dma_wait3A_289 = tpu.memref_slice %arg10[%add3A_285, %dma_wait3A_288] : memref<10000x128xf32, #tpu.memory_space<vmem_shared>> -> memref<16x128xf32, #tpu.memory_space<vmem_shared>>
    tpu.wait_dma2 semaphore(%arg13 : memref<!tpu.dma_semaphore, #tpu.memory_space<semaphore_mem>>) src(%arg9 : memref<16x128xf32, #tpu.memory_space<vmem>>) dst(%dma_wait3A_289 : memref<16x128xf32, #tpu.memory_space<vmem_shared>>)
    %add3A_290 = arith.constant 32 : i32
    %add3A_291 = arith.addi %multiple_of3A, %add3A_290 : i32
    %dma_wait3A_292 = arith.constant 0 : i32
    %dma_wait3A_293 = tpu.memref_slice %arg10[%add3A_291, %dma_wait3A_292] : memref<10000x128xf32, #tpu.memory_space<vmem_shared>> -> memref<16x128xf32, #tpu.memory_space<vmem_shared>>
    %dma_wait3A_294 = arith.constant 0 : i32
    %dma_wait3A_295 = tpu.memref_slice %arg10[%add3A_291, %dma_wait3A_294] : memref<10000x128xf32, #tpu.memory_space<vmem_shared>> -> memref<16x128xf32, #tpu.memory_space<vmem_shared>>
    tpu.wait_dma2 semaphore(%arg13 : memref<!tpu.dma_semaphore, #tpu.memory_space<semaphore_mem>>) src(%arg9 : memref<16x128xf32, #tpu.memory_space<vmem>>) dst(%dma_wait3A_295 : memref<16x128xf32, #tpu.memory_space<vmem_shared>>)
    %add3A_296 = arith.constant 48 : i32
    %add3A_297 = arith.addi %multiple_of3A, %add3A_296 : i32
    %dma_wait3A_298 = arith.constant 0 : i32
    %dma_wait3A_299 = tpu.memref_slice %arg10[%add3A_297, %dma_wait3A_298] : memref<10000x128xf32, #tpu.memory_space<vmem_shared>> -> memref<16x128xf32, #tpu.memory_space<vmem_shared>>
    %dma_wait3A_300 = arith.constant 0 : i32
    %dma_wait3A_301 = tpu.memref_slice %arg10[%add3A_297, %dma_wait3A_300] : memref<10000x128xf32, #tpu.memory_space<vmem_shared>> -> memref<16x128xf32, #tpu.memory_space<vmem_shared>>
    tpu.wait_dma2 semaphore(%arg13 : memref<!tpu.dma_semaphore, #tpu.memory_space<semaphore_mem>>) src(%arg9 : memref<16x128xf32, #tpu.memory_space<vmem>>) dst(%dma_wait3A_301 : memref<16x128xf32, #tpu.memory_space<vmem_shared>>)
    %add3A_302 = arith.constant 64 : i32
    %add3A_303 = arith.addi %multiple_of3A, %add3A_302 : i32
    %dma_wait3A_304 = arith.constant 0 : i32
    %dma_wait3A_305 = tpu.memref_slice %arg10[%add3A_303, %dma_wait3A_304] : memref<10000x128xf32, #tpu.memory_space<vmem_shared>> -> memref<16x128xf32, #tpu.memory_space<vmem_shared>>
    %dma_wait3A_306 = arith.constant 0 : i32
    %dma_wait3A_307 = tpu.memref_slice %arg10[%add3A_303, %dma_wait3A_306] : memref<10000x128xf32, #tpu.memory_space<vmem_shared>> -> memref<16x128xf32, #tpu.memory_space<vmem_shared>>
    tpu.wait_dma2 semaphore(%arg13 : memref<!tpu.dma_semaphore, #tpu.memory_space<semaphore_mem>>) src(%arg9 : memref<16x128xf32, #tpu.memory_space<vmem>>) dst(%dma_wait3A_307 : memref<16x128xf32, #tpu.memory_space<vmem_shared>>)
    %add3A_308 = arith.constant 80 : i32
    %add3A_309 = arith.addi %multiple_of3A, %add3A_308 : i32
    %dma_wait3A_310 = arith.constant 0 : i32
    %dma_wait3A_311 = tpu.memref_slice %arg10[%add3A_309, %dma_wait3A_310] : memref<10000x128xf32, #tpu.memory_space<vmem_shared>> -> memref<16x128xf32, #tpu.memory_space<vmem_shared>>
    %dma_wait3A_312 = arith.constant 0 : i32
    %dma_wait3A_313 = tpu.memref_slice %arg10[%add3A_309, %dma_wait3A_312] : memref<10000x128xf32, #tpu.memory_space<vmem_shared>> -> memref<16x128xf32, #tpu.memory_space<vmem_shared>>
    tpu.wait_dma2 semaphore(%arg13 : memref<!tpu.dma_semaphore, #tpu.memory_space<semaphore_mem>>) src(%arg9 : memref<16x128xf32, #tpu.memory_space<vmem>>) dst(%dma_wait3A_313 : memref<16x128xf32, #tpu.memory_space<vmem_shared>>)
    %add3A_314 = arith.constant 96 : i32
    %add3A_315 = arith.addi %multiple_of3A, %add3A_314 : i32
    %dma_wait3A_316 = arith.constant 0 : i32
    %dma_wait3A_317 = tpu.memref_slice %arg10[%add3A_315, %dma_wait3A_316] : memref<10000x128xf32, #tpu.memory_space<vmem_shared>> -> memref<16x128xf32, #tpu.memory_space<vmem_shared>>
    %dma_wait3A_318 = arith.constant 0 : i32
    %dma_wait3A_319 = tpu.memref_slice %arg10[%add3A_315, %dma_wait3A_318] : memref<10000x128xf32, #tpu.memory_space<vmem_shared>> -> memref<16x128xf32, #tpu.memory_space<vmem_shared>>
    tpu.wait_dma2 semaphore(%arg13 : memref<!tpu.dma_semaphore, #tpu.memory_space<semaphore_mem>>) src(%arg9 : memref<16x128xf32, #tpu.memory_space<vmem>>) dst(%dma_wait3A_319 : memref<16x128xf32, #tpu.memory_space<vmem_shared>>)
    %add3A_320 = arith.constant 112 : i32
    %add3A_321 = arith.addi %multiple_of3A, %add3A_320 : i32
    %dma_wait3A_322 = arith.constant 0 : i32
    %dma_wait3A_323 = tpu.memref_slice %arg10[%add3A_321, %dma_wait3A_322] : memref<10000x128xf32, #tpu.memory_space<vmem_shared>> -> memref<16x128xf32, #tpu.memory_space<vmem_shared>>
    %dma_wait3A_324 = arith.constant 0 : i32
    %dma_wait3A_325 = tpu.memref_slice %arg10[%add3A_321, %dma_wait3A_324] : memref<10000x128xf32, #tpu.memory_space<vmem_shared>> -> memref<16x128xf32, #tpu.memory_space<vmem_shared>>
    tpu.wait_dma2 semaphore(%arg13 : memref<!tpu.dma_semaphore, #tpu.memory_space<semaphore_mem>>) src(%arg9 : memref<16x128xf32, #tpu.memory_space<vmem>>) dst(%dma_wait3A_325 : memref<16x128xf32, #tpu.memory_space<vmem_shared>>)
    %add3A_326 = arith.constant 128 : i32
    %add3A_327 = arith.addi %multiple_of3A, %add3A_326 : i32
    %dma_wait3A_328 = arith.constant 0 : i32
    %dma_wait3A_329 = tpu.memref_slice %arg10[%add3A_327, %dma_wait3A_328] : memref<10000x128xf32, #tpu.memory_space<vmem_shared>> -> memref<16x128xf32, #tpu.memory_space<vmem_shared>>
    %dma_wait3A_330 = arith.constant 0 : i32
    %dma_wait3A_331 = tpu.memref_slice %arg10[%add3A_327, %dma_wait3A_330] : memref<10000x128xf32, #tpu.memory_space<vmem_shared>> -> memref<16x128xf32, #tpu.memory_space<vmem_shared>>
    tpu.wait_dma2 semaphore(%arg13 : memref<!tpu.dma_semaphore, #tpu.memory_space<semaphore_mem>>) src(%arg9 : memref<16x128xf32, #tpu.memory_space<vmem>>) dst(%dma_wait3A_331 : memref<16x128xf32, #tpu.memory_space<vmem_shared>>)
    %add3A_332 = arith.constant 144 : i32
    %add3A_333 = arith.addi %multiple_of3A, %add3A_332 : i32
    %dma_wait3A_334 = arith.constant 0 : i32
    %dma_wait3A_335 = tpu.memref_slice %arg10[%add3A_333, %dma_wait3A_334] : memref<10000x128xf32, #tpu.memory_space<vmem_shared>> -> memref<16x128xf32, #tpu.memory_space<vmem_shared>>
    %dma_wait3A_336 = arith.constant 0 : i32
    %dma_wait3A_337 = tpu.memref_slice %arg10[%add3A_333, %dma_wait3A_336] : memref<10000x128xf32, #tpu.memory_space<vmem_shared>> -> memref<16x128xf32, #tpu.memory_space<vmem_shared>>
    tpu.wait_dma2 semaphore(%arg13 : memref<!tpu.dma_semaphore, #tpu.memory_space<semaphore_mem>>) src(%arg9 : memref<16x128xf32, #tpu.memory_space<vmem>>) dst(%dma_wait3A_337 : memref<16x128xf32, #tpu.memory_space<vmem_shared>>)
    %add3A_338 = arith.constant 160 : i32
    %add3A_339 = arith.addi %multiple_of3A, %add3A_338 : i32
    %dma_wait3A_340 = arith.constant 0 : i32
    %dma_wait3A_341 = tpu.memref_slice %arg10[%add3A_339, %dma_wait3A_340] : memref<10000x128xf32, #tpu.memory_space<vmem_shared>> -> memref<16x128xf32, #tpu.memory_space<vmem_shared>>
    %dma_wait3A_342 = arith.constant 0 : i32
    %dma_wait3A_343 = tpu.memref_slice %arg10[%add3A_339, %dma_wait3A_342] : memref<10000x128xf32, #tpu.memory_space<vmem_shared>> -> memref<16x128xf32, #tpu.memory_space<vmem_shared>>
    tpu.wait_dma2 semaphore(%arg13 : memref<!tpu.dma_semaphore, #tpu.memory_space<semaphore_mem>>) src(%arg9 : memref<16x128xf32, #tpu.memory_space<vmem>>) dst(%dma_wait3A_343 : memref<16x128xf32, #tpu.memory_space<vmem_shared>>)
    %add3A_344 = arith.constant 176 : i32
    %add3A_345 = arith.addi %multiple_of3A, %add3A_344 : i32
    %dma_wait3A_346 = arith.constant 0 : i32
    %dma_wait3A_347 = tpu.memref_slice %arg10[%add3A_345, %dma_wait3A_346] : memref<10000x128xf32, #tpu.memory_space<vmem_shared>> -> memref<16x128xf32, #tpu.memory_space<vmem_shared>>
    %dma_wait3A_348 = arith.constant 0 : i32
    %dma_wait3A_349 = tpu.memref_slice %arg10[%add3A_345, %dma_wait3A_348] : memref<10000x128xf32, #tpu.memory_space<vmem_shared>> -> memref<16x128xf32, #tpu.memory_space<vmem_shared>>
    tpu.wait_dma2 semaphore(%arg13 : memref<!tpu.dma_semaphore, #tpu.memory_space<semaphore_mem>>) src(%arg9 : memref<16x128xf32, #tpu.memory_space<vmem>>) dst(%dma_wait3A_349 : memref<16x128xf32, #tpu.memory_space<vmem_shared>>)
    %add3A_350 = arith.constant 192 : i32
    %add3A_351 = arith.addi %multiple_of3A, %add3A_350 : i32
    %dma_wait3A_352 = arith.constant 0 : i32
    %dma_wait3A_353 = tpu.memref_slice %arg10[%add3A_351, %dma_wait3A_352] : memref<10000x128xf32, #tpu.memory_space<vmem_shared>> -> memref<16x128xf32, #tpu.memory_space<vmem_shared>>
    %dma_wait3A_354 = arith.constant 0 : i32
    %dma_wait3A_355 = tpu.memref_slice %arg10[%add3A_351, %dma_wait3A_354] : memref<10000x128xf32, #tpu.memory_space<vmem_shared>> -> memref<16x128xf32, #tpu.memory_space<vmem_shared>>
    tpu.wait_dma2 semaphore(%arg13 : memref<!tpu.dma_semaphore, #tpu.memory_space<semaphore_mem>>) src(%arg9 : memref<16x128xf32, #tpu.memory_space<vmem>>) dst(%dma_wait3A_355 : memref<16x128xf32, #tpu.memory_space<vmem_shared>>)
    %add3A_356 = arith.constant 208 : i32
    %add3A_357 = arith.addi %multiple_of3A, %add3A_356 : i32
    %dma_wait3A_358 = arith.constant 0 : i32
    %dma_wait3A_359 = tpu.memref_slice %arg10[%add3A_357, %dma_wait3A_358] : memref<10000x128xf32, #tpu.memory_space<vmem_shared>> -> memref<16x128xf32, #tpu.memory_space<vmem_shared>>
    %dma_wait3A_360 = arith.constant 0 : i32
    %dma_wait3A_361 = tpu.memref_slice %arg10[%add3A_357, %dma_wait3A_360] : memref<10000x128xf32, #tpu.memory_space<vmem_shared>> -> memref<16x128xf32, #tpu.memory_space<vmem_shared>>
    tpu.wait_dma2 semaphore(%arg13 : memref<!tpu.dma_semaphore, #tpu.memory_space<semaphore_mem>>) src(%arg9 : memref<16x128xf32, #tpu.memory_space<vmem>>) dst(%dma_wait3A_361 : memref<16x128xf32, #tpu.memory_space<vmem_shared>>)
    %add3A_362 = arith.constant 224 : i32
    %add3A_363 = arith.addi %multiple_of3A, %add3A_362 : i32
    %dma_wait3A_364 = arith.constant 0 : i32
    %dma_wait3A_365 = tpu.memref_slice %arg10[%add3A_363, %dma_wait3A_364] : memref<10000x128xf32, #tpu.memory_space<vmem_shared>> -> memref<16x128xf32, #tpu.memory_space<vmem_shared>>
    %dma_wait3A_366 = arith.constant 0 : i32
    %dma_wait3A_367 = tpu.memref_slice %arg10[%add3A_363, %dma_wait3A_366] : memref<10000x128xf32, #tpu.memory_space<vmem_shared>> -> memref<16x128xf32, #tpu.memory_space<vmem_shared>>
    tpu.wait_dma2 semaphore(%arg13 : memref<!tpu.dma_semaphore, #tpu.memory_space<semaphore_mem>>) src(%arg9 : memref<16x128xf32, #tpu.memory_space<vmem>>) dst(%dma_wait3A_367 : memref<16x128xf32, #tpu.memory_space<vmem_shared>>)
    %add3A_368 = arith.constant 240 : i32
    %add3A_369 = arith.addi %multiple_of3A, %add3A_368 : i32
    %dma_wait3A_370 = arith.constant 0 : i32
    %dma_wait3A_371 = tpu.memref_slice %arg10[%add3A_369, %dma_wait3A_370] : memref<10000x128xf32, #tpu.memory_space<vmem_shared>> -> memref<16x128xf32, #tpu.memory_space<vmem_shared>>
    %dma_wait3A_372 = arith.constant 0 : i32
    %dma_wait3A_373 = tpu.memref_slice %arg10[%add3A_369, %dma_wait3A_372] : memref<10000x128xf32, #tpu.memory_space<vmem_shared>> -> memref<16x128xf32, #tpu.memory_space<vmem_shared>>
    tpu.wait_dma2 semaphore(%arg13 : memref<!tpu.dma_semaphore, #tpu.memory_space<semaphore_mem>>) src(%arg9 : memref<16x128xf32, #tpu.memory_space<vmem>>) dst(%dma_wait3A_373 : memref<16x128xf32, #tpu.memory_space<vmem_shared>>)
    %add3A_374 = arith.constant 256 : i32
    %add3A_375 = arith.addi %multiple_of3A, %add3A_374 : i32
    %dma_wait3A_376 = arith.constant 0 : i32
    %dma_wait3A_377 = tpu.memref_slice %arg10[%add3A_375, %dma_wait3A_376] : memref<10000x128xf32, #tpu.memory_space<vmem_shared>> -> memref<16x128xf32, #tpu.memory_space<vmem_shared>>
    %dma_wait3A_378 = arith.constant 0 : i32
    %dma_wait3A_379 = tpu.memref_slice %arg10[%add3A_375, %dma_wait3A_378] : memref<10000x128xf32, #tpu.memory_space<vmem_shared>> -> memref<16x128xf32, #tpu.memory_space<vmem_shared>>
    tpu.wait_dma2 semaphore(%arg13 : memref<!tpu.dma_semaphore, #tpu.memory_space<semaphore_mem>>) src(%arg9 : memref<16x128xf32, #tpu.memory_space<vmem>>) dst(%dma_wait3A_379 : memref<16x128xf32, #tpu.memory_space<vmem_shared>>)
    %add3A_380 = arith.constant 272 : i32
    %add3A_381 = arith.addi %multiple_of3A, %add3A_380 : i32
    %dma_wait3A_382 = arith.constant 0 : i32
    %dma_wait3A_383 = tpu.memref_slice %arg10[%add3A_381, %dma_wait3A_382] : memref<10000x128xf32, #tpu.memory_space<vmem_shared>> -> memref<16x128xf32, #tpu.memory_space<vmem_shared>>
    %dma_wait3A_384 = arith.constant 0 : i32
    %dma_wait3A_385 = tpu.memref_slice %arg10[%add3A_381, %dma_wait3A_384] : memref<10000x128xf32, #tpu.memory_space<vmem_shared>> -> memref<16x128xf32, #tpu.memory_space<vmem_shared>>
    tpu.wait_dma2 semaphore(%arg13 : memref<!tpu.dma_semaphore, #tpu.memory_space<semaphore_mem>>) src(%arg9 : memref<16x128xf32, #tpu.memory_space<vmem>>) dst(%dma_wait3A_385 : memref<16x128xf32, #tpu.memory_space<vmem_shared>>)
    %add3A_386 = arith.constant 288 : i32
    %add3A_387 = arith.addi %multiple_of3A, %add3A_386 : i32
    %dma_wait3A_388 = arith.constant 0 : i32
    %dma_wait3A_389 = tpu.memref_slice %arg10[%add3A_387, %dma_wait3A_388] : memref<10000x128xf32, #tpu.memory_space<vmem_shared>> -> memref<16x128xf32, #tpu.memory_space<vmem_shared>>
    %dma_wait3A_390 = arith.constant 0 : i32
    %dma_wait3A_391 = tpu.memref_slice %arg10[%add3A_387, %dma_wait3A_390] : memref<10000x128xf32, #tpu.memory_space<vmem_shared>> -> memref<16x128xf32, #tpu.memory_space<vmem_shared>>
    tpu.wait_dma2 semaphore(%arg13 : memref<!tpu.dma_semaphore, #tpu.memory_space<semaphore_mem>>) src(%arg9 : memref<16x128xf32, #tpu.memory_space<vmem>>) dst(%dma_wait3A_391 : memref<16x128xf32, #tpu.memory_space<vmem_shared>>)
    %add3A_392 = arith.constant 304 : i32
    %add3A_393 = arith.addi %multiple_of3A, %add3A_392 : i32
    %dma_wait3A_394 = arith.constant 0 : i32
    %dma_wait3A_395 = tpu.memref_slice %arg10[%add3A_393, %dma_wait3A_394] : memref<10000x128xf32, #tpu.memory_space<vmem_shared>> -> memref<16x128xf32, #tpu.memory_space<vmem_shared>>
    %dma_wait3A_396 = arith.constant 0 : i32
    %dma_wait3A_397 = tpu.memref_slice %arg10[%add3A_393, %dma_wait3A_396] : memref<10000x128xf32, #tpu.memory_space<vmem_shared>> -> memref<16x128xf32, #tpu.memory_space<vmem_shared>>
    tpu.wait_dma2 semaphore(%arg13 : memref<!tpu.dma_semaphore, #tpu.memory_space<semaphore_mem>>) src(%arg9 : memref<16x128xf32, #tpu.memory_space<vmem>>) dst(%dma_wait3A_397 : memref<16x128xf32, #tpu.memory_space<vmem_shared>>)
    %add3A_398 = arith.constant 320 : i32
    %add3A_399 = arith.addi %multiple_of3A, %add3A_398 : i32
    %dma_wait3A_400 = arith.constant 0 : i32
    %dma_wait3A_401 = tpu.memref_slice %arg10[%add3A_399, %dma_wait3A_400] : memref<10000x128xf32, #tpu.memory_space<vmem_shared>> -> memref<16x128xf32, #tpu.memory_space<vmem_shared>>
    %dma_wait3A_402 = arith.constant 0 : i32
    %dma_wait3A_403 = tpu.memref_slice %arg10[%add3A_399, %dma_wait3A_402] : memref<10000x128xf32, #tpu.memory_space<vmem_shared>> -> memref<16x128xf32, #tpu.memory_space<vmem_shared>>
    tpu.wait_dma2 semaphore(%arg13 : memref<!tpu.dma_semaphore, #tpu.memory_space<semaphore_mem>>) src(%arg9 : memref<16x128xf32, #tpu.memory_space<vmem>>) dst(%dma_wait3A_403 : memref<16x128xf32, #tpu.memory_space<vmem_shared>>)
    %add3A_404 = arith.constant 336 : i32
    %add3A_405 = arith.addi %multiple_of3A, %add3A_404 : i32
    %dma_wait3A_406 = arith.constant 0 : i32
    %dma_wait3A_407 = tpu.memref_slice %arg10[%add3A_405, %dma_wait3A_406] : memref<10000x128xf32, #tpu.memory_space<vmem_shared>> -> memref<16x128xf32, #tpu.memory_space<vmem_shared>>
    %dma_wait3A_408 = arith.constant 0 : i32
    %dma_wait3A_409 = tpu.memref_slice %arg10[%add3A_405, %dma_wait3A_408] : memref<10000x128xf32, #tpu.memory_space<vmem_shared>> -> memref<16x128xf32, #tpu.memory_space<vmem_shared>>
    tpu.wait_dma2 semaphore(%arg13 : memref<!tpu.dma_semaphore, #tpu.memory_space<semaphore_mem>>) src(%arg9 : memref<16x128xf32, #tpu.memory_space<vmem>>) dst(%dma_wait3A_409 : memref<16x128xf32, #tpu.memory_space<vmem_shared>>)
    %add3A_410 = arith.constant 352 : i32
    %add3A_411 = arith.addi %multiple_of3A, %add3A_410 : i32
    %dma_wait3A_412 = arith.constant 0 : i32
    %dma_wait3A_413 = tpu.memref_slice %arg10[%add3A_411, %dma_wait3A_412] : memref<10000x128xf32, #tpu.memory_space<vmem_shared>> -> memref<16x128xf32, #tpu.memory_space<vmem_shared>>
    %dma_wait3A_414 = arith.constant 0 : i32
    %dma_wait3A_415 = tpu.memref_slice %arg10[%add3A_411, %dma_wait3A_414] : memref<10000x128xf32, #tpu.memory_space<vmem_shared>> -> memref<16x128xf32, #tpu.memory_space<vmem_shared>>
    tpu.wait_dma2 semaphore(%arg13 : memref<!tpu.dma_semaphore, #tpu.memory_space<semaphore_mem>>) src(%arg9 : memref<16x128xf32, #tpu.memory_space<vmem>>) dst(%dma_wait3A_415 : memref<16x128xf32, #tpu.memory_space<vmem_shared>>)
    %add3A_416 = arith.constant 368 : i32
    %add3A_417 = arith.addi %multiple_of3A, %add3A_416 : i32
    %dma_wait3A_418 = arith.constant 0 : i32
    %dma_wait3A_419 = tpu.memref_slice %arg10[%add3A_417, %dma_wait3A_418] : memref<10000x128xf32, #tpu.memory_space<vmem_shared>> -> memref<16x128xf32, #tpu.memory_space<vmem_shared>>
    %dma_wait3A_420 = arith.constant 0 : i32
    %dma_wait3A_421 = tpu.memref_slice %arg10[%add3A_417, %dma_wait3A_420] : memref<10000x128xf32, #tpu.memory_space<vmem_shared>> -> memref<16x128xf32, #tpu.memory_space<vmem_shared>>
    tpu.wait_dma2 semaphore(%arg13 : memref<!tpu.dma_semaphore, #tpu.memory_space<semaphore_mem>>) src(%arg9 : memref<16x128xf32, #tpu.memory_space<vmem>>) dst(%dma_wait3A_421 : memref<16x128xf32, #tpu.memory_space<vmem_shared>>)
    %add3A_422 = arith.constant 384 : i32
    %add3A_423 = arith.addi %multiple_of3A, %add3A_422 : i32
    %dma_wait3A_424 = arith.constant 0 : i32
    %dma_wait3A_425 = tpu.memref_slice %arg10[%add3A_423, %dma_wait3A_424] : memref<10000x128xf32, #tpu.memory_space<vmem_shared>> -> memref<16x128xf32, #tpu.memory_space<vmem_shared>>
    %dma_wait3A_426 = arith.constant 0 : i32
    %dma_wait3A_427 = tpu.memref_slice %arg10[%add3A_423, %dma_wait3A_426] : memref<10000x128xf32, #tpu.memory_space<vmem_shared>> -> memref<16x128xf32, #tpu.memory_space<vmem_shared>>
    tpu.wait_dma2 semaphore(%arg13 : memref<!tpu.dma_semaphore, #tpu.memory_space<semaphore_mem>>) src(%arg9 : memref<16x128xf32, #tpu.memory_space<vmem>>) dst(%dma_wait3A_427 : memref<16x128xf32, #tpu.memory_space<vmem_shared>>)
    %add3A_428 = arith.constant 400 : i32
    %add3A_429 = arith.addi %multiple_of3A, %add3A_428 : i32
    %dma_wait3A_430 = arith.constant 0 : i32
    %dma_wait3A_431 = tpu.memref_slice %arg10[%add3A_429, %dma_wait3A_430] : memref<10000x128xf32, #tpu.memory_space<vmem_shared>> -> memref<16x128xf32, #tpu.memory_space<vmem_shared>>
    %dma_wait3A_432 = arith.constant 0 : i32
    %dma_wait3A_433 = tpu.memref_slice %arg10[%add3A_429, %dma_wait3A_432] : memref<10000x128xf32, #tpu.memory_space<vmem_shared>> -> memref<16x128xf32, #tpu.memory_space<vmem_shared>>
    tpu.wait_dma2 semaphore(%arg13 : memref<!tpu.dma_semaphore, #tpu.memory_space<semaphore_mem>>) src(%arg9 : memref<16x128xf32, #tpu.memory_space<vmem>>) dst(%dma_wait3A_433 : memref<16x128xf32, #tpu.memory_space<vmem_shared>>)
    %add3A_434 = arith.constant 416 : i32
    %add3A_435 = arith.addi %multiple_of3A, %add3A_434 : i32
    %dma_wait3A_436 = arith.constant 0 : i32
    %dma_wait3A_437 = tpu.memref_slice %arg10[%add3A_435, %dma_wait3A_436] : memref<10000x128xf32, #tpu.memory_space<vmem_shared>> -> memref<16x128xf32, #tpu.memory_space<vmem_shared>>
    %dma_wait3A_438 = arith.constant 0 : i32
    %dma_wait3A_439 = tpu.memref_slice %arg10[%add3A_435, %dma_wait3A_438] : memref<10000x128xf32, #tpu.memory_space<vmem_shared>> -> memref<16x128xf32, #tpu.memory_space<vmem_shared>>
    tpu.wait_dma2 semaphore(%arg13 : memref<!tpu.dma_semaphore, #tpu.memory_space<semaphore_mem>>) src(%arg9 : memref<16x128xf32, #tpu.memory_space<vmem>>) dst(%dma_wait3A_439 : memref<16x128xf32, #tpu.memory_space<vmem_shared>>)
    %add3A_440 = arith.constant 432 : i32
    %add3A_441 = arith.addi %multiple_of3A, %add3A_440 : i32
    %dma_wait3A_442 = arith.constant 0 : i32
    %dma_wait3A_443 = tpu.memref_slice %arg10[%add3A_441, %dma_wait3A_442] : memref<10000x128xf32, #tpu.memory_space<vmem_shared>> -> memref<16x128xf32, #tpu.memory_space<vmem_shared>>
    %dma_wait3A_444 = arith.constant 0 : i32
    %dma_wait3A_445 = tpu.memref_slice %arg10[%add3A_441, %dma_wait3A_444] : memref<10000x128xf32, #tpu.memory_space<vmem_shared>> -> memref<16x128xf32, #tpu.memory_space<vmem_shared>>
    tpu.wait_dma2 semaphore(%arg13 : memref<!tpu.dma_semaphore, #tpu.memory_space<semaphore_mem>>) src(%arg9 : memref<16x128xf32, #tpu.memory_space<vmem>>) dst(%dma_wait3A_445 : memref<16x128xf32, #tpu.memory_space<vmem_shared>>)
    %add3A_446 = arith.constant 448 : i32
    %add3A_447 = arith.addi %multiple_of3A, %add3A_446 : i32
    %dma_wait3A_448 = arith.constant 0 : i32
    %dma_wait3A_449 = tpu.memref_slice %arg10[%add3A_447, %dma_wait3A_448] : memref<10000x128xf32, #tpu.memory_space<vmem_shared>> -> memref<16x128xf32, #tpu.memory_space<vmem_shared>>
    %dma_wait3A_450 = arith.constant 0 : i32
    %dma_wait3A_451 = tpu.memref_slice %arg10[%add3A_447, %dma_wait3A_450] : memref<10000x128xf32, #tpu.memory_space<vmem_shared>> -> memref<16x128xf32, #tpu.memory_space<vmem_shared>>
    tpu.wait_dma2 semaphore(%arg13 : memref<!tpu.dma_semaphore, #tpu.memory_space<semaphore_mem>>) src(%arg9 : memref<16x128xf32, #tpu.memory_space<vmem>>) dst(%dma_wait3A_451 : memref<16x128xf32, #tpu.memory_space<vmem_shared>>)
    %add3A_452 = arith.constant 464 : i32
    %add3A_453 = arith.addi %multiple_of3A, %add3A_452 : i32
    %dma_wait3A_454 = arith.constant 0 : i32
    %dma_wait3A_455 = tpu.memref_slice %arg10[%add3A_453, %dma_wait3A_454] : memref<10000x128xf32, #tpu.memory_space<vmem_shared>> -> memref<16x128xf32, #tpu.memory_space<vmem_shared>>
    %dma_wait3A_456 = arith.constant 0 : i32
    %dma_wait3A_457 = tpu.memref_slice %arg10[%add3A_453, %dma_wait3A_456] : memref<10000x128xf32, #tpu.memory_space<vmem_shared>> -> memref<16x128xf32, #tpu.memory_space<vmem_shared>>
    tpu.wait_dma2 semaphore(%arg13 : memref<!tpu.dma_semaphore, #tpu.memory_space<semaphore_mem>>) src(%arg9 : memref<16x128xf32, #tpu.memory_space<vmem>>) dst(%dma_wait3A_457 : memref<16x128xf32, #tpu.memory_space<vmem_shared>>)
    %add3A_458 = arith.constant 480 : i32
    %add3A_459 = arith.addi %multiple_of3A, %add3A_458 : i32
    %dma_wait3A_460 = arith.constant 0 : i32
    %dma_wait3A_461 = tpu.memref_slice %arg10[%add3A_459, %dma_wait3A_460] : memref<10000x128xf32, #tpu.memory_space<vmem_shared>> -> memref<16x128xf32, #tpu.memory_space<vmem_shared>>
    %dma_wait3A_462 = arith.constant 0 : i32
    %dma_wait3A_463 = tpu.memref_slice %arg10[%add3A_459, %dma_wait3A_462] : memref<10000x128xf32, #tpu.memory_space<vmem_shared>> -> memref<16x128xf32, #tpu.memory_space<vmem_shared>>
    tpu.wait_dma2 semaphore(%arg13 : memref<!tpu.dma_semaphore, #tpu.memory_space<semaphore_mem>>) src(%arg9 : memref<16x128xf32, #tpu.memory_space<vmem>>) dst(%dma_wait3A_463 : memref<16x128xf32, #tpu.memory_space<vmem_shared>>)
    %add3A_464 = arith.constant 496 : i32
    %add3A_465 = arith.addi %multiple_of3A, %add3A_464 : i32
    %dma_wait3A_466 = arith.constant 0 : i32
    %dma_wait3A_467 = tpu.memref_slice %arg10[%add3A_465, %dma_wait3A_466] : memref<10000x128xf32, #tpu.memory_space<vmem_shared>> -> memref<16x128xf32, #tpu.memory_space<vmem_shared>>
    %dma_wait3A_468 = arith.constant 0 : i32
    %dma_wait3A_469 = tpu.memref_slice %arg10[%add3A_465, %dma_wait3A_468] : memref<10000x128xf32, #tpu.memory_space<vmem_shared>> -> memref<16x128xf32, #tpu.memory_space<vmem_shared>>
    tpu.wait_dma2 semaphore(%arg13 : memref<!tpu.dma_semaphore, #tpu.memory_space<semaphore_mem>>) src(%arg9 : memref<16x128xf32, #tpu.memory_space<vmem>>) dst(%dma_wait3A_469 : memref<16x128xf32, #tpu.memory_space<vmem_shared>>)
    %add3A_470 = arith.constant 512 : i32
    %add3A_471 = arith.addi %multiple_of3A, %add3A_470 : i32
    %dma_wait3A_472 = arith.constant 0 : i32
    %dma_wait3A_473 = tpu.memref_slice %arg10[%add3A_471, %dma_wait3A_472] : memref<10000x128xf32, #tpu.memory_space<vmem_shared>> -> memref<16x128xf32, #tpu.memory_space<vmem_shared>>
    %dma_wait3A_474 = arith.constant 0 : i32
    %dma_wait3A_475 = tpu.memref_slice %arg10[%add3A_471, %dma_wait3A_474] : memref<10000x128xf32, #tpu.memory_space<vmem_shared>> -> memref<16x128xf32, #tpu.memory_space<vmem_shared>>
    tpu.wait_dma2 semaphore(%arg13 : memref<!tpu.dma_semaphore, #tpu.memory_space<semaphore_mem>>) src(%arg9 : memref<16x128xf32, #tpu.memory_space<vmem>>) dst(%dma_wait3A_475 : memref<16x128xf32, #tpu.memory_space<vmem_shared>>)
    %add3A_476 = arith.constant 528 : i32
    %add3A_477 = arith.addi %multiple_of3A, %add3A_476 : i32
    %dma_wait3A_478 = arith.constant 0 : i32
    %dma_wait3A_479 = tpu.memref_slice %arg10[%add3A_477, %dma_wait3A_478] : memref<10000x128xf32, #tpu.memory_space<vmem_shared>> -> memref<16x128xf32, #tpu.memory_space<vmem_shared>>
    %dma_wait3A_480 = arith.constant 0 : i32
    %dma_wait3A_481 = tpu.memref_slice %arg10[%add3A_477, %dma_wait3A_480] : memref<10000x128xf32, #tpu.memory_space<vmem_shared>> -> memref<16x128xf32, #tpu.memory_space<vmem_shared>>
    tpu.wait_dma2 semaphore(%arg13 : memref<!tpu.dma_semaphore, #tpu.memory_space<semaphore_mem>>) src(%arg9 : memref<16x128xf32, #tpu.memory_space<vmem>>) dst(%dma_wait3A_481 : memref<16x128xf32, #tpu.memory_space<vmem_shared>>)
    %add3A_482 = arith.constant 544 : i32
    %add3A_483 = arith.addi %multiple_of3A, %add3A_482 : i32
    %dma_wait3A_484 = arith.constant 0 : i32
    %dma_wait3A_485 = tpu.memref_slice %arg10[%add3A_483, %dma_wait3A_484] : memref<10000x128xf32, #tpu.memory_space<vmem_shared>> -> memref<16x128xf32, #tpu.memory_space<vmem_shared>>
    %dma_wait3A_486 = arith.constant 0 : i32
    %dma_wait3A_487 = tpu.memref_slice %arg10[%add3A_483, %dma_wait3A_486] : memref<10000x128xf32, #tpu.memory_space<vmem_shared>> -> memref<16x128xf32, #tpu.memory_space<vmem_shared>>
    tpu.wait_dma2 semaphore(%arg13 : memref<!tpu.dma_semaphore, #tpu.memory_space<semaphore_mem>>) src(%arg9 : memref<16x128xf32, #tpu.memory_space<vmem>>) dst(%dma_wait3A_487 : memref<16x128xf32, #tpu.memory_space<vmem_shared>>)
    %add3A_488 = arith.constant 560 : i32
    %add3A_489 = arith.addi %multiple_of3A, %add3A_488 : i32
    %dma_wait3A_490 = arith.constant 0 : i32
    %dma_wait3A_491 = tpu.memref_slice %arg10[%add3A_489, %dma_wait3A_490] : memref<10000x128xf32, #tpu.memory_space<vmem_shared>> -> memref<16x128xf32, #tpu.memory_space<vmem_shared>>
    %dma_wait3A_492 = arith.constant 0 : i32
    %dma_wait3A_493 = tpu.memref_slice %arg10[%add3A_489, %dma_wait3A_492] : memref<10000x128xf32, #tpu.memory_space<vmem_shared>> -> memref<16x128xf32, #tpu.memory_space<vmem_shared>>
    tpu.wait_dma2 semaphore(%arg13 : memref<!tpu.dma_semaphore, #tpu.memory_space<semaphore_mem>>) src(%arg9 : memref<16x128xf32, #tpu.memory_space<vmem>>) dst(%dma_wait3A_493 : memref<16x128xf32, #tpu.memory_space<vmem_shared>>)
    %add3A_494 = arith.constant 576 : i32
    %add3A_495 = arith.addi %multiple_of3A, %add3A_494 : i32
    %dma_wait3A_496 = arith.constant 0 : i32
    %dma_wait3A_497 = tpu.memref_slice %arg10[%add3A_495, %dma_wait3A_496] : memref<10000x128xf32, #tpu.memory_space<vmem_shared>> -> memref<16x128xf32, #tpu.memory_space<vmem_shared>>
    %dma_wait3A_498 = arith.constant 0 : i32
    %dma_wait3A_499 = tpu.memref_slice %arg10[%add3A_495, %dma_wait3A_498] : memref<10000x128xf32, #tpu.memory_space<vmem_shared>> -> memref<16x128xf32, #tpu.memory_space<vmem_shared>>
    tpu.wait_dma2 semaphore(%arg13 : memref<!tpu.dma_semaphore, #tpu.memory_space<semaphore_mem>>) src(%arg9 : memref<16x128xf32, #tpu.memory_space<vmem>>) dst(%dma_wait3A_499 : memref<16x128xf32, #tpu.memory_space<vmem_shared>>)
    %add3A_500 = arith.constant 592 : i32
    %add3A_501 = arith.addi %multiple_of3A, %add3A_500 : i32
    %dma_wait3A_502 = arith.constant 0 : i32
    %dma_wait3A_503 = tpu.memref_slice %arg10[%add3A_501, %dma_wait3A_502] : memref<10000x128xf32, #tpu.memory_space<vmem_shared>> -> memref<16x128xf32, #tpu.memory_space<vmem_shared>>
    %dma_wait3A_504 = arith.constant 0 : i32
    %dma_wait3A_505 = tpu.memref_slice %arg10[%add3A_501, %dma_wait3A_504] : memref<10000x128xf32, #tpu.memory_space<vmem_shared>> -> memref<16x128xf32, #tpu.memory_space<vmem_shared>>
    tpu.wait_dma2 semaphore(%arg13 : memref<!tpu.dma_semaphore, #tpu.memory_space<semaphore_mem>>) src(%arg9 : memref<16x128xf32, #tpu.memory_space<vmem>>) dst(%dma_wait3A_505 : memref<16x128xf32, #tpu.memory_space<vmem_shared>>)
    %add3A_506 = arith.constant 608 : i32
    %add3A_507 = arith.addi %multiple_of3A, %add3A_506 : i32
    %dma_wait3A_508 = arith.constant 0 : i32
    %dma_wait3A_509 = tpu.memref_slice %arg10[%add3A_507, %dma_wait3A_508] : memref<10000x128xf32, #tpu.memory_space<vmem_shared>> -> memref<16x128xf32, #tpu.memory_space<vmem_shared>>
    %dma_wait3A_510 = arith.constant 0 : i32
    %dma_wait3A_511 = tpu.memref_slice %arg10[%add3A_507, %dma_wait3A_510] : memref<10000x128xf32, #tpu.memory_space<vmem_shared>> -> memref<16x128xf32, #tpu.memory_space<vmem_shared>>
    tpu.wait_dma2 semaphore(%arg13 : memref<!tpu.dma_semaphore, #tpu.memory_space<semaphore_mem>>) src(%arg9 : memref<16x128xf32, #tpu.memory_space<vmem>>) dst(%dma_wait3A_511 : memref<16x128xf32, #tpu.memory_space<vmem_shared>>)
    %barrier3A = arith.constant 0 : index
    tpu.barrier barrier_id(%barrier3A)
    %scan3A_512 = arith.constant 0 : i32
    %scan3A_513 = arith.constant 0 : i32
    %scan3A_514 = arith.constant 125 : i32
    %scan3A_515 = arith.addi %scan3A_513, %scan3A_514 : i32
    %scan3A_516 = arith.constant 1 : i32
    scf.for %scan3A_542 = %scan3A_513 to %scan3A_515 step %scan3A_516  : i32 {
      %jit3A = arith.constant 5 : i32
      %div3A = arith.divsi %scan3A_542, %jit3A : i32
      %sign3A = arith.constant 0 : i32
      %sign3A_543 = arith.cmpi sgt, %scan3A_542, %sign3A : i32
      %sign3A_544 = arith.extui %sign3A_543 : i1 to i32
      %sign3A_545 = arith.constant 0 : i32
      %sign3A_546 = arith.cmpi slt, %scan3A_542, %sign3A_545 : i32
      %sign3A_547 = arith.extui %sign3A_546 : i1 to i32
      %sign3A_548 = arith.subi %sign3A_544, %sign3A_547 : i32
      %sign3A_549 = arith.constant 0 : i32
      %sign3A_550 = arith.cmpi sgt, %jit3A, %sign3A_549 : i32
      %sign3A_551 = arith.extui %sign3A_550 : i1 to i32
      %sign3A_552 = arith.constant 0 : i32
      %sign3A_553 = arith.cmpi slt, %jit3A, %sign3A_552 : i32
      %sign3A_554 = arith.extui %sign3A_553 : i1 to i32
      %sign3A_555 = arith.subi %sign3A_551, %sign3A_554 : i32
      %ne3A = arith.cmpi ne, %sign3A_548, %sign3A_555 : i32
      %rem3A = arith.remsi %scan3A_542, %jit3A : i32
      %ne3A_556 = arith.constant 0 : i32
      %ne3A_557 = arith.cmpi ne, %rem3A, %ne3A_556 : i32
      %and3A = arith.andi %ne3A, %ne3A_557 : i1
      %sub3A = arith.constant 1 : i32
      %sub3A_558 = arith.subi %div3A, %sub3A : i32
      %select_n3A = arith.select %and3A, %sub3A_558, %div3A : i32
      %jit3A_559 = arith.constant 5 : i32
      %eq3A_560 = arith.constant 0 : i32
      %eq3A_561 = arith.cmpi eq, %jit3A_559, %eq3A_560 : i32
      %jit3A_562 = arith.constant 1 : i32
      %select_n3A_563 = arith.select %eq3A_561, %jit3A_562, %jit3A_559 : i32
      %rem3A_564 = arith.remsi %scan3A_542, %select_n3A_563 : i32
      %ne3A_565 = arith.constant 0 : i32
      %ne3A_566 = arith.cmpi ne, %rem3A_564, %ne3A_565 : i32
      %lt3A = arith.constant 0 : i32
      %lt3A_567 = arith.cmpi slt, %rem3A_564, %lt3A : i32
      %lt3A_568 = arith.constant 0 : i32
      %lt3A_569 = arith.cmpi slt, %select_n3A_563, %lt3A_568 : i32
      %ne3A_570 = arith.xori %lt3A_567, %lt3A_569 : i1
      %and3A_571 = arith.andi %ne3A_570, %ne3A_566 : i1
      %add3A_572 = arith.addi %rem3A_564, %select_n3A_563 : i32
      %select_n3A_573 = arith.select %and3A_571, %add3A_572, %rem3A_564 : i32
      %and3A_574 = arith.constant 1 : i32
      %and3A_575 = arith.andi %select_n3A, %and3A_574 : i32
      %rem3A_576 = arith.constant 3 : i32
      %rem3A_577 = arith.remsi %scan3A_542, %rem3A_576 : i32
      %add3A_578 = arith.constant 2 : i32
      %add3A_579 = arith.addi %scan3A_542, %add3A_578 : i32
      %rem3A_580 = arith.constant 3 : i32
      %rem3A_581 = arith.remsi %add3A_579, %rem3A_580 : i32
      %dma_wait3A_582 = arith.constant 0 : i32
      %dma_wait3A_583 = arith.constant 0 : i32
      %dma_wait3A_584 = tpu.memref_slice %arg8[%rem3A_577, %dma_wait3A_582, %dma_wait3A_583] : memref<3x80x128xf32, #tpu.memory_space<vmem>> -> memref<1x80x128xf32, #tpu.memory_space<vmem>>
      %dma_wait3A_585 = tpu.memref_squeeze %dma_wait3A_584 : memref<1x80x128xf32, #tpu.memory_space<vmem>> -> memref<80x128xf32, #tpu.memory_space<vmem>>
      %dma_wait3A_586 = arith.constant 0 : i32
      %dma_wait3A_587 = tpu.memref_slice %arg6[%and3A_575, %select_n3A_573, %dma_wait3A_586] : memref<2x5x80xi32, #tpu.memory_space<vmem>> -> memref<1x1x80xi32, #tpu.memory_space<vmem>>
      %dma_wait3A_588 = tpu.memref_squeeze %dma_wait3A_587 : memref<1x1x80xi32, #tpu.memory_space<vmem>> -> memref<80xi32, #tpu.memory_space<vmem>>
      %dma_wait3A_589 = arith.constant 0 : i32
      %dma_wait3A_590 = arith.constant 0 : i32
      %dma_wait3A_591 = tpu.memref_slice %arg2[%dma_wait3A_589, %dma_wait3A_590] : memref<10000x128xf32, #tpu.memory_space<hbm>> -> memref<10000x128xf32, #tpu.memory_space<hbm>>
      %dma_wait3A_592 = tpu.memref_slice %arg11[%rem3A_577] : memref<3x!tpu.dma_semaphore, #tpu.memory_space<semaphore_mem>> -> memref<1x!tpu.dma_semaphore, #tpu.memory_space<semaphore_mem>>
      %dma_wait3A_593 = tpu.memref_squeeze %dma_wait3A_592 : memref<1x!tpu.dma_semaphore, #tpu.memory_space<semaphore_mem>> -> memref<!tpu.dma_semaphore, #tpu.memory_space<semaphore_mem>>
      tpu.wait_indirect_dma semaphore(%dma_wait3A_593 : memref<!tpu.dma_semaphore, #tpu.memory_space<semaphore_mem>>) src(%dma_wait3A_591 : memref<10000x128xf32, #tpu.memory_space<hbm>>) dst(%dma_wait3A_585 : memref<80x128xf32, #tpu.memory_space<vmem>>)
      %ge3A = arith.constant 1 : i32
      %ge3A_594 = arith.cmpi sge, %scan3A_542, %ge3A : i32
      %convert_element_type3A_595 = arith.extui %ge3A_594 : i1 to i32
      %cond3A_596 = arith.constant 0 : i32
      %cond3A_597 = arith.cmpi ne, %convert_element_type3A_595, %cond3A_596 : i32
      scf.if %cond3A_597 {
        %dma_wait3A_654 = arith.constant 0 : i32
        %dma_wait3A_655 = arith.constant 0 : i32
        %dma_wait3A_656 = tpu.memref_slice %arg8[%rem3A_581, %dma_wait3A_654, %dma_wait3A_655] : memref<3x80x128xf32, #tpu.memory_space<vmem>> -> memref<1x80x128xf32, #tpu.memory_space<vmem>>
        %dma_wait3A_657 = tpu.memref_squeeze %dma_wait3A_656 : memref<1x80x128xf32, #tpu.memory_space<vmem>> -> memref<80x128xf32, #tpu.memory_space<vmem>>
        %dma_wait3A_658 = arith.constant 0 : i32
        %dma_wait3A_659 = arith.constant 0 : i32
        %dma_wait3A_660 = tpu.memref_slice %arg10[%dma_wait3A_658, %dma_wait3A_659] : memref<10000x128xf32, #tpu.memory_space<vmem_shared>> -> memref<80x128xf32, #tpu.memory_space<vmem_shared>>
        %dma_wait3A_661 = tpu.memref_slice %arg12[%rem3A_581] : memref<3x!tpu.dma_semaphore, #tpu.memory_space<semaphore_mem>> -> memref<1x!tpu.dma_semaphore, #tpu.memory_space<semaphore_mem>>
        %dma_wait3A_662 = tpu.memref_squeeze %dma_wait3A_661 : memref<1x!tpu.dma_semaphore, #tpu.memory_space<semaphore_mem>> -> memref<!tpu.dma_semaphore, #tpu.memory_space<semaphore_mem>>
        %dma_wait3A_663 = arith.constant 0 : i32
        %dma_wait3A_664 = arith.constant 0 : i32
        %dma_wait3A_665 = tpu.memref_slice %arg10[%dma_wait3A_663, %dma_wait3A_664] : memref<10000x128xf32, #tpu.memory_space<vmem_shared>> -> memref<80x128xf32, #tpu.memory_space<vmem_shared>>
        %dma_wait3A_666 = arith.constant 0 : i32
        %dma_wait3A_667 = arith.constant 0 : i32
        %dma_wait3A_668 = tpu.memref_slice %arg8[%rem3A_581, %dma_wait3A_666, %dma_wait3A_667] : memref<3x80x128xf32, #tpu.memory_space<vmem>> -> memref<1x80x128xf32, #tpu.memory_space<vmem>>
        %dma_wait3A_669 = tpu.memref_squeeze %dma_wait3A_668 : memref<1x80x128xf32, #tpu.memory_space<vmem>> -> memref<80x128xf32, #tpu.memory_space<vmem>>
        tpu.wait_dma2 semaphore(%dma_wait3A_662 : memref<!tpu.dma_semaphore, #tpu.memory_space<semaphore_mem>>) src(%dma_wait3A_669 : memref<80x128xf32, #tpu.memory_space<vmem>>) dst(%dma_wait3A_665 : memref<80x128xf32, #tpu.memory_space<vmem_shared>>)
      } else {
      }
      %eq3A_598 = arith.constant 0 : i32
      %eq3A_599 = arith.cmpi eq, %select_n3A_573, %eq3A_598 : i32
      %add3A_600 = arith.constant 1 : i32
      %add3A_601 = arith.addi %select_n3A, %add3A_600 : i32
      %lt3A_602 = arith.constant 25 : i32
      %lt3A_603 = arith.cmpi slt, %add3A_601, %lt3A_602 : i32
      %and3A_604 = arith.andi %eq3A_599, %lt3A_603 : i1
      %convert_element_type3A_605 = arith.extui %and3A_604 : i1 to i32
      %cond3A_606 = arith.constant 0 : i32
      %cond3A_607 = arith.cmpi ne, %convert_element_type3A_605, %cond3A_606 : i32
      scf.if %cond3A_607 {
        %add3A_654 = arith.constant 1 : i32
        %add3A_655 = arith.addi %select_n3A, %add3A_654 : i32
        %sub3A_656 = arith.constant 1 : i32
        %sub3A_657 = arith.subi %sub3A_656, %and3A_575 : i32
        %dma_start3A_658 = arith.constant 0 : i32
        %dma_start3A_659 = arith.constant 0 : i32
        %dma_start3A_660 = tpu.memref_slice %arg6[%sub3A_657, %dma_start3A_658, %dma_start3A_659] : memref<2x5x80xi32, #tpu.memory_space<vmem>> -> memref<1x5x80xi32, #tpu.memory_space<vmem>>
        %dma_start3A_661 = tpu.memref_squeeze %dma_start3A_660 : memref<1x5x80xi32, #tpu.memory_space<vmem>> -> memref<5x80xi32, #tpu.memory_space<vmem>>
        %dma_start3A_662 = arith.constant 0 : i32
        %dma_start3A_663 = arith.constant 0 : i32
        %dma_start3A_664 = tpu.memref_slice %arg3[%add3A, %add3A_655, %dma_start3A_662, %dma_start3A_663] : memref<32x25x5x80xi32, #tpu.memory_space<hbm>> -> memref<1x1x5x80xi32, #tpu.memory_space<hbm>>
        %dma_start3A_665 = tpu.memref_squeeze %dma_start3A_664 : memref<1x1x5x80xi32, #tpu.memory_space<hbm>> -> memref<5x80xi32, #tpu.memory_space<hbm>>
        %dma_start3A_666 = arith.constant 0 : i32
        %dma_start3A_667 = arith.constant 0 : i32
        %dma_start3A_668 = tpu.memref_slice %arg6[%sub3A_657, %dma_start3A_666, %dma_start3A_667] : memref<2x5x80xi32, #tpu.memory_space<vmem>> -> memref<1x5x80xi32, #tpu.memory_space<vmem>>
        %dma_start3A_669 = tpu.memref_squeeze %dma_start3A_668 : memref<1x5x80xi32, #tpu.memory_space<vmem>> -> memref<5x80xi32, #tpu.memory_space<vmem>>
        %dma_start3A_670 = arith.constant 0 : i32
        %dma_start3A_671 = arith.constant 0 : i32
        %dma_start3A_672 = tpu.memref_slice %arg3[%add3A, %add3A_655, %dma_start3A_670, %dma_start3A_671] : memref<32x25x5x80xi32, #tpu.memory_space<hbm>> -> memref<1x1x5x80xi32, #tpu.memory_space<hbm>>
        %dma_start3A_673 = tpu.memref_squeeze %dma_start3A_672 : memref<1x1x5x80xi32, #tpu.memory_space<hbm>> -> memref<5x80xi32, #tpu.memory_space<hbm>>
        tpu.enqueue_dma source(%dma_start3A_673 : memref<5x80xi32, #tpu.memory_space<hbm>>) target(%dma_start3A_669 : memref<5x80xi32, #tpu.memory_space<vmem>>) target_semaphore(%arg13 : memref<!tpu.dma_semaphore, #tpu.memory_space<semaphore_mem>>)
      } else {
      }
      %eq3A_608 = arith.constant 1 : i32
      %eq3A_609 = arith.cmpi eq, %select_n3A_573, %eq3A_608 : i32
      %add3A_610 = arith.constant 1 : i32
      %add3A_611 = arith.addi %select_n3A, %add3A_610 : i32
      %lt3A_612 = arith.constant 25 : i32
      %lt3A_613 = arith.cmpi slt, %add3A_611, %lt3A_612 : i32
      %and3A_614 = arith.andi %eq3A_609, %lt3A_613 : i1
      %convert_element_type3A_615 = arith.extui %and3A_614 : i1 to i32
      %cond3A_616 = arith.constant 0 : i32
      %cond3A_617 = arith.cmpi ne, %convert_element_type3A_615, %cond3A_616 : i32
      scf.if %cond3A_617 {
        %add3A_654 = arith.constant 1 : i32
        %add3A_655 = arith.addi %select_n3A, %add3A_654 : i32
        %sub3A_656 = arith.constant 1 : i32
        %sub3A_657 = arith.subi %sub3A_656, %and3A_575 : i32
        %dma_start3A_658 = arith.constant 0 : i32
        %dma_start3A_659 = arith.constant 0 : i32
        %dma_start3A_660 = tpu.memref_slice %arg7[%sub3A_657, %dma_start3A_658, %dma_start3A_659] : memref<2x5x80xi32, #tpu.memory_space<vmem>> -> memref<1x5x80xi32, #tpu.memory_space<vmem>>
        %dma_start3A_661 = tpu.memref_squeeze %dma_start3A_660 : memref<1x5x80xi32, #tpu.memory_space<vmem>> -> memref<5x80xi32, #tpu.memory_space<vmem>>
        %dma_start3A_662 = arith.constant 0 : i32
        %dma_start3A_663 = arith.constant 0 : i32
        %dma_start3A_664 = tpu.memref_slice %arg4[%add3A, %add3A_655, %dma_start3A_662, %dma_start3A_663] : memref<32x25x5x80xi32, #tpu.memory_space<hbm>> -> memref<1x1x5x80xi32, #tpu.memory_space<hbm>>
        %dma_start3A_665 = tpu.memref_squeeze %dma_start3A_664 : memref<1x1x5x80xi32, #tpu.memory_space<hbm>> -> memref<5x80xi32, #tpu.memory_space<hbm>>
        %dma_start3A_666 = arith.constant 0 : i32
        %dma_start3A_667 = arith.constant 0 : i32
        %dma_start3A_668 = tpu.memref_slice %arg7[%sub3A_657, %dma_start3A_666, %dma_start3A_667] : memref<2x5x80xi32, #tpu.memory_space<vmem>> -> memref<1x5x80xi32, #tpu.memory_space<vmem>>
        %dma_start3A_669 = tpu.memref_squeeze %dma_start3A_668 : memref<1x5x80xi32, #tpu.memory_space<vmem>> -> memref<5x80xi32, #tpu.memory_space<vmem>>
        %dma_start3A_670 = arith.constant 0 : i32
        %dma_start3A_671 = arith.constant 0 : i32
        %dma_start3A_672 = tpu.memref_slice %arg4[%add3A, %add3A_655, %dma_start3A_670, %dma_start3A_671] : memref<32x25x5x80xi32, #tpu.memory_space<hbm>> -> memref<1x1x5x80xi32, #tpu.memory_space<hbm>>
        %dma_start3A_673 = tpu.memref_squeeze %dma_start3A_672 : memref<1x1x5x80xi32, #tpu.memory_space<hbm>> -> memref<5x80xi32, #tpu.memory_space<hbm>>
        tpu.enqueue_dma source(%dma_start3A_673 : memref<5x80xi32, #tpu.memory_space<hbm>>) target(%dma_start3A_669 : memref<5x80xi32, #tpu.memory_space<vmem>>) target_semaphore(%arg14 : memref<!tpu.dma_semaphore, #tpu.memory_space<semaphore_mem>>)
      } else {
      }
      %eq3A_618 = arith.constant 3 : i32
      %eq3A_619 = arith.cmpi eq, %select_n3A_573, %eq3A_618 : i32
      %add3A_620 = arith.constant 1 : i32
      %add3A_621 = arith.addi %select_n3A, %add3A_620 : i32
      %lt3A_622 = arith.constant 25 : i32
      %lt3A_623 = arith.cmpi slt, %add3A_621, %lt3A_622 : i32
      %and3A_624 = arith.andi %eq3A_619, %lt3A_623 : i1
      %convert_element_type3A_625 = arith.extui %and3A_624 : i1 to i32
      %cond3A_626 = arith.constant 0 : i32
      %cond3A_627 = arith.cmpi ne, %convert_element_type3A_625, %cond3A_626 : i32
      scf.if %cond3A_627 {
        %dma_wait3A_654 = arith.constant 0 : i32
        %dma_wait3A_655 = arith.constant 0 : i32
        %dma_wait3A_656 = arith.constant 0 : i32
        %dma_wait3A_657 = arith.constant 0 : i32
        %dma_wait3A_658 = tpu.memref_slice %arg6[%dma_wait3A_655, %dma_wait3A_656, %dma_wait3A_657] : memref<2x5x80xi32, #tpu.memory_space<vmem>> -> memref<1x5x80xi32, #tpu.memory_space<vmem>>
        %dma_wait3A_659 = tpu.memref_squeeze %dma_wait3A_658 : memref<1x5x80xi32, #tpu.memory_space<vmem>> -> memref<5x80xi32, #tpu.memory_space<vmem>>
        %dma_wait3A_660 = arith.constant 0 : i32
        %dma_wait3A_661 = arith.constant 0 : i32
        %dma_wait3A_662 = tpu.memref_slice %arg3[%add3A, %dma_wait3A_654, %dma_wait3A_660, %dma_wait3A_661] : memref<32x25x5x80xi32, #tpu.memory_space<hbm>> -> memref<1x1x5x80xi32, #tpu.memory_space<hbm>>
        %dma_wait3A_663 = tpu.memref_squeeze %dma_wait3A_662 : memref<1x1x5x80xi32, #tpu.memory_space<hbm>> -> memref<5x80xi32, #tpu.memory_space<hbm>>
        %dma_wait3A_664 = arith.constant 0 : i32
        %dma_wait3A_665 = arith.constant 0 : i32
        %dma_wait3A_666 = tpu.memref_slice %arg6[%dma_wait3A_655, %dma_wait3A_664, %dma_wait3A_665] : memref<2x5x80xi32, #tpu.memory_space<vmem>> -> memref<1x5x80xi32, #tpu.memory_space<vmem>>
        %dma_wait3A_667 = tpu.memref_squeeze %dma_wait3A_666 : memref<1x5x80xi32, #tpu.memory_space<vmem>> -> memref<5x80xi32, #tpu.memory_space<vmem>>
        %dma_wait3A_668 = arith.constant 0 : i32
        %dma_wait3A_669 = arith.constant 0 : i32
        %dma_wait3A_670 = tpu.memref_slice %arg3[%add3A, %dma_wait3A_654, %dma_wait3A_668, %dma_wait3A_669] : memref<32x25x5x80xi32, #tpu.memory_space<hbm>> -> memref<1x1x5x80xi32, #tpu.memory_space<hbm>>
        %dma_wait3A_671 = tpu.memref_squeeze %dma_wait3A_670 : memref<1x1x5x80xi32, #tpu.memory_space<hbm>> -> memref<5x80xi32, #tpu.memory_space<hbm>>
        tpu.wait_dma2 semaphore(%arg13 : memref<!tpu.dma_semaphore, #tpu.memory_space<semaphore_mem>>) src(%dma_wait3A_671 : memref<5x80xi32, #tpu.memory_space<hbm>>) dst(%dma_wait3A_667 : memref<5x80xi32, #tpu.memory_space<vmem>>)
      } else {
      }
      %eq3A_628 = arith.constant 0 : i32
      %eq3A_629 = arith.cmpi eq, %select_n3A_573, %eq3A_628 : i32
      %gt3A = arith.constant 0 : i32
      %gt3A_630 = arith.cmpi sgt, %select_n3A, %gt3A : i32
      %and3A_631 = arith.andi %eq3A_629, %gt3A_630 : i1
      %convert_element_type3A_632 = arith.extui %and3A_631 : i1 to i32
      %cond3A_633 = arith.constant 0 : i32
      %cond3A_634 = arith.cmpi ne, %convert_element_type3A_632, %cond3A_633 : i32
      scf.if %cond3A_634 {
        %dma_wait3A_654 = arith.constant 0 : i32
        %dma_wait3A_655 = arith.constant 0 : i32
        %dma_wait3A_656 = arith.constant 0 : i32
        %dma_wait3A_657 = arith.constant 0 : i32
        %dma_wait3A_658 = tpu.memref_slice %arg7[%dma_wait3A_655, %dma_wait3A_656, %dma_wait3A_657] : memref<2x5x80xi32, #tpu.memory_space<vmem>> -> memref<1x5x80xi32, #tpu.memory_space<vmem>>
        %dma_wait3A_659 = tpu.memref_squeeze %dma_wait3A_658 : memref<1x5x80xi32, #tpu.memory_space<vmem>> -> memref<5x80xi32, #tpu.memory_space<vmem>>
        %dma_wait3A_660 = arith.constant 0 : i32
        %dma_wait3A_661 = arith.constant 0 : i32
        %dma_wait3A_662 = tpu.memref_slice %arg4[%add3A, %dma_wait3A_654, %dma_wait3A_660, %dma_wait3A_661] : memref<32x25x5x80xi32, #tpu.memory_space<hbm>> -> memref<1x1x5x80xi32, #tpu.memory_space<hbm>>
        %dma_wait3A_663 = tpu.memref_squeeze %dma_wait3A_662 : memref<1x1x5x80xi32, #tpu.memory_space<hbm>> -> memref<5x80xi32, #tpu.memory_space<hbm>>
        %dma_wait3A_664 = arith.constant 0 : i32
        %dma_wait3A_665 = arith.constant 0 : i32
        %dma_wait3A_666 = tpu.memref_slice %arg7[%dma_wait3A_655, %dma_wait3A_664, %dma_wait3A_665] : memref<2x5x80xi32, #tpu.memory_space<vmem>> -> memref<1x5x80xi32, #tpu.memory_space<vmem>>
        %dma_wait3A_667 = tpu.memref_squeeze %dma_wait3A_666 : memref<1x5x80xi32, #tpu.memory_space<vmem>> -> memref<5x80xi32, #tpu.memory_space<vmem>>
        %dma_wait3A_668 = arith.constant 0 : i32
        %dma_wait3A_669 = arith.constant 0 : i32
        %dma_wait3A_670 = tpu.memref_slice %arg4[%add3A, %dma_wait3A_654, %dma_wait3A_668, %dma_wait3A_669] : memref<32x25x5x80xi32, #tpu.memory_space<hbm>> -> memref<1x1x5x80xi32, #tpu.memory_space<hbm>>
        %dma_wait3A_671 = tpu.memref_squeeze %dma_wait3A_670 : memref<1x1x5x80xi32, #tpu.memory_space<hbm>> -> memref<5x80xi32, #tpu.memory_space<hbm>>
        tpu.wait_dma2 semaphore(%arg14 : memref<!tpu.dma_semaphore, #tpu.memory_space<semaphore_mem>>) src(%dma_wait3A_671 : memref<5x80xi32, #tpu.memory_space<hbm>>) dst(%dma_wait3A_667 : memref<5x80xi32, #tpu.memory_space<vmem>>)
      } else {
      }
      %add3A_635 = arith.constant 2 : i32
      %add3A_636 = arith.addi %scan3A_542, %add3A_635 : i32
      %lt3A_637 = arith.constant 125 : i32
      %lt3A_638 = arith.cmpi slt, %add3A_636, %lt3A_637 : i32
      %convert_element_type3A_639 = arith.extui %lt3A_638 : i1 to i32
      %cond3A_640 = arith.constant 0 : i32
      %cond3A_641 = arith.cmpi ne, %convert_element_type3A_639, %cond3A_640 : i32
      scf.if %cond3A_641 {
        %add3A_654 = arith.constant 2 : i32
        %add3A_655 = arith.addi %scan3A_542, %add3A_654 : i32
        %jit3A_656 = arith.constant 5 : i32
        %div3A_657 = arith.divsi %add3A_655, %jit3A_656 : i32
        %sign3A_658 = arith.constant 0 : i32
        %sign3A_659 = arith.cmpi sgt, %add3A_655, %sign3A_658 : i32
        %sign3A_660 = arith.extui %sign3A_659 : i1 to i32
        %sign3A_661 = arith.constant 0 : i32
        %sign3A_662 = arith.cmpi slt, %add3A_655, %sign3A_661 : i32
        %sign3A_663 = arith.extui %sign3A_662 : i1 to i32
        %sign3A_664 = arith.subi %sign3A_660, %sign3A_663 : i32
        %sign3A_665 = arith.constant 0 : i32
        %sign3A_666 = arith.cmpi sgt, %jit3A_656, %sign3A_665 : i32
        %sign3A_667 = arith.extui %sign3A_666 : i1 to i32
        %sign3A_668 = arith.constant 0 : i32
        %sign3A_669 = arith.cmpi slt, %jit3A_656, %sign3A_668 : i32
        %sign3A_670 = arith.extui %sign3A_669 : i1 to i32
        %sign3A_671 = arith.subi %sign3A_667, %sign3A_670 : i32
        %ne3A_672 = arith.cmpi ne, %sign3A_664, %sign3A_671 : i32
        %rem3A_673 = arith.remsi %add3A_655, %jit3A_656 : i32
        %ne3A_674 = arith.constant 0 : i32
        %ne3A_675 = arith.cmpi ne, %rem3A_673, %ne3A_674 : i32
        %and3A_676 = arith.andi %ne3A_672, %ne3A_675 : i1
        %sub3A_677 = arith.constant 1 : i32
        %sub3A_678 = arith.subi %div3A_657, %sub3A_677 : i32
        %select_n3A_679 = arith.select %and3A_676, %sub3A_678, %div3A_657 : i32
        %and3A_680 = arith.constant 1 : i32
        %and3A_681 = arith.andi %select_n3A_679, %and3A_680 : i32
        %rem3A_682 = arith.constant 5 : i32
        %rem3A_683 = arith.remsi %add3A_655, %rem3A_682 : i32
        %dma_start3A_684 = arith.constant 0 : i32
        %dma_start3A_685 = arith.constant 0 : i32
        %dma_start3A_686 = tpu.memref_slice %arg8[%rem3A_581, %dma_start3A_684, %dma_start3A_685] : memref<3x80x128xf32, #tpu.memory_space<vmem>> -> memref<1x80x128xf32, #tpu.memory_space<vmem>>
        %dma_start3A_687 = tpu.memref_squeeze %dma_start3A_686 : memref<1x80x128xf32, #tpu.memory_space<vmem>> -> memref<80x128xf32, #tpu.memory_space<vmem>>
        %dma_start3A_688 = arith.constant 0 : i32
        %dma_start3A_689 = tpu.memref_slice %arg6[%and3A_681, %rem3A_683, %dma_start3A_688] : memref<2x5x80xi32, #tpu.memory_space<vmem>> -> memref<1x1x80xi32, #tpu.memory_space<vmem>>
        %dma_start3A_690 = tpu.memref_squeeze %dma_start3A_689 : memref<1x1x80xi32, #tpu.memory_space<vmem>> -> memref<80xi32, #tpu.memory_space<vmem>>
        %dma_start3A_691 = arith.constant 0 : i32
        %dma_start3A_692 = arith.constant 0 : i32
        %dma_start3A_693 = tpu.memref_slice %arg2[%dma_start3A_691, %dma_start3A_692] : memref<10000x128xf32, #tpu.memory_space<hbm>> -> memref<10000x128xf32, #tpu.memory_space<hbm>>
        %dma_start3A_694 = tpu.memref_slice %arg11[%rem3A_581] : memref<3x!tpu.dma_semaphore, #tpu.memory_space<semaphore_mem>> -> memref<1x!tpu.dma_semaphore, #tpu.memory_space<semaphore_mem>>
        %dma_start3A_695 = tpu.memref_squeeze %dma_start3A_694 : memref<1x!tpu.dma_semaphore, #tpu.memory_space<semaphore_mem>> -> memref<!tpu.dma_semaphore, #tpu.memory_space<semaphore_mem>>
        tpu.enqueue_indirect_dma source(%dma_start3A_693 : memref<10000x128xf32, #tpu.memory_space<hbm>>) target(%dma_start3A_687 : memref<80x128xf32, #tpu.memory_space<vmem>>) offsets(%dma_start3A_690 : memref<80xi32, #tpu.memory_space<vmem>>) semaphore(%dma_start3A_695 : memref<!tpu.dma_semaphore, #tpu.memory_space<semaphore_mem>>)
      } else {
      }
      %dma_start3A_642 = arith.constant 0 : i32
      %dma_start3A_643 = arith.constant 0 : i32
      %dma_start3A_644 = tpu.memref_slice %arg8[%rem3A_577, %dma_start3A_642, %dma_start3A_643] : memref<3x80x128xf32, #tpu.memory_space<vmem>> -> memref<1x80x128xf32, #tpu.memory_space<vmem>>
      %dma_start3A_645 = tpu.memref_squeeze %dma_start3A_644 : memref<1x80x128xf32, #tpu.memory_space<vmem>> -> memref<80x128xf32, #tpu.memory_space<vmem>>
      %dma_start3A_646 = arith.constant 0 : i32
      %dma_start3A_647 = tpu.memref_slice %arg7[%and3A_575, %select_n3A_573, %dma_start3A_646] : memref<2x5x80xi32, #tpu.memory_space<vmem>> -> memref<1x1x80xi32, #tpu.memory_space<vmem>>
      %dma_start3A_648 = tpu.memref_squeeze %dma_start3A_647 : memref<1x1x80xi32, #tpu.memory_space<vmem>> -> memref<80xi32, #tpu.memory_space<vmem>>
      %dma_start3A_649 = arith.constant 0 : i32
      %dma_start3A_650 = arith.constant 0 : i32
      %dma_start3A_651 = tpu.memref_slice %arg10[%dma_start3A_649, %dma_start3A_650] : memref<10000x128xf32, #tpu.memory_space<vmem_shared>> -> memref<10000x128xf32, #tpu.memory_space<vmem_shared>>
      %dma_start3A_652 = tpu.memref_slice %arg12[%rem3A_577] : memref<3x!tpu.dma_semaphore, #tpu.memory_space<semaphore_mem>> -> memref<1x!tpu.dma_semaphore, #tpu.memory_space<semaphore_mem>>
      %dma_start3A_653 = tpu.memref_squeeze %dma_start3A_652 : memref<1x!tpu.dma_semaphore, #tpu.memory_space<semaphore_mem>> -> memref<!tpu.dma_semaphore, #tpu.memory_space<semaphore_mem>>
      tpu.enqueue_indirect_dma source(%dma_start3A_645 : memref<80x128xf32, #tpu.memory_space<vmem>>) target(%dma_start3A_651 : memref<10000x128xf32, #tpu.memory_space<vmem_shared>>) offsets(%dma_start3A_648 : memref<80xi32, #tpu.memory_space<vmem>>) semaphore(%dma_start3A_653 : memref<!tpu.dma_semaphore, #tpu.memory_space<semaphore_mem>>) {add = true}
    }
    %scan3A_517 = arith.constant 125 : i32
    %dma_wait3A_518 = arith.constant 1 : i32
    %dma_wait3A_519 = arith.constant 1 : i32
    %dma_wait3A_520 = arith.constant 0 : i32
    %dma_wait3A_521 = arith.constant 0 : i32
    %dma_wait3A_522 = tpu.memref_slice %arg8[%dma_wait3A_518, %dma_wait3A_520, %dma_wait3A_521] : memref<3x80x128xf32, #tpu.memory_space<vmem>> -> memref<1x80x128xf32, #tpu.memory_space<vmem>>
    %dma_wait3A_523 = tpu.memref_squeeze %dma_wait3A_522 : memref<1x80x128xf32, #tpu.memory_space<vmem>> -> memref<80x128xf32, #tpu.memory_space<vmem>>
    %dma_wait3A_524 = arith.constant 0 : i32
    %dma_wait3A_525 = arith.constant 0 : i32
    %dma_wait3A_526 = tpu.memref_slice %arg10[%dma_wait3A_524, %dma_wait3A_525] : memref<10000x128xf32, #tpu.memory_space<vmem_shared>> -> memref<80x128xf32, #tpu.memory_space<vmem_shared>>
    %dma_wait3A_527 = tpu.memref_slice %arg12[%dma_wait3A_519] : memref<3x!tpu.dma_semaphore, #tpu.memory_space<semaphore_mem>> -> memref<1x!tpu.dma_semaphore, #tpu.memory_space<semaphore_mem>>
    %dma_wait3A_528 = tpu.memref_squeeze %dma_wait3A_527 : memref<1x!tpu.dma_semaphore, #tpu.memory_space<semaphore_mem>> -> memref<!tpu.dma_semaphore, #tpu.memory_space<semaphore_mem>>
    %dma_wait3A_529 = arith.constant 0 : i32
    %dma_wait3A_530 = arith.constant 0 : i32
    %dma_wait3A_531 = tpu.memref_slice %arg10[%dma_wait3A_529, %dma_wait3A_530] : memref<10000x128xf32, #tpu.memory_space<vmem_shared>> -> memref<80x128xf32, #tpu.memory_space<vmem_shared>>
    %dma_wait3A_532 = arith.constant 0 : i32
    %dma_wait3A_533 = arith.constant 0 : i32
    %dma_wait3A_534 = tpu.memref_slice %arg8[%dma_wait3A_518, %dma_wait3A_532, %dma_wait3A_533] : memref<3x80x128xf32, #tpu.memory_space<vmem>> -> memref<1x80x128xf32, #tpu.memory_space<vmem>>
    %dma_wait3A_535 = tpu.memref_squeeze %dma_wait3A_534 : memref<1x80x128xf32, #tpu.memory_space<vmem>> -> memref<80x128xf32, #tpu.memory_space<vmem>>
    tpu.wait_dma2 semaphore(%dma_wait3A_528 : memref<!tpu.dma_semaphore, #tpu.memory_space<semaphore_mem>>) src(%dma_wait3A_535 : memref<80x128xf32, #tpu.memory_space<vmem>>) dst(%dma_wait3A_531 : memref<80x128xf32, #tpu.memory_space<vmem_shared>>)
    %barrier3A_536 = arith.constant 0 : index
    tpu.barrier barrier_id(%barrier3A_536)
    "tpu.region"() ({
      %run_scoped3A_542 = tpu.sem_alloc : memref<!tpu.dma_semaphore, #tpu.memory_space<semaphore_mem>>
      %dma_start3A_543 = arith.constant 0 : i32
      %dma_start3A_544 = tpu.memref_slice %arg5[%arg0, %multiple_of3A, %dma_start3A_543] : memref<2x10000x128xf32, #tpu.memory_space<hbm>> -> memref<1x624x128xf32, #tpu.memory_space<hbm>>
      %dma_start3A_545 = tpu.memref_squeeze %dma_start3A_544 : memref<1x624x128xf32, #tpu.memory_space<hbm>> -> memref<624x128xf32, #tpu.memory_space<hbm>>
      %dma_start3A_546 = arith.constant 0 : i32
      %dma_start3A_547 = tpu.memref_slice %arg10[%multiple_of3A, %dma_start3A_546] : memref<10000x128xf32, #tpu.memory_space<vmem_shared>> -> memref<624x128xf32, #tpu.memory_space<vmem_shared>>
      tpu.enqueue_dma source(%dma_start3A_547 : memref<624x128xf32, #tpu.memory_space<vmem_shared>>) target(%dma_start3A_545 : memref<624x128xf32, #tpu.memory_space<hbm>>) target_semaphore(%run_scoped3A_542 : memref<!tpu.dma_semaphore, #tpu.memory_space<semaphore_mem>>)
      %dma_wait3A_548 = arith.constant 0 : i32
      %dma_wait3A_549 = tpu.memref_slice %arg5[%arg0, %multiple_of3A, %dma_wait3A_548] : memref<2x10000x128xf32, #tpu.memory_space<hbm>> -> memref<1x624x128xf32, #tpu.memory_space<hbm>>
      %dma_wait3A_550 = tpu.memref_squeeze %dma_wait3A_549 : memref<1x624x128xf32, #tpu.memory_space<hbm>> -> memref<624x128xf32, #tpu.memory_space<hbm>>
      %dma_wait3A_551 = arith.constant 0 : i32
      %dma_wait3A_552 = tpu.memref_slice %arg10[%multiple_of3A, %dma_wait3A_551] : memref<10000x128xf32, #tpu.memory_space<vmem_shared>> -> memref<624x128xf32, #tpu.memory_space<vmem_shared>>
      tpu.wait_dma2 semaphore(%run_scoped3A_542 : memref<!tpu.dma_semaphore, #tpu.memory_space<semaphore_mem>>) src(%dma_wait3A_552 : memref<624x128xf32, #tpu.memory_space<vmem_shared>>) dst(%dma_wait3A_550 : memref<624x128xf32, #tpu.memory_space<hbm>>)
      tpu.yield
    }) : () -> ()
    %eq3A_537 = arith.constant 15 : i32
    %eq3A_538 = arith.cmpi eq, %arg1, %eq3A_537 : i32
    %convert_element_type3A_539 = arith.extui %eq3A_538 : i1 to i32
    %cond3A_540 = arith.constant 0 : i32
    %cond3A_541 = arith.cmpi ne, %convert_element_type3A_539, %cond3A_540 : i32
    scf.if %cond3A_541 {
      "tpu.region"() ({
        %run_scoped3A_542 = tpu.sem_alloc : memref<!tpu.dma_semaphore, #tpu.memory_space<semaphore_mem>>
        %dma_start3A_543 = arith.constant 9984 : i32
        %dma_start3A_544 = arith.constant 0 : i32
        %dma_start3A_545 = tpu.memref_slice %arg5[%arg0, %dma_start3A_543, %dma_start3A_544] : memref<2x10000x128xf32, #tpu.memory_space<hbm>> -> memref<1x16x128xf32, #tpu.memory_space<hbm>>
        %dma_start3A_546 = tpu.memref_squeeze %dma_start3A_545 : memref<1x16x128xf32, #tpu.memory_space<hbm>> -> memref<16x128xf32, #tpu.memory_space<hbm>>
        %dma_start3A_547 = arith.constant 9984 : i32
        %dma_start3A_548 = arith.constant 0 : i32
        %dma_start3A_549 = tpu.memref_slice %arg10[%dma_start3A_547, %dma_start3A_548] : memref<10000x128xf32, #tpu.memory_space<vmem_shared>> -> memref<16x128xf32, #tpu.memory_space<vmem_shared>>
        tpu.enqueue_dma source(%dma_start3A_549 : memref<16x128xf32, #tpu.memory_space<vmem_shared>>) target(%dma_start3A_546 : memref<16x128xf32, #tpu.memory_space<hbm>>) target_semaphore(%run_scoped3A_542 : memref<!tpu.dma_semaphore, #tpu.memory_space<semaphore_mem>>)
        %dma_wait3A_550 = arith.constant 9984 : i32
        %dma_wait3A_551 = arith.constant 0 : i32
        %dma_wait3A_552 = tpu.memref_slice %arg5[%arg0, %dma_wait3A_550, %dma_wait3A_551] : memref<2x10000x128xf32, #tpu.memory_space<hbm>> -> memref<1x16x128xf32, #tpu.memory_space<hbm>>
        %dma_wait3A_553 = tpu.memref_squeeze %dma_wait3A_552 : memref<1x16x128xf32, #tpu.memory_space<hbm>> -> memref<16x128xf32, #tpu.memory_space<hbm>>
        %dma_wait3A_554 = arith.constant 9984 : i32
        %dma_wait3A_555 = arith.constant 0 : i32
        %dma_wait3A_556 = tpu.memref_slice %arg10[%dma_wait3A_554, %dma_wait3A_555] : memref<10000x128xf32, #tpu.memory_space<vmem_shared>> -> memref<16x128xf32, #tpu.memory_space<vmem_shared>>
        tpu.wait_dma2 semaphore(%run_scoped3A_542 : memref<!tpu.dma_semaphore, #tpu.memory_space<semaphore_mem>>) src(%dma_wait3A_556 : memref<16x128xf32, #tpu.memory_space<vmem_shared>>) dst(%dma_wait3A_553 : memref<16x128xf32, #tpu.memory_space<hbm>>)
        tpu.yield
      }) : () -> ()
    } else {
    }
    return
  }
}

#map = affine_map<(d0, d1) -> (0, 0)>
#map1 = affine_map<(d0, d1) -> (0, 0, 0, 0)>
#map2 = affine_map<(d0, d1) -> (0, 0, 0)>
module attributes {stable_mosaic.version = 14 : i64} {
  func.func @_hop_kernel(%arg0: i32, %arg1: i32, %arg2: memref<10000x128xf32, #tpu.memory_space<hbm>>, %arg3: memref<32x25x5x80xi32, #tpu.memory_space<hbm>>, %arg4: memref<32x25x5x80xi32, #tpu.memory_space<hbm>>, %arg5: memref<2x10000x128xf32, #tpu.memory_space<hbm>>, %arg6: memref<2x5x80xi32, #tpu.memory_space<vmem>>, %arg7: memref<2x5x80xi32, #tpu.memory_space<vmem>>, %arg8: memref<3x80x128xf32, #tpu.memory_space<vmem>>, %arg9: memref<16x128xf32, #tpu.memory_space<vmem>>, %arg10: memref<10000x128xf32, #tpu.memory_space<vmem_shared>>, %arg11: memref<3x!tpu.dma_semaphore, #tpu.memory_space<semaphore_mem>>, %arg12: memref<3x!tpu.dma_semaphore, #tpu.memory_space<semaphore_mem>>, %arg13: memref<!tpu.dma_semaphore, #tpu.memory_space<semaphore_mem>>, %arg14: memref<!tpu.dma_semaphore, #tpu.memory_space<semaphore_mem>>) attributes {dimension_semantics = [#tpu.dimension_semantics<core_parallel>, #tpu.dimension_semantics<subcore_parallel>], iteration_bounds = array<i64: 2, 16>, scalar_prefetch = 0 : i64, scratch_operands = 9 : i64, tpu.core_type = #tpu.core_type<sc_vector_subcore>, window_params = [{transform_indices = #map}, {transform_indices = #map1}, {transform_indices = #map1}, {transform_indices = #map2}]} {
    %mul3A = arith.constant 16 : i32
    %mul3A_0 = arith.muli %arg0, %mul3A : i32
    %add3A = arith.addi %mul3A_0, %arg1 : i32
    %broadcast_in_dim3A = arith.constant 0.000000e+00 : f32
    %broadcast_in_dim3A_1 = vector.broadcast %broadcast_in_dim3A : f32 to vector<16xf32>
    %run_scoped3A = arith.constant 0 : i32
    %run_scoped3A_2 = arith.constant 0 : i32
    "tpu.region"() ({
      %run_scoped3A_542 = tpu.sem_alloc : memref<!tpu.dma_semaphore, #tpu.memory_space<semaphore_mem>>
      %dma_start3A_543 = arith.constant 0 : i32
      %dma_start3A_544 = arith.constant 0 : i32
      %dma_start3A_545 = tpu.memref_slice %arg6[%run_scoped3A_2, %dma_start3A_543, %dma_start3A_544] : memref<2x5x80xi32, #tpu.memory_space<vmem>> -> memref<1x5x80xi32, #tpu.memory_space<vmem>>
      %dma_start3A_546 = tpu.memref_squeeze %dma_start3A_545 : memref<1x5x80xi32, #tpu.memory_space<vmem>> -> memref<5x80xi32, #tpu.memory_space<vmem>>
      %dma_start3A_547 = arith.constant 0 : i32
      %dma_start3A_548 = arith.constant 0 : i32
      %dma_start3A_549 = tpu.memref_slice %arg3[%add3A, %run_scoped3A, %dma_start3A_547, %dma_start3A_548] : memref<32x25x5x80xi32, #tpu.memory_space<hbm>> -> memref<1x1x5x80xi32, #tpu.memory_space<hbm>>
      %dma_start3A_550 = tpu.memref_squeeze %dma_start3A_549 : memref<1x1x5x80xi32, #tpu.memory_space<hbm>> -> memref<5x80xi32, #tpu.memory_space<hbm>>
      %dma_start3A_551 = arith.constant 0 : i32
      %dma_start3A_552 = arith.constant 0 : i32
      %dma_start3A_553 = tpu.memref_slice %arg6[%run_scoped3A_2, %dma_start3A_551, %dma_start3A_552] : memref<2x5x80xi32, #tpu.memory_space<vmem>> -> memref<1x5x80xi32, #tpu.memory_space<vmem>>
      %dma_start3A_554 = tpu.memref_squeeze %dma_start3A_553 : memref<1x5x80xi32, #tpu.memory_space<vmem>> -> memref<5x80xi32, #tpu.memory_space<vmem>>
      %dma_start3A_555 = arith.constant 0 : i32
      %dma_start3A_556 = arith.constant 0 : i32
      %dma_start3A_557 = tpu.memref_slice %arg3[%add3A, %run_scoped3A, %dma_start3A_555, %dma_start3A_556] : memref<32x25x5x80xi32, #tpu.memory_space<hbm>> -> memref<1x1x5x80xi32, #tpu.memory_space<hbm>>
      %dma_start3A_558 = tpu.memref_squeeze %dma_start3A_557 : memref<1x1x5x80xi32, #tpu.memory_space<hbm>> -> memref<5x80xi32, #tpu.memory_space<hbm>>
      tpu.enqueue_dma source(%dma_start3A_558 : memref<5x80xi32, #tpu.memory_space<hbm>>) target(%dma_start3A_554 : memref<5x80xi32, #tpu.memory_space<vmem>>) target_semaphore(%run_scoped3A_542 : memref<!tpu.dma_semaphore, #tpu.memory_space<semaphore_mem>>)
      %dma_wait3A_559 = arith.constant 0 : i32
      %dma_wait3A_560 = arith.constant 0 : i32
      %dma_wait3A_561 = tpu.memref_slice %arg6[%run_scoped3A_2, %dma_wait3A_559, %dma_wait3A_560] : memref<2x5x80xi32, #tpu.memory_space<vmem>> -> memref<1x5x80xi32, #tpu.memory_space<vmem>>
      %dma_wait3A_562 = tpu.memref_squeeze %dma_wait3A_561 : memref<1x5x80xi32, #tpu.memory_space<vmem>> -> memref<5x80xi32, #tpu.memory_space<vmem>>
      %dma_wait3A_563 = arith.constant 0 : i32
      %dma_wait3A_564 = arith.constant 0 : i32
      %dma_wait3A_565 = tpu.memref_slice %arg3[%add3A, %run_scoped3A, %dma_wait3A_563, %dma_wait3A_564] : memref<32x25x5x80xi32, #tpu.memory_space<hbm>> -> memref<1x1x5x80xi32, #tpu.memory_space<hbm>>
      %dma_wait3A_566 = tpu.memref_squeeze %dma_wait3A_565 : memref<1x1x5x80xi32, #tpu.memory_space<hbm>> -> memref<5x80xi32, #tpu.memory_space<hbm>>
      %dma_wait3A_567 = arith.constant 0 : i32
      %dma_wait3A_568 = arith.constant 0 : i32
      %dma_wait3A_569 = tpu.memref_slice %arg6[%run_scoped3A_2, %dma_wait3A_567, %dma_wait3A_568] : memref<2x5x80xi32, #tpu.memory_space<vmem>> -> memref<1x5x80xi32, #tpu.memory_space<vmem>>
      %dma_wait3A_570 = tpu.memref_squeeze %dma_wait3A_569 : memref<1x5x80xi32, #tpu.memory_space<vmem>> -> memref<5x80xi32, #tpu.memory_space<vmem>>
      %dma_wait3A_571 = arith.constant 0 : i32
      %dma_wait3A_572 = arith.constant 0 : i32
      %dma_wait3A_573 = tpu.memref_slice %arg3[%add3A, %run_scoped3A, %dma_wait3A_571, %dma_wait3A_572] : memref<32x25x5x80xi32, #tpu.memory_space<hbm>> -> memref<1x1x5x80xi32, #tpu.memory_space<hbm>>
      %dma_wait3A_574 = tpu.memref_squeeze %dma_wait3A_573 : memref<1x1x5x80xi32, #tpu.memory_space<hbm>> -> memref<5x80xi32, #tpu.memory_space<hbm>>
      tpu.wait_dma2 semaphore(%run_scoped3A_542 : memref<!tpu.dma_semaphore, #tpu.memory_space<semaphore_mem>>) src(%dma_wait3A_574 : memref<5x80xi32, #tpu.memory_space<hbm>>) dst(%dma_wait3A_570 : memref<5x80xi32, #tpu.memory_space<vmem>>)
      tpu.yield
    }) : () -> ()
    %run_scoped3A_3 = arith.constant 0 : i32
    %run_scoped3A_4 = arith.constant 0 : i32
    "tpu.region"() ({
      %run_scoped3A_542 = tpu.sem_alloc : memref<!tpu.dma_semaphore, #tpu.memory_space<semaphore_mem>>
      %dma_start3A_543 = arith.constant 0 : i32
      %dma_start3A_544 = arith.constant 0 : i32
      %dma_start3A_545 = tpu.memref_slice %arg7[%run_scoped3A_4, %dma_start3A_543, %dma_start3A_544] : memref<2x5x80xi32, #tpu.memory_space<vmem>> -> memref<1x5x80xi32, #tpu.memory_space<vmem>>
      %dma_start3A_546 = tpu.memref_squeeze %dma_start3A_545 : memref<1x5x80xi32, #tpu.memory_space<vmem>> -> memref<5x80xi32, #tpu.memory_space<vmem>>
      %dma_start3A_547 = arith.constant 0 : i32
      %dma_start3A_548 = arith.constant 0 : i32
      %dma_start3A_549 = tpu.memref_slice %arg4[%add3A, %run_scoped3A_3, %dma_start3A_547, %dma_start3A_548] : memref<32x25x5x80xi32, #tpu.memory_space<hbm>> -> memref<1x1x5x80xi32, #tpu.memory_space<hbm>>
      %dma_start3A_550 = tpu.memref_squeeze %dma_start3A_549 : memref<1x1x5x80xi32, #tpu.memory_space<hbm>> -> memref<5x80xi32, #tpu.memory_space<hbm>>
      %dma_start3A_551 = arith.constant 0 : i32
      %dma_start3A_552 = arith.constant 0 : i32
      %dma_start3A_553 = tpu.memref_slice %arg7[%run_scoped3A_4, %dma_start3A_551, %dma_start3A_552] : memref<2x5x80xi32, #tpu.memory_space<vmem>> -> memref<1x5x80xi32, #tpu.memory_space<vmem>>
      %dma_start3A_554 = tpu.memref_squeeze %dma_start3A_553 : memref<1x5x80xi32, #tpu.memory_space<vmem>> -> memref<5x80xi32, #tpu.memory_space<vmem>>
      %dma_start3A_555 = arith.constant 0 : i32
      %dma_start3A_556 = arith.constant 0 : i32
      %dma_start3A_557 = tpu.memref_slice %arg4[%add3A, %run_scoped3A_3, %dma_start3A_555, %dma_start3A_556] : memref<32x25x5x80xi32, #tpu.memory_space<hbm>> -> memref<1x1x5x80xi32, #tpu.memory_space<hbm>>
      %dma_start3A_558 = tpu.memref_squeeze %dma_start3A_557 : memref<1x1x5x80xi32, #tpu.memory_space<hbm>> -> memref<5x80xi32, #tpu.memory_space<hbm>>
      tpu.enqueue_dma source(%dma_start3A_558 : memref<5x80xi32, #tpu.memory_space<hbm>>) target(%dma_start3A_554 : memref<5x80xi32, #tpu.memory_space<vmem>>) target_semaphore(%run_scoped3A_542 : memref<!tpu.dma_semaphore, #tpu.memory_space<semaphore_mem>>)
      %dma_wait3A_559 = arith.constant 0 : i32
      %dma_wait3A_560 = arith.constant 0 : i32
      %dma_wait3A_561 = tpu.memref_slice %arg7[%run_scoped3A_4, %dma_wait3A_559, %dma_wait3A_560] : memref<2x5x80xi32, #tpu.memory_space<vmem>> -> memref<1x5x80xi32, #tpu.memory_space<vmem>>
      %dma_wait3A_562 = tpu.memref_squeeze %dma_wait3A_561 : memref<1x5x80xi32, #tpu.memory_space<vmem>> -> memref<5x80xi32, #tpu.memory_space<vmem>>
      %dma_wait3A_563 = arith.constant 0 : i32
      %dma_wait3A_564 = arith.constant 0 : i32
      %dma_wait3A_565 = tpu.memref_slice %arg4[%add3A, %run_scoped3A_3, %dma_wait3A_563, %dma_wait3A_564] : memref<32x25x5x80xi32, #tpu.memory_space<hbm>> -> memref<1x1x5x80xi32, #tpu.memory_space<hbm>>
      %dma_wait3A_566 = tpu.memref_squeeze %dma_wait3A_565 : memref<1x1x5x80xi32, #tpu.memory_space<hbm>> -> memref<5x80xi32, #tpu.memory_space<hbm>>
      %dma_wait3A_567 = arith.constant 0 : i32
      %dma_wait3A_568 = arith.constant 0 : i32
      %dma_wait3A_569 = tpu.memref_slice %arg7[%run_scoped3A_4, %dma_wait3A_567, %dma_wait3A_568] : memref<2x5x80xi32, #tpu.memory_space<vmem>> -> memref<1x5x80xi32, #tpu.memory_space<vmem>>
      %dma_wait3A_570 = tpu.memref_squeeze %dma_wait3A_569 : memref<1x5x80xi32, #tpu.memory_space<vmem>> -> memref<5x80xi32, #tpu.memory_space<vmem>>
      %dma_wait3A_571 = arith.constant 0 : i32
      %dma_wait3A_572 = arith.constant 0 : i32
      %dma_wait3A_573 = tpu.memref_slice %arg4[%add3A, %run_scoped3A_3, %dma_wait3A_571, %dma_wait3A_572] : memref<32x25x5x80xi32, #tpu.memory_space<hbm>> -> memref<1x1x5x80xi32, #tpu.memory_space<hbm>>
      %dma_wait3A_574 = tpu.memref_squeeze %dma_wait3A_573 : memref<1x1x5x80xi32, #tpu.memory_space<hbm>> -> memref<5x80xi32, #tpu.memory_space<hbm>>
      tpu.wait_dma2 semaphore(%run_scoped3A_542 : memref<!tpu.dma_semaphore, #tpu.memory_space<semaphore_mem>>) src(%dma_wait3A_574 : memref<5x80xi32, #tpu.memory_space<hbm>>) dst(%dma_wait3A_570 : memref<5x80xi32, #tpu.memory_space<vmem>>)
      tpu.yield
    }) : () -> ()
    %dma_start3A = arith.constant 0 : i32
    %dma_start3A_5 = arith.constant 0 : i32
    %dma_start3A_6 = arith.constant 0 : i32
    %dma_start3A_7 = arith.constant 0 : i32
    %dma_start3A_8 = arith.constant 0 : i32
    %dma_start3A_9 = arith.constant 0 : i32
    %dma_start3A_10 = tpu.memref_slice %arg8[%dma_start3A_6, %dma_start3A_8, %dma_start3A_9] : memref<3x80x128xf32, #tpu.memory_space<vmem>> -> memref<1x80x128xf32, #tpu.memory_space<vmem>>
    %dma_start3A_11 = tpu.memref_squeeze %dma_start3A_10 : memref<1x80x128xf32, #tpu.memory_space<vmem>> -> memref<80x128xf32, #tpu.memory_space<vmem>>
    %dma_start3A_12 = arith.constant 0 : i32
    %dma_start3A_13 = tpu.memref_slice %arg6[%dma_start3A, %dma_start3A_5, %dma_start3A_12] : memref<2x5x80xi32, #tpu.memory_space<vmem>> -> memref<1x1x80xi32, #tpu.memory_space<vmem>>
    %dma_start3A_14 = tpu.memref_squeeze %dma_start3A_13 : memref<1x1x80xi32, #tpu.memory_space<vmem>> -> memref<80xi32, #tpu.memory_space<vmem>>
    %dma_start3A_15 = arith.constant 0 : i32
    %dma_start3A_16 = arith.constant 0 : i32
    %dma_start3A_17 = tpu.memref_slice %arg2[%dma_start3A_15, %dma_start3A_16] : memref<10000x128xf32, #tpu.memory_space<hbm>> -> memref<10000x128xf32, #tpu.memory_space<hbm>>
    %dma_start3A_18 = tpu.memref_slice %arg11[%dma_start3A_7] : memref<3x!tpu.dma_semaphore, #tpu.memory_space<semaphore_mem>> -> memref<1x!tpu.dma_semaphore, #tpu.memory_space<semaphore_mem>>
    %dma_start3A_19 = tpu.memref_squeeze %dma_start3A_18 : memref<1x!tpu.dma_semaphore, #tpu.memory_space<semaphore_mem>> -> memref<!tpu.dma_semaphore, #tpu.memory_space<semaphore_mem>>
    tpu.enqueue_indirect_dma source(%dma_start3A_17 : memref<10000x128xf32, #tpu.memory_space<hbm>>) target(%dma_start3A_11 : memref<80x128xf32, #tpu.memory_space<vmem>>) offsets(%dma_start3A_14 : memref<80xi32, #tpu.memory_space<vmem>>) semaphore(%dma_start3A_19 : memref<!tpu.dma_semaphore, #tpu.memory_space<semaphore_mem>>)
    %dma_start3A_20 = arith.constant 0 : i32
    %dma_start3A_21 = arith.constant 1 : i32
    %dma_start3A_22 = arith.constant 1 : i32
    %dma_start3A_23 = arith.constant 1 : i32
    %dma_start3A_24 = arith.constant 0 : i32
    %dma_start3A_25 = arith.constant 0 : i32
    %dma_start3A_26 = tpu.memref_slice %arg8[%dma_start3A_22, %dma_start3A_24, %dma_start3A_25] : memref<3x80x128xf32, #tpu.memory_space<vmem>> -> memref<1x80x128xf32, #tpu.memory_space<vmem>>
    %dma_start3A_27 = tpu.memref_squeeze %dma_start3A_26 : memref<1x80x128xf32, #tpu.memory_space<vmem>> -> memref<80x128xf32, #tpu.memory_space<vmem>>
    %dma_start3A_28 = arith.constant 0 : i32
    %dma_start3A_29 = tpu.memref_slice %arg6[%dma_start3A_20, %dma_start3A_21, %dma_start3A_28] : memref<2x5x80xi32, #tpu.memory_space<vmem>> -> memref<1x1x80xi32, #tpu.memory_space<vmem>>
    %dma_start3A_30 = tpu.memref_squeeze %dma_start3A_29 : memref<1x1x80xi32, #tpu.memory_space<vmem>> -> memref<80xi32, #tpu.memory_space<vmem>>
    %dma_start3A_31 = arith.constant 0 : i32
    %dma_start3A_32 = arith.constant 0 : i32
    %dma_start3A_33 = tpu.memref_slice %arg2[%dma_start3A_31, %dma_start3A_32] : memref<10000x128xf32, #tpu.memory_space<hbm>> -> memref<10000x128xf32, #tpu.memory_space<hbm>>
    %dma_start3A_34 = tpu.memref_slice %arg11[%dma_start3A_23] : memref<3x!tpu.dma_semaphore, #tpu.memory_space<semaphore_mem>> -> memref<1x!tpu.dma_semaphore, #tpu.memory_space<semaphore_mem>>
    %dma_start3A_35 = tpu.memref_squeeze %dma_start3A_34 : memref<1x!tpu.dma_semaphore, #tpu.memory_space<semaphore_mem>> -> memref<!tpu.dma_semaphore, #tpu.memory_space<semaphore_mem>>
    tpu.enqueue_indirect_dma source(%dma_start3A_33 : memref<10000x128xf32, #tpu.memory_space<hbm>>) target(%dma_start3A_27 : memref<80x128xf32, #tpu.memory_space<vmem>>) offsets(%dma_start3A_30 : memref<80xi32, #tpu.memory_space<vmem>>) semaphore(%dma_start3A_35 : memref<!tpu.dma_semaphore, #tpu.memory_space<semaphore_mem>>)
    %scan3A = arith.constant 0 : i32
    %scan3A_36 = arith.constant 0 : i32
    %scan3A_37 = arith.constant 16 : i32
    %scan3A_38 = arith.addi %scan3A_36, %scan3A_37 : i32
    %scan3A_39 = arith.constant 1 : i32
    scf.for %scan3A_542 = %scan3A_36 to %scan3A_38 step %scan3A_39  : i32 {
      %swap3A = arith.index_cast %scan3A_542 : i32 to index
      %swap3A_543 = arith.constant 0 : index
      %swap3A_544 = tpu.vector_load %arg9[%swap3A, %swap3A_543] {strides = array<i32>} : memref<16x128xf32, #tpu.memory_space<vmem>>, vector<1x16xf32>,
      %swap3A_545 = vector.shape_cast %swap3A_544 : vector<1x16xf32> to vector<16xf32>
      %swap3A_546 = vector.shape_cast %broadcast_in_dim3A_1 : vector<16xf32> to vector<1x16xf32>
      tpu.vector_store %arg9[%swap3A, %swap3A_543], %swap3A_546 {strides = array<i32>} : memref<16x128xf32, #tpu.memory_space<vmem>>, vector<1x16xf32>,
      %swap3A_547 = arith.index_cast %scan3A_542 : i32 to index
      %swap3A_548 = arith.constant 16 : index
      %swap3A_549 = tpu.vector_load %arg9[%swap3A_547, %swap3A_548] {strides = array<i32>} : memref<16x128xf32, #tpu.memory_space<vmem>>, vector<1x16xf32>,
      %swap3A_550 = vector.shape_cast %swap3A_549 : vector<1x16xf32> to vector<16xf32>
      %swap3A_551 = vector.shape_cast %broadcast_in_dim3A_1 : vector<16xf32> to vector<1x16xf32>
      tpu.vector_store %arg9[%swap3A_547, %swap3A_548], %swap3A_551 {strides = array<i32>} : memref<16x128xf32, #tpu.memory_space<vmem>>, vector<1x16xf32>,
      %swap3A_552 = arith.index_cast %scan3A_542 : i32 to index
      %swap3A_553 = arith.constant 32 : index
      %swap3A_554 = tpu.vector_load %arg9[%swap3A_552, %swap3A_553] {strides = array<i32>} : memref<16x128xf32, #tpu.memory_space<vmem>>, vector<1x16xf32>,
      %swap3A_555 = vector.shape_cast %swap3A_554 : vector<1x16xf32> to vector<16xf32>
      %swap3A_556 = vector.shape_cast %broadcast_in_dim3A_1 : vector<16xf32> to vector<1x16xf32>
      tpu.vector_store %arg9[%swap3A_552, %swap3A_553], %swap3A_556 {strides = array<i32>} : memref<16x128xf32, #tpu.memory_space<vmem>>, vector<1x16xf32>,
      %swap3A_557 = arith.index_cast %scan3A_542 : i32 to index
      %swap3A_558 = arith.constant 48 : index
      %swap3A_559 = tpu.vector_load %arg9[%swap3A_557, %swap3A_558] {strides = array<i32>} : memref<16x128xf32, #tpu.memory_space<vmem>>, vector<1x16xf32>,
      %swap3A_560 = vector.shape_cast %swap3A_559 : vector<1x16xf32> to vector<16xf32>
      %swap3A_561 = vector.shape_cast %broadcast_in_dim3A_1 : vector<16xf32> to vector<1x16xf32>
      tpu.vector_store %arg9[%swap3A_557, %swap3A_558], %swap3A_561 {strides = array<i32>} : memref<16x128xf32, #tpu.memory_space<vmem>>, vector<1x16xf32>,
      %swap3A_562 = arith.index_cast %scan3A_542 : i32 to index
      %swap3A_563 = arith.constant 64 : index
      %swap3A_564 = tpu.vector_load %arg9[%swap3A_562, %swap3A_563] {strides = array<i32>} : memref<16x128xf32, #tpu.memory_space<vmem>>, vector<1x16xf32>,
      %swap3A_565 = vector.shape_cast %swap3A_564 : vector<1x16xf32> to vector<16xf32>
      %swap3A_566 = vector.shape_cast %broadcast_in_dim3A_1 : vector<16xf32> to vector<1x16xf32>
      tpu.vector_store %arg9[%swap3A_562, %swap3A_563], %swap3A_566 {strides = array<i32>} : memref<16x128xf32, #tpu.memory_space<vmem>>, vector<1x16xf32>,
      %swap3A_567 = arith.index_cast %scan3A_542 : i32 to index
      %swap3A_568 = arith.constant 80 : index
      %swap3A_569 = tpu.vector_load %arg9[%swap3A_567, %swap3A_568] {strides = array<i32>} : memref<16x128xf32, #tpu.memory_space<vmem>>, vector<1x16xf32>,
      %swap3A_570 = vector.shape_cast %swap3A_569 : vector<1x16xf32> to vector<16xf32>
      %swap3A_571 = vector.shape_cast %broadcast_in_dim3A_1 : vector<16xf32> to vector<1x16xf32>
      tpu.vector_store %arg9[%swap3A_567, %swap3A_568], %swap3A_571 {strides = array<i32>} : memref<16x128xf32, #tpu.memory_space<vmem>>, vector<1x16xf32>,
      %swap3A_572 = arith.index_cast %scan3A_542 : i32 to index
      %swap3A_573 = arith.constant 96 : index
      %swap3A_574 = tpu.vector_load %arg9[%swap3A_572, %swap3A_573] {strides = array<i32>} : memref<16x128xf32, #tpu.memory_space<vmem>>, vector<1x16xf32>,
      %swap3A_575 = vector.shape_cast %swap3A_574 : vector<1x16xf32> to vector<16xf32>
      %swap3A_576 = vector.shape_cast %broadcast_in_dim3A_1 : vector<16xf32> to vector<1x16xf32>
      tpu.vector_store %arg9[%swap3A_572, %swap3A_573], %swap3A_576 {strides = array<i32>} : memref<16x128xf32, #tpu.memory_space<vmem>>, vector<1x16xf32>,
      %swap3A_577 = arith.index_cast %scan3A_542 : i32 to index
      %swap3A_578 = arith.constant 112 : index
      %swap3A_579 = tpu.vector_load %arg9[%swap3A_577, %swap3A_578] {strides = array<i32>} : memref<16x128xf32, #tpu.memory_space<vmem>>, vector<1x16xf32>,
      %swap3A_580 = vector.shape_cast %swap3A_579 : vector<1x16xf32> to vector<16xf32>
      %swap3A_581 = vector.shape_cast %broadcast_in_dim3A_1 : vector<16xf32> to vector<1x16xf32>
      tpu.vector_store %arg9[%swap3A_577, %swap3A_578], %swap3A_581 {strides = array<i32>} : memref<16x128xf32, #tpu.memory_space<vmem>>, vector<1x16xf32>,
    }
    %scan3A_40 = arith.constant 16 : i32
    %mul3A_41 = arith.constant 624 : i32
    %mul3A_42 = arith.muli %arg1, %mul3A_41 : i32
    %multiple_of3A = tpu.assume_multiple %mul3A_42, 8 : i32
    %add3A_43 = arith.constant 0 : i32
    %add3A_44 = arith.addi %multiple_of3A, %add3A_43 : i32
    %dma_start3A_45 = arith.constant 0 : i32
    %dma_start3A_46 = tpu.memref_slice %arg10[%add3A_44, %dma_start3A_45] : memref<10000x128xf32, #tpu.memory_space<vmem_shared>> -> memref<16x128xf32, #tpu.memory_space<vmem_shared>>
    %dma_start3A_47 = arith.constant 0 : i32
    %dma_start3A_48 = tpu.memref_slice %arg10[%add3A_44, %dma_start3A_47] : memref<10000x128xf32, #tpu.memory_space<vmem_shared>> -> memref<16x128xf32, #tpu.memory_space<vmem_shared>>
    tpu.enqueue_dma source(%arg9 : memref<16x128xf32, #tpu.memory_space<vmem>>) target(%dma_start3A_48 : memref<16x128xf32, #tpu.memory_space<vmem_shared>>) target_semaphore(%arg13 : memref<!tpu.dma_semaphore, #tpu.memory_space<semaphore_mem>>)
    %add3A_49 = arith.constant 16 : i32
    %add3A_50 = arith.addi %multiple_of3A, %add3A_49 : i32
    %dma_start3A_51 = arith.constant 0 : i32
    %dma_start3A_52 = tpu.memref_slice %arg10[%add3A_50, %dma_start3A_51] : memref<10000x128xf32, #tpu.memory_space<vmem_shared>> -> memref<16x128xf32, #tpu.memory_space<vmem_shared>>
    %dma_start3A_53 = arith.constant 0 : i32
    %dma_start3A_54 = tpu.memref_slice %arg10[%add3A_50, %dma_start3A_53] : memref<10000x128xf32, #tpu.memory_space<vmem_shared>> -> memref<16x128xf32, #tpu.memory_space<vmem_shared>>
    tpu.enqueue_dma source(%arg9 : memref<16x128xf32, #tpu.memory_space<vmem>>) target(%dma_start3A_54 : memref<16x128xf32, #tpu.memory_space<vmem_shared>>) target_semaphore(%arg13 : memref<!tpu.dma_semaphore, #tpu.memory_space<semaphore_mem>>)
    %add3A_55 = arith.constant 32 : i32
    %add3A_56 = arith.addi %multiple_of3A, %add3A_55 : i32
    %dma_start3A_57 = arith.constant 0 : i32
    %dma_start3A_58 = tpu.memref_slice %arg10[%add3A_56, %dma_start3A_57] : memref<10000x128xf32, #tpu.memory_space<vmem_shared>> -> memref<16x128xf32, #tpu.memory_space<vmem_shared>>
    %dma_start3A_59 = arith.constant 0 : i32
    %dma_start3A_60 = tpu.memref_slice %arg10[%add3A_56, %dma_start3A_59] : memref<10000x128xf32, #tpu.memory_space<vmem_shared>> -> memref<16x128xf32, #tpu.memory_space<vmem_shared>>
    tpu.enqueue_dma source(%arg9 : memref<16x128xf32, #tpu.memory_space<vmem>>) target(%dma_start3A_60 : memref<16x128xf32, #tpu.memory_space<vmem_shared>>) target_semaphore(%arg13 : memref<!tpu.dma_semaphore, #tpu.memory_space<semaphore_mem>>)
    %add3A_61 = arith.constant 48 : i32
    %add3A_62 = arith.addi %multiple_of3A, %add3A_61 : i32
    %dma_start3A_63 = arith.constant 0 : i32
    %dma_start3A_64 = tpu.memref_slice %arg10[%add3A_62, %dma_start3A_63] : memref<10000x128xf32, #tpu.memory_space<vmem_shared>> -> memref<16x128xf32, #tpu.memory_space<vmem_shared>>
    %dma_start3A_65 = arith.constant 0 : i32
    %dma_start3A_66 = tpu.memref_slice %arg10[%add3A_62, %dma_start3A_65] : memref<10000x128xf32, #tpu.memory_space<vmem_shared>> -> memref<16x128xf32, #tpu.memory_space<vmem_shared>>
    tpu.enqueue_dma source(%arg9 : memref<16x128xf32, #tpu.memory_space<vmem>>) target(%dma_start3A_66 : memref<16x128xf32, #tpu.memory_space<vmem_shared>>) target_semaphore(%arg13 : memref<!tpu.dma_semaphore, #tpu.memory_space<semaphore_mem>>)
    %add3A_67 = arith.constant 64 : i32
    %add3A_68 = arith.addi %multiple_of3A, %add3A_67 : i32
    %dma_start3A_69 = arith.constant 0 : i32
    %dma_start3A_70 = tpu.memref_slice %arg10[%add3A_68, %dma_start3A_69] : memref<10000x128xf32, #tpu.memory_space<vmem_shared>> -> memref<16x128xf32, #tpu.memory_space<vmem_shared>>
    %dma_start3A_71 = arith.constant 0 : i32
    %dma_start3A_72 = tpu.memref_slice %arg10[%add3A_68, %dma_start3A_71] : memref<10000x128xf32, #tpu.memory_space<vmem_shared>> -> memref<16x128xf32, #tpu.memory_space<vmem_shared>>
    tpu.enqueue_dma source(%arg9 : memref<16x128xf32, #tpu.memory_space<vmem>>) target(%dma_start3A_72 : memref<16x128xf32, #tpu.memory_space<vmem_shared>>) target_semaphore(%arg13 : memref<!tpu.dma_semaphore, #tpu.memory_space<semaphore_mem>>)
    %add3A_73 = arith.constant 80 : i32
    %add3A_74 = arith.addi %multiple_of3A, %add3A_73 : i32
    %dma_start3A_75 = arith.constant 0 : i32
    %dma_start3A_76 = tpu.memref_slice %arg10[%add3A_74, %dma_start3A_75] : memref<10000x128xf32, #tpu.memory_space<vmem_shared>> -> memref<16x128xf32, #tpu.memory_space<vmem_shared>>
    %dma_start3A_77 = arith.constant 0 : i32
    %dma_start3A_78 = tpu.memref_slice %arg10[%add3A_74, %dma_start3A_77] : memref<10000x128xf32, #tpu.memory_space<vmem_shared>> -> memref<16x128xf32, #tpu.memory_space<vmem_shared>>
    tpu.enqueue_dma source(%arg9 : memref<16x128xf32, #tpu.memory_space<vmem>>) target(%dma_start3A_78 : memref<16x128xf32, #tpu.memory_space<vmem_shared>>) target_semaphore(%arg13 : memref<!tpu.dma_semaphore, #tpu.memory_space<semaphore_mem>>)
    %add3A_79 = arith.constant 96 : i32
    %add3A_80 = arith.addi %multiple_of3A, %add3A_79 : i32
    %dma_start3A_81 = arith.constant 0 : i32
    %dma_start3A_82 = tpu.memref_slice %arg10[%add3A_80, %dma_start3A_81] : memref<10000x128xf32, #tpu.memory_space<vmem_shared>> -> memref<16x128xf32, #tpu.memory_space<vmem_shared>>
    %dma_start3A_83 = arith.constant 0 : i32
    %dma_start3A_84 = tpu.memref_slice %arg10[%add3A_80, %dma_start3A_83] : memref<10000x128xf32, #tpu.memory_space<vmem_shared>> -> memref<16x128xf32, #tpu.memory_space<vmem_shared>>
    tpu.enqueue_dma source(%arg9 : memref<16x128xf32, #tpu.memory_space<vmem>>) target(%dma_start3A_84 : memref<16x128xf32, #tpu.memory_space<vmem_shared>>) target_semaphore(%arg13 : memref<!tpu.dma_semaphore, #tpu.memory_space<semaphore_mem>>)
    %add3A_85 = arith.constant 112 : i32
    %add3A_86 = arith.addi %multiple_of3A, %add3A_85 : i32
    %dma_start3A_87 = arith.constant 0 : i32
    %dma_start3A_88 = tpu.memref_slice %arg10[%add3A_86, %dma_start3A_87] : memref<10000x128xf32, #tpu.memory_space<vmem_shared>> -> memref<16x128xf32, #tpu.memory_space<vmem_shared>>
    %dma_start3A_89 = arith.constant 0 : i32
    %dma_start3A_90 = tpu.memref_slice %arg10[%add3A_86, %dma_start3A_89] : memref<10000x128xf32, #tpu.memory_space<vmem_shared>> -> memref<16x128xf32, #tpu.memory_space<vmem_shared>>
    tpu.enqueue_dma source(%arg9 : memref<16x128xf32, #tpu.memory_space<vmem>>) target(%dma_start3A_90 : memref<16x128xf32, #tpu.memory_space<vmem_shared>>) target_semaphore(%arg13 : memref<!tpu.dma_semaphore, #tpu.memory_space<semaphore_mem>>)
    %add3A_91 = arith.constant 128 : i32
    %add3A_92 = arith.addi %multiple_of3A, %add3A_91 : i32
    %dma_start3A_93 = arith.constant 0 : i32
    %dma_start3A_94 = tpu.memref_slice %arg10[%add3A_92, %dma_start3A_93] : memref<10000x128xf32, #tpu.memory_space<vmem_shared>> -> memref<16x128xf32, #tpu.memory_space<vmem_shared>>
    %dma_start3A_95 = arith.constant 0 : i32
    %dma_start3A_96 = tpu.memref_slice %arg10[%add3A_92, %dma_start3A_95] : memref<10000x128xf32, #tpu.memory_space<vmem_shared>> -> memref<16x128xf32, #tpu.memory_space<vmem_shared>>
    tpu.enqueue_dma source(%arg9 : memref<16x128xf32, #tpu.memory_space<vmem>>) target(%dma_start3A_96 : memref<16x128xf32, #tpu.memory_space<vmem_shared>>) target_semaphore(%arg13 : memref<!tpu.dma_semaphore, #tpu.memory_space<semaphore_mem>>)
    %add3A_97 = arith.constant 144 : i32
    %add3A_98 = arith.addi %multiple_of3A, %add3A_97 : i32
    %dma_start3A_99 = arith.constant 0 : i32
    %dma_start3A_100 = tpu.memref_slice %arg10[%add3A_98, %dma_start3A_99] : memref<10000x128xf32, #tpu.memory_space<vmem_shared>> -> memref<16x128xf32, #tpu.memory_space<vmem_shared>>
    %dma_start3A_101 = arith.constant 0 : i32
    %dma_start3A_102 = tpu.memref_slice %arg10[%add3A_98, %dma_start3A_101] : memref<10000x128xf32, #tpu.memory_space<vmem_shared>> -> memref<16x128xf32, #tpu.memory_space<vmem_shared>>
    tpu.enqueue_dma source(%arg9 : memref<16x128xf32, #tpu.memory_space<vmem>>) target(%dma_start3A_102 : memref<16x128xf32, #tpu.memory_space<vmem_shared>>) target_semaphore(%arg13 : memref<!tpu.dma_semaphore, #tpu.memory_space<semaphore_mem>>)
    %add3A_103 = arith.constant 160 : i32
    %add3A_104 = arith.addi %multiple_of3A, %add3A_103 : i32
    %dma_start3A_105 = arith.constant 0 : i32
    %dma_start3A_106 = tpu.memref_slice %arg10[%add3A_104, %dma_start3A_105] : memref<10000x128xf32, #tpu.memory_space<vmem_shared>> -> memref<16x128xf32, #tpu.memory_space<vmem_shared>>
    %dma_start3A_107 = arith.constant 0 : i32
    %dma_start3A_108 = tpu.memref_slice %arg10[%add3A_104, %dma_start3A_107] : memref<10000x128xf32, #tpu.memory_space<vmem_shared>> -> memref<16x128xf32, #tpu.memory_space<vmem_shared>>
    tpu.enqueue_dma source(%arg9 : memref<16x128xf32, #tpu.memory_space<vmem>>) target(%dma_start3A_108 : memref<16x128xf32, #tpu.memory_space<vmem_shared>>) target_semaphore(%arg13 : memref<!tpu.dma_semaphore, #tpu.memory_space<semaphore_mem>>)
    %add3A_109 = arith.constant 176 : i32
    %add3A_110 = arith.addi %multiple_of3A, %add3A_109 : i32
    %dma_start3A_111 = arith.constant 0 : i32
    %dma_start3A_112 = tpu.memref_slice %arg10[%add3A_110, %dma_start3A_111] : memref<10000x128xf32, #tpu.memory_space<vmem_shared>> -> memref<16x128xf32, #tpu.memory_space<vmem_shared>>
    %dma_start3A_113 = arith.constant 0 : i32
    %dma_start3A_114 = tpu.memref_slice %arg10[%add3A_110, %dma_start3A_113] : memref<10000x128xf32, #tpu.memory_space<vmem_shared>> -> memref<16x128xf32, #tpu.memory_space<vmem_shared>>
    tpu.enqueue_dma source(%arg9 : memref<16x128xf32, #tpu.memory_space<vmem>>) target(%dma_start3A_114 : memref<16x128xf32, #tpu.memory_space<vmem_shared>>) target_semaphore(%arg13 : memref<!tpu.dma_semaphore, #tpu.memory_space<semaphore_mem>>)
    %add3A_115 = arith.constant 192 : i32
    %add3A_116 = arith.addi %multiple_of3A, %add3A_115 : i32
    %dma_start3A_117 = arith.constant 0 : i32
    %dma_start3A_118 = tpu.memref_slice %arg10[%add3A_116, %dma_start3A_117] : memref<10000x128xf32, #tpu.memory_space<vmem_shared>> -> memref<16x128xf32, #tpu.memory_space<vmem_shared>>
    %dma_start3A_119 = arith.constant 0 : i32
    %dma_start3A_120 = tpu.memref_slice %arg10[%add3A_116, %dma_start3A_119] : memref<10000x128xf32, #tpu.memory_space<vmem_shared>> -> memref<16x128xf32, #tpu.memory_space<vmem_shared>>
    tpu.enqueue_dma source(%arg9 : memref<16x128xf32, #tpu.memory_space<vmem>>) target(%dma_start3A_120 : memref<16x128xf32, #tpu.memory_space<vmem_shared>>) target_semaphore(%arg13 : memref<!tpu.dma_semaphore, #tpu.memory_space<semaphore_mem>>)
    %add3A_121 = arith.constant 208 : i32
    %add3A_122 = arith.addi %multiple_of3A, %add3A_121 : i32
    %dma_start3A_123 = arith.constant 0 : i32
    %dma_start3A_124 = tpu.memref_slice %arg10[%add3A_122, %dma_start3A_123] : memref<10000x128xf32, #tpu.memory_space<vmem_shared>> -> memref<16x128xf32, #tpu.memory_space<vmem_shared>>
    %dma_start3A_125 = arith.constant 0 : i32
    %dma_start3A_126 = tpu.memref_slice %arg10[%add3A_122, %dma_start3A_125] : memref<10000x128xf32, #tpu.memory_space<vmem_shared>> -> memref<16x128xf32, #tpu.memory_space<vmem_shared>>
    tpu.enqueue_dma source(%arg9 : memref<16x128xf32, #tpu.memory_space<vmem>>) target(%dma_start3A_126 : memref<16x128xf32, #tpu.memory_space<vmem_shared>>) target_semaphore(%arg13 : memref<!tpu.dma_semaphore, #tpu.memory_space<semaphore_mem>>)
    %add3A_127 = arith.constant 224 : i32
    %add3A_128 = arith.addi %multiple_of3A, %add3A_127 : i32
    %dma_start3A_129 = arith.constant 0 : i32
    %dma_start3A_130 = tpu.memref_slice %arg10[%add3A_128, %dma_start3A_129] : memref<10000x128xf32, #tpu.memory_space<vmem_shared>> -> memref<16x128xf32, #tpu.memory_space<vmem_shared>>
    %dma_start3A_131 = arith.constant 0 : i32
    %dma_start3A_132 = tpu.memref_slice %arg10[%add3A_128, %dma_start3A_131] : memref<10000x128xf32, #tpu.memory_space<vmem_shared>> -> memref<16x128xf32, #tpu.memory_space<vmem_shared>>
    tpu.enqueue_dma source(%arg9 : memref<16x128xf32, #tpu.memory_space<vmem>>) target(%dma_start3A_132 : memref<16x128xf32, #tpu.memory_space<vmem_shared>>) target_semaphore(%arg13 : memref<!tpu.dma_semaphore, #tpu.memory_space<semaphore_mem>>)
    %add3A_133 = arith.constant 240 : i32
    %add3A_134 = arith.addi %multiple_of3A, %add3A_133 : i32
    %dma_start3A_135 = arith.constant 0 : i32
    %dma_start3A_136 = tpu.memref_slice %arg10[%add3A_134, %dma_start3A_135] : memref<10000x128xf32, #tpu.memory_space<vmem_shared>> -> memref<16x128xf32, #tpu.memory_space<vmem_shared>>
    %dma_start3A_137 = arith.constant 0 : i32
    %dma_start3A_138 = tpu.memref_slice %arg10[%add3A_134, %dma_start3A_137] : memref<10000x128xf32, #tpu.memory_space<vmem_shared>> -> memref<16x128xf32, #tpu.memory_space<vmem_shared>>
    tpu.enqueue_dma source(%arg9 : memref<16x128xf32, #tpu.memory_space<vmem>>) target(%dma_start3A_138 : memref<16x128xf32, #tpu.memory_space<vmem_shared>>) target_semaphore(%arg13 : memref<!tpu.dma_semaphore, #tpu.memory_space<semaphore_mem>>)
    %add3A_139 = arith.constant 256 : i32
    %add3A_140 = arith.addi %multiple_of3A, %add3A_139 : i32
    %dma_start3A_141 = arith.constant 0 : i32
    %dma_start3A_142 = tpu.memref_slice %arg10[%add3A_140, %dma_start3A_141] : memref<10000x128xf32, #tpu.memory_space<vmem_shared>> -> memref<16x128xf32, #tpu.memory_space<vmem_shared>>
    %dma_start3A_143 = arith.constant 0 : i32
    %dma_start3A_144 = tpu.memref_slice %arg10[%add3A_140, %dma_start3A_143] : memref<10000x128xf32, #tpu.memory_space<vmem_shared>> -> memref<16x128xf32, #tpu.memory_space<vmem_shared>>
    tpu.enqueue_dma source(%arg9 : memref<16x128xf32, #tpu.memory_space<vmem>>) target(%dma_start3A_144 : memref<16x128xf32, #tpu.memory_space<vmem_shared>>) target_semaphore(%arg13 : memref<!tpu.dma_semaphore, #tpu.memory_space<semaphore_mem>>)
    %add3A_145 = arith.constant 272 : i32
    %add3A_146 = arith.addi %multiple_of3A, %add3A_145 : i32
    %dma_start3A_147 = arith.constant 0 : i32
    %dma_start3A_148 = tpu.memref_slice %arg10[%add3A_146, %dma_start3A_147] : memref<10000x128xf32, #tpu.memory_space<vmem_shared>> -> memref<16x128xf32, #tpu.memory_space<vmem_shared>>
    %dma_start3A_149 = arith.constant 0 : i32
    %dma_start3A_150 = tpu.memref_slice %arg10[%add3A_146, %dma_start3A_149] : memref<10000x128xf32, #tpu.memory_space<vmem_shared>> -> memref<16x128xf32, #tpu.memory_space<vmem_shared>>
    tpu.enqueue_dma source(%arg9 : memref<16x128xf32, #tpu.memory_space<vmem>>) target(%dma_start3A_150 : memref<16x128xf32, #tpu.memory_space<vmem_shared>>) target_semaphore(%arg13 : memref<!tpu.dma_semaphore, #tpu.memory_space<semaphore_mem>>)
    %add3A_151 = arith.constant 288 : i32
    %add3A_152 = arith.addi %multiple_of3A, %add3A_151 : i32
    %dma_start3A_153 = arith.constant 0 : i32
    %dma_start3A_154 = tpu.memref_slice %arg10[%add3A_152, %dma_start3A_153] : memref<10000x128xf32, #tpu.memory_space<vmem_shared>> -> memref<16x128xf32, #tpu.memory_space<vmem_shared>>
    %dma_start3A_155 = arith.constant 0 : i32
    %dma_start3A_156 = tpu.memref_slice %arg10[%add3A_152, %dma_start3A_155] : memref<10000x128xf32, #tpu.memory_space<vmem_shared>> -> memref<16x128xf32, #tpu.memory_space<vmem_shared>>
    tpu.enqueue_dma source(%arg9 : memref<16x128xf32, #tpu.memory_space<vmem>>) target(%dma_start3A_156 : memref<16x128xf32, #tpu.memory_space<vmem_shared>>) target_semaphore(%arg13 : memref<!tpu.dma_semaphore, #tpu.memory_space<semaphore_mem>>)
    %add3A_157 = arith.constant 304 : i32
    %add3A_158 = arith.addi %multiple_of3A, %add3A_157 : i32
    %dma_start3A_159 = arith.constant 0 : i32
    %dma_start3A_160 = tpu.memref_slice %arg10[%add3A_158, %dma_start3A_159] : memref<10000x128xf32, #tpu.memory_space<vmem_shared>> -> memref<16x128xf32, #tpu.memory_space<vmem_shared>>
    %dma_start3A_161 = arith.constant 0 : i32
    %dma_start3A_162 = tpu.memref_slice %arg10[%add3A_158, %dma_start3A_161] : memref<10000x128xf32, #tpu.memory_space<vmem_shared>> -> memref<16x128xf32, #tpu.memory_space<vmem_shared>>
    tpu.enqueue_dma source(%arg9 : memref<16x128xf32, #tpu.memory_space<vmem>>) target(%dma_start3A_162 : memref<16x128xf32, #tpu.memory_space<vmem_shared>>) target_semaphore(%arg13 : memref<!tpu.dma_semaphore, #tpu.memory_space<semaphore_mem>>)
    %add3A_163 = arith.constant 320 : i32
    %add3A_164 = arith.addi %multiple_of3A, %add3A_163 : i32
    %dma_start3A_165 = arith.constant 0 : i32
    %dma_start3A_166 = tpu.memref_slice %arg10[%add3A_164, %dma_start3A_165] : memref<10000x128xf32, #tpu.memory_space<vmem_shared>> -> memref<16x128xf32, #tpu.memory_space<vmem_shared>>
    %dma_start3A_167 = arith.constant 0 : i32
    %dma_start3A_168 = tpu.memref_slice %arg10[%add3A_164, %dma_start3A_167] : memref<10000x128xf32, #tpu.memory_space<vmem_shared>> -> memref<16x128xf32, #tpu.memory_space<vmem_shared>>
    tpu.enqueue_dma source(%arg9 : memref<16x128xf32, #tpu.memory_space<vmem>>) target(%dma_start3A_168 : memref<16x128xf32, #tpu.memory_space<vmem_shared>>) target_semaphore(%arg13 : memref<!tpu.dma_semaphore, #tpu.memory_space<semaphore_mem>>)
    %add3A_169 = arith.constant 336 : i32
    %add3A_170 = arith.addi %multiple_of3A, %add3A_169 : i32
    %dma_start3A_171 = arith.constant 0 : i32
    %dma_start3A_172 = tpu.memref_slice %arg10[%add3A_170, %dma_start3A_171] : memref<10000x128xf32, #tpu.memory_space<vmem_shared>> -> memref<16x128xf32, #tpu.memory_space<vmem_shared>>
    %dma_start3A_173 = arith.constant 0 : i32
    %dma_start3A_174 = tpu.memref_slice %arg10[%add3A_170, %dma_start3A_173] : memref<10000x128xf32, #tpu.memory_space<vmem_shared>> -> memref<16x128xf32, #tpu.memory_space<vmem_shared>>
    tpu.enqueue_dma source(%arg9 : memref<16x128xf32, #tpu.memory_space<vmem>>) target(%dma_start3A_174 : memref<16x128xf32, #tpu.memory_space<vmem_shared>>) target_semaphore(%arg13 : memref<!tpu.dma_semaphore, #tpu.memory_space<semaphore_mem>>)
    %add3A_175 = arith.constant 352 : i32
    %add3A_176 = arith.addi %multiple_of3A, %add3A_175 : i32
    %dma_start3A_177 = arith.constant 0 : i32
    %dma_start3A_178 = tpu.memref_slice %arg10[%add3A_176, %dma_start3A_177] : memref<10000x128xf32, #tpu.memory_space<vmem_shared>> -> memref<16x128xf32, #tpu.memory_space<vmem_shared>>
    %dma_start3A_179 = arith.constant 0 : i32
    %dma_start3A_180 = tpu.memref_slice %arg10[%add3A_176, %dma_start3A_179] : memref<10000x128xf32, #tpu.memory_space<vmem_shared>> -> memref<16x128xf32, #tpu.memory_space<vmem_shared>>
    tpu.enqueue_dma source(%arg9 : memref<16x128xf32, #tpu.memory_space<vmem>>) target(%dma_start3A_180 : memref<16x128xf32, #tpu.memory_space<vmem_shared>>) target_semaphore(%arg13 : memref<!tpu.dma_semaphore, #tpu.memory_space<semaphore_mem>>)
    %add3A_181 = arith.constant 368 : i32
    %add3A_182 = arith.addi %multiple_of3A, %add3A_181 : i32
    %dma_start3A_183 = arith.constant 0 : i32
    %dma_start3A_184 = tpu.memref_slice %arg10[%add3A_182, %dma_start3A_183] : memref<10000x128xf32, #tpu.memory_space<vmem_shared>> -> memref<16x128xf32, #tpu.memory_space<vmem_shared>>
    %dma_start3A_185 = arith.constant 0 : i32
    %dma_start3A_186 = tpu.memref_slice %arg10[%add3A_182, %dma_start3A_185] : memref<10000x128xf32, #tpu.memory_space<vmem_shared>> -> memref<16x128xf32, #tpu.memory_space<vmem_shared>>
    tpu.enqueue_dma source(%arg9 : memref<16x128xf32, #tpu.memory_space<vmem>>) target(%dma_start3A_186 : memref<16x128xf32, #tpu.memory_space<vmem_shared>>) target_semaphore(%arg13 : memref<!tpu.dma_semaphore, #tpu.memory_space<semaphore_mem>>)
    %add3A_187 = arith.constant 384 : i32
    %add3A_188 = arith.addi %multiple_of3A, %add3A_187 : i32
    %dma_start3A_189 = arith.constant 0 : i32
    %dma_start3A_190 = tpu.memref_slice %arg10[%add3A_188, %dma_start3A_189] : memref<10000x128xf32, #tpu.memory_space<vmem_shared>> -> memref<16x128xf32, #tpu.memory_space<vmem_shared>>
    %dma_start3A_191 = arith.constant 0 : i32
    %dma_start3A_192 = tpu.memref_slice %arg10[%add3A_188, %dma_start3A_191] : memref<10000x128xf32, #tpu.memory_space<vmem_shared>> -> memref<16x128xf32, #tpu.memory_space<vmem_shared>>
    tpu.enqueue_dma source(%arg9 : memref<16x128xf32, #tpu.memory_space<vmem>>) target(%dma_start3A_192 : memref<16x128xf32, #tpu.memory_space<vmem_shared>>) target_semaphore(%arg13 : memref<!tpu.dma_semaphore, #tpu.memory_space<semaphore_mem>>)
    %add3A_193 = arith.constant 400 : i32
    %add3A_194 = arith.addi %multiple_of3A, %add3A_193 : i32
    %dma_start3A_195 = arith.constant 0 : i32
    %dma_start3A_196 = tpu.memref_slice %arg10[%add3A_194, %dma_start3A_195] : memref<10000x128xf32, #tpu.memory_space<vmem_shared>> -> memref<16x128xf32, #tpu.memory_space<vmem_shared>>
    %dma_start3A_197 = arith.constant 0 : i32
    %dma_start3A_198 = tpu.memref_slice %arg10[%add3A_194, %dma_start3A_197] : memref<10000x128xf32, #tpu.memory_space<vmem_shared>> -> memref<16x128xf32, #tpu.memory_space<vmem_shared>>
    tpu.enqueue_dma source(%arg9 : memref<16x128xf32, #tpu.memory_space<vmem>>) target(%dma_start3A_198 : memref<16x128xf32, #tpu.memory_space<vmem_shared>>) target_semaphore(%arg13 : memref<!tpu.dma_semaphore, #tpu.memory_space<semaphore_mem>>)
    %add3A_199 = arith.constant 416 : i32
    %add3A_200 = arith.addi %multiple_of3A, %add3A_199 : i32
    %dma_start3A_201 = arith.constant 0 : i32
    %dma_start3A_202 = tpu.memref_slice %arg10[%add3A_200, %dma_start3A_201] : memref<10000x128xf32, #tpu.memory_space<vmem_shared>> -> memref<16x128xf32, #tpu.memory_space<vmem_shared>>
    %dma_start3A_203 = arith.constant 0 : i32
    %dma_start3A_204 = tpu.memref_slice %arg10[%add3A_200, %dma_start3A_203] : memref<10000x128xf32, #tpu.memory_space<vmem_shared>> -> memref<16x128xf32, #tpu.memory_space<vmem_shared>>
    tpu.enqueue_dma source(%arg9 : memref<16x128xf32, #tpu.memory_space<vmem>>) target(%dma_start3A_204 : memref<16x128xf32, #tpu.memory_space<vmem_shared>>) target_semaphore(%arg13 : memref<!tpu.dma_semaphore, #tpu.memory_space<semaphore_mem>>)
    %add3A_205 = arith.constant 432 : i32
    %add3A_206 = arith.addi %multiple_of3A, %add3A_205 : i32
    %dma_start3A_207 = arith.constant 0 : i32
    %dma_start3A_208 = tpu.memref_slice %arg10[%add3A_206, %dma_start3A_207] : memref<10000x128xf32, #tpu.memory_space<vmem_shared>> -> memref<16x128xf32, #tpu.memory_space<vmem_shared>>
    %dma_start3A_209 = arith.constant 0 : i32
    %dma_start3A_210 = tpu.memref_slice %arg10[%add3A_206, %dma_start3A_209] : memref<10000x128xf32, #tpu.memory_space<vmem_shared>> -> memref<16x128xf32, #tpu.memory_space<vmem_shared>>
    tpu.enqueue_dma source(%arg9 : memref<16x128xf32, #tpu.memory_space<vmem>>) target(%dma_start3A_210 : memref<16x128xf32, #tpu.memory_space<vmem_shared>>) target_semaphore(%arg13 : memref<!tpu.dma_semaphore, #tpu.memory_space<semaphore_mem>>)
    %add3A_211 = arith.constant 448 : i32
    %add3A_212 = arith.addi %multiple_of3A, %add3A_211 : i32
    %dma_start3A_213 = arith.constant 0 : i32
    %dma_start3A_214 = tpu.memref_slice %arg10[%add3A_212, %dma_start3A_213] : memref<10000x128xf32, #tpu.memory_space<vmem_shared>> -> memref<16x128xf32, #tpu.memory_space<vmem_shared>>
    %dma_start3A_215 = arith.constant 0 : i32
    %dma_start3A_216 = tpu.memref_slice %arg10[%add3A_212, %dma_start3A_215] : memref<10000x128xf32, #tpu.memory_space<vmem_shared>> -> memref<16x128xf32, #tpu.memory_space<vmem_shared>>
    tpu.enqueue_dma source(%arg9 : memref<16x128xf32, #tpu.memory_space<vmem>>) target(%dma_start3A_216 : memref<16x128xf32, #tpu.memory_space<vmem_shared>>) target_semaphore(%arg13 : memref<!tpu.dma_semaphore, #tpu.memory_space<semaphore_mem>>)
    %add3A_217 = arith.constant 464 : i32
    %add3A_218 = arith.addi %multiple_of3A, %add3A_217 : i32
    %dma_start3A_219 = arith.constant 0 : i32
    %dma_start3A_220 = tpu.memref_slice %arg10[%add3A_218, %dma_start3A_219] : memref<10000x128xf32, #tpu.memory_space<vmem_shared>> -> memref<16x128xf32, #tpu.memory_space<vmem_shared>>
    %dma_start3A_221 = arith.constant 0 : i32
    %dma_start3A_222 = tpu.memref_slice %arg10[%add3A_218, %dma_start3A_221] : memref<10000x128xf32, #tpu.memory_space<vmem_shared>> -> memref<16x128xf32, #tpu.memory_space<vmem_shared>>
    tpu.enqueue_dma source(%arg9 : memref<16x128xf32, #tpu.memory_space<vmem>>) target(%dma_start3A_222 : memref<16x128xf32, #tpu.memory_space<vmem_shared>>) target_semaphore(%arg13 : memref<!tpu.dma_semaphore, #tpu.memory_space<semaphore_mem>>)
    %add3A_223 = arith.constant 480 : i32
    %add3A_224 = arith.addi %multiple_of3A, %add3A_223 : i32
    %dma_start3A_225 = arith.constant 0 : i32
    %dma_start3A_226 = tpu.memref_slice %arg10[%add3A_224, %dma_start3A_225] : memref<10000x128xf32, #tpu.memory_space<vmem_shared>> -> memref<16x128xf32, #tpu.memory_space<vmem_shared>>
    %dma_start3A_227 = arith.constant 0 : i32
    %dma_start3A_228 = tpu.memref_slice %arg10[%add3A_224, %dma_start3A_227] : memref<10000x128xf32, #tpu.memory_space<vmem_shared>> -> memref<16x128xf32, #tpu.memory_space<vmem_shared>>
    tpu.enqueue_dma source(%arg9 : memref<16x128xf32, #tpu.memory_space<vmem>>) target(%dma_start3A_228 : memref<16x128xf32, #tpu.memory_space<vmem_shared>>) target_semaphore(%arg13 : memref<!tpu.dma_semaphore, #tpu.memory_space<semaphore_mem>>)
    %add3A_229 = arith.constant 496 : i32
    %add3A_230 = arith.addi %multiple_of3A, %add3A_229 : i32
    %dma_start3A_231 = arith.constant 0 : i32
    %dma_start3A_232 = tpu.memref_slice %arg10[%add3A_230, %dma_start3A_231] : memref<10000x128xf32, #tpu.memory_space<vmem_shared>> -> memref<16x128xf32, #tpu.memory_space<vmem_shared>>
    %dma_start3A_233 = arith.constant 0 : i32
    %dma_start3A_234 = tpu.memref_slice %arg10[%add3A_230, %dma_start3A_233] : memref<10000x128xf32, #tpu.memory_space<vmem_shared>> -> memref<16x128xf32, #tpu.memory_space<vmem_shared>>
    tpu.enqueue_dma source(%arg9 : memref<16x128xf32, #tpu.memory_space<vmem>>) target(%dma_start3A_234 : memref<16x128xf32, #tpu.memory_space<vmem_shared>>) target_semaphore(%arg13 : memref<!tpu.dma_semaphore, #tpu.memory_space<semaphore_mem>>)
    %add3A_235 = arith.constant 512 : i32
    %add3A_236 = arith.addi %multiple_of3A, %add3A_235 : i32
    %dma_start3A_237 = arith.constant 0 : i32
    %dma_start3A_238 = tpu.memref_slice %arg10[%add3A_236, %dma_start3A_237] : memref<10000x128xf32, #tpu.memory_space<vmem_shared>> -> memref<16x128xf32, #tpu.memory_space<vmem_shared>>
    %dma_start3A_239 = arith.constant 0 : i32
    %dma_start3A_240 = tpu.memref_slice %arg10[%add3A_236, %dma_start3A_239] : memref<10000x128xf32, #tpu.memory_space<vmem_shared>> -> memref<16x128xf32, #tpu.memory_space<vmem_shared>>
    tpu.enqueue_dma source(%arg9 : memref<16x128xf32, #tpu.memory_space<vmem>>) target(%dma_start3A_240 : memref<16x128xf32, #tpu.memory_space<vmem_shared>>) target_semaphore(%arg13 : memref<!tpu.dma_semaphore, #tpu.memory_space<semaphore_mem>>)
    %add3A_241 = arith.constant 528 : i32
    %add3A_242 = arith.addi %multiple_of3A, %add3A_241 : i32
    %dma_start3A_243 = arith.constant 0 : i32
    %dma_start3A_244 = tpu.memref_slice %arg10[%add3A_242, %dma_start3A_243] : memref<10000x128xf32, #tpu.memory_space<vmem_shared>> -> memref<16x128xf32, #tpu.memory_space<vmem_shared>>
    %dma_start3A_245 = arith.constant 0 : i32
    %dma_start3A_246 = tpu.memref_slice %arg10[%add3A_242, %dma_start3A_245] : memref<10000x128xf32, #tpu.memory_space<vmem_shared>> -> memref<16x128xf32, #tpu.memory_space<vmem_shared>>
    tpu.enqueue_dma source(%arg9 : memref<16x128xf32, #tpu.memory_space<vmem>>) target(%dma_start3A_246 : memref<16x128xf32, #tpu.memory_space<vmem_shared>>) target_semaphore(%arg13 : memref<!tpu.dma_semaphore, #tpu.memory_space<semaphore_mem>>)
    %add3A_247 = arith.constant 544 : i32
    %add3A_248 = arith.addi %multiple_of3A, %add3A_247 : i32
    %dma_start3A_249 = arith.constant 0 : i32
    %dma_start3A_250 = tpu.memref_slice %arg10[%add3A_248, %dma_start3A_249] : memref<10000x128xf32, #tpu.memory_space<vmem_shared>> -> memref<16x128xf32, #tpu.memory_space<vmem_shared>>
    %dma_start3A_251 = arith.constant 0 : i32
    %dma_start3A_252 = tpu.memref_slice %arg10[%add3A_248, %dma_start3A_251] : memref<10000x128xf32, #tpu.memory_space<vmem_shared>> -> memref<16x128xf32, #tpu.memory_space<vmem_shared>>
    tpu.enqueue_dma source(%arg9 : memref<16x128xf32, #tpu.memory_space<vmem>>) target(%dma_start3A_252 : memref<16x128xf32, #tpu.memory_space<vmem_shared>>) target_semaphore(%arg13 : memref<!tpu.dma_semaphore, #tpu.memory_space<semaphore_mem>>)
    %add3A_253 = arith.constant 560 : i32
    %add3A_254 = arith.addi %multiple_of3A, %add3A_253 : i32
    %dma_start3A_255 = arith.constant 0 : i32
    %dma_start3A_256 = tpu.memref_slice %arg10[%add3A_254, %dma_start3A_255] : memref<10000x128xf32, #tpu.memory_space<vmem_shared>> -> memref<16x128xf32, #tpu.memory_space<vmem_shared>>
    %dma_start3A_257 = arith.constant 0 : i32
    %dma_start3A_258 = tpu.memref_slice %arg10[%add3A_254, %dma_start3A_257] : memref<10000x128xf32, #tpu.memory_space<vmem_shared>> -> memref<16x128xf32, #tpu.memory_space<vmem_shared>>
    tpu.enqueue_dma source(%arg9 : memref<16x128xf32, #tpu.memory_space<vmem>>) target(%dma_start3A_258 : memref<16x128xf32, #tpu.memory_space<vmem_shared>>) target_semaphore(%arg13 : memref<!tpu.dma_semaphore, #tpu.memory_space<semaphore_mem>>)
    %add3A_259 = arith.constant 576 : i32
    %add3A_260 = arith.addi %multiple_of3A, %add3A_259 : i32
    %dma_start3A_261 = arith.constant 0 : i32
    %dma_start3A_262 = tpu.memref_slice %arg10[%add3A_260, %dma_start3A_261] : memref<10000x128xf32, #tpu.memory_space<vmem_shared>> -> memref<16x128xf32, #tpu.memory_space<vmem_shared>>
    %dma_start3A_263 = arith.constant 0 : i32
    %dma_start3A_264 = tpu.memref_slice %arg10[%add3A_260, %dma_start3A_263] : memref<10000x128xf32, #tpu.memory_space<vmem_shared>> -> memref<16x128xf32, #tpu.memory_space<vmem_shared>>
    tpu.enqueue_dma source(%arg9 : memref<16x128xf32, #tpu.memory_space<vmem>>) target(%dma_start3A_264 : memref<16x128xf32, #tpu.memory_space<vmem_shared>>) target_semaphore(%arg13 : memref<!tpu.dma_semaphore, #tpu.memory_space<semaphore_mem>>)
    %add3A_265 = arith.constant 592 : i32
    %add3A_266 = arith.addi %multiple_of3A, %add3A_265 : i32
    %dma_start3A_267 = arith.constant 0 : i32
    %dma_start3A_268 = tpu.memref_slice %arg10[%add3A_266, %dma_start3A_267] : memref<10000x128xf32, #tpu.memory_space<vmem_shared>> -> memref<16x128xf32, #tpu.memory_space<vmem_shared>>
    %dma_start3A_269 = arith.constant 0 : i32
    %dma_start3A_270 = tpu.memref_slice %arg10[%add3A_266, %dma_start3A_269] : memref<10000x128xf32, #tpu.memory_space<vmem_shared>> -> memref<16x128xf32, #tpu.memory_space<vmem_shared>>
    tpu.enqueue_dma source(%arg9 : memref<16x128xf32, #tpu.memory_space<vmem>>) target(%dma_start3A_270 : memref<16x128xf32, #tpu.memory_space<vmem_shared>>) target_semaphore(%arg13 : memref<!tpu.dma_semaphore, #tpu.memory_space<semaphore_mem>>)
    %add3A_271 = arith.constant 608 : i32
    %add3A_272 = arith.addi %multiple_of3A, %add3A_271 : i32
    %dma_start3A_273 = arith.constant 0 : i32
    %dma_start3A_274 = tpu.memref_slice %arg10[%add3A_272, %dma_start3A_273] : memref<10000x128xf32, #tpu.memory_space<vmem_shared>> -> memref<16x128xf32, #tpu.memory_space<vmem_shared>>
    %dma_start3A_275 = arith.constant 0 : i32
    %dma_start3A_276 = tpu.memref_slice %arg10[%add3A_272, %dma_start3A_275] : memref<10000x128xf32, #tpu.memory_space<vmem_shared>> -> memref<16x128xf32, #tpu.memory_space<vmem_shared>>
    tpu.enqueue_dma source(%arg9 : memref<16x128xf32, #tpu.memory_space<vmem>>) target(%dma_start3A_276 : memref<16x128xf32, #tpu.memory_space<vmem_shared>>) target_semaphore(%arg13 : memref<!tpu.dma_semaphore, #tpu.memory_space<semaphore_mem>>)
    %eq3A = arith.constant 15 : i32
    %eq3A_277 = arith.cmpi eq, %arg1, %eq3A : i32
    %convert_element_type3A = arith.extui %eq3A_277 : i1 to i32
    %cond3A = arith.constant 0 : i32
    %cond3A_278 = arith.cmpi ne, %convert_element_type3A, %cond3A : i32
    scf.if %cond3A_278 {
      "tpu.region"() ({
        %run_scoped3A_542 = tpu.sem_alloc : memref<!tpu.dma_semaphore, #tpu.memory_space<semaphore_mem>>
        %dma_start3A_543 = arith.constant 0 : i32
        %dma_start3A_544 = arith.constant 0 : i32
        %dma_start3A_545 = tpu.memref_slice %arg9[%dma_start3A_543, %dma_start3A_544] : memref<16x128xf32, #tpu.memory_space<vmem>> -> memref<16x128xf32, #tpu.memory_space<vmem>>
        %dma_start3A_546 = arith.constant 9984 : i32
        %dma_start3A_547 = arith.constant 0 : i32
        %dma_start3A_548 = tpu.memref_slice %arg10[%dma_start3A_546, %dma_start3A_547] : memref<10000x128xf32, #tpu.memory_space<vmem_shared>> -> memref<16x128xf32, #tpu.memory_space<vmem_shared>>
        %dma_start3A_549 = arith.constant 9984 : i32
        %dma_start3A_550 = arith.constant 0 : i32
        %dma_start3A_551 = tpu.memref_slice %arg10[%dma_start3A_549, %dma_start3A_550] : memref<10000x128xf32, #tpu.memory_space<vmem_shared>> -> memref<16x128xf32, #tpu.memory_space<vmem_shared>>
        %dma_start3A_552 = arith.constant 0 : i32
        %dma_start3A_553 = arith.constant 0 : i32
        %dma_start3A_554 = tpu.memref_slice %arg9[%dma_start3A_552, %dma_start3A_553] : memref<16x128xf32, #tpu.memory_space<vmem>> -> memref<16x128xf32, #tpu.memory_space<vmem>>
        tpu.enqueue_dma source(%dma_start3A_554 : memref<16x128xf32, #tpu.memory_space<vmem>>) target(%dma_start3A_551 : memref<16x128xf32, #tpu.memory_space<vmem_shared>>) target_semaphore(%run_scoped3A_542 : memref<!tpu.dma_semaphore, #tpu.memory_space<semaphore_mem>>)
        %dma_wait3A_555 = arith.constant 0 : i32
        %dma_wait3A_556 = arith.constant 0 : i32
        %dma_wait3A_557 = tpu.memref_slice %arg9[%dma_wait3A_555, %dma_wait3A_556] : memref<16x128xf32, #tpu.memory_space<vmem>> -> memref<16x128xf32, #tpu.memory_space<vmem>>
        %dma_wait3A_558 = arith.constant 9984 : i32
        %dma_wait3A_559 = arith.constant 0 : i32
        %dma_wait3A_560 = tpu.memref_slice %arg10[%dma_wait3A_558, %dma_wait3A_559] : memref<10000x128xf32, #tpu.memory_space<vmem_shared>> -> memref<16x128xf32, #tpu.memory_space<vmem_shared>>
        %dma_wait3A_561 = arith.constant 9984 : i32
        %dma_wait3A_562 = arith.constant 0 : i32
        %dma_wait3A_563 = tpu.memref_slice %arg10[%dma_wait3A_561, %dma_wait3A_562] : memref<10000x128xf32, #tpu.memory_space<vmem_shared>> -> memref<16x128xf32, #tpu.memory_space<vmem_shared>>
        %dma_wait3A_564 = arith.constant 0 : i32
        %dma_wait3A_565 = arith.constant 0 : i32
        %dma_wait3A_566 = tpu.memref_slice %arg9[%dma_wait3A_564, %dma_wait3A_565] : memref<16x128xf32, #tpu.memory_space<vmem>> -> memref<16x128xf32, #tpu.memory_space<vmem>>
        tpu.wait_dma2 semaphore(%run_scoped3A_542 : memref<!tpu.dma_semaphore, #tpu.memory_space<semaphore_mem>>) src(%dma_wait3A_566 : memref<16x128xf32, #tpu.memory_space<vmem>>) dst(%dma_wait3A_563 : memref<16x128xf32, #tpu.memory_space<vmem_shared>>)
        tpu.yield
      }) : () -> ()
    } else {
    }
    %add3A_279 = arith.constant 0 : i32
    %add3A_280 = arith.addi %multiple_of3A, %add3A_279 : i32
    %dma_wait3A = arith.constant 0 : i32
    %dma_wait3A_281 = tpu.memref_slice %arg10[%add3A_280, %dma_wait3A] : memref<10000x128xf32, #tpu.memory_space<vmem_shared>> -> memref<16x128xf32, #tpu.memory_space<vmem_shared>>
    %dma_wait3A_282 = arith.constant 0 : i32
    %dma_wait3A_283 = tpu.memref_slice %arg10[%add3A_280, %dma_wait3A_282] : memref<10000x128xf32, #tpu.memory_space<vmem_shared>> -> memref<16x128xf32, #tpu.memory_space<vmem_shared>>
    tpu.wait_dma2 semaphore(%arg13 : memref<!tpu.dma_semaphore, #tpu.memory_space<semaphore_mem>>) src(%arg9 : memref<16x128xf32, #tpu.memory_space<vmem>>) dst(%dma_wait3A_283 : memref<16x128xf32, #tpu.memory_space<vmem_shared>>)
    %add3A_284 = arith.constant 16 : i32
    %add3A_285 = arith.addi %multiple_of3A, %add3A_284 : i32
    %dma_wait3A_286 = arith.constant 0 : i32
    %dma_wait3A_287 = tpu.memref_slice %arg10[%add3A_285, %dma_wait3A_286] : memref<10000x128xf32, #tpu.memory_space<vmem_shared>> -> memref<16x128xf32, #tpu.memory_space<vmem_shared>>
    %dma_wait3A_288 = arith.constant 0 : i32
    %dma_wait3A_289 = tpu.memref_slice %arg10[%add3A_285, %dma_wait3A_288] : memref<10000x128xf32, #tpu.memory_space<vmem_shared>> -> memref<16x128xf32, #tpu.memory_space<vmem_shared>>
    tpu.wait_dma2 semaphore(%arg13 : memref<!tpu.dma_semaphore, #tpu.memory_space<semaphore_mem>>) src(%arg9 : memref<16x128xf32, #tpu.memory_space<vmem>>) dst(%dma_wait3A_289 : memref<16x128xf32, #tpu.memory_space<vmem_shared>>)
    %add3A_290 = arith.constant 32 : i32
    %add3A_291 = arith.addi %multiple_of3A, %add3A_290 : i32
    %dma_wait3A_292 = arith.constant 0 : i32
    %dma_wait3A_293 = tpu.memref_slice %arg10[%add3A_291, %dma_wait3A_292] : memref<10000x128xf32, #tpu.memory_space<vmem_shared>> -> memref<16x128xf32, #tpu.memory_space<vmem_shared>>
    %dma_wait3A_294 = arith.constant 0 : i32
    %dma_wait3A_295 = tpu.memref_slice %arg10[%add3A_291, %dma_wait3A_294] : memref<10000x128xf32, #tpu.memory_space<vmem_shared>> -> memref<16x128xf32, #tpu.memory_space<vmem_shared>>
    tpu.wait_dma2 semaphore(%arg13 : memref<!tpu.dma_semaphore, #tpu.memory_space<semaphore_mem>>) src(%arg9 : memref<16x128xf32, #tpu.memory_space<vmem>>) dst(%dma_wait3A_295 : memref<16x128xf32, #tpu.memory_space<vmem_shared>>)
    %add3A_296 = arith.constant 48 : i32
    %add3A_297 = arith.addi %multiple_of3A, %add3A_296 : i32
    %dma_wait3A_298 = arith.constant 0 : i32
    %dma_wait3A_299 = tpu.memref_slice %arg10[%add3A_297, %dma_wait3A_298] : memref<10000x128xf32, #tpu.memory_space<vmem_shared>> -> memref<16x128xf32, #tpu.memory_space<vmem_shared>>
    %dma_wait3A_300 = arith.constant 0 : i32
    %dma_wait3A_301 = tpu.memref_slice %arg10[%add3A_297, %dma_wait3A_300] : memref<10000x128xf32, #tpu.memory_space<vmem_shared>> -> memref<16x128xf32, #tpu.memory_space<vmem_shared>>
    tpu.wait_dma2 semaphore(%arg13 : memref<!tpu.dma_semaphore, #tpu.memory_space<semaphore_mem>>) src(%arg9 : memref<16x128xf32, #tpu.memory_space<vmem>>) dst(%dma_wait3A_301 : memref<16x128xf32, #tpu.memory_space<vmem_shared>>)
    %add3A_302 = arith.constant 64 : i32
    %add3A_303 = arith.addi %multiple_of3A, %add3A_302 : i32
    %dma_wait3A_304 = arith.constant 0 : i32
    %dma_wait3A_305 = tpu.memref_slice %arg10[%add3A_303, %dma_wait3A_304] : memref<10000x128xf32, #tpu.memory_space<vmem_shared>> -> memref<16x128xf32, #tpu.memory_space<vmem_shared>>
    %dma_wait3A_306 = arith.constant 0 : i32
    %dma_wait3A_307 = tpu.memref_slice %arg10[%add3A_303, %dma_wait3A_306] : memref<10000x128xf32, #tpu.memory_space<vmem_shared>> -> memref<16x128xf32, #tpu.memory_space<vmem_shared>>
    tpu.wait_dma2 semaphore(%arg13 : memref<!tpu.dma_semaphore, #tpu.memory_space<semaphore_mem>>) src(%arg9 : memref<16x128xf32, #tpu.memory_space<vmem>>) dst(%dma_wait3A_307 : memref<16x128xf32, #tpu.memory_space<vmem_shared>>)
    %add3A_308 = arith.constant 80 : i32
    %add3A_309 = arith.addi %multiple_of3A, %add3A_308 : i32
    %dma_wait3A_310 = arith.constant 0 : i32
    %dma_wait3A_311 = tpu.memref_slice %arg10[%add3A_309, %dma_wait3A_310] : memref<10000x128xf32, #tpu.memory_space<vmem_shared>> -> memref<16x128xf32, #tpu.memory_space<vmem_shared>>
    %dma_wait3A_312 = arith.constant 0 : i32
    %dma_wait3A_313 = tpu.memref_slice %arg10[%add3A_309, %dma_wait3A_312] : memref<10000x128xf32, #tpu.memory_space<vmem_shared>> -> memref<16x128xf32, #tpu.memory_space<vmem_shared>>
    tpu.wait_dma2 semaphore(%arg13 : memref<!tpu.dma_semaphore, #tpu.memory_space<semaphore_mem>>) src(%arg9 : memref<16x128xf32, #tpu.memory_space<vmem>>) dst(%dma_wait3A_313 : memref<16x128xf32, #tpu.memory_space<vmem_shared>>)
    %add3A_314 = arith.constant 96 : i32
    %add3A_315 = arith.addi %multiple_of3A, %add3A_314 : i32
    %dma_wait3A_316 = arith.constant 0 : i32
    %dma_wait3A_317 = tpu.memref_slice %arg10[%add3A_315, %dma_wait3A_316] : memref<10000x128xf32, #tpu.memory_space<vmem_shared>> -> memref<16x128xf32, #tpu.memory_space<vmem_shared>>
    %dma_wait3A_318 = arith.constant 0 : i32
    %dma_wait3A_319 = tpu.memref_slice %arg10[%add3A_315, %dma_wait3A_318] : memref<10000x128xf32, #tpu.memory_space<vmem_shared>> -> memref<16x128xf32, #tpu.memory_space<vmem_shared>>
    tpu.wait_dma2 semaphore(%arg13 : memref<!tpu.dma_semaphore, #tpu.memory_space<semaphore_mem>>) src(%arg9 : memref<16x128xf32, #tpu.memory_space<vmem>>) dst(%dma_wait3A_319 : memref<16x128xf32, #tpu.memory_space<vmem_shared>>)
    %add3A_320 = arith.constant 112 : i32
    %add3A_321 = arith.addi %multiple_of3A, %add3A_320 : i32
    %dma_wait3A_322 = arith.constant 0 : i32
    %dma_wait3A_323 = tpu.memref_slice %arg10[%add3A_321, %dma_wait3A_322] : memref<10000x128xf32, #tpu.memory_space<vmem_shared>> -> memref<16x128xf32, #tpu.memory_space<vmem_shared>>
    %dma_wait3A_324 = arith.constant 0 : i32
    %dma_wait3A_325 = tpu.memref_slice %arg10[%add3A_321, %dma_wait3A_324] : memref<10000x128xf32, #tpu.memory_space<vmem_shared>> -> memref<16x128xf32, #tpu.memory_space<vmem_shared>>
    tpu.wait_dma2 semaphore(%arg13 : memref<!tpu.dma_semaphore, #tpu.memory_space<semaphore_mem>>) src(%arg9 : memref<16x128xf32, #tpu.memory_space<vmem>>) dst(%dma_wait3A_325 : memref<16x128xf32, #tpu.memory_space<vmem_shared>>)
    %add3A_326 = arith.constant 128 : i32
    %add3A_327 = arith.addi %multiple_of3A, %add3A_326 : i32
    %dma_wait3A_328 = arith.constant 0 : i32
    %dma_wait3A_329 = tpu.memref_slice %arg10[%add3A_327, %dma_wait3A_328] : memref<10000x128xf32, #tpu.memory_space<vmem_shared>> -> memref<16x128xf32, #tpu.memory_space<vmem_shared>>
    %dma_wait3A_330 = arith.constant 0 : i32
    %dma_wait3A_331 = tpu.memref_slice %arg10[%add3A_327, %dma_wait3A_330] : memref<10000x128xf32, #tpu.memory_space<vmem_shared>> -> memref<16x128xf32, #tpu.memory_space<vmem_shared>>
    tpu.wait_dma2 semaphore(%arg13 : memref<!tpu.dma_semaphore, #tpu.memory_space<semaphore_mem>>) src(%arg9 : memref<16x128xf32, #tpu.memory_space<vmem>>) dst(%dma_wait3A_331 : memref<16x128xf32, #tpu.memory_space<vmem_shared>>)
    %add3A_332 = arith.constant 144 : i32
    %add3A_333 = arith.addi %multiple_of3A, %add3A_332 : i32
    %dma_wait3A_334 = arith.constant 0 : i32
    %dma_wait3A_335 = tpu.memref_slice %arg10[%add3A_333, %dma_wait3A_334] : memref<10000x128xf32, #tpu.memory_space<vmem_shared>> -> memref<16x128xf32, #tpu.memory_space<vmem_shared>>
    %dma_wait3A_336 = arith.constant 0 : i32
    %dma_wait3A_337 = tpu.memref_slice %arg10[%add3A_333, %dma_wait3A_336] : memref<10000x128xf32, #tpu.memory_space<vmem_shared>> -> memref<16x128xf32, #tpu.memory_space<vmem_shared>>
    tpu.wait_dma2 semaphore(%arg13 : memref<!tpu.dma_semaphore, #tpu.memory_space<semaphore_mem>>) src(%arg9 : memref<16x128xf32, #tpu.memory_space<vmem>>) dst(%dma_wait3A_337 : memref<16x128xf32, #tpu.memory_space<vmem_shared>>)
    %add3A_338 = arith.constant 160 : i32
    %add3A_339 = arith.addi %multiple_of3A, %add3A_338 : i32
    %dma_wait3A_340 = arith.constant 0 : i32
    %dma_wait3A_341 = tpu.memref_slice %arg10[%add3A_339, %dma_wait3A_340] : memref<10000x128xf32, #tpu.memory_space<vmem_shared>> -> memref<16x128xf32, #tpu.memory_space<vmem_shared>>
    %dma_wait3A_342 = arith.constant 0 : i32
    %dma_wait3A_343 = tpu.memref_slice %arg10[%add3A_339, %dma_wait3A_342] : memref<10000x128xf32, #tpu.memory_space<vmem_shared>> -> memref<16x128xf32, #tpu.memory_space<vmem_shared>>
    tpu.wait_dma2 semaphore(%arg13 : memref<!tpu.dma_semaphore, #tpu.memory_space<semaphore_mem>>) src(%arg9 : memref<16x128xf32, #tpu.memory_space<vmem>>) dst(%dma_wait3A_343 : memref<16x128xf32, #tpu.memory_space<vmem_shared>>)
    %add3A_344 = arith.constant 176 : i32
    %add3A_345 = arith.addi %multiple_of3A, %add3A_344 : i32
    %dma_wait3A_346 = arith.constant 0 : i32
    %dma_wait3A_347 = tpu.memref_slice %arg10[%add3A_345, %dma_wait3A_346] : memref<10000x128xf32, #tpu.memory_space<vmem_shared>> -> memref<16x128xf32, #tpu.memory_space<vmem_shared>>
    %dma_wait3A_348 = arith.constant 0 : i32
    %dma_wait3A_349 = tpu.memref_slice %arg10[%add3A_345, %dma_wait3A_348] : memref<10000x128xf32, #tpu.memory_space<vmem_shared>> -> memref<16x128xf32, #tpu.memory_space<vmem_shared>>
    tpu.wait_dma2 semaphore(%arg13 : memref<!tpu.dma_semaphore, #tpu.memory_space<semaphore_mem>>) src(%arg9 : memref<16x128xf32, #tpu.memory_space<vmem>>) dst(%dma_wait3A_349 : memref<16x128xf32, #tpu.memory_space<vmem_shared>>)
    %add3A_350 = arith.constant 192 : i32
    %add3A_351 = arith.addi %multiple_of3A, %add3A_350 : i32
    %dma_wait3A_352 = arith.constant 0 : i32
    %dma_wait3A_353 = tpu.memref_slice %arg10[%add3A_351, %dma_wait3A_352] : memref<10000x128xf32, #tpu.memory_space<vmem_shared>> -> memref<16x128xf32, #tpu.memory_space<vmem_shared>>
    %dma_wait3A_354 = arith.constant 0 : i32
    %dma_wait3A_355 = tpu.memref_slice %arg10[%add3A_351, %dma_wait3A_354] : memref<10000x128xf32, #tpu.memory_space<vmem_shared>> -> memref<16x128xf32, #tpu.memory_space<vmem_shared>>
    tpu.wait_dma2 semaphore(%arg13 : memref<!tpu.dma_semaphore, #tpu.memory_space<semaphore_mem>>) src(%arg9 : memref<16x128xf32, #tpu.memory_space<vmem>>) dst(%dma_wait3A_355 : memref<16x128xf32, #tpu.memory_space<vmem_shared>>)
    %add3A_356 = arith.constant 208 : i32
    %add3A_357 = arith.addi %multiple_of3A, %add3A_356 : i32
    %dma_wait3A_358 = arith.constant 0 : i32
    %dma_wait3A_359 = tpu.memref_slice %arg10[%add3A_357, %dma_wait3A_358] : memref<10000x128xf32, #tpu.memory_space<vmem_shared>> -> memref<16x128xf32, #tpu.memory_space<vmem_shared>>
    %dma_wait3A_360 = arith.constant 0 : i32
    %dma_wait3A_361 = tpu.memref_slice %arg10[%add3A_357, %dma_wait3A_360] : memref<10000x128xf32, #tpu.memory_space<vmem_shared>> -> memref<16x128xf32, #tpu.memory_space<vmem_shared>>
    tpu.wait_dma2 semaphore(%arg13 : memref<!tpu.dma_semaphore, #tpu.memory_space<semaphore_mem>>) src(%arg9 : memref<16x128xf32, #tpu.memory_space<vmem>>) dst(%dma_wait3A_361 : memref<16x128xf32, #tpu.memory_space<vmem_shared>>)
    %add3A_362 = arith.constant 224 : i32
    %add3A_363 = arith.addi %multiple_of3A, %add3A_362 : i32
    %dma_wait3A_364 = arith.constant 0 : i32
    %dma_wait3A_365 = tpu.memref_slice %arg10[%add3A_363, %dma_wait3A_364] : memref<10000x128xf32, #tpu.memory_space<vmem_shared>> -> memref<16x128xf32, #tpu.memory_space<vmem_shared>>
    %dma_wait3A_366 = arith.constant 0 : i32
    %dma_wait3A_367 = tpu.memref_slice %arg10[%add3A_363, %dma_wait3A_366] : memref<10000x128xf32, #tpu.memory_space<vmem_shared>> -> memref<16x128xf32, #tpu.memory_space<vmem_shared>>
    tpu.wait_dma2 semaphore(%arg13 : memref<!tpu.dma_semaphore, #tpu.memory_space<semaphore_mem>>) src(%arg9 : memref<16x128xf32, #tpu.memory_space<vmem>>) dst(%dma_wait3A_367 : memref<16x128xf32, #tpu.memory_space<vmem_shared>>)
    %add3A_368 = arith.constant 240 : i32
    %add3A_369 = arith.addi %multiple_of3A, %add3A_368 : i32
    %dma_wait3A_370 = arith.constant 0 : i32
    %dma_wait3A_371 = tpu.memref_slice %arg10[%add3A_369, %dma_wait3A_370] : memref<10000x128xf32, #tpu.memory_space<vmem_shared>> -> memref<16x128xf32, #tpu.memory_space<vmem_shared>>
    %dma_wait3A_372 = arith.constant 0 : i32
    %dma_wait3A_373 = tpu.memref_slice %arg10[%add3A_369, %dma_wait3A_372] : memref<10000x128xf32, #tpu.memory_space<vmem_shared>> -> memref<16x128xf32, #tpu.memory_space<vmem_shared>>
    tpu.wait_dma2 semaphore(%arg13 : memref<!tpu.dma_semaphore, #tpu.memory_space<semaphore_mem>>) src(%arg9 : memref<16x128xf32, #tpu.memory_space<vmem>>) dst(%dma_wait3A_373 : memref<16x128xf32, #tpu.memory_space<vmem_shared>>)
    %add3A_374 = arith.constant 256 : i32
    %add3A_375 = arith.addi %multiple_of3A, %add3A_374 : i32
    %dma_wait3A_376 = arith.constant 0 : i32
    %dma_wait3A_377 = tpu.memref_slice %arg10[%add3A_375, %dma_wait3A_376] : memref<10000x128xf32, #tpu.memory_space<vmem_shared>> -> memref<16x128xf32, #tpu.memory_space<vmem_shared>>
    %dma_wait3A_378 = arith.constant 0 : i32
    %dma_wait3A_379 = tpu.memref_slice %arg10[%add3A_375, %dma_wait3A_378] : memref<10000x128xf32, #tpu.memory_space<vmem_shared>> -> memref<16x128xf32, #tpu.memory_space<vmem_shared>>
    tpu.wait_dma2 semaphore(%arg13 : memref<!tpu.dma_semaphore, #tpu.memory_space<semaphore_mem>>) src(%arg9 : memref<16x128xf32, #tpu.memory_space<vmem>>) dst(%dma_wait3A_379 : memref<16x128xf32, #tpu.memory_space<vmem_shared>>)
    %add3A_380 = arith.constant 272 : i32
    %add3A_381 = arith.addi %multiple_of3A, %add3A_380 : i32
    %dma_wait3A_382 = arith.constant 0 : i32
    %dma_wait3A_383 = tpu.memref_slice %arg10[%add3A_381, %dma_wait3A_382] : memref<10000x128xf32, #tpu.memory_space<vmem_shared>> -> memref<16x128xf32, #tpu.memory_space<vmem_shared>>
    %dma_wait3A_384 = arith.constant 0 : i32
    %dma_wait3A_385 = tpu.memref_slice %arg10[%add3A_381, %dma_wait3A_384] : memref<10000x128xf32, #tpu.memory_space<vmem_shared>> -> memref<16x128xf32, #tpu.memory_space<vmem_shared>>
    tpu.wait_dma2 semaphore(%arg13 : memref<!tpu.dma_semaphore, #tpu.memory_space<semaphore_mem>>) src(%arg9 : memref<16x128xf32, #tpu.memory_space<vmem>>) dst(%dma_wait3A_385 : memref<16x128xf32, #tpu.memory_space<vmem_shared>>)
    %add3A_386 = arith.constant 288 : i32
    %add3A_387 = arith.addi %multiple_of3A, %add3A_386 : i32
    %dma_wait3A_388 = arith.constant 0 : i32
    %dma_wait3A_389 = tpu.memref_slice %arg10[%add3A_387, %dma_wait3A_388] : memref<10000x128xf32, #tpu.memory_space<vmem_shared>> -> memref<16x128xf32, #tpu.memory_space<vmem_shared>>
    %dma_wait3A_390 = arith.constant 0 : i32
    %dma_wait3A_391 = tpu.memref_slice %arg10[%add3A_387, %dma_wait3A_390] : memref<10000x128xf32, #tpu.memory_space<vmem_shared>> -> memref<16x128xf32, #tpu.memory_space<vmem_shared>>
    tpu.wait_dma2 semaphore(%arg13 : memref<!tpu.dma_semaphore, #tpu.memory_space<semaphore_mem>>) src(%arg9 : memref<16x128xf32, #tpu.memory_space<vmem>>) dst(%dma_wait3A_391 : memref<16x128xf32, #tpu.memory_space<vmem_shared>>)
    %add3A_392 = arith.constant 304 : i32
    %add3A_393 = arith.addi %multiple_of3A, %add3A_392 : i32
    %dma_wait3A_394 = arith.constant 0 : i32
    %dma_wait3A_395 = tpu.memref_slice %arg10[%add3A_393, %dma_wait3A_394] : memref<10000x128xf32, #tpu.memory_space<vmem_shared>> -> memref<16x128xf32, #tpu.memory_space<vmem_shared>>
    %dma_wait3A_396 = arith.constant 0 : i32
    %dma_wait3A_397 = tpu.memref_slice %arg10[%add3A_393, %dma_wait3A_396] : memref<10000x128xf32, #tpu.memory_space<vmem_shared>> -> memref<16x128xf32, #tpu.memory_space<vmem_shared>>
    tpu.wait_dma2 semaphore(%arg13 : memref<!tpu.dma_semaphore, #tpu.memory_space<semaphore_mem>>) src(%arg9 : memref<16x128xf32, #tpu.memory_space<vmem>>) dst(%dma_wait3A_397 : memref<16x128xf32, #tpu.memory_space<vmem_shared>>)
    %add3A_398 = arith.constant 320 : i32
    %add3A_399 = arith.addi %multiple_of3A, %add3A_398 : i32
    %dma_wait3A_400 = arith.constant 0 : i32
    %dma_wait3A_401 = tpu.memref_slice %arg10[%add3A_399, %dma_wait3A_400] : memref<10000x128xf32, #tpu.memory_space<vmem_shared>> -> memref<16x128xf32, #tpu.memory_space<vmem_shared>>
    %dma_wait3A_402 = arith.constant 0 : i32
    %dma_wait3A_403 = tpu.memref_slice %arg10[%add3A_399, %dma_wait3A_402] : memref<10000x128xf32, #tpu.memory_space<vmem_shared>> -> memref<16x128xf32, #tpu.memory_space<vmem_shared>>
    tpu.wait_dma2 semaphore(%arg13 : memref<!tpu.dma_semaphore, #tpu.memory_space<semaphore_mem>>) src(%arg9 : memref<16x128xf32, #tpu.memory_space<vmem>>) dst(%dma_wait3A_403 : memref<16x128xf32, #tpu.memory_space<vmem_shared>>)
    %add3A_404 = arith.constant 336 : i32
    %add3A_405 = arith.addi %multiple_of3A, %add3A_404 : i32
    %dma_wait3A_406 = arith.constant 0 : i32
    %dma_wait3A_407 = tpu.memref_slice %arg10[%add3A_405, %dma_wait3A_406] : memref<10000x128xf32, #tpu.memory_space<vmem_shared>> -> memref<16x128xf32, #tpu.memory_space<vmem_shared>>
    %dma_wait3A_408 = arith.constant 0 : i32
    %dma_wait3A_409 = tpu.memref_slice %arg10[%add3A_405, %dma_wait3A_408] : memref<10000x128xf32, #tpu.memory_space<vmem_shared>> -> memref<16x128xf32, #tpu.memory_space<vmem_shared>>
    tpu.wait_dma2 semaphore(%arg13 : memref<!tpu.dma_semaphore, #tpu.memory_space<semaphore_mem>>) src(%arg9 : memref<16x128xf32, #tpu.memory_space<vmem>>) dst(%dma_wait3A_409 : memref<16x128xf32, #tpu.memory_space<vmem_shared>>)
    %add3A_410 = arith.constant 352 : i32
    %add3A_411 = arith.addi %multiple_of3A, %add3A_410 : i32
    %dma_wait3A_412 = arith.constant 0 : i32
    %dma_wait3A_413 = tpu.memref_slice %arg10[%add3A_411, %dma_wait3A_412] : memref<10000x128xf32, #tpu.memory_space<vmem_shared>> -> memref<16x128xf32, #tpu.memory_space<vmem_shared>>
    %dma_wait3A_414 = arith.constant 0 : i32
    %dma_wait3A_415 = tpu.memref_slice %arg10[%add3A_411, %dma_wait3A_414] : memref<10000x128xf32, #tpu.memory_space<vmem_shared>> -> memref<16x128xf32, #tpu.memory_space<vmem_shared>>
    tpu.wait_dma2 semaphore(%arg13 : memref<!tpu.dma_semaphore, #tpu.memory_space<semaphore_mem>>) src(%arg9 : memref<16x128xf32, #tpu.memory_space<vmem>>) dst(%dma_wait3A_415 : memref<16x128xf32, #tpu.memory_space<vmem_shared>>)
    %add3A_416 = arith.constant 368 : i32
    %add3A_417 = arith.addi %multiple_of3A, %add3A_416 : i32
    %dma_wait3A_418 = arith.constant 0 : i32
    %dma_wait3A_419 = tpu.memref_slice %arg10[%add3A_417, %dma_wait3A_418] : memref<10000x128xf32, #tpu.memory_space<vmem_shared>> -> memref<16x128xf32, #tpu.memory_space<vmem_shared>>
    %dma_wait3A_420 = arith.constant 0 : i32
    %dma_wait3A_421 = tpu.memref_slice %arg10[%add3A_417, %dma_wait3A_420] : memref<10000x128xf32, #tpu.memory_space<vmem_shared>> -> memref<16x128xf32, #tpu.memory_space<vmem_shared>>
    tpu.wait_dma2 semaphore(%arg13 : memref<!tpu.dma_semaphore, #tpu.memory_space<semaphore_mem>>) src(%arg9 : memref<16x128xf32, #tpu.memory_space<vmem>>) dst(%dma_wait3A_421 : memref<16x128xf32, #tpu.memory_space<vmem_shared>>)
    %add3A_422 = arith.constant 384 : i32
    %add3A_423 = arith.addi %multiple_of3A, %add3A_422 : i32
    %dma_wait3A_424 = arith.constant 0 : i32
    %dma_wait3A_425 = tpu.memref_slice %arg10[%add3A_423, %dma_wait3A_424] : memref<10000x128xf32, #tpu.memory_space<vmem_shared>> -> memref<16x128xf32, #tpu.memory_space<vmem_shared>>
    %dma_wait3A_426 = arith.constant 0 : i32
    %dma_wait3A_427 = tpu.memref_slice %arg10[%add3A_423, %dma_wait3A_426] : memref<10000x128xf32, #tpu.memory_space<vmem_shared>> -> memref<16x128xf32, #tpu.memory_space<vmem_shared>>
    tpu.wait_dma2 semaphore(%arg13 : memref<!tpu.dma_semaphore, #tpu.memory_space<semaphore_mem>>) src(%arg9 : memref<16x128xf32, #tpu.memory_space<vmem>>) dst(%dma_wait3A_427 : memref<16x128xf32, #tpu.memory_space<vmem_shared>>)
    %add3A_428 = arith.constant 400 : i32
    %add3A_429 = arith.addi %multiple_of3A, %add3A_428 : i32
    %dma_wait3A_430 = arith.constant 0 : i32
    %dma_wait3A_431 = tpu.memref_slice %arg10[%add3A_429, %dma_wait3A_430] : memref<10000x128xf32, #tpu.memory_space<vmem_shared>> -> memref<16x128xf32, #tpu.memory_space<vmem_shared>>
    %dma_wait3A_432 = arith.constant 0 : i32
    %dma_wait3A_433 = tpu.memref_slice %arg10[%add3A_429, %dma_wait3A_432] : memref<10000x128xf32, #tpu.memory_space<vmem_shared>> -> memref<16x128xf32, #tpu.memory_space<vmem_shared>>
    tpu.wait_dma2 semaphore(%arg13 : memref<!tpu.dma_semaphore, #tpu.memory_space<semaphore_mem>>) src(%arg9 : memref<16x128xf32, #tpu.memory_space<vmem>>) dst(%dma_wait3A_433 : memref<16x128xf32, #tpu.memory_space<vmem_shared>>)
    %add3A_434 = arith.constant 416 : i32
    %add3A_435 = arith.addi %multiple_of3A, %add3A_434 : i32
    %dma_wait3A_436 = arith.constant 0 : i32
    %dma_wait3A_437 = tpu.memref_slice %arg10[%add3A_435, %dma_wait3A_436] : memref<10000x128xf32, #tpu.memory_space<vmem_shared>> -> memref<16x128xf32, #tpu.memory_space<vmem_shared>>
    %dma_wait3A_438 = arith.constant 0 : i32
    %dma_wait3A_439 = tpu.memref_slice %arg10[%add3A_435, %dma_wait3A_438] : memref<10000x128xf32, #tpu.memory_space<vmem_shared>> -> memref<16x128xf32, #tpu.memory_space<vmem_shared>>
    tpu.wait_dma2 semaphore(%arg13 : memref<!tpu.dma_semaphore, #tpu.memory_space<semaphore_mem>>) src(%arg9 : memref<16x128xf32, #tpu.memory_space<vmem>>) dst(%dma_wait3A_439 : memref<16x128xf32, #tpu.memory_space<vmem_shared>>)
    %add3A_440 = arith.constant 432 : i32
    %add3A_441 = arith.addi %multiple_of3A, %add3A_440 : i32
    %dma_wait3A_442 = arith.constant 0 : i32
    %dma_wait3A_443 = tpu.memref_slice %arg10[%add3A_441, %dma_wait3A_442] : memref<10000x128xf32, #tpu.memory_space<vmem_shared>> -> memref<16x128xf32, #tpu.memory_space<vmem_shared>>
    %dma_wait3A_444 = arith.constant 0 : i32
    %dma_wait3A_445 = tpu.memref_slice %arg10[%add3A_441, %dma_wait3A_444] : memref<10000x128xf32, #tpu.memory_space<vmem_shared>> -> memref<16x128xf32, #tpu.memory_space<vmem_shared>>
    tpu.wait_dma2 semaphore(%arg13 : memref<!tpu.dma_semaphore, #tpu.memory_space<semaphore_mem>>) src(%arg9 : memref<16x128xf32, #tpu.memory_space<vmem>>) dst(%dma_wait3A_445 : memref<16x128xf32, #tpu.memory_space<vmem_shared>>)
    %add3A_446 = arith.constant 448 : i32
    %add3A_447 = arith.addi %multiple_of3A, %add3A_446 : i32
    %dma_wait3A_448 = arith.constant 0 : i32
    %dma_wait3A_449 = tpu.memref_slice %arg10[%add3A_447, %dma_wait3A_448] : memref<10000x128xf32, #tpu.memory_space<vmem_shared>> -> memref<16x128xf32, #tpu.memory_space<vmem_shared>>
    %dma_wait3A_450 = arith.constant 0 : i32
    %dma_wait3A_451 = tpu.memref_slice %arg10[%add3A_447, %dma_wait3A_450] : memref<10000x128xf32, #tpu.memory_space<vmem_shared>> -> memref<16x128xf32, #tpu.memory_space<vmem_shared>>
    tpu.wait_dma2 semaphore(%arg13 : memref<!tpu.dma_semaphore, #tpu.memory_space<semaphore_mem>>) src(%arg9 : memref<16x128xf32, #tpu.memory_space<vmem>>) dst(%dma_wait3A_451 : memref<16x128xf32, #tpu.memory_space<vmem_shared>>)
    %add3A_452 = arith.constant 464 : i32
    %add3A_453 = arith.addi %multiple_of3A, %add3A_452 : i32
    %dma_wait3A_454 = arith.constant 0 : i32
    %dma_wait3A_455 = tpu.memref_slice %arg10[%add3A_453, %dma_wait3A_454] : memref<10000x128xf32, #tpu.memory_space<vmem_shared>> -> memref<16x128xf32, #tpu.memory_space<vmem_shared>>
    %dma_wait3A_456 = arith.constant 0 : i32
    %dma_wait3A_457 = tpu.memref_slice %arg10[%add3A_453, %dma_wait3A_456] : memref<10000x128xf32, #tpu.memory_space<vmem_shared>> -> memref<16x128xf32, #tpu.memory_space<vmem_shared>>
    tpu.wait_dma2 semaphore(%arg13 : memref<!tpu.dma_semaphore, #tpu.memory_space<semaphore_mem>>) src(%arg9 : memref<16x128xf32, #tpu.memory_space<vmem>>) dst(%dma_wait3A_457 : memref<16x128xf32, #tpu.memory_space<vmem_shared>>)
    %add3A_458 = arith.constant 480 : i32
    %add3A_459 = arith.addi %multiple_of3A, %add3A_458 : i32
    %dma_wait3A_460 = arith.constant 0 : i32
    %dma_wait3A_461 = tpu.memref_slice %arg10[%add3A_459, %dma_wait3A_460] : memref<10000x128xf32, #tpu.memory_space<vmem_shared>> -> memref<16x128xf32, #tpu.memory_space<vmem_shared>>
    %dma_wait3A_462 = arith.constant 0 : i32
    %dma_wait3A_463 = tpu.memref_slice %arg10[%add3A_459, %dma_wait3A_462] : memref<10000x128xf32, #tpu.memory_space<vmem_shared>> -> memref<16x128xf32, #tpu.memory_space<vmem_shared>>
    tpu.wait_dma2 semaphore(%arg13 : memref<!tpu.dma_semaphore, #tpu.memory_space<semaphore_mem>>) src(%arg9 : memref<16x128xf32, #tpu.memory_space<vmem>>) dst(%dma_wait3A_463 : memref<16x128xf32, #tpu.memory_space<vmem_shared>>)
    %add3A_464 = arith.constant 496 : i32
    %add3A_465 = arith.addi %multiple_of3A, %add3A_464 : i32
    %dma_wait3A_466 = arith.constant 0 : i32
    %dma_wait3A_467 = tpu.memref_slice %arg10[%add3A_465, %dma_wait3A_466] : memref<10000x128xf32, #tpu.memory_space<vmem_shared>> -> memref<16x128xf32, #tpu.memory_space<vmem_shared>>
    %dma_wait3A_468 = arith.constant 0 : i32
    %dma_wait3A_469 = tpu.memref_slice %arg10[%add3A_465, %dma_wait3A_468] : memref<10000x128xf32, #tpu.memory_space<vmem_shared>> -> memref<16x128xf32, #tpu.memory_space<vmem_shared>>
    tpu.wait_dma2 semaphore(%arg13 : memref<!tpu.dma_semaphore, #tpu.memory_space<semaphore_mem>>) src(%arg9 : memref<16x128xf32, #tpu.memory_space<vmem>>) dst(%dma_wait3A_469 : memref<16x128xf32, #tpu.memory_space<vmem_shared>>)
    %add3A_470 = arith.constant 512 : i32
    %add3A_471 = arith.addi %multiple_of3A, %add3A_470 : i32
    %dma_wait3A_472 = arith.constant 0 : i32
    %dma_wait3A_473 = tpu.memref_slice %arg10[%add3A_471, %dma_wait3A_472] : memref<10000x128xf32, #tpu.memory_space<vmem_shared>> -> memref<16x128xf32, #tpu.memory_space<vmem_shared>>
    %dma_wait3A_474 = arith.constant 0 : i32
    %dma_wait3A_475 = tpu.memref_slice %arg10[%add3A_471, %dma_wait3A_474] : memref<10000x128xf32, #tpu.memory_space<vmem_shared>> -> memref<16x128xf32, #tpu.memory_space<vmem_shared>>
    tpu.wait_dma2 semaphore(%arg13 : memref<!tpu.dma_semaphore, #tpu.memory_space<semaphore_mem>>) src(%arg9 : memref<16x128xf32, #tpu.memory_space<vmem>>) dst(%dma_wait3A_475 : memref<16x128xf32, #tpu.memory_space<vmem_shared>>)
    %add3A_476 = arith.constant 528 : i32
    %add3A_477 = arith.addi %multiple_of3A, %add3A_476 : i32
    %dma_wait3A_478 = arith.constant 0 : i32
    %dma_wait3A_479 = tpu.memref_slice %arg10[%add3A_477, %dma_wait3A_478] : memref<10000x128xf32, #tpu.memory_space<vmem_shared>> -> memref<16x128xf32, #tpu.memory_space<vmem_shared>>
    %dma_wait3A_480 = arith.constant 0 : i32
    %dma_wait3A_481 = tpu.memref_slice %arg10[%add3A_477, %dma_wait3A_480] : memref<10000x128xf32, #tpu.memory_space<vmem_shared>> -> memref<16x128xf32, #tpu.memory_space<vmem_shared>>
    tpu.wait_dma2 semaphore(%arg13 : memref<!tpu.dma_semaphore, #tpu.memory_space<semaphore_mem>>) src(%arg9 : memref<16x128xf32, #tpu.memory_space<vmem>>) dst(%dma_wait3A_481 : memref<16x128xf32, #tpu.memory_space<vmem_shared>>)
    %add3A_482 = arith.constant 544 : i32
    %add3A_483 = arith.addi %multiple_of3A, %add3A_482 : i32
    %dma_wait3A_484 = arith.constant 0 : i32
    %dma_wait3A_485 = tpu.memref_slice %arg10[%add3A_483, %dma_wait3A_484] : memref<10000x128xf32, #tpu.memory_space<vmem_shared>> -> memref<16x128xf32, #tpu.memory_space<vmem_shared>>
    %dma_wait3A_486 = arith.constant 0 : i32
    %dma_wait3A_487 = tpu.memref_slice %arg10[%add3A_483, %dma_wait3A_486] : memref<10000x128xf32, #tpu.memory_space<vmem_shared>> -> memref<16x128xf32, #tpu.memory_space<vmem_shared>>
    tpu.wait_dma2 semaphore(%arg13 : memref<!tpu.dma_semaphore, #tpu.memory_space<semaphore_mem>>) src(%arg9 : memref<16x128xf32, #tpu.memory_space<vmem>>) dst(%dma_wait3A_487 : memref<16x128xf32, #tpu.memory_space<vmem_shared>>)
    %add3A_488 = arith.constant 560 : i32
    %add3A_489 = arith.addi %multiple_of3A, %add3A_488 : i32
    %dma_wait3A_490 = arith.constant 0 : i32
    %dma_wait3A_491 = tpu.memref_slice %arg10[%add3A_489, %dma_wait3A_490] : memref<10000x128xf32, #tpu.memory_space<vmem_shared>> -> memref<16x128xf32, #tpu.memory_space<vmem_shared>>
    %dma_wait3A_492 = arith.constant 0 : i32
    %dma_wait3A_493 = tpu.memref_slice %arg10[%add3A_489, %dma_wait3A_492] : memref<10000x128xf32, #tpu.memory_space<vmem_shared>> -> memref<16x128xf32, #tpu.memory_space<vmem_shared>>
    tpu.wait_dma2 semaphore(%arg13 : memref<!tpu.dma_semaphore, #tpu.memory_space<semaphore_mem>>) src(%arg9 : memref<16x128xf32, #tpu.memory_space<vmem>>) dst(%dma_wait3A_493 : memref<16x128xf32, #tpu.memory_space<vmem_shared>>)
    %add3A_494 = arith.constant 576 : i32
    %add3A_495 = arith.addi %multiple_of3A, %add3A_494 : i32
    %dma_wait3A_496 = arith.constant 0 : i32
    %dma_wait3A_497 = tpu.memref_slice %arg10[%add3A_495, %dma_wait3A_496] : memref<10000x128xf32, #tpu.memory_space<vmem_shared>> -> memref<16x128xf32, #tpu.memory_space<vmem_shared>>
    %dma_wait3A_498 = arith.constant 0 : i32
    %dma_wait3A_499 = tpu.memref_slice %arg10[%add3A_495, %dma_wait3A_498] : memref<10000x128xf32, #tpu.memory_space<vmem_shared>> -> memref<16x128xf32, #tpu.memory_space<vmem_shared>>
    tpu.wait_dma2 semaphore(%arg13 : memref<!tpu.dma_semaphore, #tpu.memory_space<semaphore_mem>>) src(%arg9 : memref<16x128xf32, #tpu.memory_space<vmem>>) dst(%dma_wait3A_499 : memref<16x128xf32, #tpu.memory_space<vmem_shared>>)
    %add3A_500 = arith.constant 592 : i32
    %add3A_501 = arith.addi %multiple_of3A, %add3A_500 : i32
    %dma_wait3A_502 = arith.constant 0 : i32
    %dma_wait3A_503 = tpu.memref_slice %arg10[%add3A_501, %dma_wait3A_502] : memref<10000x128xf32, #tpu.memory_space<vmem_shared>> -> memref<16x128xf32, #tpu.memory_space<vmem_shared>>
    %dma_wait3A_504 = arith.constant 0 : i32
    %dma_wait3A_505 = tpu.memref_slice %arg10[%add3A_501, %dma_wait3A_504] : memref<10000x128xf32, #tpu.memory_space<vmem_shared>> -> memref<16x128xf32, #tpu.memory_space<vmem_shared>>
    tpu.wait_dma2 semaphore(%arg13 : memref<!tpu.dma_semaphore, #tpu.memory_space<semaphore_mem>>) src(%arg9 : memref<16x128xf32, #tpu.memory_space<vmem>>) dst(%dma_wait3A_505 : memref<16x128xf32, #tpu.memory_space<vmem_shared>>)
    %add3A_506 = arith.constant 608 : i32
    %add3A_507 = arith.addi %multiple_of3A, %add3A_506 : i32
    %dma_wait3A_508 = arith.constant 0 : i32
    %dma_wait3A_509 = tpu.memref_slice %arg10[%add3A_507, %dma_wait3A_508] : memref<10000x128xf32, #tpu.memory_space<vmem_shared>> -> memref<16x128xf32, #tpu.memory_space<vmem_shared>>
    %dma_wait3A_510 = arith.constant 0 : i32
    %dma_wait3A_511 = tpu.memref_slice %arg10[%add3A_507, %dma_wait3A_510] : memref<10000x128xf32, #tpu.memory_space<vmem_shared>> -> memref<16x128xf32, #tpu.memory_space<vmem_shared>>
    tpu.wait_dma2 semaphore(%arg13 : memref<!tpu.dma_semaphore, #tpu.memory_space<semaphore_mem>>) src(%arg9 : memref<16x128xf32, #tpu.memory_space<vmem>>) dst(%dma_wait3A_511 : memref<16x128xf32, #tpu.memory_space<vmem_shared>>)
    %barrier3A = arith.constant 0 : index
    tpu.barrier barrier_id(%barrier3A)
    %scan3A_512 = arith.constant 0 : i32
    %scan3A_513 = arith.constant 0 : i32
    %scan3A_514 = arith.constant 125 : i32
    %scan3A_515 = arith.addi %scan3A_513, %scan3A_514 : i32
    %scan3A_516 = arith.constant 1 : i32
    scf.for %scan3A_542 = %scan3A_513 to %scan3A_515 step %scan3A_516  : i32 {
      %jit3A = arith.constant 5 : i32
      %div3A = arith.divsi %scan3A_542, %jit3A : i32
      %sign3A = arith.constant 0 : i32
      %sign3A_543 = arith.cmpi sgt, %scan3A_542, %sign3A : i32
      %sign3A_544 = arith.extui %sign3A_543 : i1 to i32
      %sign3A_545 = arith.constant 0 : i32
      %sign3A_546 = arith.cmpi slt, %scan3A_542, %sign3A_545 : i32
      %sign3A_547 = arith.extui %sign3A_546 : i1 to i32
      %sign3A_548 = arith.subi %sign3A_544, %sign3A_547 : i32
      %sign3A_549 = arith.constant 0 : i32
      %sign3A_550 = arith.cmpi sgt, %jit3A, %sign3A_549 : i32
      %sign3A_551 = arith.extui %sign3A_550 : i1 to i32
      %sign3A_552 = arith.constant 0 : i32
      %sign3A_553 = arith.cmpi slt, %jit3A, %sign3A_552 : i32
      %sign3A_554 = arith.extui %sign3A_553 : i1 to i32
      %sign3A_555 = arith.subi %sign3A_551, %sign3A_554 : i32
      %ne3A = arith.cmpi ne, %sign3A_548, %sign3A_555 : i32
      %rem3A = arith.remsi %scan3A_542, %jit3A : i32
      %ne3A_556 = arith.constant 0 : i32
      %ne3A_557 = arith.cmpi ne, %rem3A, %ne3A_556 : i32
      %and3A = arith.andi %ne3A, %ne3A_557 : i1
      %sub3A = arith.constant 1 : i32
      %sub3A_558 = arith.subi %div3A, %sub3A : i32
      %select_n3A = arith.select %and3A, %sub3A_558, %div3A : i32
      %jit3A_559 = arith.constant 5 : i32
      %eq3A_560 = arith.constant 0 : i32
      %eq3A_561 = arith.cmpi eq, %jit3A_559, %eq3A_560 : i32
      %jit3A_562 = arith.constant 1 : i32
      %select_n3A_563 = arith.select %eq3A_561, %jit3A_562, %jit3A_559 : i32
      %rem3A_564 = arith.remsi %scan3A_542, %select_n3A_563 : i32
      %ne3A_565 = arith.constant 0 : i32
      %ne3A_566 = arith.cmpi ne, %rem3A_564, %ne3A_565 : i32
      %lt3A = arith.constant 0 : i32
      %lt3A_567 = arith.cmpi slt, %rem3A_564, %lt3A : i32
      %lt3A_568 = arith.constant 0 : i32
      %lt3A_569 = arith.cmpi slt, %select_n3A_563, %lt3A_568 : i32
      %ne3A_570 = arith.xori %lt3A_567, %lt3A_569 : i1
      %and3A_571 = arith.andi %ne3A_570, %ne3A_566 : i1
      %add3A_572 = arith.addi %rem3A_564, %select_n3A_563 : i32
      %select_n3A_573 = arith.select %and3A_571, %add3A_572, %rem3A_564 : i32
      %and3A_574 = arith.constant 1 : i32
      %and3A_575 = arith.andi %select_n3A, %and3A_574 : i32
      %rem3A_576 = arith.constant 3 : i32
      %rem3A_577 = arith.remsi %scan3A_542, %rem3A_576 : i32
      %add3A_578 = arith.constant 2 : i32
      %add3A_579 = arith.addi %scan3A_542, %add3A_578 : i32
      %rem3A_580 = arith.constant 3 : i32
      %rem3A_581 = arith.remsi %add3A_579, %rem3A_580 : i32
      %dma_wait3A_582 = arith.constant 0 : i32
      %dma_wait3A_583 = arith.constant 0 : i32
      %dma_wait3A_584 = tpu.memref_slice %arg8[%rem3A_577, %dma_wait3A_582, %dma_wait3A_583] : memref<3x80x128xf32, #tpu.memory_space<vmem>> -> memref<1x80x128xf32, #tpu.memory_space<vmem>>
      %dma_wait3A_585 = tpu.memref_squeeze %dma_wait3A_584 : memref<1x80x128xf32, #tpu.memory_space<vmem>> -> memref<80x128xf32, #tpu.memory_space<vmem>>
      %dma_wait3A_586 = arith.constant 0 : i32
      %dma_wait3A_587 = tpu.memref_slice %arg6[%and3A_575, %select_n3A_573, %dma_wait3A_586] : memref<2x5x80xi32, #tpu.memory_space<vmem>> -> memref<1x1x80xi32, #tpu.memory_space<vmem>>
      %dma_wait3A_588 = tpu.memref_squeeze %dma_wait3A_587 : memref<1x1x80xi32, #tpu.memory_space<vmem>> -> memref<80xi32, #tpu.memory_space<vmem>>
      %dma_wait3A_589 = arith.constant 0 : i32
      %dma_wait3A_590 = arith.constant 0 : i32
      %dma_wait3A_591 = tpu.memref_slice %arg2[%dma_wait3A_589, %dma_wait3A_590] : memref<10000x128xf32, #tpu.memory_space<hbm>> -> memref<10000x128xf32, #tpu.memory_space<hbm>>
      %dma_wait3A_592 = tpu.memref_slice %arg11[%rem3A_577] : memref<3x!tpu.dma_semaphore, #tpu.memory_space<semaphore_mem>> -> memref<1x!tpu.dma_semaphore, #tpu.memory_space<semaphore_mem>>
      %dma_wait3A_593 = tpu.memref_squeeze %dma_wait3A_592 : memref<1x!tpu.dma_semaphore, #tpu.memory_space<semaphore_mem>> -> memref<!tpu.dma_semaphore, #tpu.memory_space<semaphore_mem>>
      tpu.wait_indirect_dma semaphore(%dma_wait3A_593 : memref<!tpu.dma_semaphore, #tpu.memory_space<semaphore_mem>>) src(%dma_wait3A_591 : memref<10000x128xf32, #tpu.memory_space<hbm>>) dst(%dma_wait3A_585 : memref<80x128xf32, #tpu.memory_space<vmem>>)
      %ge3A = arith.constant 1 : i32
      %ge3A_594 = arith.cmpi sge, %scan3A_542, %ge3A : i32
      %convert_element_type3A_595 = arith.extui %ge3A_594 : i1 to i32
      %cond3A_596 = arith.constant 0 : i32
      %cond3A_597 = arith.cmpi ne, %convert_element_type3A_595, %cond3A_596 : i32
      scf.if %cond3A_597 {
        %dma_wait3A_654 = arith.constant 0 : i32
        %dma_wait3A_655 = arith.constant 0 : i32
        %dma_wait3A_656 = tpu.memref_slice %arg8[%rem3A_581, %dma_wait3A_654, %dma_wait3A_655] : memref<3x80x128xf32, #tpu.memory_space<vmem>> -> memref<1x80x128xf32, #tpu.memory_space<vmem>>
        %dma_wait3A_657 = tpu.memref_squeeze %dma_wait3A_656 : memref<1x80x128xf32, #tpu.memory_space<vmem>> -> memref<80x128xf32, #tpu.memory_space<vmem>>
        %dma_wait3A_658 = arith.constant 0 : i32
        %dma_wait3A_659 = arith.constant 0 : i32
        %dma_wait3A_660 = tpu.memref_slice %arg10[%dma_wait3A_658, %dma_wait3A_659] : memref<10000x128xf32, #tpu.memory_space<vmem_shared>> -> memref<80x128xf32, #tpu.memory_space<vmem_shared>>
        %dma_wait3A_661 = tpu.memref_slice %arg12[%rem3A_581] : memref<3x!tpu.dma_semaphore, #tpu.memory_space<semaphore_mem>> -> memref<1x!tpu.dma_semaphore, #tpu.memory_space<semaphore_mem>>
        %dma_wait3A_662 = tpu.memref_squeeze %dma_wait3A_661 : memref<1x!tpu.dma_semaphore, #tpu.memory_space<semaphore_mem>> -> memref<!tpu.dma_semaphore, #tpu.memory_space<semaphore_mem>>
        %dma_wait3A_663 = arith.constant 0 : i32
        %dma_wait3A_664 = arith.constant 0 : i32
        %dma_wait3A_665 = tpu.memref_slice %arg10[%dma_wait3A_663, %dma_wait3A_664] : memref<10000x128xf32, #tpu.memory_space<vmem_shared>> -> memref<80x128xf32, #tpu.memory_space<vmem_shared>>
        %dma_wait3A_666 = arith.constant 0 : i32
        %dma_wait3A_667 = arith.constant 0 : i32
        %dma_wait3A_668 = tpu.memref_slice %arg8[%rem3A_581, %dma_wait3A_666, %dma_wait3A_667] : memref<3x80x128xf32, #tpu.memory_space<vmem>> -> memref<1x80x128xf32, #tpu.memory_space<vmem>>
        %dma_wait3A_669 = tpu.memref_squeeze %dma_wait3A_668 : memref<1x80x128xf32, #tpu.memory_space<vmem>> -> memref<80x128xf32, #tpu.memory_space<vmem>>
        tpu.wait_dma2 semaphore(%dma_wait3A_662 : memref<!tpu.dma_semaphore, #tpu.memory_space<semaphore_mem>>) src(%dma_wait3A_669 : memref<80x128xf32, #tpu.memory_space<vmem>>) dst(%dma_wait3A_665 : memref<80x128xf32, #tpu.memory_space<vmem_shared>>)
      } else {
      }
      %eq3A_598 = arith.constant 0 : i32
      %eq3A_599 = arith.cmpi eq, %select_n3A_573, %eq3A_598 : i32
      %add3A_600 = arith.constant 1 : i32
      %add3A_601 = arith.addi %select_n3A, %add3A_600 : i32
      %lt3A_602 = arith.constant 25 : i32
      %lt3A_603 = arith.cmpi slt, %add3A_601, %lt3A_602 : i32
      %and3A_604 = arith.andi %eq3A_599, %lt3A_603 : i1
      %convert_element_type3A_605 = arith.extui %and3A_604 : i1 to i32
      %cond3A_606 = arith.constant 0 : i32
      %cond3A_607 = arith.cmpi ne, %convert_element_type3A_605, %cond3A_606 : i32
      scf.if %cond3A_607 {
        %add3A_654 = arith.constant 1 : i32
        %add3A_655 = arith.addi %select_n3A, %add3A_654 : i32
        %sub3A_656 = arith.constant 1 : i32
        %sub3A_657 = arith.subi %sub3A_656, %and3A_575 : i32
        %dma_start3A_658 = arith.constant 0 : i32
        %dma_start3A_659 = arith.constant 0 : i32
        %dma_start3A_660 = tpu.memref_slice %arg6[%sub3A_657, %dma_start3A_658, %dma_start3A_659] : memref<2x5x80xi32, #tpu.memory_space<vmem>> -> memref<1x5x80xi32, #tpu.memory_space<vmem>>
        %dma_start3A_661 = tpu.memref_squeeze %dma_start3A_660 : memref<1x5x80xi32, #tpu.memory_space<vmem>> -> memref<5x80xi32, #tpu.memory_space<vmem>>
        %dma_start3A_662 = arith.constant 0 : i32
        %dma_start3A_663 = arith.constant 0 : i32
        %dma_start3A_664 = tpu.memref_slice %arg3[%add3A, %add3A_655, %dma_start3A_662, %dma_start3A_663] : memref<32x25x5x80xi32, #tpu.memory_space<hbm>> -> memref<1x1x5x80xi32, #tpu.memory_space<hbm>>
        %dma_start3A_665 = tpu.memref_squeeze %dma_start3A_664 : memref<1x1x5x80xi32, #tpu.memory_space<hbm>> -> memref<5x80xi32, #tpu.memory_space<hbm>>
        %dma_start3A_666 = arith.constant 0 : i32
        %dma_start3A_667 = arith.constant 0 : i32
        %dma_start3A_668 = tpu.memref_slice %arg6[%sub3A_657, %dma_start3A_666, %dma_start3A_667] : memref<2x5x80xi32, #tpu.memory_space<vmem>> -> memref<1x5x80xi32, #tpu.memory_space<vmem>>
        %dma_start3A_669 = tpu.memref_squeeze %dma_start3A_668 : memref<1x5x80xi32, #tpu.memory_space<vmem>> -> memref<5x80xi32, #tpu.memory_space<vmem>>
        %dma_start3A_670 = arith.constant 0 : i32
        %dma_start3A_671 = arith.constant 0 : i32
        %dma_start3A_672 = tpu.memref_slice %arg3[%add3A, %add3A_655, %dma_start3A_670, %dma_start3A_671] : memref<32x25x5x80xi32, #tpu.memory_space<hbm>> -> memref<1x1x5x80xi32, #tpu.memory_space<hbm>>
        %dma_start3A_673 = tpu.memref_squeeze %dma_start3A_672 : memref<1x1x5x80xi32, #tpu.memory_space<hbm>> -> memref<5x80xi32, #tpu.memory_space<hbm>>
        tpu.enqueue_dma source(%dma_start3A_673 : memref<5x80xi32, #tpu.memory_space<hbm>>) target(%dma_start3A_669 : memref<5x80xi32, #tpu.memory_space<vmem>>) target_semaphore(%arg13 : memref<!tpu.dma_semaphore, #tpu.memory_space<semaphore_mem>>)
      } else {
      }
      %eq3A_608 = arith.constant 1 : i32
      %eq3A_609 = arith.cmpi eq, %select_n3A_573, %eq3A_608 : i32
      %add3A_610 = arith.constant 1 : i32
      %add3A_611 = arith.addi %select_n3A, %add3A_610 : i32
      %lt3A_612 = arith.constant 25 : i32
      %lt3A_613 = arith.cmpi slt, %add3A_611, %lt3A_612 : i32
      %and3A_614 = arith.andi %eq3A_609, %lt3A_613 : i1
      %convert_element_type3A_615 = arith.extui %and3A_614 : i1 to i32
      %cond3A_616 = arith.constant 0 : i32
      %cond3A_617 = arith.cmpi ne, %convert_element_type3A_615, %cond3A_616 : i32
      scf.if %cond3A_617 {
        %add3A_654 = arith.constant 1 : i32
        %add3A_655 = arith.addi %select_n3A, %add3A_654 : i32
        %sub3A_656 = arith.constant 1 : i32
        %sub3A_657 = arith.subi %sub3A_656, %and3A_575 : i32
        %dma_start3A_658 = arith.constant 0 : i32
        %dma_start3A_659 = arith.constant 0 : i32
        %dma_start3A_660 = tpu.memref_slice %arg7[%sub3A_657, %dma_start3A_658, %dma_start3A_659] : memref<2x5x80xi32, #tpu.memory_space<vmem>> -> memref<1x5x80xi32, #tpu.memory_space<vmem>>
        %dma_start3A_661 = tpu.memref_squeeze %dma_start3A_660 : memref<1x5x80xi32, #tpu.memory_space<vmem>> -> memref<5x80xi32, #tpu.memory_space<vmem>>
        %dma_start3A_662 = arith.constant 0 : i32
        %dma_start3A_663 = arith.constant 0 : i32
        %dma_start3A_664 = tpu.memref_slice %arg4[%add3A, %add3A_655, %dma_start3A_662, %dma_start3A_663] : memref<32x25x5x80xi32, #tpu.memory_space<hbm>> -> memref<1x1x5x80xi32, #tpu.memory_space<hbm>>
        %dma_start3A_665 = tpu.memref_squeeze %dma_start3A_664 : memref<1x1x5x80xi32, #tpu.memory_space<hbm>> -> memref<5x80xi32, #tpu.memory_space<hbm>>
        %dma_start3A_666 = arith.constant 0 : i32
        %dma_start3A_667 = arith.constant 0 : i32
        %dma_start3A_668 = tpu.memref_slice %arg7[%sub3A_657, %dma_start3A_666, %dma_start3A_667] : memref<2x5x80xi32, #tpu.memory_space<vmem>> -> memref<1x5x80xi32, #tpu.memory_space<vmem>>
        %dma_start3A_669 = tpu.memref_squeeze %dma_start3A_668 : memref<1x5x80xi32, #tpu.memory_space<vmem>> -> memref<5x80xi32, #tpu.memory_space<vmem>>
        %dma_start3A_670 = arith.constant 0 : i32
        %dma_start3A_671 = arith.constant 0 : i32
        %dma_start3A_672 = tpu.memref_slice %arg4[%add3A, %add3A_655, %dma_start3A_670, %dma_start3A_671] : memref<32x25x5x80xi32, #tpu.memory_space<hbm>> -> memref<1x1x5x80xi32, #tpu.memory_space<hbm>>
        %dma_start3A_673 = tpu.memref_squeeze %dma_start3A_672 : memref<1x1x5x80xi32, #tpu.memory_space<hbm>> -> memref<5x80xi32, #tpu.memory_space<hbm>>
        tpu.enqueue_dma source(%dma_start3A_673 : memref<5x80xi32, #tpu.memory_space<hbm>>) target(%dma_start3A_669 : memref<5x80xi32, #tpu.memory_space<vmem>>) target_semaphore(%arg14 : memref<!tpu.dma_semaphore, #tpu.memory_space<semaphore_mem>>)
      } else {
      }
      %eq3A_618 = arith.constant 3 : i32
      %eq3A_619 = arith.cmpi eq, %select_n3A_573, %eq3A_618 : i32
      %add3A_620 = arith.constant 1 : i32
      %add3A_621 = arith.addi %select_n3A, %add3A_620 : i32
      %lt3A_622 = arith.constant 25 : i32
      %lt3A_623 = arith.cmpi slt, %add3A_621, %lt3A_622 : i32
      %and3A_624 = arith.andi %eq3A_619, %lt3A_623 : i1
      %convert_element_type3A_625 = arith.extui %and3A_624 : i1 to i32
      %cond3A_626 = arith.constant 0 : i32
      %cond3A_627 = arith.cmpi ne, %convert_element_type3A_625, %cond3A_626 : i32
      scf.if %cond3A_627 {
        %dma_wait3A_654 = arith.constant 0 : i32
        %dma_wait3A_655 = arith.constant 0 : i32
        %dma_wait3A_656 = arith.constant 0 : i32
        %dma_wait3A_657 = arith.constant 0 : i32
        %dma_wait3A_658 = tpu.memref_slice %arg6[%dma_wait3A_655, %dma_wait3A_656, %dma_wait3A_657] : memref<2x5x80xi32, #tpu.memory_space<vmem>> -> memref<1x5x80xi32, #tpu.memory_space<vmem>>
        %dma_wait3A_659 = tpu.memref_squeeze %dma_wait3A_658 : memref<1x5x80xi32, #tpu.memory_space<vmem>> -> memref<5x80xi32, #tpu.memory_space<vmem>>
        %dma_wait3A_660 = arith.constant 0 : i32
        %dma_wait3A_661 = arith.constant 0 : i32
        %dma_wait3A_662 = tpu.memref_slice %arg3[%add3A, %dma_wait3A_654, %dma_wait3A_660, %dma_wait3A_661] : memref<32x25x5x80xi32, #tpu.memory_space<hbm>> -> memref<1x1x5x80xi32, #tpu.memory_space<hbm>>
        %dma_wait3A_663 = tpu.memref_squeeze %dma_wait3A_662 : memref<1x1x5x80xi32, #tpu.memory_space<hbm>> -> memref<5x80xi32, #tpu.memory_space<hbm>>
        %dma_wait3A_664 = arith.constant 0 : i32
        %dma_wait3A_665 = arith.constant 0 : i32
        %dma_wait3A_666 = tpu.memref_slice %arg6[%dma_wait3A_655, %dma_wait3A_664, %dma_wait3A_665] : memref<2x5x80xi32, #tpu.memory_space<vmem>> -> memref<1x5x80xi32, #tpu.memory_space<vmem>>
        %dma_wait3A_667 = tpu.memref_squeeze %dma_wait3A_666 : memref<1x5x80xi32, #tpu.memory_space<vmem>> -> memref<5x80xi32, #tpu.memory_space<vmem>>
        %dma_wait3A_668 = arith.constant 0 : i32
        %dma_wait3A_669 = arith.constant 0 : i32
        %dma_wait3A_670 = tpu.memref_slice %arg3[%add3A, %dma_wait3A_654, %dma_wait3A_668, %dma_wait3A_669] : memref<32x25x5x80xi32, #tpu.memory_space<hbm>> -> memref<1x1x5x80xi32, #tpu.memory_space<hbm>>
        %dma_wait3A_671 = tpu.memref_squeeze %dma_wait3A_670 : memref<1x1x5x80xi32, #tpu.memory_space<hbm>> -> memref<5x80xi32, #tpu.memory_space<hbm>>
        tpu.wait_dma2 semaphore(%arg13 : memref<!tpu.dma_semaphore, #tpu.memory_space<semaphore_mem>>) src(%dma_wait3A_671 : memref<5x80xi32, #tpu.memory_space<hbm>>) dst(%dma_wait3A_667 : memref<5x80xi32, #tpu.memory_space<vmem>>)
      } else {
      }
      %eq3A_628 = arith.constant 0 : i32
      %eq3A_629 = arith.cmpi eq, %select_n3A_573, %eq3A_628 : i32
      %gt3A = arith.constant 0 : i32
      %gt3A_630 = arith.cmpi sgt, %select_n3A, %gt3A : i32
      %and3A_631 = arith.andi %eq3A_629, %gt3A_630 : i1
      %convert_element_type3A_632 = arith.extui %and3A_631 : i1 to i32
      %cond3A_633 = arith.constant 0 : i32
      %cond3A_634 = arith.cmpi ne, %convert_element_type3A_632, %cond3A_633 : i32
      scf.if %cond3A_634 {
        %dma_wait3A_654 = arith.constant 0 : i32
        %dma_wait3A_655 = arith.constant 0 : i32
        %dma_wait3A_656 = arith.constant 0 : i32
        %dma_wait3A_657 = arith.constant 0 : i32
        %dma_wait3A_658 = tpu.memref_slice %arg7[%dma_wait3A_655, %dma_wait3A_656, %dma_wait3A_657] : memref<2x5x80xi32, #tpu.memory_space<vmem>> -> memref<1x5x80xi32, #tpu.memory_space<vmem>>
        %dma_wait3A_659 = tpu.memref_squeeze %dma_wait3A_658 : memref<1x5x80xi32, #tpu.memory_space<vmem>> -> memref<5x80xi32, #tpu.memory_space<vmem>>
        %dma_wait3A_660 = arith.constant 0 : i32
        %dma_wait3A_661 = arith.constant 0 : i32
        %dma_wait3A_662 = tpu.memref_slice %arg4[%add3A, %dma_wait3A_654, %dma_wait3A_660, %dma_wait3A_661] : memref<32x25x5x80xi32, #tpu.memory_space<hbm>> -> memref<1x1x5x80xi32, #tpu.memory_space<hbm>>
        %dma_wait3A_663 = tpu.memref_squeeze %dma_wait3A_662 : memref<1x1x5x80xi32, #tpu.memory_space<hbm>> -> memref<5x80xi32, #tpu.memory_space<hbm>>
        %dma_wait3A_664 = arith.constant 0 : i32
        %dma_wait3A_665 = arith.constant 0 : i32
        %dma_wait3A_666 = tpu.memref_slice %arg7[%dma_wait3A_655, %dma_wait3A_664, %dma_wait3A_665] : memref<2x5x80xi32, #tpu.memory_space<vmem>> -> memref<1x5x80xi32, #tpu.memory_space<vmem>>
        %dma_wait3A_667 = tpu.memref_squeeze %dma_wait3A_666 : memref<1x5x80xi32, #tpu.memory_space<vmem>> -> memref<5x80xi32, #tpu.memory_space<vmem>>
        %dma_wait3A_668 = arith.constant 0 : i32
        %dma_wait3A_669 = arith.constant 0 : i32
        %dma_wait3A_670 = tpu.memref_slice %arg4[%add3A, %dma_wait3A_654, %dma_wait3A_668, %dma_wait3A_669] : memref<32x25x5x80xi32, #tpu.memory_space<hbm>> -> memref<1x1x5x80xi32, #tpu.memory_space<hbm>>
        %dma_wait3A_671 = tpu.memref_squeeze %dma_wait3A_670 : memref<1x1x5x80xi32, #tpu.memory_space<hbm>> -> memref<5x80xi32, #tpu.memory_space<hbm>>
        tpu.wait_dma2 semaphore(%arg14 : memref<!tpu.dma_semaphore, #tpu.memory_space<semaphore_mem>>) src(%dma_wait3A_671 : memref<5x80xi32, #tpu.memory_space<hbm>>) dst(%dma_wait3A_667 : memref<5x80xi32, #tpu.memory_space<vmem>>)
      } else {
      }
      %add3A_635 = arith.constant 2 : i32
      %add3A_636 = arith.addi %scan3A_542, %add3A_635 : i32
      %lt3A_637 = arith.constant 125 : i32
      %lt3A_638 = arith.cmpi slt, %add3A_636, %lt3A_637 : i32
      %convert_element_type3A_639 = arith.extui %lt3A_638 : i1 to i32
      %cond3A_640 = arith.constant 0 : i32
      %cond3A_641 = arith.cmpi ne, %convert_element_type3A_639, %cond3A_640 : i32
      scf.if %cond3A_641 {
        %add3A_654 = arith.constant 2 : i32
        %add3A_655 = arith.addi %scan3A_542, %add3A_654 : i32
        %jit3A_656 = arith.constant 5 : i32
        %div3A_657 = arith.divsi %add3A_655, %jit3A_656 : i32
        %sign3A_658 = arith.constant 0 : i32
        %sign3A_659 = arith.cmpi sgt, %add3A_655, %sign3A_658 : i32
        %sign3A_660 = arith.extui %sign3A_659 : i1 to i32
        %sign3A_661 = arith.constant 0 : i32
        %sign3A_662 = arith.cmpi slt, %add3A_655, %sign3A_661 : i32
        %sign3A_663 = arith.extui %sign3A_662 : i1 to i32
        %sign3A_664 = arith.subi %sign3A_660, %sign3A_663 : i32
        %sign3A_665 = arith.constant 0 : i32
        %sign3A_666 = arith.cmpi sgt, %jit3A_656, %sign3A_665 : i32
        %sign3A_667 = arith.extui %sign3A_666 : i1 to i32
        %sign3A_668 = arith.constant 0 : i32
        %sign3A_669 = arith.cmpi slt, %jit3A_656, %sign3A_668 : i32
        %sign3A_670 = arith.extui %sign3A_669 : i1 to i32
        %sign3A_671 = arith.subi %sign3A_667, %sign3A_670 : i32
        %ne3A_672 = arith.cmpi ne, %sign3A_664, %sign3A_671 : i32
        %rem3A_673 = arith.remsi %add3A_655, %jit3A_656 : i32
        %ne3A_674 = arith.constant 0 : i32
        %ne3A_675 = arith.cmpi ne, %rem3A_673, %ne3A_674 : i32
        %and3A_676 = arith.andi %ne3A_672, %ne3A_675 : i1
        %sub3A_677 = arith.constant 1 : i32
        %sub3A_678 = arith.subi %div3A_657, %sub3A_677 : i32
        %select_n3A_679 = arith.select %and3A_676, %sub3A_678, %div3A_657 : i32
        %and3A_680 = arith.constant 1 : i32
        %and3A_681 = arith.andi %select_n3A_679, %and3A_680 : i32
        %rem3A_682 = arith.constant 5 : i32
        %rem3A_683 = arith.remsi %add3A_655, %rem3A_682 : i32
        %dma_start3A_684 = arith.constant 0 : i32
        %dma_start3A_685 = arith.constant 0 : i32
        %dma_start3A_686 = tpu.memref_slice %arg8[%rem3A_581, %dma_start3A_684, %dma_start3A_685] : memref<3x80x128xf32, #tpu.memory_space<vmem>> -> memref<1x80x128xf32, #tpu.memory_space<vmem>>
        %dma_start3A_687 = tpu.memref_squeeze %dma_start3A_686 : memref<1x80x128xf32, #tpu.memory_space<vmem>> -> memref<80x128xf32, #tpu.memory_space<vmem>>
        %dma_start3A_688 = arith.constant 0 : i32
        %dma_start3A_689 = tpu.memref_slice %arg6[%and3A_681, %rem3A_683, %dma_start3A_688] : memref<2x5x80xi32, #tpu.memory_space<vmem>> -> memref<1x1x80xi32, #tpu.memory_space<vmem>>
        %dma_start3A_690 = tpu.memref_squeeze %dma_start3A_689 : memref<1x1x80xi32, #tpu.memory_space<vmem>> -> memref<80xi32, #tpu.memory_space<vmem>>
        %dma_start3A_691 = arith.constant 0 : i32
        %dma_start3A_692 = arith.constant 0 : i32
        %dma_start3A_693 = tpu.memref_slice %arg2[%dma_start3A_691, %dma_start3A_692] : memref<10000x128xf32, #tpu.memory_space<hbm>> -> memref<10000x128xf32, #tpu.memory_space<hbm>>
        %dma_start3A_694 = tpu.memref_slice %arg11[%rem3A_581] : memref<3x!tpu.dma_semaphore, #tpu.memory_space<semaphore_mem>> -> memref<1x!tpu.dma_semaphore, #tpu.memory_space<semaphore_mem>>
        %dma_start3A_695 = tpu.memref_squeeze %dma_start3A_694 : memref<1x!tpu.dma_semaphore, #tpu.memory_space<semaphore_mem>> -> memref<!tpu.dma_semaphore, #tpu.memory_space<semaphore_mem>>
        tpu.enqueue_indirect_dma source(%dma_start3A_693 : memref<10000x128xf32, #tpu.memory_space<hbm>>) target(%dma_start3A_687 : memref<80x128xf32, #tpu.memory_space<vmem>>) offsets(%dma_start3A_690 : memref<80xi32, #tpu.memory_space<vmem>>) semaphore(%dma_start3A_695 : memref<!tpu.dma_semaphore, #tpu.memory_space<semaphore_mem>>)
      } else {
      }
      %dma_start3A_642 = arith.constant 0 : i32
      %dma_start3A_643 = arith.constant 0 : i32
      %dma_start3A_644 = tpu.memref_slice %arg8[%rem3A_577, %dma_start3A_642, %dma_start3A_643] : memref<3x80x128xf32, #tpu.memory_space<vmem>> -> memref<1x80x128xf32, #tpu.memory_space<vmem>>
      %dma_start3A_645 = tpu.memref_squeeze %dma_start3A_644 : memref<1x80x128xf32, #tpu.memory_space<vmem>> -> memref<80x128xf32, #tpu.memory_space<vmem>>
      %dma_start3A_646 = arith.constant 0 : i32
      %dma_start3A_647 = tpu.memref_slice %arg7[%and3A_575, %select_n3A_573, %dma_start3A_646] : memref<2x5x80xi32, #tpu.memory_space<vmem>> -> memref<1x1x80xi32, #tpu.memory_space<vmem>>
      %dma_start3A_648 = tpu.memref_squeeze %dma_start3A_647 : memref<1x1x80xi32, #tpu.memory_space<vmem>> -> memref<80xi32, #tpu.memory_space<vmem>>
      %dma_start3A_649 = arith.constant 0 : i32
      %dma_start3A_650 = arith.constant 0 : i32
      %dma_start3A_651 = tpu.memref_slice %arg10[%dma_start3A_649, %dma_start3A_650] : memref<10000x128xf32, #tpu.memory_space<vmem_shared>> -> memref<10000x128xf32, #tpu.memory_space<vmem_shared>>
      %dma_start3A_652 = tpu.memref_slice %arg12[%rem3A_577] : memref<3x!tpu.dma_semaphore, #tpu.memory_space<semaphore_mem>> -> memref<1x!tpu.dma_semaphore, #tpu.memory_space<semaphore_mem>>
      %dma_start3A_653 = tpu.memref_squeeze %dma_start3A_652 : memref<1x!tpu.dma_semaphore, #tpu.memory_space<semaphore_mem>> -> memref<!tpu.dma_semaphore, #tpu.memory_space<semaphore_mem>>
      tpu.enqueue_indirect_dma source(%dma_start3A_645 : memref<80x128xf32, #tpu.memory_space<vmem>>) target(%dma_start3A_651 : memref<10000x128xf32, #tpu.memory_space<vmem_shared>>) offsets(%dma_start3A_648 : memref<80xi32, #tpu.memory_space<vmem>>) semaphore(%dma_start3A_653 : memref<!tpu.dma_semaphore, #tpu.memory_space<semaphore_mem>>) {add = true}
    }
    %scan3A_517 = arith.constant 125 : i32
    %dma_wait3A_518 = arith.constant 1 : i32
    %dma_wait3A_519 = arith.constant 1 : i32
    %dma_wait3A_520 = arith.constant 0 : i32
    %dma_wait3A_521 = arith.constant 0 : i32
    %dma_wait3A_522 = tpu.memref_slice %arg8[%dma_wait3A_518, %dma_wait3A_520, %dma_wait3A_521] : memref<3x80x128xf32, #tpu.memory_space<vmem>> -> memref<1x80x128xf32, #tpu.memory_space<vmem>>
    %dma_wait3A_523 = tpu.memref_squeeze %dma_wait3A_522 : memref<1x80x128xf32, #tpu.memory_space<vmem>> -> memref<80x128xf32, #tpu.memory_space<vmem>>
    %dma_wait3A_524 = arith.constant 0 : i32
    %dma_wait3A_525 = arith.constant 0 : i32
    %dma_wait3A_526 = tpu.memref_slice %arg10[%dma_wait3A_524, %dma_wait3A_525] : memref<10000x128xf32, #tpu.memory_space<vmem_shared>> -> memref<80x128xf32, #tpu.memory_space<vmem_shared>>
    %dma_wait3A_527 = tpu.memref_slice %arg12[%dma_wait3A_519] : memref<3x!tpu.dma_semaphore, #tpu.memory_space<semaphore_mem>> -> memref<1x!tpu.dma_semaphore, #tpu.memory_space<semaphore_mem>>
    %dma_wait3A_528 = tpu.memref_squeeze %dma_wait3A_527 : memref<1x!tpu.dma_semaphore, #tpu.memory_space<semaphore_mem>> -> memref<!tpu.dma_semaphore, #tpu.memory_space<semaphore_mem>>
    %dma_wait3A_529 = arith.constant 0 : i32
    %dma_wait3A_530 = arith.constant 0 : i32
    %dma_wait3A_531 = tpu.memref_slice %arg10[%dma_wait3A_529, %dma_wait3A_530] : memref<10000x128xf32, #tpu.memory_space<vmem_shared>> -> memref<80x128xf32, #tpu.memory_space<vmem_shared>>
    %dma_wait3A_532 = arith.constant 0 : i32
    %dma_wait3A_533 = arith.constant 0 : i32
    %dma_wait3A_534 = tpu.memref_slice %arg8[%dma_wait3A_518, %dma_wait3A_532, %dma_wait3A_533] : memref<3x80x128xf32, #tpu.memory_space<vmem>> -> memref<1x80x128xf32, #tpu.memory_space<vmem>>
    %dma_wait3A_535 = tpu.memref_squeeze %dma_wait3A_534 : memref<1x80x128xf32, #tpu.memory_space<vmem>> -> memref<80x128xf32, #tpu.memory_space<vmem>>
    tpu.wait_dma2 semaphore(%dma_wait3A_528 : memref<!tpu.dma_semaphore, #tpu.memory_space<semaphore_mem>>) src(%dma_wait3A_535 : memref<80x128xf32, #tpu.memory_space<vmem>>) dst(%dma_wait3A_531 : memref<80x128xf32, #tpu.memory_space<vmem_shared>>)
    %barrier3A_536 = arith.constant 0 : index
    tpu.barrier barrier_id(%barrier3A_536)
    "tpu.region"() ({
      %run_scoped3A_542 = tpu.sem_alloc : memref<!tpu.dma_semaphore, #tpu.memory_space<semaphore_mem>>
      %dma_start3A_543 = arith.constant 0 : i32
      %dma_start3A_544 = tpu.memref_slice %arg5[%arg0, %multiple_of3A, %dma_start3A_543] : memref<2x10000x128xf32, #tpu.memory_space<hbm>> -> memref<1x624x128xf32, #tpu.memory_space<hbm>>
      %dma_start3A_545 = tpu.memref_squeeze %dma_start3A_544 : memref<1x624x128xf32, #tpu.memory_space<hbm>> -> memref<624x128xf32, #tpu.memory_space<hbm>>
      %dma_start3A_546 = arith.constant 0 : i32
      %dma_start3A_547 = tpu.memref_slice %arg10[%multiple_of3A, %dma_start3A_546] : memref<10000x128xf32, #tpu.memory_space<vmem_shared>> -> memref<624x128xf32, #tpu.memory_space<vmem_shared>>
      tpu.enqueue_dma source(%dma_start3A_547 : memref<624x128xf32, #tpu.memory_space<vmem_shared>>) target(%dma_start3A_545 : memref<624x128xf32, #tpu.memory_space<hbm>>) target_semaphore(%run_scoped3A_542 : memref<!tpu.dma_semaphore, #tpu.memory_space<semaphore_mem>>)
      %dma_wait3A_548 = arith.constant 0 : i32
      %dma_wait3A_549 = tpu.memref_slice %arg5[%arg0, %multiple_of3A, %dma_wait3A_548] : memref<2x10000x128xf32, #tpu.memory_space<hbm>> -> memref<1x624x128xf32, #tpu.memory_space<hbm>>
      %dma_wait3A_550 = tpu.memref_squeeze %dma_wait3A_549 : memref<1x624x128xf32, #tpu.memory_space<hbm>> -> memref<624x128xf32, #tpu.memory_space<hbm>>
      %dma_wait3A_551 = arith.constant 0 : i32
      %dma_wait3A_552 = tpu.memref_slice %arg10[%multiple_of3A, %dma_wait3A_551] : memref<10000x128xf32, #tpu.memory_space<vmem_shared>> -> memref<624x128xf32, #tpu.memory_space<vmem_shared>>
      tpu.wait_dma2 semaphore(%run_scoped3A_542 : memref<!tpu.dma_semaphore, #tpu.memory_space<semaphore_mem>>) src(%dma_wait3A_552 : memref<624x128xf32, #tpu.memory_space<vmem_shared>>) dst(%dma_wait3A_550 : memref<624x128xf32, #tpu.memory_space<hbm>>)
      tpu.yield
    }) : () -> ()
    %eq3A_537 = arith.constant 15 : i32
    %eq3A_538 = arith.cmpi eq, %arg1, %eq3A_537 : i32
    %convert_element_type3A_539 = arith.extui %eq3A_538 : i1 to i32
    %cond3A_540 = arith.constant 0 : i32
    %cond3A_541 = arith.cmpi ne, %convert_element_type3A_539, %cond3A_540 : i32
    scf.if %cond3A_541 {
      "tpu.region"() ({
        %run_scoped3A_542 = tpu.sem_alloc : memref<!tpu.dma_semaphore, #tpu.memory_space<semaphore_mem>>
        %dma_start3A_543 = arith.constant 9984 : i32
        %dma_start3A_544 = arith.constant 0 : i32
        %dma_start3A_545 = tpu.memref_slice %arg5[%arg0, %dma_start3A_543, %dma_start3A_544] : memref<2x10000x128xf32, #tpu.memory_space<hbm>> -> memref<1x16x128xf32, #tpu.memory_space<hbm>>
        %dma_start3A_546 = tpu.memref_squeeze %dma_start3A_545 : memref<1x16x128xf32, #tpu.memory_space<hbm>> -> memref<16x128xf32, #tpu.memory_space<hbm>>
        %dma_start3A_547 = arith.constant 9984 : i32
        %dma_start3A_548 = arith.constant 0 : i32
        %dma_start3A_549 = tpu.memref_slice %arg10[%dma_start3A_547, %dma_start3A_548] : memref<10000x128xf32, #tpu.memory_space<vmem_shared>> -> memref<16x128xf32, #tpu.memory_space<vmem_shared>>
        tpu.enqueue_dma source(%dma_start3A_549 : memref<16x128xf32, #tpu.memory_space<vmem_shared>>) target(%dma_start3A_546 : memref<16x128xf32, #tpu.memory_space<hbm>>) target_semaphore(%run_scoped3A_542 : memref<!tpu.dma_semaphore, #tpu.memory_space<semaphore_mem>>)
        %dma_wait3A_550 = arith.constant 9984 : i32
        %dma_wait3A_551 = arith.constant 0 : i32
        %dma_wait3A_552 = tpu.memref_slice %arg5[%arg0, %dma_wait3A_550, %dma_wait3A_551] : memref<2x10000x128xf32, #tpu.memory_space<hbm>> -> memref<1x16x128xf32, #tpu.memory_space<hbm>>
        %dma_wait3A_553 = tpu.memref_squeeze %dma_wait3A_552 : memref<1x16x128xf32, #tpu.memory_space<hbm>> -> memref<16x128xf32, #tpu.memory_space<hbm>>
        %dma_wait3A_554 = arith.constant 9984 : i32
        %dma_wait3A_555 = arith.constant 0 : i32
        %dma_wait3A_556 = tpu.memref_slice %arg10[%dma_wait3A_554, %dma_wait3A_555] : memref<10000x128xf32, #tpu.memory_space<vmem_shared>> -> memref<16x128xf32, #tpu.memory_space<vmem_shared>>
        tpu.wait_dma2 semaphore(%run_scoped3A_542 : memref<!tpu.dma_semaphore, #tpu.memory_space<semaphore_mem>>) src(%dma_wait3A_556 : memref<16x128xf32, #tpu.memory_space<vmem_shared>>) dst(%dma_wait3A_553 : memref<16x128xf32, #tpu.memory_space<hbm>>)
        tpu.yield
      }) : () -> ()
    } else {
    }
    return
  }
}

#map = affine_map<(d0, d1) -> (0, 0)>
#map1 = affine_map<(d0, d1) -> (0, 0, 0, 0)>
#map2 = affine_map<(d0, d1) -> (0, 0, 0)>
module attributes {stable_mosaic.version = 14 : i64} {
  func.func @_hop_kernel(%arg0: i32, %arg1: i32, %arg2: memref<10000x128xf32, #tpu.memory_space<hbm>>, %arg3: memref<32x25x5x80xi32, #tpu.memory_space<hbm>>, %arg4: memref<32x25x5x80xi32, #tpu.memory_space<hbm>>, %arg5: memref<2x10000x128xf32, #tpu.memory_space<hbm>>, %arg6: memref<2x5x80xi32, #tpu.memory_space<vmem>>, %arg7: memref<2x5x80xi32, #tpu.memory_space<vmem>>, %arg8: memref<3x80x128xf32, #tpu.memory_space<vmem>>, %arg9: memref<16x128xf32, #tpu.memory_space<vmem>>, %arg10: memref<10000x128xf32, #tpu.memory_space<vmem_shared>>, %arg11: memref<3x!tpu.dma_semaphore, #tpu.memory_space<semaphore_mem>>, %arg12: memref<3x!tpu.dma_semaphore, #tpu.memory_space<semaphore_mem>>, %arg13: memref<!tpu.dma_semaphore, #tpu.memory_space<semaphore_mem>>, %arg14: memref<!tpu.dma_semaphore, #tpu.memory_space<semaphore_mem>>) attributes {dimension_semantics = [#tpu.dimension_semantics<core_parallel>, #tpu.dimension_semantics<subcore_parallel>], iteration_bounds = array<i64: 2, 16>, scalar_prefetch = 0 : i64, scratch_operands = 9 : i64, tpu.core_type = #tpu.core_type<sc_vector_subcore>, window_params = [{transform_indices = #map}, {transform_indices = #map1}, {transform_indices = #map1}, {transform_indices = #map2}]} {
    %mul3A = arith.constant 16 : i32
    %mul3A_0 = arith.muli %arg0, %mul3A : i32
    %add3A = arith.addi %mul3A_0, %arg1 : i32
    %broadcast_in_dim3A = arith.constant 0.000000e+00 : f32
    %broadcast_in_dim3A_1 = vector.broadcast %broadcast_in_dim3A : f32 to vector<16xf32>
    %run_scoped3A = arith.constant 0 : i32
    %run_scoped3A_2 = arith.constant 0 : i32
    "tpu.region"() ({
      %run_scoped3A_542 = tpu.sem_alloc : memref<!tpu.dma_semaphore, #tpu.memory_space<semaphore_mem>>
      %dma_start3A_543 = arith.constant 0 : i32
      %dma_start3A_544 = arith.constant 0 : i32
      %dma_start3A_545 = tpu.memref_slice %arg6[%run_scoped3A_2, %dma_start3A_543, %dma_start3A_544] : memref<2x5x80xi32, #tpu.memory_space<vmem>> -> memref<1x5x80xi32, #tpu.memory_space<vmem>>
      %dma_start3A_546 = tpu.memref_squeeze %dma_start3A_545 : memref<1x5x80xi32, #tpu.memory_space<vmem>> -> memref<5x80xi32, #tpu.memory_space<vmem>>
      %dma_start3A_547 = arith.constant 0 : i32
      %dma_start3A_548 = arith.constant 0 : i32
      %dma_start3A_549 = tpu.memref_slice %arg3[%add3A, %run_scoped3A, %dma_start3A_547, %dma_start3A_548] : memref<32x25x5x80xi32, #tpu.memory_space<hbm>> -> memref<1x1x5x80xi32, #tpu.memory_space<hbm>>
      %dma_start3A_550 = tpu.memref_squeeze %dma_start3A_549 : memref<1x1x5x80xi32, #tpu.memory_space<hbm>> -> memref<5x80xi32, #tpu.memory_space<hbm>>
      %dma_start3A_551 = arith.constant 0 : i32
      %dma_start3A_552 = arith.constant 0 : i32
      %dma_start3A_553 = tpu.memref_slice %arg6[%run_scoped3A_2, %dma_start3A_551, %dma_start3A_552] : memref<2x5x80xi32, #tpu.memory_space<vmem>> -> memref<1x5x80xi32, #tpu.memory_space<vmem>>
      %dma_start3A_554 = tpu.memref_squeeze %dma_start3A_553 : memref<1x5x80xi32, #tpu.memory_space<vmem>> -> memref<5x80xi32, #tpu.memory_space<vmem>>
      %dma_start3A_555 = arith.constant 0 : i32
      %dma_start3A_556 = arith.constant 0 : i32
      %dma_start3A_557 = tpu.memref_slice %arg3[%add3A, %run_scoped3A, %dma_start3A_555, %dma_start3A_556] : memref<32x25x5x80xi32, #tpu.memory_space<hbm>> -> memref<1x1x5x80xi32, #tpu.memory_space<hbm>>
      %dma_start3A_558 = tpu.memref_squeeze %dma_start3A_557 : memref<1x1x5x80xi32, #tpu.memory_space<hbm>> -> memref<5x80xi32, #tpu.memory_space<hbm>>
      tpu.enqueue_dma source(%dma_start3A_558 : memref<5x80xi32, #tpu.memory_space<hbm>>) target(%dma_start3A_554 : memref<5x80xi32, #tpu.memory_space<vmem>>) target_semaphore(%run_scoped3A_542 : memref<!tpu.dma_semaphore, #tpu.memory_space<semaphore_mem>>)
      %dma_wait3A_559 = arith.constant 0 : i32
      %dma_wait3A_560 = arith.constant 0 : i32
      %dma_wait3A_561 = tpu.memref_slice %arg6[%run_scoped3A_2, %dma_wait3A_559, %dma_wait3A_560] : memref<2x5x80xi32, #tpu.memory_space<vmem>> -> memref<1x5x80xi32, #tpu.memory_space<vmem>>
      %dma_wait3A_562 = tpu.memref_squeeze %dma_wait3A_561 : memref<1x5x80xi32, #tpu.memory_space<vmem>> -> memref<5x80xi32, #tpu.memory_space<vmem>>
      %dma_wait3A_563 = arith.constant 0 : i32
      %dma_wait3A_564 = arith.constant 0 : i32
      %dma_wait3A_565 = tpu.memref_slice %arg3[%add3A, %run_scoped3A, %dma_wait3A_563, %dma_wait3A_564] : memref<32x25x5x80xi32, #tpu.memory_space<hbm>> -> memref<1x1x5x80xi32, #tpu.memory_space<hbm>>
      %dma_wait3A_566 = tpu.memref_squeeze %dma_wait3A_565 : memref<1x1x5x80xi32, #tpu.memory_space<hbm>> -> memref<5x80xi32, #tpu.memory_space<hbm>>
      %dma_wait3A_567 = arith.constant 0 : i32
      %dma_wait3A_568 = arith.constant 0 : i32
      %dma_wait3A_569 = tpu.memref_slice %arg6[%run_scoped3A_2, %dma_wait3A_567, %dma_wait3A_568] : memref<2x5x80xi32, #tpu.memory_space<vmem>> -> memref<1x5x80xi32, #tpu.memory_space<vmem>>
      %dma_wait3A_570 = tpu.memref_squeeze %dma_wait3A_569 : memref<1x5x80xi32, #tpu.memory_space<vmem>> -> memref<5x80xi32, #tpu.memory_space<vmem>>
      %dma_wait3A_571 = arith.constant 0 : i32
      %dma_wait3A_572 = arith.constant 0 : i32
      %dma_wait3A_573 = tpu.memref_slice %arg3[%add3A, %run_scoped3A, %dma_wait3A_571, %dma_wait3A_572] : memref<32x25x5x80xi32, #tpu.memory_space<hbm>> -> memref<1x1x5x80xi32, #tpu.memory_space<hbm>>
      %dma_wait3A_574 = tpu.memref_squeeze %dma_wait3A_573 : memref<1x1x5x80xi32, #tpu.memory_space<hbm>> -> memref<5x80xi32, #tpu.memory_space<hbm>>
      tpu.wait_dma2 semaphore(%run_scoped3A_542 : memref<!tpu.dma_semaphore, #tpu.memory_space<semaphore_mem>>) src(%dma_wait3A_574 : memref<5x80xi32, #tpu.memory_space<hbm>>) dst(%dma_wait3A_570 : memref<5x80xi32, #tpu.memory_space<vmem>>)
      tpu.yield
    }) : () -> ()
    %run_scoped3A_3 = arith.constant 0 : i32
    %run_scoped3A_4 = arith.constant 0 : i32
    "tpu.region"() ({
      %run_scoped3A_542 = tpu.sem_alloc : memref<!tpu.dma_semaphore, #tpu.memory_space<semaphore_mem>>
      %dma_start3A_543 = arith.constant 0 : i32
      %dma_start3A_544 = arith.constant 0 : i32
      %dma_start3A_545 = tpu.memref_slice %arg7[%run_scoped3A_4, %dma_start3A_543, %dma_start3A_544] : memref<2x5x80xi32, #tpu.memory_space<vmem>> -> memref<1x5x80xi32, #tpu.memory_space<vmem>>
      %dma_start3A_546 = tpu.memref_squeeze %dma_start3A_545 : memref<1x5x80xi32, #tpu.memory_space<vmem>> -> memref<5x80xi32, #tpu.memory_space<vmem>>
      %dma_start3A_547 = arith.constant 0 : i32
      %dma_start3A_548 = arith.constant 0 : i32
      %dma_start3A_549 = tpu.memref_slice %arg4[%add3A, %run_scoped3A_3, %dma_start3A_547, %dma_start3A_548] : memref<32x25x5x80xi32, #tpu.memory_space<hbm>> -> memref<1x1x5x80xi32, #tpu.memory_space<hbm>>
      %dma_start3A_550 = tpu.memref_squeeze %dma_start3A_549 : memref<1x1x5x80xi32, #tpu.memory_space<hbm>> -> memref<5x80xi32, #tpu.memory_space<hbm>>
      %dma_start3A_551 = arith.constant 0 : i32
      %dma_start3A_552 = arith.constant 0 : i32
      %dma_start3A_553 = tpu.memref_slice %arg7[%run_scoped3A_4, %dma_start3A_551, %dma_start3A_552] : memref<2x5x80xi32, #tpu.memory_space<vmem>> -> memref<1x5x80xi32, #tpu.memory_space<vmem>>
      %dma_start3A_554 = tpu.memref_squeeze %dma_start3A_553 : memref<1x5x80xi32, #tpu.memory_space<vmem>> -> memref<5x80xi32, #tpu.memory_space<vmem>>
      %dma_start3A_555 = arith.constant 0 : i32
      %dma_start3A_556 = arith.constant 0 : i32
      %dma_start3A_557 = tpu.memref_slice %arg4[%add3A, %run_scoped3A_3, %dma_start3A_555, %dma_start3A_556] : memref<32x25x5x80xi32, #tpu.memory_space<hbm>> -> memref<1x1x5x80xi32, #tpu.memory_space<hbm>>
      %dma_start3A_558 = tpu.memref_squeeze %dma_start3A_557 : memref<1x1x5x80xi32, #tpu.memory_space<hbm>> -> memref<5x80xi32, #tpu.memory_space<hbm>>
      tpu.enqueue_dma source(%dma_start3A_558 : memref<5x80xi32, #tpu.memory_space<hbm>>) target(%dma_start3A_554 : memref<5x80xi32, #tpu.memory_space<vmem>>) target_semaphore(%run_scoped3A_542 : memref<!tpu.dma_semaphore, #tpu.memory_space<semaphore_mem>>)
      %dma_wait3A_559 = arith.constant 0 : i32
      %dma_wait3A_560 = arith.constant 0 : i32
      %dma_wait3A_561 = tpu.memref_slice %arg7[%run_scoped3A_4, %dma_wait3A_559, %dma_wait3A_560] : memref<2x5x80xi32, #tpu.memory_space<vmem>> -> memref<1x5x80xi32, #tpu.memory_space<vmem>>
      %dma_wait3A_562 = tpu.memref_squeeze %dma_wait3A_561 : memref<1x5x80xi32, #tpu.memory_space<vmem>> -> memref<5x80xi32, #tpu.memory_space<vmem>>
      %dma_wait3A_563 = arith.constant 0 : i32
      %dma_wait3A_564 = arith.constant 0 : i32
      %dma_wait3A_565 = tpu.memref_slice %arg4[%add3A, %run_scoped3A_3, %dma_wait3A_563, %dma_wait3A_564] : memref<32x25x5x80xi32, #tpu.memory_space<hbm>> -> memref<1x1x5x80xi32, #tpu.memory_space<hbm>>
      %dma_wait3A_566 = tpu.memref_squeeze %dma_wait3A_565 : memref<1x1x5x80xi32, #tpu.memory_space<hbm>> -> memref<5x80xi32, #tpu.memory_space<hbm>>
      %dma_wait3A_567 = arith.constant 0 : i32
      %dma_wait3A_568 = arith.constant 0 : i32
      %dma_wait3A_569 = tpu.memref_slice %arg7[%run_scoped3A_4, %dma_wait3A_567, %dma_wait3A_568] : memref<2x5x80xi32, #tpu.memory_space<vmem>> -> memref<1x5x80xi32, #tpu.memory_space<vmem>>
      %dma_wait3A_570 = tpu.memref_squeeze %dma_wait3A_569 : memref<1x5x80xi32, #tpu.memory_space<vmem>> -> memref<5x80xi32, #tpu.memory_space<vmem>>
      %dma_wait3A_571 = arith.constant 0 : i32
      %dma_wait3A_572 = arith.constant 0 : i32
      %dma_wait3A_573 = tpu.memref_slice %arg4[%add3A, %run_scoped3A_3, %dma_wait3A_571, %dma_wait3A_572] : memref<32x25x5x80xi32, #tpu.memory_space<hbm>> -> memref<1x1x5x80xi32, #tpu.memory_space<hbm>>
      %dma_wait3A_574 = tpu.memref_squeeze %dma_wait3A_573 : memref<1x1x5x80xi32, #tpu.memory_space<hbm>> -> memref<5x80xi32, #tpu.memory_space<hbm>>
      tpu.wait_dma2 semaphore(%run_scoped3A_542 : memref<!tpu.dma_semaphore, #tpu.memory_space<semaphore_mem>>) src(%dma_wait3A_574 : memref<5x80xi32, #tpu.memory_space<hbm>>) dst(%dma_wait3A_570 : memref<5x80xi32, #tpu.memory_space<vmem>>)
      tpu.yield
    }) : () -> ()
    %dma_start3A = arith.constant 0 : i32
    %dma_start3A_5 = arith.constant 0 : i32
    %dma_start3A_6 = arith.constant 0 : i32
    %dma_start3A_7 = arith.constant 0 : i32
    %dma_start3A_8 = arith.constant 0 : i32
    %dma_start3A_9 = arith.constant 0 : i32
    %dma_start3A_10 = tpu.memref_slice %arg8[%dma_start3A_6, %dma_start3A_8, %dma_start3A_9] : memref<3x80x128xf32, #tpu.memory_space<vmem>> -> memref<1x80x128xf32, #tpu.memory_space<vmem>>
    %dma_start3A_11 = tpu.memref_squeeze %dma_start3A_10 : memref<1x80x128xf32, #tpu.memory_space<vmem>> -> memref<80x128xf32, #tpu.memory_space<vmem>>
    %dma_start3A_12 = arith.constant 0 : i32
    %dma_start3A_13 = tpu.memref_slice %arg6[%dma_start3A, %dma_start3A_5, %dma_start3A_12] : memref<2x5x80xi32, #tpu.memory_space<vmem>> -> memref<1x1x80xi32, #tpu.memory_space<vmem>>
    %dma_start3A_14 = tpu.memref_squeeze %dma_start3A_13 : memref<1x1x80xi32, #tpu.memory_space<vmem>> -> memref<80xi32, #tpu.memory_space<vmem>>
    %dma_start3A_15 = arith.constant 0 : i32
    %dma_start3A_16 = arith.constant 0 : i32
    %dma_start3A_17 = tpu.memref_slice %arg2[%dma_start3A_15, %dma_start3A_16] : memref<10000x128xf32, #tpu.memory_space<hbm>> -> memref<10000x128xf32, #tpu.memory_space<hbm>>
    %dma_start3A_18 = tpu.memref_slice %arg11[%dma_start3A_7] : memref<3x!tpu.dma_semaphore, #tpu.memory_space<semaphore_mem>> -> memref<1x!tpu.dma_semaphore, #tpu.memory_space<semaphore_mem>>
    %dma_start3A_19 = tpu.memref_squeeze %dma_start3A_18 : memref<1x!tpu.dma_semaphore, #tpu.memory_space<semaphore_mem>> -> memref<!tpu.dma_semaphore, #tpu.memory_space<semaphore_mem>>
    tpu.enqueue_indirect_dma source(%dma_start3A_17 : memref<10000x128xf32, #tpu.memory_space<hbm>>) target(%dma_start3A_11 : memref<80x128xf32, #tpu.memory_space<vmem>>) offsets(%dma_start3A_14 : memref<80xi32, #tpu.memory_space<vmem>>) semaphore(%dma_start3A_19 : memref<!tpu.dma_semaphore, #tpu.memory_space<semaphore_mem>>)
    %dma_start3A_20 = arith.constant 0 : i32
    %dma_start3A_21 = arith.constant 1 : i32
    %dma_start3A_22 = arith.constant 1 : i32
    %dma_start3A_23 = arith.constant 1 : i32
    %dma_start3A_24 = arith.constant 0 : i32
    %dma_start3A_25 = arith.constant 0 : i32
    %dma_start3A_26 = tpu.memref_slice %arg8[%dma_start3A_22, %dma_start3A_24, %dma_start3A_25] : memref<3x80x128xf32, #tpu.memory_space<vmem>> -> memref<1x80x128xf32, #tpu.memory_space<vmem>>
    %dma_start3A_27 = tpu.memref_squeeze %dma_start3A_26 : memref<1x80x128xf32, #tpu.memory_space<vmem>> -> memref<80x128xf32, #tpu.memory_space<vmem>>
    %dma_start3A_28 = arith.constant 0 : i32
    %dma_start3A_29 = tpu.memref_slice %arg6[%dma_start3A_20, %dma_start3A_21, %dma_start3A_28] : memref<2x5x80xi32, #tpu.memory_space<vmem>> -> memref<1x1x80xi32, #tpu.memory_space<vmem>>
    %dma_start3A_30 = tpu.memref_squeeze %dma_start3A_29 : memref<1x1x80xi32, #tpu.memory_space<vmem>> -> memref<80xi32, #tpu.memory_space<vmem>>
    %dma_start3A_31 = arith.constant 0 : i32
    %dma_start3A_32 = arith.constant 0 : i32
    %dma_start3A_33 = tpu.memref_slice %arg2[%dma_start3A_31, %dma_start3A_32] : memref<10000x128xf32, #tpu.memory_space<hbm>> -> memref<10000x128xf32, #tpu.memory_space<hbm>>
    %dma_start3A_34 = tpu.memref_slice %arg11[%dma_start3A_23] : memref<3x!tpu.dma_semaphore, #tpu.memory_space<semaphore_mem>> -> memref<1x!tpu.dma_semaphore, #tpu.memory_space<semaphore_mem>>
    %dma_start3A_35 = tpu.memref_squeeze %dma_start3A_34 : memref<1x!tpu.dma_semaphore, #tpu.memory_space<semaphore_mem>> -> memref<!tpu.dma_semaphore, #tpu.memory_space<semaphore_mem>>
    tpu.enqueue_indirect_dma source(%dma_start3A_33 : memref<10000x128xf32, #tpu.memory_space<hbm>>) target(%dma_start3A_27 : memref<80x128xf32, #tpu.memory_space<vmem>>) offsets(%dma_start3A_30 : memref<80xi32, #tpu.memory_space<vmem>>) semaphore(%dma_start3A_35 : memref<!tpu.dma_semaphore, #tpu.memory_space<semaphore_mem>>)
    %scan3A = arith.constant 0 : i32
    %scan3A_36 = arith.constant 0 : i32
    %scan3A_37 = arith.constant 16 : i32
    %scan3A_38 = arith.addi %scan3A_36, %scan3A_37 : i32
    %scan3A_39 = arith.constant 1 : i32
    scf.for %scan3A_542 = %scan3A_36 to %scan3A_38 step %scan3A_39  : i32 {
      %swap3A = arith.index_cast %scan3A_542 : i32 to index
      %swap3A_543 = arith.constant 0 : index
      %swap3A_544 = tpu.vector_load %arg9[%swap3A, %swap3A_543] {strides = array<i32>} : memref<16x128xf32, #tpu.memory_space<vmem>>, vector<1x16xf32>,
      %swap3A_545 = vector.shape_cast %swap3A_544 : vector<1x16xf32> to vector<16xf32>
      %swap3A_546 = vector.shape_cast %broadcast_in_dim3A_1 : vector<16xf32> to vector<1x16xf32>
      tpu.vector_store %arg9[%swap3A, %swap3A_543], %swap3A_546 {strides = array<i32>} : memref<16x128xf32, #tpu.memory_space<vmem>>, vector<1x16xf32>,
      %swap3A_547 = arith.index_cast %scan3A_542 : i32 to index
      %swap3A_548 = arith.constant 16 : index
      %swap3A_549 = tpu.vector_load %arg9[%swap3A_547, %swap3A_548] {strides = array<i32>} : memref<16x128xf32, #tpu.memory_space<vmem>>, vector<1x16xf32>,
      %swap3A_550 = vector.shape_cast %swap3A_549 : vector<1x16xf32> to vector<16xf32>
      %swap3A_551 = vector.shape_cast %broadcast_in_dim3A_1 : vector<16xf32> to vector<1x16xf32>
      tpu.vector_store %arg9[%swap3A_547, %swap3A_548], %swap3A_551 {strides = array<i32>} : memref<16x128xf32, #tpu.memory_space<vmem>>, vector<1x16xf32>,
      %swap3A_552 = arith.index_cast %scan3A_542 : i32 to index
      %swap3A_553 = arith.constant 32 : index
      %swap3A_554 = tpu.vector_load %arg9[%swap3A_552, %swap3A_553] {strides = array<i32>} : memref<16x128xf32, #tpu.memory_space<vmem>>, vector<1x16xf32>,
      %swap3A_555 = vector.shape_cast %swap3A_554 : vector<1x16xf32> to vector<16xf32>
      %swap3A_556 = vector.shape_cast %broadcast_in_dim3A_1 : vector<16xf32> to vector<1x16xf32>
      tpu.vector_store %arg9[%swap3A_552, %swap3A_553], %swap3A_556 {strides = array<i32>} : memref<16x128xf32, #tpu.memory_space<vmem>>, vector<1x16xf32>,
      %swap3A_557 = arith.index_cast %scan3A_542 : i32 to index
      %swap3A_558 = arith.constant 48 : index
      %swap3A_559 = tpu.vector_load %arg9[%swap3A_557, %swap3A_558] {strides = array<i32>} : memref<16x128xf32, #tpu.memory_space<vmem>>, vector<1x16xf32>,
      %swap3A_560 = vector.shape_cast %swap3A_559 : vector<1x16xf32> to vector<16xf32>
      %swap3A_561 = vector.shape_cast %broadcast_in_dim3A_1 : vector<16xf32> to vector<1x16xf32>
      tpu.vector_store %arg9[%swap3A_557, %swap3A_558], %swap3A_561 {strides = array<i32>} : memref<16x128xf32, #tpu.memory_space<vmem>>, vector<1x16xf32>,
      %swap3A_562 = arith.index_cast %scan3A_542 : i32 to index
      %swap3A_563 = arith.constant 64 : index
      %swap3A_564 = tpu.vector_load %arg9[%swap3A_562, %swap3A_563] {strides = array<i32>} : memref<16x128xf32, #tpu.memory_space<vmem>>, vector<1x16xf32>,
      %swap3A_565 = vector.shape_cast %swap3A_564 : vector<1x16xf32> to vector<16xf32>
      %swap3A_566 = vector.shape_cast %broadcast_in_dim3A_1 : vector<16xf32> to vector<1x16xf32>
      tpu.vector_store %arg9[%swap3A_562, %swap3A_563], %swap3A_566 {strides = array<i32>} : memref<16x128xf32, #tpu.memory_space<vmem>>, vector<1x16xf32>,
      %swap3A_567 = arith.index_cast %scan3A_542 : i32 to index
      %swap3A_568 = arith.constant 80 : index
      %swap3A_569 = tpu.vector_load %arg9[%swap3A_567, %swap3A_568] {strides = array<i32>} : memref<16x128xf32, #tpu.memory_space<vmem>>, vector<1x16xf32>,
      %swap3A_570 = vector.shape_cast %swap3A_569 : vector<1x16xf32> to vector<16xf32>
      %swap3A_571 = vector.shape_cast %broadcast_in_dim3A_1 : vector<16xf32> to vector<1x16xf32>
      tpu.vector_store %arg9[%swap3A_567, %swap3A_568], %swap3A_571 {strides = array<i32>} : memref<16x128xf32, #tpu.memory_space<vmem>>, vector<1x16xf32>,
      %swap3A_572 = arith.index_cast %scan3A_542 : i32 to index
      %swap3A_573 = arith.constant 96 : index
      %swap3A_574 = tpu.vector_load %arg9[%swap3A_572, %swap3A_573] {strides = array<i32>} : memref<16x128xf32, #tpu.memory_space<vmem>>, vector<1x16xf32>,
      %swap3A_575 = vector.shape_cast %swap3A_574 : vector<1x16xf32> to vector<16xf32>
      %swap3A_576 = vector.shape_cast %broadcast_in_dim3A_1 : vector<16xf32> to vector<1x16xf32>
      tpu.vector_store %arg9[%swap3A_572, %swap3A_573], %swap3A_576 {strides = array<i32>} : memref<16x128xf32, #tpu.memory_space<vmem>>, vector<1x16xf32>,
      %swap3A_577 = arith.index_cast %scan3A_542 : i32 to index
      %swap3A_578 = arith.constant 112 : index
      %swap3A_579 = tpu.vector_load %arg9[%swap3A_577, %swap3A_578] {strides = array<i32>} : memref<16x128xf32, #tpu.memory_space<vmem>>, vector<1x16xf32>,
      %swap3A_580 = vector.shape_cast %swap3A_579 : vector<1x16xf32> to vector<16xf32>
      %swap3A_581 = vector.shape_cast %broadcast_in_dim3A_1 : vector<16xf32> to vector<1x16xf32>
      tpu.vector_store %arg9[%swap3A_577, %swap3A_578], %swap3A_581 {strides = array<i32>} : memref<16x128xf32, #tpu.memory_space<vmem>>, vector<1x16xf32>,
    }
    %scan3A_40 = arith.constant 16 : i32
    %mul3A_41 = arith.constant 624 : i32
    %mul3A_42 = arith.muli %arg1, %mul3A_41 : i32
    %multiple_of3A = tpu.assume_multiple %mul3A_42, 8 : i32
    %add3A_43 = arith.constant 0 : i32
    %add3A_44 = arith.addi %multiple_of3A, %add3A_43 : i32
    %dma_start3A_45 = arith.constant 0 : i32
    %dma_start3A_46 = tpu.memref_slice %arg10[%add3A_44, %dma_start3A_45] : memref<10000x128xf32, #tpu.memory_space<vmem_shared>> -> memref<16x128xf32, #tpu.memory_space<vmem_shared>>
    %dma_start3A_47 = arith.constant 0 : i32
    %dma_start3A_48 = tpu.memref_slice %arg10[%add3A_44, %dma_start3A_47] : memref<10000x128xf32, #tpu.memory_space<vmem_shared>> -> memref<16x128xf32, #tpu.memory_space<vmem_shared>>
    tpu.enqueue_dma source(%arg9 : memref<16x128xf32, #tpu.memory_space<vmem>>) target(%dma_start3A_48 : memref<16x128xf32, #tpu.memory_space<vmem_shared>>) target_semaphore(%arg13 : memref<!tpu.dma_semaphore, #tpu.memory_space<semaphore_mem>>)
    %add3A_49 = arith.constant 16 : i32
    %add3A_50 = arith.addi %multiple_of3A, %add3A_49 : i32
    %dma_start3A_51 = arith.constant 0 : i32
    %dma_start3A_52 = tpu.memref_slice %arg10[%add3A_50, %dma_start3A_51] : memref<10000x128xf32, #tpu.memory_space<vmem_shared>> -> memref<16x128xf32, #tpu.memory_space<vmem_shared>>
    %dma_start3A_53 = arith.constant 0 : i32
    %dma_start3A_54 = tpu.memref_slice %arg10[%add3A_50, %dma_start3A_53] : memref<10000x128xf32, #tpu.memory_space<vmem_shared>> -> memref<16x128xf32, #tpu.memory_space<vmem_shared>>
    tpu.enqueue_dma source(%arg9 : memref<16x128xf32, #tpu.memory_space<vmem>>) target(%dma_start3A_54 : memref<16x128xf32, #tpu.memory_space<vmem_shared>>) target_semaphore(%arg13 : memref<!tpu.dma_semaphore, #tpu.memory_space<semaphore_mem>>)
    %add3A_55 = arith.constant 32 : i32
    %add3A_56 = arith.addi %multiple_of3A, %add3A_55 : i32
    %dma_start3A_57 = arith.constant 0 : i32
    %dma_start3A_58 = tpu.memref_slice %arg10[%add3A_56, %dma_start3A_57] : memref<10000x128xf32, #tpu.memory_space<vmem_shared>> -> memref<16x128xf32, #tpu.memory_space<vmem_shared>>
    %dma_start3A_59 = arith.constant 0 : i32
    %dma_start3A_60 = tpu.memref_slice %arg10[%add3A_56, %dma_start3A_59] : memref<10000x128xf32, #tpu.memory_space<vmem_shared>> -> memref<16x128xf32, #tpu.memory_space<vmem_shared>>
    tpu.enqueue_dma source(%arg9 : memref<16x128xf32, #tpu.memory_space<vmem>>) target(%dma_start3A_60 : memref<16x128xf32, #tpu.memory_space<vmem_shared>>) target_semaphore(%arg13 : memref<!tpu.dma_semaphore, #tpu.memory_space<semaphore_mem>>)
    %add3A_61 = arith.constant 48 : i32
    %add3A_62 = arith.addi %multiple_of3A, %add3A_61 : i32
    %dma_start3A_63 = arith.constant 0 : i32
    %dma_start3A_64 = tpu.memref_slice %arg10[%add3A_62, %dma_start3A_63] : memref<10000x128xf32, #tpu.memory_space<vmem_shared>> -> memref<16x128xf32, #tpu.memory_space<vmem_shared>>
    %dma_start3A_65 = arith.constant 0 : i32
    %dma_start3A_66 = tpu.memref_slice %arg10[%add3A_62, %dma_start3A_65] : memref<10000x128xf32, #tpu.memory_space<vmem_shared>> -> memref<16x128xf32, #tpu.memory_space<vmem_shared>>
    tpu.enqueue_dma source(%arg9 : memref<16x128xf32, #tpu.memory_space<vmem>>) target(%dma_start3A_66 : memref<16x128xf32, #tpu.memory_space<vmem_shared>>) target_semaphore(%arg13 : memref<!tpu.dma_semaphore, #tpu.memory_space<semaphore_mem>>)
    %add3A_67 = arith.constant 64 : i32
    %add3A_68 = arith.addi %multiple_of3A, %add3A_67 : i32
    %dma_start3A_69 = arith.constant 0 : i32
    %dma_start3A_70 = tpu.memref_slice %arg10[%add3A_68, %dma_start3A_69] : memref<10000x128xf32, #tpu.memory_space<vmem_shared>> -> memref<16x128xf32, #tpu.memory_space<vmem_shared>>
    %dma_start3A_71 = arith.constant 0 : i32
    %dma_start3A_72 = tpu.memref_slice %arg10[%add3A_68, %dma_start3A_71] : memref<10000x128xf32, #tpu.memory_space<vmem_shared>> -> memref<16x128xf32, #tpu.memory_space<vmem_shared>>
    tpu.enqueue_dma source(%arg9 : memref<16x128xf32, #tpu.memory_space<vmem>>) target(%dma_start3A_72 : memref<16x128xf32, #tpu.memory_space<vmem_shared>>) target_semaphore(%arg13 : memref<!tpu.dma_semaphore, #tpu.memory_space<semaphore_mem>>)
    %add3A_73 = arith.constant 80 : i32
    %add3A_74 = arith.addi %multiple_of3A, %add3A_73 : i32
    %dma_start3A_75 = arith.constant 0 : i32
    %dma_start3A_76 = tpu.memref_slice %arg10[%add3A_74, %dma_start3A_75] : memref<10000x128xf32, #tpu.memory_space<vmem_shared>> -> memref<16x128xf32, #tpu.memory_space<vmem_shared>>
    %dma_start3A_77 = arith.constant 0 : i32
    %dma_start3A_78 = tpu.memref_slice %arg10[%add3A_74, %dma_start3A_77] : memref<10000x128xf32, #tpu.memory_space<vmem_shared>> -> memref<16x128xf32, #tpu.memory_space<vmem_shared>>
    tpu.enqueue_dma source(%arg9 : memref<16x128xf32, #tpu.memory_space<vmem>>) target(%dma_start3A_78 : memref<16x128xf32, #tpu.memory_space<vmem_shared>>) target_semaphore(%arg13 : memref<!tpu.dma_semaphore, #tpu.memory_space<semaphore_mem>>)
    %add3A_79 = arith.constant 96 : i32
    %add3A_80 = arith.addi %multiple_of3A, %add3A_79 : i32
    %dma_start3A_81 = arith.constant 0 : i32
    %dma_start3A_82 = tpu.memref_slice %arg10[%add3A_80, %dma_start3A_81] : memref<10000x128xf32, #tpu.memory_space<vmem_shared>> -> memref<16x128xf32, #tpu.memory_space<vmem_shared>>
    %dma_start3A_83 = arith.constant 0 : i32
    %dma_start3A_84 = tpu.memref_slice %arg10[%add3A_80, %dma_start3A_83] : memref<10000x128xf32, #tpu.memory_space<vmem_shared>> -> memref<16x128xf32, #tpu.memory_space<vmem_shared>>
    tpu.enqueue_dma source(%arg9 : memref<16x128xf32, #tpu.memory_space<vmem>>) target(%dma_start3A_84 : memref<16x128xf32, #tpu.memory_space<vmem_shared>>) target_semaphore(%arg13 : memref<!tpu.dma_semaphore, #tpu.memory_space<semaphore_mem>>)
    %add3A_85 = arith.constant 112 : i32
    %add3A_86 = arith.addi %multiple_of3A, %add3A_85 : i32
    %dma_start3A_87 = arith.constant 0 : i32
    %dma_start3A_88 = tpu.memref_slice %arg10[%add3A_86, %dma_start3A_87] : memref<10000x128xf32, #tpu.memory_space<vmem_shared>> -> memref<16x128xf32, #tpu.memory_space<vmem_shared>>
    %dma_start3A_89 = arith.constant 0 : i32
    %dma_start3A_90 = tpu.memref_slice %arg10[%add3A_86, %dma_start3A_89] : memref<10000x128xf32, #tpu.memory_space<vmem_shared>> -> memref<16x128xf32, #tpu.memory_space<vmem_shared>>
    tpu.enqueue_dma source(%arg9 : memref<16x128xf32, #tpu.memory_space<vmem>>) target(%dma_start3A_90 : memref<16x128xf32, #tpu.memory_space<vmem_shared>>) target_semaphore(%arg13 : memref<!tpu.dma_semaphore, #tpu.memory_space<semaphore_mem>>)
    %add3A_91 = arith.constant 128 : i32
    %add3A_92 = arith.addi %multiple_of3A, %add3A_91 : i32
    %dma_start3A_93 = arith.constant 0 : i32
    %dma_start3A_94 = tpu.memref_slice %arg10[%add3A_92, %dma_start3A_93] : memref<10000x128xf32, #tpu.memory_space<vmem_shared>> -> memref<16x128xf32, #tpu.memory_space<vmem_shared>>
    %dma_start3A_95 = arith.constant 0 : i32
    %dma_start3A_96 = tpu.memref_slice %arg10[%add3A_92, %dma_start3A_95] : memref<10000x128xf32, #tpu.memory_space<vmem_shared>> -> memref<16x128xf32, #tpu.memory_space<vmem_shared>>
    tpu.enqueue_dma source(%arg9 : memref<16x128xf32, #tpu.memory_space<vmem>>) target(%dma_start3A_96 : memref<16x128xf32, #tpu.memory_space<vmem_shared>>) target_semaphore(%arg13 : memref<!tpu.dma_semaphore, #tpu.memory_space<semaphore_mem>>)
    %add3A_97 = arith.constant 144 : i32
    %add3A_98 = arith.addi %multiple_of3A, %add3A_97 : i32
    %dma_start3A_99 = arith.constant 0 : i32
    %dma_start3A_100 = tpu.memref_slice %arg10[%add3A_98, %dma_start3A_99] : memref<10000x128xf32, #tpu.memory_space<vmem_shared>> -> memref<16x128xf32, #tpu.memory_space<vmem_shared>>
    %dma_start3A_101 = arith.constant 0 : i32
    %dma_start3A_102 = tpu.memref_slice %arg10[%add3A_98, %dma_start3A_101] : memref<10000x128xf32, #tpu.memory_space<vmem_shared>> -> memref<16x128xf32, #tpu.memory_space<vmem_shared>>
    tpu.enqueue_dma source(%arg9 : memref<16x128xf32, #tpu.memory_space<vmem>>) target(%dma_start3A_102 : memref<16x128xf32, #tpu.memory_space<vmem_shared>>) target_semaphore(%arg13 : memref<!tpu.dma_semaphore, #tpu.memory_space<semaphore_mem>>)
    %add3A_103 = arith.constant 160 : i32
    %add3A_104 = arith.addi %multiple_of3A, %add3A_103 : i32
    %dma_start3A_105 = arith.constant 0 : i32
    %dma_start3A_106 = tpu.memref_slice %arg10[%add3A_104, %dma_start3A_105] : memref<10000x128xf32, #tpu.memory_space<vmem_shared>> -> memref<16x128xf32, #tpu.memory_space<vmem_shared>>
    %dma_start3A_107 = arith.constant 0 : i32
    %dma_start3A_108 = tpu.memref_slice %arg10[%add3A_104, %dma_start3A_107] : memref<10000x128xf32, #tpu.memory_space<vmem_shared>> -> memref<16x128xf32, #tpu.memory_space<vmem_shared>>
    tpu.enqueue_dma source(%arg9 : memref<16x128xf32, #tpu.memory_space<vmem>>) target(%dma_start3A_108 : memref<16x128xf32, #tpu.memory_space<vmem_shared>>) target_semaphore(%arg13 : memref<!tpu.dma_semaphore, #tpu.memory_space<semaphore_mem>>)
    %add3A_109 = arith.constant 176 : i32
    %add3A_110 = arith.addi %multiple_of3A, %add3A_109 : i32
    %dma_start3A_111 = arith.constant 0 : i32
    %dma_start3A_112 = tpu.memref_slice %arg10[%add3A_110, %dma_start3A_111] : memref<10000x128xf32, #tpu.memory_space<vmem_shared>> -> memref<16x128xf32, #tpu.memory_space<vmem_shared>>
    %dma_start3A_113 = arith.constant 0 : i32
    %dma_start3A_114 = tpu.memref_slice %arg10[%add3A_110, %dma_start3A_113] : memref<10000x128xf32, #tpu.memory_space<vmem_shared>> -> memref<16x128xf32, #tpu.memory_space<vmem_shared>>
    tpu.enqueue_dma source(%arg9 : memref<16x128xf32, #tpu.memory_space<vmem>>) target(%dma_start3A_114 : memref<16x128xf32, #tpu.memory_space<vmem_shared>>) target_semaphore(%arg13 : memref<!tpu.dma_semaphore, #tpu.memory_space<semaphore_mem>>)
    %add3A_115 = arith.constant 192 : i32
    %add3A_116 = arith.addi %multiple_of3A, %add3A_115 : i32
    %dma_start3A_117 = arith.constant 0 : i32
    %dma_start3A_118 = tpu.memref_slice %arg10[%add3A_116, %dma_start3A_117] : memref<10000x128xf32, #tpu.memory_space<vmem_shared>> -> memref<16x128xf32, #tpu.memory_space<vmem_shared>>
    %dma_start3A_119 = arith.constant 0 : i32
    %dma_start3A_120 = tpu.memref_slice %arg10[%add3A_116, %dma_start3A_119] : memref<10000x128xf32, #tpu.memory_space<vmem_shared>> -> memref<16x128xf32, #tpu.memory_space<vmem_shared>>
    tpu.enqueue_dma source(%arg9 : memref<16x128xf32, #tpu.memory_space<vmem>>) target(%dma_start3A_120 : memref<16x128xf32, #tpu.memory_space<vmem_shared>>) target_semaphore(%arg13 : memref<!tpu.dma_semaphore, #tpu.memory_space<semaphore_mem>>)
    %add3A_121 = arith.constant 208 : i32
    %add3A_122 = arith.addi %multiple_of3A, %add3A_121 : i32
    %dma_start3A_123 = arith.constant 0 : i32
    %dma_start3A_124 = tpu.memref_slice %arg10[%add3A_122, %dma_start3A_123] : memref<10000x128xf32, #tpu.memory_space<vmem_shared>> -> memref<16x128xf32, #tpu.memory_space<vmem_shared>>
    %dma_start3A_125 = arith.constant 0 : i32
    %dma_start3A_126 = tpu.memref_slice %arg10[%add3A_122, %dma_start3A_125] : memref<10000x128xf32, #tpu.memory_space<vmem_shared>> -> memref<16x128xf32, #tpu.memory_space<vmem_shared>>
    tpu.enqueue_dma source(%arg9 : memref<16x128xf32, #tpu.memory_space<vmem>>) target(%dma_start3A_126 : memref<16x128xf32, #tpu.memory_space<vmem_shared>>) target_semaphore(%arg13 : memref<!tpu.dma_semaphore, #tpu.memory_space<semaphore_mem>>)
    %add3A_127 = arith.constant 224 : i32
    %add3A_128 = arith.addi %multiple_of3A, %add3A_127 : i32
    %dma_start3A_129 = arith.constant 0 : i32
    %dma_start3A_130 = tpu.memref_slice %arg10[%add3A_128, %dma_start3A_129] : memref<10000x128xf32, #tpu.memory_space<vmem_shared>> -> memref<16x128xf32, #tpu.memory_space<vmem_shared>>
    %dma_start3A_131 = arith.constant 0 : i32
    %dma_start3A_132 = tpu.memref_slice %arg10[%add3A_128, %dma_start3A_131] : memref<10000x128xf32, #tpu.memory_space<vmem_shared>> -> memref<16x128xf32, #tpu.memory_space<vmem_shared>>
    tpu.enqueue_dma source(%arg9 : memref<16x128xf32, #tpu.memory_space<vmem>>) target(%dma_start3A_132 : memref<16x128xf32, #tpu.memory_space<vmem_shared>>) target_semaphore(%arg13 : memref<!tpu.dma_semaphore, #tpu.memory_space<semaphore_mem>>)
    %add3A_133 = arith.constant 240 : i32
    %add3A_134 = arith.addi %multiple_of3A, %add3A_133 : i32
    %dma_start3A_135 = arith.constant 0 : i32
    %dma_start3A_136 = tpu.memref_slice %arg10[%add3A_134, %dma_start3A_135] : memref<10000x128xf32, #tpu.memory_space<vmem_shared>> -> memref<16x128xf32, #tpu.memory_space<vmem_shared>>
    %dma_start3A_137 = arith.constant 0 : i32
    %dma_start3A_138 = tpu.memref_slice %arg10[%add3A_134, %dma_start3A_137] : memref<10000x128xf32, #tpu.memory_space<vmem_shared>> -> memref<16x128xf32, #tpu.memory_space<vmem_shared>>
    tpu.enqueue_dma source(%arg9 : memref<16x128xf32, #tpu.memory_space<vmem>>) target(%dma_start3A_138 : memref<16x128xf32, #tpu.memory_space<vmem_shared>>) target_semaphore(%arg13 : memref<!tpu.dma_semaphore, #tpu.memory_space<semaphore_mem>>)
    %add3A_139 = arith.constant 256 : i32
    %add3A_140 = arith.addi %multiple_of3A, %add3A_139 : i32
    %dma_start3A_141 = arith.constant 0 : i32
    %dma_start3A_142 = tpu.memref_slice %arg10[%add3A_140, %dma_start3A_141] : memref<10000x128xf32, #tpu.memory_space<vmem_shared>> -> memref<16x128xf32, #tpu.memory_space<vmem_shared>>
    %dma_start3A_143 = arith.constant 0 : i32
    %dma_start3A_144 = tpu.memref_slice %arg10[%add3A_140, %dma_start3A_143] : memref<10000x128xf32, #tpu.memory_space<vmem_shared>> -> memref<16x128xf32, #tpu.memory_space<vmem_shared>>
    tpu.enqueue_dma source(%arg9 : memref<16x128xf32, #tpu.memory_space<vmem>>) target(%dma_start3A_144 : memref<16x128xf32, #tpu.memory_space<vmem_shared>>) target_semaphore(%arg13 : memref<!tpu.dma_semaphore, #tpu.memory_space<semaphore_mem>>)
    %add3A_145 = arith.constant 272 : i32
    %add3A_146 = arith.addi %multiple_of3A, %add3A_145 : i32
    %dma_start3A_147 = arith.constant 0 : i32
    %dma_start3A_148 = tpu.memref_slice %arg10[%add3A_146, %dma_start3A_147] : memref<10000x128xf32, #tpu.memory_space<vmem_shared>> -> memref<16x128xf32, #tpu.memory_space<vmem_shared>>
    %dma_start3A_149 = arith.constant 0 : i32
    %dma_start3A_150 = tpu.memref_slice %arg10[%add3A_146, %dma_start3A_149] : memref<10000x128xf32, #tpu.memory_space<vmem_shared>> -> memref<16x128xf32, #tpu.memory_space<vmem_shared>>
    tpu.enqueue_dma source(%arg9 : memref<16x128xf32, #tpu.memory_space<vmem>>) target(%dma_start3A_150 : memref<16x128xf32, #tpu.memory_space<vmem_shared>>) target_semaphore(%arg13 : memref<!tpu.dma_semaphore, #tpu.memory_space<semaphore_mem>>)
    %add3A_151 = arith.constant 288 : i32
    %add3A_152 = arith.addi %multiple_of3A, %add3A_151 : i32
    %dma_start3A_153 = arith.constant 0 : i32
    %dma_start3A_154 = tpu.memref_slice %arg10[%add3A_152, %dma_start3A_153] : memref<10000x128xf32, #tpu.memory_space<vmem_shared>> -> memref<16x128xf32, #tpu.memory_space<vmem_shared>>
    %dma_start3A_155 = arith.constant 0 : i32
    %dma_start3A_156 = tpu.memref_slice %arg10[%add3A_152, %dma_start3A_155] : memref<10000x128xf32, #tpu.memory_space<vmem_shared>> -> memref<16x128xf32, #tpu.memory_space<vmem_shared>>
    tpu.enqueue_dma source(%arg9 : memref<16x128xf32, #tpu.memory_space<vmem>>) target(%dma_start3A_156 : memref<16x128xf32, #tpu.memory_space<vmem_shared>>) target_semaphore(%arg13 : memref<!tpu.dma_semaphore, #tpu.memory_space<semaphore_mem>>)
    %add3A_157 = arith.constant 304 : i32
    %add3A_158 = arith.addi %multiple_of3A, %add3A_157 : i32
    %dma_start3A_159 = arith.constant 0 : i32
    %dma_start3A_160 = tpu.memref_slice %arg10[%add3A_158, %dma_start3A_159] : memref<10000x128xf32, #tpu.memory_space<vmem_shared>> -> memref<16x128xf32, #tpu.memory_space<vmem_shared>>
    %dma_start3A_161 = arith.constant 0 : i32
    %dma_start3A_162 = tpu.memref_slice %arg10[%add3A_158, %dma_start3A_161] : memref<10000x128xf32, #tpu.memory_space<vmem_shared>> -> memref<16x128xf32, #tpu.memory_space<vmem_shared>>
    tpu.enqueue_dma source(%arg9 : memref<16x128xf32, #tpu.memory_space<vmem>>) target(%dma_start3A_162 : memref<16x128xf32, #tpu.memory_space<vmem_shared>>) target_semaphore(%arg13 : memref<!tpu.dma_semaphore, #tpu.memory_space<semaphore_mem>>)
    %add3A_163 = arith.constant 320 : i32
    %add3A_164 = arith.addi %multiple_of3A, %add3A_163 : i32
    %dma_start3A_165 = arith.constant 0 : i32
    %dma_start3A_166 = tpu.memref_slice %arg10[%add3A_164, %dma_start3A_165] : memref<10000x128xf32, #tpu.memory_space<vmem_shared>> -> memref<16x128xf32, #tpu.memory_space<vmem_shared>>
    %dma_start3A_167 = arith.constant 0 : i32
    %dma_start3A_168 = tpu.memref_slice %arg10[%add3A_164, %dma_start3A_167] : memref<10000x128xf32, #tpu.memory_space<vmem_shared>> -> memref<16x128xf32, #tpu.memory_space<vmem_shared>>
    tpu.enqueue_dma source(%arg9 : memref<16x128xf32, #tpu.memory_space<vmem>>) target(%dma_start3A_168 : memref<16x128xf32, #tpu.memory_space<vmem_shared>>) target_semaphore(%arg13 : memref<!tpu.dma_semaphore, #tpu.memory_space<semaphore_mem>>)
    %add3A_169 = arith.constant 336 : i32
    %add3A_170 = arith.addi %multiple_of3A, %add3A_169 : i32
    %dma_start3A_171 = arith.constant 0 : i32
    %dma_start3A_172 = tpu.memref_slice %arg10[%add3A_170, %dma_start3A_171] : memref<10000x128xf32, #tpu.memory_space<vmem_shared>> -> memref<16x128xf32, #tpu.memory_space<vmem_shared>>
    %dma_start3A_173 = arith.constant 0 : i32
    %dma_start3A_174 = tpu.memref_slice %arg10[%add3A_170, %dma_start3A_173] : memref<10000x128xf32, #tpu.memory_space<vmem_shared>> -> memref<16x128xf32, #tpu.memory_space<vmem_shared>>
    tpu.enqueue_dma source(%arg9 : memref<16x128xf32, #tpu.memory_space<vmem>>) target(%dma_start3A_174 : memref<16x128xf32, #tpu.memory_space<vmem_shared>>) target_semaphore(%arg13 : memref<!tpu.dma_semaphore, #tpu.memory_space<semaphore_mem>>)
    %add3A_175 = arith.constant 352 : i32
    %add3A_176 = arith.addi %multiple_of3A, %add3A_175 : i32
    %dma_start3A_177 = arith.constant 0 : i32
    %dma_start3A_178 = tpu.memref_slice %arg10[%add3A_176, %dma_start3A_177] : memref<10000x128xf32, #tpu.memory_space<vmem_shared>> -> memref<16x128xf32, #tpu.memory_space<vmem_shared>>
    %dma_start3A_179 = arith.constant 0 : i32
    %dma_start3A_180 = tpu.memref_slice %arg10[%add3A_176, %dma_start3A_179] : memref<10000x128xf32, #tpu.memory_space<vmem_shared>> -> memref<16x128xf32, #tpu.memory_space<vmem_shared>>
    tpu.enqueue_dma source(%arg9 : memref<16x128xf32, #tpu.memory_space<vmem>>) target(%dma_start3A_180 : memref<16x128xf32, #tpu.memory_space<vmem_shared>>) target_semaphore(%arg13 : memref<!tpu.dma_semaphore, #tpu.memory_space<semaphore_mem>>)
    %add3A_181 = arith.constant 368 : i32
    %add3A_182 = arith.addi %multiple_of3A, %add3A_181 : i32
    %dma_start3A_183 = arith.constant 0 : i32
    %dma_start3A_184 = tpu.memref_slice %arg10[%add3A_182, %dma_start3A_183] : memref<10000x128xf32, #tpu.memory_space<vmem_shared>> -> memref<16x128xf32, #tpu.memory_space<vmem_shared>>
    %dma_start3A_185 = arith.constant 0 : i32
    %dma_start3A_186 = tpu.memref_slice %arg10[%add3A_182, %dma_start3A_185] : memref<10000x128xf32, #tpu.memory_space<vmem_shared>> -> memref<16x128xf32, #tpu.memory_space<vmem_shared>>
    tpu.enqueue_dma source(%arg9 : memref<16x128xf32, #tpu.memory_space<vmem>>) target(%dma_start3A_186 : memref<16x128xf32, #tpu.memory_space<vmem_shared>>) target_semaphore(%arg13 : memref<!tpu.dma_semaphore, #tpu.memory_space<semaphore_mem>>)
    %add3A_187 = arith.constant 384 : i32
    %add3A_188 = arith.addi %multiple_of3A, %add3A_187 : i32
    %dma_start3A_189 = arith.constant 0 : i32
    %dma_start3A_190 = tpu.memref_slice %arg10[%add3A_188, %dma_start3A_189] : memref<10000x128xf32, #tpu.memory_space<vmem_shared>> -> memref<16x128xf32, #tpu.memory_space<vmem_shared>>
    %dma_start3A_191 = arith.constant 0 : i32
    %dma_start3A_192 = tpu.memref_slice %arg10[%add3A_188, %dma_start3A_191] : memref<10000x128xf32, #tpu.memory_space<vmem_shared>> -> memref<16x128xf32, #tpu.memory_space<vmem_shared>>
    tpu.enqueue_dma source(%arg9 : memref<16x128xf32, #tpu.memory_space<vmem>>) target(%dma_start3A_192 : memref<16x128xf32, #tpu.memory_space<vmem_shared>>) target_semaphore(%arg13 : memref<!tpu.dma_semaphore, #tpu.memory_space<semaphore_mem>>)
    %add3A_193 = arith.constant 400 : i32
    %add3A_194 = arith.addi %multiple_of3A, %add3A_193 : i32
    %dma_start3A_195 = arith.constant 0 : i32
    %dma_start3A_196 = tpu.memref_slice %arg10[%add3A_194, %dma_start3A_195] : memref<10000x128xf32, #tpu.memory_space<vmem_shared>> -> memref<16x128xf32, #tpu.memory_space<vmem_shared>>
    %dma_start3A_197 = arith.constant 0 : i32
    %dma_start3A_198 = tpu.memref_slice %arg10[%add3A_194, %dma_start3A_197] : memref<10000x128xf32, #tpu.memory_space<vmem_shared>> -> memref<16x128xf32, #tpu.memory_space<vmem_shared>>
    tpu.enqueue_dma source(%arg9 : memref<16x128xf32, #tpu.memory_space<vmem>>) target(%dma_start3A_198 : memref<16x128xf32, #tpu.memory_space<vmem_shared>>) target_semaphore(%arg13 : memref<!tpu.dma_semaphore, #tpu.memory_space<semaphore_mem>>)
    %add3A_199 = arith.constant 416 : i32
    %add3A_200 = arith.addi %multiple_of3A, %add3A_199 : i32
    %dma_start3A_201 = arith.constant 0 : i32
    %dma_start3A_202 = tpu.memref_slice %arg10[%add3A_200, %dma_start3A_201] : memref<10000x128xf32, #tpu.memory_space<vmem_shared>> -> memref<16x128xf32, #tpu.memory_space<vmem_shared>>
    %dma_start3A_203 = arith.constant 0 : i32
    %dma_start3A_204 = tpu.memref_slice %arg10[%add3A_200, %dma_start3A_203] : memref<10000x128xf32, #tpu.memory_space<vmem_shared>> -> memref<16x128xf32, #tpu.memory_space<vmem_shared>>
    tpu.enqueue_dma source(%arg9 : memref<16x128xf32, #tpu.memory_space<vmem>>) target(%dma_start3A_204 : memref<16x128xf32, #tpu.memory_space<vmem_shared>>) target_semaphore(%arg13 : memref<!tpu.dma_semaphore, #tpu.memory_space<semaphore_mem>>)
    %add3A_205 = arith.constant 432 : i32
    %add3A_206 = arith.addi %multiple_of3A, %add3A_205 : i32
    %dma_start3A_207 = arith.constant 0 : i32
    %dma_start3A_208 = tpu.memref_slice %arg10[%add3A_206, %dma_start3A_207] : memref<10000x128xf32, #tpu.memory_space<vmem_shared>> -> memref<16x128xf32, #tpu.memory_space<vmem_shared>>
    %dma_start3A_209 = arith.constant 0 : i32
    %dma_start3A_210 = tpu.memref_slice %arg10[%add3A_206, %dma_start3A_209] : memref<10000x128xf32, #tpu.memory_space<vmem_shared>> -> memref<16x128xf32, #tpu.memory_space<vmem_shared>>
    tpu.enqueue_dma source(%arg9 : memref<16x128xf32, #tpu.memory_space<vmem>>) target(%dma_start3A_210 : memref<16x128xf32, #tpu.memory_space<vmem_shared>>) target_semaphore(%arg13 : memref<!tpu.dma_semaphore, #tpu.memory_space<semaphore_mem>>)
    %add3A_211 = arith.constant 448 : i32
    %add3A_212 = arith.addi %multiple_of3A, %add3A_211 : i32
    %dma_start3A_213 = arith.constant 0 : i32
    %dma_start3A_214 = tpu.memref_slice %arg10[%add3A_212, %dma_start3A_213] : memref<10000x128xf32, #tpu.memory_space<vmem_shared>> -> memref<16x128xf32, #tpu.memory_space<vmem_shared>>
    %dma_start3A_215 = arith.constant 0 : i32
    %dma_start3A_216 = tpu.memref_slice %arg10[%add3A_212, %dma_start3A_215] : memref<10000x128xf32, #tpu.memory_space<vmem_shared>> -> memref<16x128xf32, #tpu.memory_space<vmem_shared>>
    tpu.enqueue_dma source(%arg9 : memref<16x128xf32, #tpu.memory_space<vmem>>) target(%dma_start3A_216 : memref<16x128xf32, #tpu.memory_space<vmem_shared>>) target_semaphore(%arg13 : memref<!tpu.dma_semaphore, #tpu.memory_space<semaphore_mem>>)
    %add3A_217 = arith.constant 464 : i32
    %add3A_218 = arith.addi %multiple_of3A, %add3A_217 : i32
    %dma_start3A_219 = arith.constant 0 : i32
    %dma_start3A_220 = tpu.memref_slice %arg10[%add3A_218, %dma_start3A_219] : memref<10000x128xf32, #tpu.memory_space<vmem_shared>> -> memref<16x128xf32, #tpu.memory_space<vmem_shared>>
    %dma_start3A_221 = arith.constant 0 : i32
    %dma_start3A_222 = tpu.memref_slice %arg10[%add3A_218, %dma_start3A_221] : memref<10000x128xf32, #tpu.memory_space<vmem_shared>> -> memref<16x128xf32, #tpu.memory_space<vmem_shared>>
    tpu.enqueue_dma source(%arg9 : memref<16x128xf32, #tpu.memory_space<vmem>>) target(%dma_start3A_222 : memref<16x128xf32, #tpu.memory_space<vmem_shared>>) target_semaphore(%arg13 : memref<!tpu.dma_semaphore, #tpu.memory_space<semaphore_mem>>)
    %add3A_223 = arith.constant 480 : i32
    %add3A_224 = arith.addi %multiple_of3A, %add3A_223 : i32
    %dma_start3A_225 = arith.constant 0 : i32
    %dma_start3A_226 = tpu.memref_slice %arg10[%add3A_224, %dma_start3A_225] : memref<10000x128xf32, #tpu.memory_space<vmem_shared>> -> memref<16x128xf32, #tpu.memory_space<vmem_shared>>
    %dma_start3A_227 = arith.constant 0 : i32
    %dma_start3A_228 = tpu.memref_slice %arg10[%add3A_224, %dma_start3A_227] : memref<10000x128xf32, #tpu.memory_space<vmem_shared>> -> memref<16x128xf32, #tpu.memory_space<vmem_shared>>
    tpu.enqueue_dma source(%arg9 : memref<16x128xf32, #tpu.memory_space<vmem>>) target(%dma_start3A_228 : memref<16x128xf32, #tpu.memory_space<vmem_shared>>) target_semaphore(%arg13 : memref<!tpu.dma_semaphore, #tpu.memory_space<semaphore_mem>>)
    %add3A_229 = arith.constant 496 : i32
    %add3A_230 = arith.addi %multiple_of3A, %add3A_229 : i32
    %dma_start3A_231 = arith.constant 0 : i32
    %dma_start3A_232 = tpu.memref_slice %arg10[%add3A_230, %dma_start3A_231] : memref<10000x128xf32, #tpu.memory_space<vmem_shared>> -> memref<16x128xf32, #tpu.memory_space<vmem_shared>>
    %dma_start3A_233 = arith.constant 0 : i32
    %dma_start3A_234 = tpu.memref_slice %arg10[%add3A_230, %dma_start3A_233] : memref<10000x128xf32, #tpu.memory_space<vmem_shared>> -> memref<16x128xf32, #tpu.memory_space<vmem_shared>>
    tpu.enqueue_dma source(%arg9 : memref<16x128xf32, #tpu.memory_space<vmem>>) target(%dma_start3A_234 : memref<16x128xf32, #tpu.memory_space<vmem_shared>>) target_semaphore(%arg13 : memref<!tpu.dma_semaphore, #tpu.memory_space<semaphore_mem>>)
    %add3A_235 = arith.constant 512 : i32
    %add3A_236 = arith.addi %multiple_of3A, %add3A_235 : i32
    %dma_start3A_237 = arith.constant 0 : i32
    %dma_start3A_238 = tpu.memref_slice %arg10[%add3A_236, %dma_start3A_237] : memref<10000x128xf32, #tpu.memory_space<vmem_shared>> -> memref<16x128xf32, #tpu.memory_space<vmem_shared>>
    %dma_start3A_239 = arith.constant 0 : i32
    %dma_start3A_240 = tpu.memref_slice %arg10[%add3A_236, %dma_start3A_239] : memref<10000x128xf32, #tpu.memory_space<vmem_shared>> -> memref<16x128xf32, #tpu.memory_space<vmem_shared>>
    tpu.enqueue_dma source(%arg9 : memref<16x128xf32, #tpu.memory_space<vmem>>) target(%dma_start3A_240 : memref<16x128xf32, #tpu.memory_space<vmem_shared>>) target_semaphore(%arg13 : memref<!tpu.dma_semaphore, #tpu.memory_space<semaphore_mem>>)
    %add3A_241 = arith.constant 528 : i32
    %add3A_242 = arith.addi %multiple_of3A, %add3A_241 : i32
    %dma_start3A_243 = arith.constant 0 : i32
    %dma_start3A_244 = tpu.memref_slice %arg10[%add3A_242, %dma_start3A_243] : memref<10000x128xf32, #tpu.memory_space<vmem_shared>> -> memref<16x128xf32, #tpu.memory_space<vmem_shared>>
    %dma_start3A_245 = arith.constant 0 : i32
    %dma_start3A_246 = tpu.memref_slice %arg10[%add3A_242, %dma_start3A_245] : memref<10000x128xf32, #tpu.memory_space<vmem_shared>> -> memref<16x128xf32, #tpu.memory_space<vmem_shared>>
    tpu.enqueue_dma source(%arg9 : memref<16x128xf32, #tpu.memory_space<vmem>>) target(%dma_start3A_246 : memref<16x128xf32, #tpu.memory_space<vmem_shared>>) target_semaphore(%arg13 : memref<!tpu.dma_semaphore, #tpu.memory_space<semaphore_mem>>)
    %add3A_247 = arith.constant 544 : i32
    %add3A_248 = arith.addi %multiple_of3A, %add3A_247 : i32
    %dma_start3A_249 = arith.constant 0 : i32
    %dma_start3A_250 = tpu.memref_slice %arg10[%add3A_248, %dma_start3A_249] : memref<10000x128xf32, #tpu.memory_space<vmem_shared>> -> memref<16x128xf32, #tpu.memory_space<vmem_shared>>
    %dma_start3A_251 = arith.constant 0 : i32
    %dma_start3A_252 = tpu.memref_slice %arg10[%add3A_248, %dma_start3A_251] : memref<10000x128xf32, #tpu.memory_space<vmem_shared>> -> memref<16x128xf32, #tpu.memory_space<vmem_shared>>
    tpu.enqueue_dma source(%arg9 : memref<16x128xf32, #tpu.memory_space<vmem>>) target(%dma_start3A_252 : memref<16x128xf32, #tpu.memory_space<vmem_shared>>) target_semaphore(%arg13 : memref<!tpu.dma_semaphore, #tpu.memory_space<semaphore_mem>>)
    %add3A_253 = arith.constant 560 : i32
    %add3A_254 = arith.addi %multiple_of3A, %add3A_253 : i32
    %dma_start3A_255 = arith.constant 0 : i32
    %dma_start3A_256 = tpu.memref_slice %arg10[%add3A_254, %dma_start3A_255] : memref<10000x128xf32, #tpu.memory_space<vmem_shared>> -> memref<16x128xf32, #tpu.memory_space<vmem_shared>>
    %dma_start3A_257 = arith.constant 0 : i32
    %dma_start3A_258 = tpu.memref_slice %arg10[%add3A_254, %dma_start3A_257] : memref<10000x128xf32, #tpu.memory_space<vmem_shared>> -> memref<16x128xf32, #tpu.memory_space<vmem_shared>>
    tpu.enqueue_dma source(%arg9 : memref<16x128xf32, #tpu.memory_space<vmem>>) target(%dma_start3A_258 : memref<16x128xf32, #tpu.memory_space<vmem_shared>>) target_semaphore(%arg13 : memref<!tpu.dma_semaphore, #tpu.memory_space<semaphore_mem>>)
    %add3A_259 = arith.constant 576 : i32
    %add3A_260 = arith.addi %multiple_of3A, %add3A_259 : i32
    %dma_start3A_261 = arith.constant 0 : i32
    %dma_start3A_262 = tpu.memref_slice %arg10[%add3A_260, %dma_start3A_261] : memref<10000x128xf32, #tpu.memory_space<vmem_shared>> -> memref<16x128xf32, #tpu.memory_space<vmem_shared>>
    %dma_start3A_263 = arith.constant 0 : i32
    %dma_start3A_264 = tpu.memref_slice %arg10[%add3A_260, %dma_start3A_263] : memref<10000x128xf32, #tpu.memory_space<vmem_shared>> -> memref<16x128xf32, #tpu.memory_space<vmem_shared>>
    tpu.enqueue_dma source(%arg9 : memref<16x128xf32, #tpu.memory_space<vmem>>) target(%dma_start3A_264 : memref<16x128xf32, #tpu.memory_space<vmem_shared>>) target_semaphore(%arg13 : memref<!tpu.dma_semaphore, #tpu.memory_space<semaphore_mem>>)
    %add3A_265 = arith.constant 592 : i32
    %add3A_266 = arith.addi %multiple_of3A, %add3A_265 : i32
    %dma_start3A_267 = arith.constant 0 : i32
    %dma_start3A_268 = tpu.memref_slice %arg10[%add3A_266, %dma_start3A_267] : memref<10000x128xf32, #tpu.memory_space<vmem_shared>> -> memref<16x128xf32, #tpu.memory_space<vmem_shared>>
    %dma_start3A_269 = arith.constant 0 : i32
    %dma_start3A_270 = tpu.memref_slice %arg10[%add3A_266, %dma_start3A_269] : memref<10000x128xf32, #tpu.memory_space<vmem_shared>> -> memref<16x128xf32, #tpu.memory_space<vmem_shared>>
    tpu.enqueue_dma source(%arg9 : memref<16x128xf32, #tpu.memory_space<vmem>>) target(%dma_start3A_270 : memref<16x128xf32, #tpu.memory_space<vmem_shared>>) target_semaphore(%arg13 : memref<!tpu.dma_semaphore, #tpu.memory_space<semaphore_mem>>)
    %add3A_271 = arith.constant 608 : i32
    %add3A_272 = arith.addi %multiple_of3A, %add3A_271 : i32
    %dma_start3A_273 = arith.constant 0 : i32
    %dma_start3A_274 = tpu.memref_slice %arg10[%add3A_272, %dma_start3A_273] : memref<10000x128xf32, #tpu.memory_space<vmem_shared>> -> memref<16x128xf32, #tpu.memory_space<vmem_shared>>
    %dma_start3A_275 = arith.constant 0 : i32
    %dma_start3A_276 = tpu.memref_slice %arg10[%add3A_272, %dma_start3A_275] : memref<10000x128xf32, #tpu.memory_space<vmem_shared>> -> memref<16x128xf32, #tpu.memory_space<vmem_shared>>
    tpu.enqueue_dma source(%arg9 : memref<16x128xf32, #tpu.memory_space<vmem>>) target(%dma_start3A_276 : memref<16x128xf32, #tpu.memory_space<vmem_shared>>) target_semaphore(%arg13 : memref<!tpu.dma_semaphore, #tpu.memory_space<semaphore_mem>>)
    %eq3A = arith.constant 15 : i32
    %eq3A_277 = arith.cmpi eq, %arg1, %eq3A : i32
    %convert_element_type3A = arith.extui %eq3A_277 : i1 to i32
    %cond3A = arith.constant 0 : i32
    %cond3A_278 = arith.cmpi ne, %convert_element_type3A, %cond3A : i32
    scf.if %cond3A_278 {
      "tpu.region"() ({
        %run_scoped3A_542 = tpu.sem_alloc : memref<!tpu.dma_semaphore, #tpu.memory_space<semaphore_mem>>
        %dma_start3A_543 = arith.constant 0 : i32
        %dma_start3A_544 = arith.constant 0 : i32
        %dma_start3A_545 = tpu.memref_slice %arg9[%dma_start3A_543, %dma_start3A_544] : memref<16x128xf32, #tpu.memory_space<vmem>> -> memref<16x128xf32, #tpu.memory_space<vmem>>
        %dma_start3A_546 = arith.constant 9984 : i32
        %dma_start3A_547 = arith.constant 0 : i32
        %dma_start3A_548 = tpu.memref_slice %arg10[%dma_start3A_546, %dma_start3A_547] : memref<10000x128xf32, #tpu.memory_space<vmem_shared>> -> memref<16x128xf32, #tpu.memory_space<vmem_shared>>
        %dma_start3A_549 = arith.constant 9984 : i32
        %dma_start3A_550 = arith.constant 0 : i32
        %dma_start3A_551 = tpu.memref_slice %arg10[%dma_start3A_549, %dma_start3A_550] : memref<10000x128xf32, #tpu.memory_space<vmem_shared>> -> memref<16x128xf32, #tpu.memory_space<vmem_shared>>
        %dma_start3A_552 = arith.constant 0 : i32
        %dma_start3A_553 = arith.constant 0 : i32
        %dma_start3A_554 = tpu.memref_slice %arg9[%dma_start3A_552, %dma_start3A_553] : memref<16x128xf32, #tpu.memory_space<vmem>> -> memref<16x128xf32, #tpu.memory_space<vmem>>
        tpu.enqueue_dma source(%dma_start3A_554 : memref<16x128xf32, #tpu.memory_space<vmem>>) target(%dma_start3A_551 : memref<16x128xf32, #tpu.memory_space<vmem_shared>>) target_semaphore(%run_scoped3A_542 : memref<!tpu.dma_semaphore, #tpu.memory_space<semaphore_mem>>)
        %dma_wait3A_555 = arith.constant 0 : i32
        %dma_wait3A_556 = arith.constant 0 : i32
        %dma_wait3A_557 = tpu.memref_slice %arg9[%dma_wait3A_555, %dma_wait3A_556] : memref<16x128xf32, #tpu.memory_space<vmem>> -> memref<16x128xf32, #tpu.memory_space<vmem>>
        %dma_wait3A_558 = arith.constant 9984 : i32
        %dma_wait3A_559 = arith.constant 0 : i32
        %dma_wait3A_560 = tpu.memref_slice %arg10[%dma_wait3A_558, %dma_wait3A_559] : memref<10000x128xf32, #tpu.memory_space<vmem_shared>> -> memref<16x128xf32, #tpu.memory_space<vmem_shared>>
        %dma_wait3A_561 = arith.constant 9984 : i32
        %dma_wait3A_562 = arith.constant 0 : i32
        %dma_wait3A_563 = tpu.memref_slice %arg10[%dma_wait3A_561, %dma_wait3A_562] : memref<10000x128xf32, #tpu.memory_space<vmem_shared>> -> memref<16x128xf32, #tpu.memory_space<vmem_shared>>
        %dma_wait3A_564 = arith.constant 0 : i32
        %dma_wait3A_565 = arith.constant 0 : i32
        %dma_wait3A_566 = tpu.memref_slice %arg9[%dma_wait3A_564, %dma_wait3A_565] : memref<16x128xf32, #tpu.memory_space<vmem>> -> memref<16x128xf32, #tpu.memory_space<vmem>>
        tpu.wait_dma2 semaphore(%run_scoped3A_542 : memref<!tpu.dma_semaphore, #tpu.memory_space<semaphore_mem>>) src(%dma_wait3A_566 : memref<16x128xf32, #tpu.memory_space<vmem>>) dst(%dma_wait3A_563 : memref<16x128xf32, #tpu.memory_space<vmem_shared>>)
        tpu.yield
      }) : () -> ()
    } else {
    }
    %add3A_279 = arith.constant 0 : i32
    %add3A_280 = arith.addi %multiple_of3A, %add3A_279 : i32
    %dma_wait3A = arith.constant 0 : i32
    %dma_wait3A_281 = tpu.memref_slice %arg10[%add3A_280, %dma_wait3A] : memref<10000x128xf32, #tpu.memory_space<vmem_shared>> -> memref<16x128xf32, #tpu.memory_space<vmem_shared>>
    %dma_wait3A_282 = arith.constant 0 : i32
    %dma_wait3A_283 = tpu.memref_slice %arg10[%add3A_280, %dma_wait3A_282] : memref<10000x128xf32, #tpu.memory_space<vmem_shared>> -> memref<16x128xf32, #tpu.memory_space<vmem_shared>>
    tpu.wait_dma2 semaphore(%arg13 : memref<!tpu.dma_semaphore, #tpu.memory_space<semaphore_mem>>) src(%arg9 : memref<16x128xf32, #tpu.memory_space<vmem>>) dst(%dma_wait3A_283 : memref<16x128xf32, #tpu.memory_space<vmem_shared>>)
    %add3A_284 = arith.constant 16 : i32
    %add3A_285 = arith.addi %multiple_of3A, %add3A_284 : i32
    %dma_wait3A_286 = arith.constant 0 : i32
    %dma_wait3A_287 = tpu.memref_slice %arg10[%add3A_285, %dma_wait3A_286] : memref<10000x128xf32, #tpu.memory_space<vmem_shared>> -> memref<16x128xf32, #tpu.memory_space<vmem_shared>>
    %dma_wait3A_288 = arith.constant 0 : i32
    %dma_wait3A_289 = tpu.memref_slice %arg10[%add3A_285, %dma_wait3A_288] : memref<10000x128xf32, #tpu.memory_space<vmem_shared>> -> memref<16x128xf32, #tpu.memory_space<vmem_shared>>
    tpu.wait_dma2 semaphore(%arg13 : memref<!tpu.dma_semaphore, #tpu.memory_space<semaphore_mem>>) src(%arg9 : memref<16x128xf32, #tpu.memory_space<vmem>>) dst(%dma_wait3A_289 : memref<16x128xf32, #tpu.memory_space<vmem_shared>>)
    %add3A_290 = arith.constant 32 : i32
    %add3A_291 = arith.addi %multiple_of3A, %add3A_290 : i32
    %dma_wait3A_292 = arith.constant 0 : i32
    %dma_wait3A_293 = tpu.memref_slice %arg10[%add3A_291, %dma_wait3A_292] : memref<10000x128xf32, #tpu.memory_space<vmem_shared>> -> memref<16x128xf32, #tpu.memory_space<vmem_shared>>
    %dma_wait3A_294 = arith.constant 0 : i32
    %dma_wait3A_295 = tpu.memref_slice %arg10[%add3A_291, %dma_wait3A_294] : memref<10000x128xf32, #tpu.memory_space<vmem_shared>> -> memref<16x128xf32, #tpu.memory_space<vmem_shared>>
    tpu.wait_dma2 semaphore(%arg13 : memref<!tpu.dma_semaphore, #tpu.memory_space<semaphore_mem>>) src(%arg9 : memref<16x128xf32, #tpu.memory_space<vmem>>) dst(%dma_wait3A_295 : memref<16x128xf32, #tpu.memory_space<vmem_shared>>)
    %add3A_296 = arith.constant 48 : i32
    %add3A_297 = arith.addi %multiple_of3A, %add3A_296 : i32
    %dma_wait3A_298 = arith.constant 0 : i32
    %dma_wait3A_299 = tpu.memref_slice %arg10[%add3A_297, %dma_wait3A_298] : memref<10000x128xf32, #tpu.memory_space<vmem_shared>> -> memref<16x128xf32, #tpu.memory_space<vmem_shared>>
    %dma_wait3A_300 = arith.constant 0 : i32
    %dma_wait3A_301 = tpu.memref_slice %arg10[%add3A_297, %dma_wait3A_300] : memref<10000x128xf32, #tpu.memory_space<vmem_shared>> -> memref<16x128xf32, #tpu.memory_space<vmem_shared>>
    tpu.wait_dma2 semaphore(%arg13 : memref<!tpu.dma_semaphore, #tpu.memory_space<semaphore_mem>>) src(%arg9 : memref<16x128xf32, #tpu.memory_space<vmem>>) dst(%dma_wait3A_301 : memref<16x128xf32, #tpu.memory_space<vmem_shared>>)
    %add3A_302 = arith.constant 64 : i32
    %add3A_303 = arith.addi %multiple_of3A, %add3A_302 : i32
    %dma_wait3A_304 = arith.constant 0 : i32
    %dma_wait3A_305 = tpu.memref_slice %arg10[%add3A_303, %dma_wait3A_304] : memref<10000x128xf32, #tpu.memory_space<vmem_shared>> -> memref<16x128xf32, #tpu.memory_space<vmem_shared>>
    %dma_wait3A_306 = arith.constant 0 : i32
    %dma_wait3A_307 = tpu.memref_slice %arg10[%add3A_303, %dma_wait3A_306] : memref<10000x128xf32, #tpu.memory_space<vmem_shared>> -> memref<16x128xf32, #tpu.memory_space<vmem_shared>>
    tpu.wait_dma2 semaphore(%arg13 : memref<!tpu.dma_semaphore, #tpu.memory_space<semaphore_mem>>) src(%arg9 : memref<16x128xf32, #tpu.memory_space<vmem>>) dst(%dma_wait3A_307 : memref<16x128xf32, #tpu.memory_space<vmem_shared>>)
    %add3A_308 = arith.constant 80 : i32
    %add3A_309 = arith.addi %multiple_of3A, %add3A_308 : i32
    %dma_wait3A_310 = arith.constant 0 : i32
    %dma_wait3A_311 = tpu.memref_slice %arg10[%add3A_309, %dma_wait3A_310] : memref<10000x128xf32, #tpu.memory_space<vmem_shared>> -> memref<16x128xf32, #tpu.memory_space<vmem_shared>>
    %dma_wait3A_312 = arith.constant 0 : i32
    %dma_wait3A_313 = tpu.memref_slice %arg10[%add3A_309, %dma_wait3A_312] : memref<10000x128xf32, #tpu.memory_space<vmem_shared>> -> memref<16x128xf32, #tpu.memory_space<vmem_shared>>
    tpu.wait_dma2 semaphore(%arg13 : memref<!tpu.dma_semaphore, #tpu.memory_space<semaphore_mem>>) src(%arg9 : memref<16x128xf32, #tpu.memory_space<vmem>>) dst(%dma_wait3A_313 : memref<16x128xf32, #tpu.memory_space<vmem_shared>>)
    %add3A_314 = arith.constant 96 : i32
    %add3A_315 = arith.addi %multiple_of3A, %add3A_314 : i32
    %dma_wait3A_316 = arith.constant 0 : i32
    %dma_wait3A_317 = tpu.memref_slice %arg10[%add3A_315, %dma_wait3A_316] : memref<10000x128xf32, #tpu.memory_space<vmem_shared>> -> memref<16x128xf32, #tpu.memory_space<vmem_shared>>
    %dma_wait3A_318 = arith.constant 0 : i32
    %dma_wait3A_319 = tpu.memref_slice %arg10[%add3A_315, %dma_wait3A_318] : memref<10000x128xf32, #tpu.memory_space<vmem_shared>> -> memref<16x128xf32, #tpu.memory_space<vmem_shared>>
    tpu.wait_dma2 semaphore(%arg13 : memref<!tpu.dma_semaphore, #tpu.memory_space<semaphore_mem>>) src(%arg9 : memref<16x128xf32, #tpu.memory_space<vmem>>) dst(%dma_wait3A_319 : memref<16x128xf32, #tpu.memory_space<vmem_shared>>)
    %add3A_320 = arith.constant 112 : i32
    %add3A_321 = arith.addi %multiple_of3A, %add3A_320 : i32
    %dma_wait3A_322 = arith.constant 0 : i32
    %dma_wait3A_323 = tpu.memref_slice %arg10[%add3A_321, %dma_wait3A_322] : memref<10000x128xf32, #tpu.memory_space<vmem_shared>> -> memref<16x128xf32, #tpu.memory_space<vmem_shared>>
    %dma_wait3A_324 = arith.constant 0 : i32
    %dma_wait3A_325 = tpu.memref_slice %arg10[%add3A_321, %dma_wait3A_324] : memref<10000x128xf32, #tpu.memory_space<vmem_shared>> -> memref<16x128xf32, #tpu.memory_space<vmem_shared>>
    tpu.wait_dma2 semaphore(%arg13 : memref<!tpu.dma_semaphore, #tpu.memory_space<semaphore_mem>>) src(%arg9 : memref<16x128xf32, #tpu.memory_space<vmem>>) dst(%dma_wait3A_325 : memref<16x128xf32, #tpu.memory_space<vmem_shared>>)
    %add3A_326 = arith.constant 128 : i32
    %add3A_327 = arith.addi %multiple_of3A, %add3A_326 : i32
    %dma_wait3A_328 = arith.constant 0 : i32
    %dma_wait3A_329 = tpu.memref_slice %arg10[%add3A_327, %dma_wait3A_328] : memref<10000x128xf32, #tpu.memory_space<vmem_shared>> -> memref<16x128xf32, #tpu.memory_space<vmem_shared>>
    %dma_wait3A_330 = arith.constant 0 : i32
    %dma_wait3A_331 = tpu.memref_slice %arg10[%add3A_327, %dma_wait3A_330] : memref<10000x128xf32, #tpu.memory_space<vmem_shared>> -> memref<16x128xf32, #tpu.memory_space<vmem_shared>>
    tpu.wait_dma2 semaphore(%arg13 : memref<!tpu.dma_semaphore, #tpu.memory_space<semaphore_mem>>) src(%arg9 : memref<16x128xf32, #tpu.memory_space<vmem>>) dst(%dma_wait3A_331 : memref<16x128xf32, #tpu.memory_space<vmem_shared>>)
    %add3A_332 = arith.constant 144 : i32
    %add3A_333 = arith.addi %multiple_of3A, %add3A_332 : i32
    %dma_wait3A_334 = arith.constant 0 : i32
    %dma_wait3A_335 = tpu.memref_slice %arg10[%add3A_333, %dma_wait3A_334] : memref<10000x128xf32, #tpu.memory_space<vmem_shared>> -> memref<16x128xf32, #tpu.memory_space<vmem_shared>>
    %dma_wait3A_336 = arith.constant 0 : i32
    %dma_wait3A_337 = tpu.memref_slice %arg10[%add3A_333, %dma_wait3A_336] : memref<10000x128xf32, #tpu.memory_space<vmem_shared>> -> memref<16x128xf32, #tpu.memory_space<vmem_shared>>
    tpu.wait_dma2 semaphore(%arg13 : memref<!tpu.dma_semaphore, #tpu.memory_space<semaphore_mem>>) src(%arg9 : memref<16x128xf32, #tpu.memory_space<vmem>>) dst(%dma_wait3A_337 : memref<16x128xf32, #tpu.memory_space<vmem_shared>>)
    %add3A_338 = arith.constant 160 : i32
    %add3A_339 = arith.addi %multiple_of3A, %add3A_338 : i32
    %dma_wait3A_340 = arith.constant 0 : i32
    %dma_wait3A_341 = tpu.memref_slice %arg10[%add3A_339, %dma_wait3A_340] : memref<10000x128xf32, #tpu.memory_space<vmem_shared>> -> memref<16x128xf32, #tpu.memory_space<vmem_shared>>
    %dma_wait3A_342 = arith.constant 0 : i32
    %dma_wait3A_343 = tpu.memref_slice %arg10[%add3A_339, %dma_wait3A_342] : memref<10000x128xf32, #tpu.memory_space<vmem_shared>> -> memref<16x128xf32, #tpu.memory_space<vmem_shared>>
    tpu.wait_dma2 semaphore(%arg13 : memref<!tpu.dma_semaphore, #tpu.memory_space<semaphore_mem>>) src(%arg9 : memref<16x128xf32, #tpu.memory_space<vmem>>) dst(%dma_wait3A_343 : memref<16x128xf32, #tpu.memory_space<vmem_shared>>)
    %add3A_344 = arith.constant 176 : i32
    %add3A_345 = arith.addi %multiple_of3A, %add3A_344 : i32
    %dma_wait3A_346 = arith.constant 0 : i32
    %dma_wait3A_347 = tpu.memref_slice %arg10[%add3A_345, %dma_wait3A_346] : memref<10000x128xf32, #tpu.memory_space<vmem_shared>> -> memref<16x128xf32, #tpu.memory_space<vmem_shared>>
    %dma_wait3A_348 = arith.constant 0 : i32
    %dma_wait3A_349 = tpu.memref_slice %arg10[%add3A_345, %dma_wait3A_348] : memref<10000x128xf32, #tpu.memory_space<vmem_shared>> -> memref<16x128xf32, #tpu.memory_space<vmem_shared>>
    tpu.wait_dma2 semaphore(%arg13 : memref<!tpu.dma_semaphore, #tpu.memory_space<semaphore_mem>>) src(%arg9 : memref<16x128xf32, #tpu.memory_space<vmem>>) dst(%dma_wait3A_349 : memref<16x128xf32, #tpu.memory_space<vmem_shared>>)
    %add3A_350 = arith.constant 192 : i32
    %add3A_351 = arith.addi %multiple_of3A, %add3A_350 : i32
    %dma_wait3A_352 = arith.constant 0 : i32
    %dma_wait3A_353 = tpu.memref_slice %arg10[%add3A_351, %dma_wait3A_352] : memref<10000x128xf32, #tpu.memory_space<vmem_shared>> -> memref<16x128xf32, #tpu.memory_space<vmem_shared>>
    %dma_wait3A_354 = arith.constant 0 : i32
    %dma_wait3A_355 = tpu.memref_slice %arg10[%add3A_351, %dma_wait3A_354] : memref<10000x128xf32, #tpu.memory_space<vmem_shared>> -> memref<16x128xf32, #tpu.memory_space<vmem_shared>>
    tpu.wait_dma2 semaphore(%arg13 : memref<!tpu.dma_semaphore, #tpu.memory_space<semaphore_mem>>) src(%arg9 : memref<16x128xf32, #tpu.memory_space<vmem>>) dst(%dma_wait3A_355 : memref<16x128xf32, #tpu.memory_space<vmem_shared>>)
    %add3A_356 = arith.constant 208 : i32
    %add3A_357 = arith.addi %multiple_of3A, %add3A_356 : i32
    %dma_wait3A_358 = arith.constant 0 : i32
    %dma_wait3A_359 = tpu.memref_slice %arg10[%add3A_357, %dma_wait3A_358] : memref<10000x128xf32, #tpu.memory_space<vmem_shared>> -> memref<16x128xf32, #tpu.memory_space<vmem_shared>>
    %dma_wait3A_360 = arith.constant 0 : i32
    %dma_wait3A_361 = tpu.memref_slice %arg10[%add3A_357, %dma_wait3A_360] : memref<10000x128xf32, #tpu.memory_space<vmem_shared>> -> memref<16x128xf32, #tpu.memory_space<vmem_shared>>
    tpu.wait_dma2 semaphore(%arg13 : memref<!tpu.dma_semaphore, #tpu.memory_space<semaphore_mem>>) src(%arg9 : memref<16x128xf32, #tpu.memory_space<vmem>>) dst(%dma_wait3A_361 : memref<16x128xf32, #tpu.memory_space<vmem_shared>>)
    %add3A_362 = arith.constant 224 : i32
    %add3A_363 = arith.addi %multiple_of3A, %add3A_362 : i32
    %dma_wait3A_364 = arith.constant 0 : i32
    %dma_wait3A_365 = tpu.memref_slice %arg10[%add3A_363, %dma_wait3A_364] : memref<10000x128xf32, #tpu.memory_space<vmem_shared>> -> memref<16x128xf32, #tpu.memory_space<vmem_shared>>
    %dma_wait3A_366 = arith.constant 0 : i32
    %dma_wait3A_367 = tpu.memref_slice %arg10[%add3A_363, %dma_wait3A_366] : memref<10000x128xf32, #tpu.memory_space<vmem_shared>> -> memref<16x128xf32, #tpu.memory_space<vmem_shared>>
    tpu.wait_dma2 semaphore(%arg13 : memref<!tpu.dma_semaphore, #tpu.memory_space<semaphore_mem>>) src(%arg9 : memref<16x128xf32, #tpu.memory_space<vmem>>) dst(%dma_wait3A_367 : memref<16x128xf32, #tpu.memory_space<vmem_shared>>)
    %add3A_368 = arith.constant 240 : i32
    %add3A_369 = arith.addi %multiple_of3A, %add3A_368 : i32
    %dma_wait3A_370 = arith.constant 0 : i32
    %dma_wait3A_371 = tpu.memref_slice %arg10[%add3A_369, %dma_wait3A_370] : memref<10000x128xf32, #tpu.memory_space<vmem_shared>> -> memref<16x128xf32, #tpu.memory_space<vmem_shared>>
    %dma_wait3A_372 = arith.constant 0 : i32
    %dma_wait3A_373 = tpu.memref_slice %arg10[%add3A_369, %dma_wait3A_372] : memref<10000x128xf32, #tpu.memory_space<vmem_shared>> -> memref<16x128xf32, #tpu.memory_space<vmem_shared>>
    tpu.wait_dma2 semaphore(%arg13 : memref<!tpu.dma_semaphore, #tpu.memory_space<semaphore_mem>>) src(%arg9 : memref<16x128xf32, #tpu.memory_space<vmem>>) dst(%dma_wait3A_373 : memref<16x128xf32, #tpu.memory_space<vmem_shared>>)
    %add3A_374 = arith.constant 256 : i32
    %add3A_375 = arith.addi %multiple_of3A, %add3A_374 : i32
    %dma_wait3A_376 = arith.constant 0 : i32
    %dma_wait3A_377 = tpu.memref_slice %arg10[%add3A_375, %dma_wait3A_376] : memref<10000x128xf32, #tpu.memory_space<vmem_shared>> -> memref<16x128xf32, #tpu.memory_space<vmem_shared>>
    %dma_wait3A_378 = arith.constant 0 : i32
    %dma_wait3A_379 = tpu.memref_slice %arg10[%add3A_375, %dma_wait3A_378] : memref<10000x128xf32, #tpu.memory_space<vmem_shared>> -> memref<16x128xf32, #tpu.memory_space<vmem_shared>>
    tpu.wait_dma2 semaphore(%arg13 : memref<!tpu.dma_semaphore, #tpu.memory_space<semaphore_mem>>) src(%arg9 : memref<16x128xf32, #tpu.memory_space<vmem>>) dst(%dma_wait3A_379 : memref<16x128xf32, #tpu.memory_space<vmem_shared>>)
    %add3A_380 = arith.constant 272 : i32
    %add3A_381 = arith.addi %multiple_of3A, %add3A_380 : i32
    %dma_wait3A_382 = arith.constant 0 : i32
    %dma_wait3A_383 = tpu.memref_slice %arg10[%add3A_381, %dma_wait3A_382] : memref<10000x128xf32, #tpu.memory_space<vmem_shared>> -> memref<16x128xf32, #tpu.memory_space<vmem_shared>>
    %dma_wait3A_384 = arith.constant 0 : i32
    %dma_wait3A_385 = tpu.memref_slice %arg10[%add3A_381, %dma_wait3A_384] : memref<10000x128xf32, #tpu.memory_space<vmem_shared>> -> memref<16x128xf32, #tpu.memory_space<vmem_shared>>
    tpu.wait_dma2 semaphore(%arg13 : memref<!tpu.dma_semaphore, #tpu.memory_space<semaphore_mem>>) src(%arg9 : memref<16x128xf32, #tpu.memory_space<vmem>>) dst(%dma_wait3A_385 : memref<16x128xf32, #tpu.memory_space<vmem_shared>>)
    %add3A_386 = arith.constant 288 : i32
    %add3A_387 = arith.addi %multiple_of3A, %add3A_386 : i32
    %dma_wait3A_388 = arith.constant 0 : i32
    %dma_wait3A_389 = tpu.memref_slice %arg10[%add3A_387, %dma_wait3A_388] : memref<10000x128xf32, #tpu.memory_space<vmem_shared>> -> memref<16x128xf32, #tpu.memory_space<vmem_shared>>
    %dma_wait3A_390 = arith.constant 0 : i32
    %dma_wait3A_391 = tpu.memref_slice %arg10[%add3A_387, %dma_wait3A_390] : memref<10000x128xf32, #tpu.memory_space<vmem_shared>> -> memref<16x128xf32, #tpu.memory_space<vmem_shared>>
    tpu.wait_dma2 semaphore(%arg13 : memref<!tpu.dma_semaphore, #tpu.memory_space<semaphore_mem>>) src(%arg9 : memref<16x128xf32, #tpu.memory_space<vmem>>) dst(%dma_wait3A_391 : memref<16x128xf32, #tpu.memory_space<vmem_shared>>)
    %add3A_392 = arith.constant 304 : i32
    %add3A_393 = arith.addi %multiple_of3A, %add3A_392 : i32
    %dma_wait3A_394 = arith.constant 0 : i32
    %dma_wait3A_395 = tpu.memref_slice %arg10[%add3A_393, %dma_wait3A_394] : memref<10000x128xf32, #tpu.memory_space<vmem_shared>> -> memref<16x128xf32, #tpu.memory_space<vmem_shared>>
    %dma_wait3A_396 = arith.constant 0 : i32
    %dma_wait3A_397 = tpu.memref_slice %arg10[%add3A_393, %dma_wait3A_396] : memref<10000x128xf32, #tpu.memory_space<vmem_shared>> -> memref<16x128xf32, #tpu.memory_space<vmem_shared>>
    tpu.wait_dma2 semaphore(%arg13 : memref<!tpu.dma_semaphore, #tpu.memory_space<semaphore_mem>>) src(%arg9 : memref<16x128xf32, #tpu.memory_space<vmem>>) dst(%dma_wait3A_397 : memref<16x128xf32, #tpu.memory_space<vmem_shared>>)
    %add3A_398 = arith.constant 320 : i32
    %add3A_399 = arith.addi %multiple_of3A, %add3A_398 : i32
    %dma_wait3A_400 = arith.constant 0 : i32
    %dma_wait3A_401 = tpu.memref_slice %arg10[%add3A_399, %dma_wait3A_400] : memref<10000x128xf32, #tpu.memory_space<vmem_shared>> -> memref<16x128xf32, #tpu.memory_space<vmem_shared>>
    %dma_wait3A_402 = arith.constant 0 : i32
    %dma_wait3A_403 = tpu.memref_slice %arg10[%add3A_399, %dma_wait3A_402] : memref<10000x128xf32, #tpu.memory_space<vmem_shared>> -> memref<16x128xf32, #tpu.memory_space<vmem_shared>>
    tpu.wait_dma2 semaphore(%arg13 : memref<!tpu.dma_semaphore, #tpu.memory_space<semaphore_mem>>) src(%arg9 : memref<16x128xf32, #tpu.memory_space<vmem>>) dst(%dma_wait3A_403 : memref<16x128xf32, #tpu.memory_space<vmem_shared>>)
    %add3A_404 = arith.constant 336 : i32
    %add3A_405 = arith.addi %multiple_of3A, %add3A_404 : i32
    %dma_wait3A_406 = arith.constant 0 : i32
    %dma_wait3A_407 = tpu.memref_slice %arg10[%add3A_405, %dma_wait3A_406] : memref<10000x128xf32, #tpu.memory_space<vmem_shared>> -> memref<16x128xf32, #tpu.memory_space<vmem_shared>>
    %dma_wait3A_408 = arith.constant 0 : i32
    %dma_wait3A_409 = tpu.memref_slice %arg10[%add3A_405, %dma_wait3A_408] : memref<10000x128xf32, #tpu.memory_space<vmem_shared>> -> memref<16x128xf32, #tpu.memory_space<vmem_shared>>
    tpu.wait_dma2 semaphore(%arg13 : memref<!tpu.dma_semaphore, #tpu.memory_space<semaphore_mem>>) src(%arg9 : memref<16x128xf32, #tpu.memory_space<vmem>>) dst(%dma_wait3A_409 : memref<16x128xf32, #tpu.memory_space<vmem_shared>>)
    %add3A_410 = arith.constant 352 : i32
    %add3A_411 = arith.addi %multiple_of3A, %add3A_410 : i32
    %dma_wait3A_412 = arith.constant 0 : i32
    %dma_wait3A_413 = tpu.memref_slice %arg10[%add3A_411, %dma_wait3A_412] : memref<10000x128xf32, #tpu.memory_space<vmem_shared>> -> memref<16x128xf32, #tpu.memory_space<vmem_shared>>
    %dma_wait3A_414 = arith.constant 0 : i32
    %dma_wait3A_415 = tpu.memref_slice %arg10[%add3A_411, %dma_wait3A_414] : memref<10000x128xf32, #tpu.memory_space<vmem_shared>> -> memref<16x128xf32, #tpu.memory_space<vmem_shared>>
    tpu.wait_dma2 semaphore(%arg13 : memref<!tpu.dma_semaphore, #tpu.memory_space<semaphore_mem>>) src(%arg9 : memref<16x128xf32, #tpu.memory_space<vmem>>) dst(%dma_wait3A_415 : memref<16x128xf32, #tpu.memory_space<vmem_shared>>)
    %add3A_416 = arith.constant 368 : i32
    %add3A_417 = arith.addi %multiple_of3A, %add3A_416 : i32
    %dma_wait3A_418 = arith.constant 0 : i32
    %dma_wait3A_419 = tpu.memref_slice %arg10[%add3A_417, %dma_wait3A_418] : memref<10000x128xf32, #tpu.memory_space<vmem_shared>> -> memref<16x128xf32, #tpu.memory_space<vmem_shared>>
    %dma_wait3A_420 = arith.constant 0 : i32
    %dma_wait3A_421 = tpu.memref_slice %arg10[%add3A_417, %dma_wait3A_420] : memref<10000x128xf32, #tpu.memory_space<vmem_shared>> -> memref<16x128xf32, #tpu.memory_space<vmem_shared>>
    tpu.wait_dma2 semaphore(%arg13 : memref<!tpu.dma_semaphore, #tpu.memory_space<semaphore_mem>>) src(%arg9 : memref<16x128xf32, #tpu.memory_space<vmem>>) dst(%dma_wait3A_421 : memref<16x128xf32, #tpu.memory_space<vmem_shared>>)
    %add3A_422 = arith.constant 384 : i32
    %add3A_423 = arith.addi %multiple_of3A, %add3A_422 : i32
    %dma_wait3A_424 = arith.constant 0 : i32
    %dma_wait3A_425 = tpu.memref_slice %arg10[%add3A_423, %dma_wait3A_424] : memref<10000x128xf32, #tpu.memory_space<vmem_shared>> -> memref<16x128xf32, #tpu.memory_space<vmem_shared>>
    %dma_wait3A_426 = arith.constant 0 : i32
    %dma_wait3A_427 = tpu.memref_slice %arg10[%add3A_423, %dma_wait3A_426] : memref<10000x128xf32, #tpu.memory_space<vmem_shared>> -> memref<16x128xf32, #tpu.memory_space<vmem_shared>>
    tpu.wait_dma2 semaphore(%arg13 : memref<!tpu.dma_semaphore, #tpu.memory_space<semaphore_mem>>) src(%arg9 : memref<16x128xf32, #tpu.memory_space<vmem>>) dst(%dma_wait3A_427 : memref<16x128xf32, #tpu.memory_space<vmem_shared>>)
    %add3A_428 = arith.constant 400 : i32
    %add3A_429 = arith.addi %multiple_of3A, %add3A_428 : i32
    %dma_wait3A_430 = arith.constant 0 : i32
    %dma_wait3A_431 = tpu.memref_slice %arg10[%add3A_429, %dma_wait3A_430] : memref<10000x128xf32, #tpu.memory_space<vmem_shared>> -> memref<16x128xf32, #tpu.memory_space<vmem_shared>>
    %dma_wait3A_432 = arith.constant 0 : i32
    %dma_wait3A_433 = tpu.memref_slice %arg10[%add3A_429, %dma_wait3A_432] : memref<10000x128xf32, #tpu.memory_space<vmem_shared>> -> memref<16x128xf32, #tpu.memory_space<vmem_shared>>
    tpu.wait_dma2 semaphore(%arg13 : memref<!tpu.dma_semaphore, #tpu.memory_space<semaphore_mem>>) src(%arg9 : memref<16x128xf32, #tpu.memory_space<vmem>>) dst(%dma_wait3A_433 : memref<16x128xf32, #tpu.memory_space<vmem_shared>>)
    %add3A_434 = arith.constant 416 : i32
    %add3A_435 = arith.addi %multiple_of3A, %add3A_434 : i32
    %dma_wait3A_436 = arith.constant 0 : i32
    %dma_wait3A_437 = tpu.memref_slice %arg10[%add3A_435, %dma_wait3A_436] : memref<10000x128xf32, #tpu.memory_space<vmem_shared>> -> memref<16x128xf32, #tpu.memory_space<vmem_shared>>
    %dma_wait3A_438 = arith.constant 0 : i32
    %dma_wait3A_439 = tpu.memref_slice %arg10[%add3A_435, %dma_wait3A_438] : memref<10000x128xf32, #tpu.memory_space<vmem_shared>> -> memref<16x128xf32, #tpu.memory_space<vmem_shared>>
    tpu.wait_dma2 semaphore(%arg13 : memref<!tpu.dma_semaphore, #tpu.memory_space<semaphore_mem>>) src(%arg9 : memref<16x128xf32, #tpu.memory_space<vmem>>) dst(%dma_wait3A_439 : memref<16x128xf32, #tpu.memory_space<vmem_shared>>)
    %add3A_440 = arith.constant 432 : i32
    %add3A_441 = arith.addi %multiple_of3A, %add3A_440 : i32
    %dma_wait3A_442 = arith.constant 0 : i32
    %dma_wait3A_443 = tpu.memref_slice %arg10[%add3A_441, %dma_wait3A_442] : memref<10000x128xf32, #tpu.memory_space<vmem_shared>> -> memref<16x128xf32, #tpu.memory_space<vmem_shared>>
    %dma_wait3A_444 = arith.constant 0 : i32
    %dma_wait3A_445 = tpu.memref_slice %arg10[%add3A_441, %dma_wait3A_444] : memref<10000x128xf32, #tpu.memory_space<vmem_shared>> -> memref<16x128xf32, #tpu.memory_space<vmem_shared>>
    tpu.wait_dma2 semaphore(%arg13 : memref<!tpu.dma_semaphore, #tpu.memory_space<semaphore_mem>>) src(%arg9 : memref<16x128xf32, #tpu.memory_space<vmem>>) dst(%dma_wait3A_445 : memref<16x128xf32, #tpu.memory_space<vmem_shared>>)
    %add3A_446 = arith.constant 448 : i32
    %add3A_447 = arith.addi %multiple_of3A, %add3A_446 : i32
    %dma_wait3A_448 = arith.constant 0 : i32
    %dma_wait3A_449 = tpu.memref_slice %arg10[%add3A_447, %dma_wait3A_448] : memref<10000x128xf32, #tpu.memory_space<vmem_shared>> -> memref<16x128xf32, #tpu.memory_space<vmem_shared>>
    %dma_wait3A_450 = arith.constant 0 : i32
    %dma_wait3A_451 = tpu.memref_slice %arg10[%add3A_447, %dma_wait3A_450] : memref<10000x128xf32, #tpu.memory_space<vmem_shared>> -> memref<16x128xf32, #tpu.memory_space<vmem_shared>>
    tpu.wait_dma2 semaphore(%arg13 : memref<!tpu.dma_semaphore, #tpu.memory_space<semaphore_mem>>) src(%arg9 : memref<16x128xf32, #tpu.memory_space<vmem>>) dst(%dma_wait3A_451 : memref<16x128xf32, #tpu.memory_space<vmem_shared>>)
    %add3A_452 = arith.constant 464 : i32
    %add3A_453 = arith.addi %multiple_of3A, %add3A_452 : i32
    %dma_wait3A_454 = arith.constant 0 : i32
    %dma_wait3A_455 = tpu.memref_slice %arg10[%add3A_453, %dma_wait3A_454] : memref<10000x128xf32, #tpu.memory_space<vmem_shared>> -> memref<16x128xf32, #tpu.memory_space<vmem_shared>>
    %dma_wait3A_456 = arith.constant 0 : i32
    %dma_wait3A_457 = tpu.memref_slice %arg10[%add3A_453, %dma_wait3A_456] : memref<10000x128xf32, #tpu.memory_space<vmem_shared>> -> memref<16x128xf32, #tpu.memory_space<vmem_shared>>
    tpu.wait_dma2 semaphore(%arg13 : memref<!tpu.dma_semaphore, #tpu.memory_space<semaphore_mem>>) src(%arg9 : memref<16x128xf32, #tpu.memory_space<vmem>>) dst(%dma_wait3A_457 : memref<16x128xf32, #tpu.memory_space<vmem_shared>>)
    %add3A_458 = arith.constant 480 : i32
    %add3A_459 = arith.addi %multiple_of3A, %add3A_458 : i32
    %dma_wait3A_460 = arith.constant 0 : i32
    %dma_wait3A_461 = tpu.memref_slice %arg10[%add3A_459, %dma_wait3A_460] : memref<10000x128xf32, #tpu.memory_space<vmem_shared>> -> memref<16x128xf32, #tpu.memory_space<vmem_shared>>
    %dma_wait3A_462 = arith.constant 0 : i32
    %dma_wait3A_463 = tpu.memref_slice %arg10[%add3A_459, %dma_wait3A_462] : memref<10000x128xf32, #tpu.memory_space<vmem_shared>> -> memref<16x128xf32, #tpu.memory_space<vmem_shared>>
    tpu.wait_dma2 semaphore(%arg13 : memref<!tpu.dma_semaphore, #tpu.memory_space<semaphore_mem>>) src(%arg9 : memref<16x128xf32, #tpu.memory_space<vmem>>) dst(%dma_wait3A_463 : memref<16x128xf32, #tpu.memory_space<vmem_shared>>)
    %add3A_464 = arith.constant 496 : i32
    %add3A_465 = arith.addi %multiple_of3A, %add3A_464 : i32
    %dma_wait3A_466 = arith.constant 0 : i32
    %dma_wait3A_467 = tpu.memref_slice %arg10[%add3A_465, %dma_wait3A_466] : memref<10000x128xf32, #tpu.memory_space<vmem_shared>> -> memref<16x128xf32, #tpu.memory_space<vmem_shared>>
    %dma_wait3A_468 = arith.constant 0 : i32
    %dma_wait3A_469 = tpu.memref_slice %arg10[%add3A_465, %dma_wait3A_468] : memref<10000x128xf32, #tpu.memory_space<vmem_shared>> -> memref<16x128xf32, #tpu.memory_space<vmem_shared>>
    tpu.wait_dma2 semaphore(%arg13 : memref<!tpu.dma_semaphore, #tpu.memory_space<semaphore_mem>>) src(%arg9 : memref<16x128xf32, #tpu.memory_space<vmem>>) dst(%dma_wait3A_469 : memref<16x128xf32, #tpu.memory_space<vmem_shared>>)
    %add3A_470 = arith.constant 512 : i32
    %add3A_471 = arith.addi %multiple_of3A, %add3A_470 : i32
    %dma_wait3A_472 = arith.constant 0 : i32
    %dma_wait3A_473 = tpu.memref_slice %arg10[%add3A_471, %dma_wait3A_472] : memref<10000x128xf32, #tpu.memory_space<vmem_shared>> -> memref<16x128xf32, #tpu.memory_space<vmem_shared>>
    %dma_wait3A_474 = arith.constant 0 : i32
    %dma_wait3A_475 = tpu.memref_slice %arg10[%add3A_471, %dma_wait3A_474] : memref<10000x128xf32, #tpu.memory_space<vmem_shared>> -> memref<16x128xf32, #tpu.memory_space<vmem_shared>>
    tpu.wait_dma2 semaphore(%arg13 : memref<!tpu.dma_semaphore, #tpu.memory_space<semaphore_mem>>) src(%arg9 : memref<16x128xf32, #tpu.memory_space<vmem>>) dst(%dma_wait3A_475 : memref<16x128xf32, #tpu.memory_space<vmem_shared>>)
    %add3A_476 = arith.constant 528 : i32
    %add3A_477 = arith.addi %multiple_of3A, %add3A_476 : i32
    %dma_wait3A_478 = arith.constant 0 : i32
    %dma_wait3A_479 = tpu.memref_slice %arg10[%add3A_477, %dma_wait3A_478] : memref<10000x128xf32, #tpu.memory_space<vmem_shared>> -> memref<16x128xf32, #tpu.memory_space<vmem_shared>>
    %dma_wait3A_480 = arith.constant 0 : i32
    %dma_wait3A_481 = tpu.memref_slice %arg10[%add3A_477, %dma_wait3A_480] : memref<10000x128xf32, #tpu.memory_space<vmem_shared>> -> memref<16x128xf32, #tpu.memory_space<vmem_shared>>
    tpu.wait_dma2 semaphore(%arg13 : memref<!tpu.dma_semaphore, #tpu.memory_space<semaphore_mem>>) src(%arg9 : memref<16x128xf32, #tpu.memory_space<vmem>>) dst(%dma_wait3A_481 : memref<16x128xf32, #tpu.memory_space<vmem_shared>>)
    %add3A_482 = arith.constant 544 : i32
    %add3A_483 = arith.addi %multiple_of3A, %add3A_482 : i32
    %dma_wait3A_484 = arith.constant 0 : i32
    %dma_wait3A_485 = tpu.memref_slice %arg10[%add3A_483, %dma_wait3A_484] : memref<10000x128xf32, #tpu.memory_space<vmem_shared>> -> memref<16x128xf32, #tpu.memory_space<vmem_shared>>
    %dma_wait3A_486 = arith.constant 0 : i32
    %dma_wait3A_487 = tpu.memref_slice %arg10[%add3A_483, %dma_wait3A_486] : memref<10000x128xf32, #tpu.memory_space<vmem_shared>> -> memref<16x128xf32, #tpu.memory_space<vmem_shared>>
    tpu.wait_dma2 semaphore(%arg13 : memref<!tpu.dma_semaphore, #tpu.memory_space<semaphore_mem>>) src(%arg9 : memref<16x128xf32, #tpu.memory_space<vmem>>) dst(%dma_wait3A_487 : memref<16x128xf32, #tpu.memory_space<vmem_shared>>)
    %add3A_488 = arith.constant 560 : i32
    %add3A_489 = arith.addi %multiple_of3A, %add3A_488 : i32
    %dma_wait3A_490 = arith.constant 0 : i32
    %dma_wait3A_491 = tpu.memref_slice %arg10[%add3A_489, %dma_wait3A_490] : memref<10000x128xf32, #tpu.memory_space<vmem_shared>> -> memref<16x128xf32, #tpu.memory_space<vmem_shared>>
    %dma_wait3A_492 = arith.constant 0 : i32
    %dma_wait3A_493 = tpu.memref_slice %arg10[%add3A_489, %dma_wait3A_492] : memref<10000x128xf32, #tpu.memory_space<vmem_shared>> -> memref<16x128xf32, #tpu.memory_space<vmem_shared>>
    tpu.wait_dma2 semaphore(%arg13 : memref<!tpu.dma_semaphore, #tpu.memory_space<semaphore_mem>>) src(%arg9 : memref<16x128xf32, #tpu.memory_space<vmem>>) dst(%dma_wait3A_493 : memref<16x128xf32, #tpu.memory_space<vmem_shared>>)
    %add3A_494 = arith.constant 576 : i32
    %add3A_495 = arith.addi %multiple_of3A, %add3A_494 : i32
    %dma_wait3A_496 = arith.constant 0 : i32
    %dma_wait3A_497 = tpu.memref_slice %arg10[%add3A_495, %dma_wait3A_496] : memref<10000x128xf32, #tpu.memory_space<vmem_shared>> -> memref<16x128xf32, #tpu.memory_space<vmem_shared>>
    %dma_wait3A_498 = arith.constant 0 : i32
    %dma_wait3A_499 = tpu.memref_slice %arg10[%add3A_495, %dma_wait3A_498] : memref<10000x128xf32, #tpu.memory_space<vmem_shared>> -> memref<16x128xf32, #tpu.memory_space<vmem_shared>>
    tpu.wait_dma2 semaphore(%arg13 : memref<!tpu.dma_semaphore, #tpu.memory_space<semaphore_mem>>) src(%arg9 : memref<16x128xf32, #tpu.memory_space<vmem>>) dst(%dma_wait3A_499 : memref<16x128xf32, #tpu.memory_space<vmem_shared>>)
    %add3A_500 = arith.constant 592 : i32
    %add3A_501 = arith.addi %multiple_of3A, %add3A_500 : i32
    %dma_wait3A_502 = arith.constant 0 : i32
    %dma_wait3A_503 = tpu.memref_slice %arg10[%add3A_501, %dma_wait3A_502] : memref<10000x128xf32, #tpu.memory_space<vmem_shared>> -> memref<16x128xf32, #tpu.memory_space<vmem_shared>>
    %dma_wait3A_504 = arith.constant 0 : i32
    %dma_wait3A_505 = tpu.memref_slice %arg10[%add3A_501, %dma_wait3A_504] : memref<10000x128xf32, #tpu.memory_space<vmem_shared>> -> memref<16x128xf32, #tpu.memory_space<vmem_shared>>
    tpu.wait_dma2 semaphore(%arg13 : memref<!tpu.dma_semaphore, #tpu.memory_space<semaphore_mem>>) src(%arg9 : memref<16x128xf32, #tpu.memory_space<vmem>>) dst(%dma_wait3A_505 : memref<16x128xf32, #tpu.memory_space<vmem_shared>>)
    %add3A_506 = arith.constant 608 : i32
    %add3A_507 = arith.addi %multiple_of3A, %add3A_506 : i32
    %dma_wait3A_508 = arith.constant 0 : i32
    %dma_wait3A_509 = tpu.memref_slice %arg10[%add3A_507, %dma_wait3A_508] : memref<10000x128xf32, #tpu.memory_space<vmem_shared>> -> memref<16x128xf32, #tpu.memory_space<vmem_shared>>
    %dma_wait3A_510 = arith.constant 0 : i32
    %dma_wait3A_511 = tpu.memref_slice %arg10[%add3A_507, %dma_wait3A_510] : memref<10000x128xf32, #tpu.memory_space<vmem_shared>> -> memref<16x128xf32, #tpu.memory_space<vmem_shared>>
    tpu.wait_dma2 semaphore(%arg13 : memref<!tpu.dma_semaphore, #tpu.memory_space<semaphore_mem>>) src(%arg9 : memref<16x128xf32, #tpu.memory_space<vmem>>) dst(%dma_wait3A_511 : memref<16x128xf32, #tpu.memory_space<vmem_shared>>)
    %barrier3A = arith.constant 0 : index
    tpu.barrier barrier_id(%barrier3A)
    %scan3A_512 = arith.constant 0 : i32
    %scan3A_513 = arith.constant 0 : i32
    %scan3A_514 = arith.constant 125 : i32
    %scan3A_515 = arith.addi %scan3A_513, %scan3A_514 : i32
    %scan3A_516 = arith.constant 1 : i32
    scf.for %scan3A_542 = %scan3A_513 to %scan3A_515 step %scan3A_516  : i32 {
      %jit3A = arith.constant 5 : i32
      %div3A = arith.divsi %scan3A_542, %jit3A : i32
      %sign3A = arith.constant 0 : i32
      %sign3A_543 = arith.cmpi sgt, %scan3A_542, %sign3A : i32
      %sign3A_544 = arith.extui %sign3A_543 : i1 to i32
      %sign3A_545 = arith.constant 0 : i32
      %sign3A_546 = arith.cmpi slt, %scan3A_542, %sign3A_545 : i32
      %sign3A_547 = arith.extui %sign3A_546 : i1 to i32
      %sign3A_548 = arith.subi %sign3A_544, %sign3A_547 : i32
      %sign3A_549 = arith.constant 0 : i32
      %sign3A_550 = arith.cmpi sgt, %jit3A, %sign3A_549 : i32
      %sign3A_551 = arith.extui %sign3A_550 : i1 to i32
      %sign3A_552 = arith.constant 0 : i32
      %sign3A_553 = arith.cmpi slt, %jit3A, %sign3A_552 : i32
      %sign3A_554 = arith.extui %sign3A_553 : i1 to i32
      %sign3A_555 = arith.subi %sign3A_551, %sign3A_554 : i32
      %ne3A = arith.cmpi ne, %sign3A_548, %sign3A_555 : i32
      %rem3A = arith.remsi %scan3A_542, %jit3A : i32
      %ne3A_556 = arith.constant 0 : i32
      %ne3A_557 = arith.cmpi ne, %rem3A, %ne3A_556 : i32
      %and3A = arith.andi %ne3A, %ne3A_557 : i1
      %sub3A = arith.constant 1 : i32
      %sub3A_558 = arith.subi %div3A, %sub3A : i32
      %select_n3A = arith.select %and3A, %sub3A_558, %div3A : i32
      %jit3A_559 = arith.constant 5 : i32
      %eq3A_560 = arith.constant 0 : i32
      %eq3A_561 = arith.cmpi eq, %jit3A_559, %eq3A_560 : i32
      %jit3A_562 = arith.constant 1 : i32
      %select_n3A_563 = arith.select %eq3A_561, %jit3A_562, %jit3A_559 : i32
      %rem3A_564 = arith.remsi %scan3A_542, %select_n3A_563 : i32
      %ne3A_565 = arith.constant 0 : i32
      %ne3A_566 = arith.cmpi ne, %rem3A_564, %ne3A_565 : i32
      %lt3A = arith.constant 0 : i32
      %lt3A_567 = arith.cmpi slt, %rem3A_564, %lt3A : i32
      %lt3A_568 = arith.constant 0 : i32
      %lt3A_569 = arith.cmpi slt, %select_n3A_563, %lt3A_568 : i32
      %ne3A_570 = arith.xori %lt3A_567, %lt3A_569 : i1
      %and3A_571 = arith.andi %ne3A_570, %ne3A_566 : i1
      %add3A_572 = arith.addi %rem3A_564, %select_n3A_563 : i32
      %select_n3A_573 = arith.select %and3A_571, %add3A_572, %rem3A_564 : i32
      %and3A_574 = arith.constant 1 : i32
      %and3A_575 = arith.andi %select_n3A, %and3A_574 : i32
      %rem3A_576 = arith.constant 3 : i32
      %rem3A_577 = arith.remsi %scan3A_542, %rem3A_576 : i32
      %add3A_578 = arith.constant 2 : i32
      %add3A_579 = arith.addi %scan3A_542, %add3A_578 : i32
      %rem3A_580 = arith.constant 3 : i32
      %rem3A_581 = arith.remsi %add3A_579, %rem3A_580 : i32
      %dma_wait3A_582 = arith.constant 0 : i32
      %dma_wait3A_583 = arith.constant 0 : i32
      %dma_wait3A_584 = tpu.memref_slice %arg8[%rem3A_577, %dma_wait3A_582, %dma_wait3A_583] : memref<3x80x128xf32, #tpu.memory_space<vmem>> -> memref<1x80x128xf32, #tpu.memory_space<vmem>>
      %dma_wait3A_585 = tpu.memref_squeeze %dma_wait3A_584 : memref<1x80x128xf32, #tpu.memory_space<vmem>> -> memref<80x128xf32, #tpu.memory_space<vmem>>
      %dma_wait3A_586 = arith.constant 0 : i32
      %dma_wait3A_587 = tpu.memref_slice %arg6[%and3A_575, %select_n3A_573, %dma_wait3A_586] : memref<2x5x80xi32, #tpu.memory_space<vmem>> -> memref<1x1x80xi32, #tpu.memory_space<vmem>>
      %dma_wait3A_588 = tpu.memref_squeeze %dma_wait3A_587 : memref<1x1x80xi32, #tpu.memory_space<vmem>> -> memref<80xi32, #tpu.memory_space<vmem>>
      %dma_wait3A_589 = arith.constant 0 : i32
      %dma_wait3A_590 = arith.constant 0 : i32
      %dma_wait3A_591 = tpu.memref_slice %arg2[%dma_wait3A_589, %dma_wait3A_590] : memref<10000x128xf32, #tpu.memory_space<hbm>> -> memref<10000x128xf32, #tpu.memory_space<hbm>>
      %dma_wait3A_592 = tpu.memref_slice %arg11[%rem3A_577] : memref<3x!tpu.dma_semaphore, #tpu.memory_space<semaphore_mem>> -> memref<1x!tpu.dma_semaphore, #tpu.memory_space<semaphore_mem>>
      %dma_wait3A_593 = tpu.memref_squeeze %dma_wait3A_592 : memref<1x!tpu.dma_semaphore, #tpu.memory_space<semaphore_mem>> -> memref<!tpu.dma_semaphore, #tpu.memory_space<semaphore_mem>>
      tpu.wait_indirect_dma semaphore(%dma_wait3A_593 : memref<!tpu.dma_semaphore, #tpu.memory_space<semaphore_mem>>) src(%dma_wait3A_591 : memref<10000x128xf32, #tpu.memory_space<hbm>>) dst(%dma_wait3A_585 : memref<80x128xf32, #tpu.memory_space<vmem>>)
      %ge3A = arith.constant 1 : i32
      %ge3A_594 = arith.cmpi sge, %scan3A_542, %ge3A : i32
      %convert_element_type3A_595 = arith.extui %ge3A_594 : i1 to i32
      %cond3A_596 = arith.constant 0 : i32
      %cond3A_597 = arith.cmpi ne, %convert_element_type3A_595, %cond3A_596 : i32
      scf.if %cond3A_597 {
        %dma_wait3A_654 = arith.constant 0 : i32
        %dma_wait3A_655 = arith.constant 0 : i32
        %dma_wait3A_656 = tpu.memref_slice %arg8[%rem3A_581, %dma_wait3A_654, %dma_wait3A_655] : memref<3x80x128xf32, #tpu.memory_space<vmem>> -> memref<1x80x128xf32, #tpu.memory_space<vmem>>
        %dma_wait3A_657 = tpu.memref_squeeze %dma_wait3A_656 : memref<1x80x128xf32, #tpu.memory_space<vmem>> -> memref<80x128xf32, #tpu.memory_space<vmem>>
        %dma_wait3A_658 = arith.constant 0 : i32
        %dma_wait3A_659 = arith.constant 0 : i32
        %dma_wait3A_660 = tpu.memref_slice %arg10[%dma_wait3A_658, %dma_wait3A_659] : memref<10000x128xf32, #tpu.memory_space<vmem_shared>> -> memref<80x128xf32, #tpu.memory_space<vmem_shared>>
        %dma_wait3A_661 = tpu.memref_slice %arg12[%rem3A_581] : memref<3x!tpu.dma_semaphore, #tpu.memory_space<semaphore_mem>> -> memref<1x!tpu.dma_semaphore, #tpu.memory_space<semaphore_mem>>
        %dma_wait3A_662 = tpu.memref_squeeze %dma_wait3A_661 : memref<1x!tpu.dma_semaphore, #tpu.memory_space<semaphore_mem>> -> memref<!tpu.dma_semaphore, #tpu.memory_space<semaphore_mem>>
        %dma_wait3A_663 = arith.constant 0 : i32
        %dma_wait3A_664 = arith.constant 0 : i32
        %dma_wait3A_665 = tpu.memref_slice %arg10[%dma_wait3A_663, %dma_wait3A_664] : memref<10000x128xf32, #tpu.memory_space<vmem_shared>> -> memref<80x128xf32, #tpu.memory_space<vmem_shared>>
        %dma_wait3A_666 = arith.constant 0 : i32
        %dma_wait3A_667 = arith.constant 0 : i32
        %dma_wait3A_668 = tpu.memref_slice %arg8[%rem3A_581, %dma_wait3A_666, %dma_wait3A_667] : memref<3x80x128xf32, #tpu.memory_space<vmem>> -> memref<1x80x128xf32, #tpu.memory_space<vmem>>
        %dma_wait3A_669 = tpu.memref_squeeze %dma_wait3A_668 : memref<1x80x128xf32, #tpu.memory_space<vmem>> -> memref<80x128xf32, #tpu.memory_space<vmem>>
        tpu.wait_dma2 semaphore(%dma_wait3A_662 : memref<!tpu.dma_semaphore, #tpu.memory_space<semaphore_mem>>) src(%dma_wait3A_669 : memref<80x128xf32, #tpu.memory_space<vmem>>) dst(%dma_wait3A_665 : memref<80x128xf32, #tpu.memory_space<vmem_shared>>)
      } else {
      }
      %eq3A_598 = arith.constant 0 : i32
      %eq3A_599 = arith.cmpi eq, %select_n3A_573, %eq3A_598 : i32
      %add3A_600 = arith.constant 1 : i32
      %add3A_601 = arith.addi %select_n3A, %add3A_600 : i32
      %lt3A_602 = arith.constant 25 : i32
      %lt3A_603 = arith.cmpi slt, %add3A_601, %lt3A_602 : i32
      %and3A_604 = arith.andi %eq3A_599, %lt3A_603 : i1
      %convert_element_type3A_605 = arith.extui %and3A_604 : i1 to i32
      %cond3A_606 = arith.constant 0 : i32
      %cond3A_607 = arith.cmpi ne, %convert_element_type3A_605, %cond3A_606 : i32
      scf.if %cond3A_607 {
        %add3A_654 = arith.constant 1 : i32
        %add3A_655 = arith.addi %select_n3A, %add3A_654 : i32
        %sub3A_656 = arith.constant 1 : i32
        %sub3A_657 = arith.subi %sub3A_656, %and3A_575 : i32
        %dma_start3A_658 = arith.constant 0 : i32
        %dma_start3A_659 = arith.constant 0 : i32
        %dma_start3A_660 = tpu.memref_slice %arg6[%sub3A_657, %dma_start3A_658, %dma_start3A_659] : memref<2x5x80xi32, #tpu.memory_space<vmem>> -> memref<1x5x80xi32, #tpu.memory_space<vmem>>
        %dma_start3A_661 = tpu.memref_squeeze %dma_start3A_660 : memref<1x5x80xi32, #tpu.memory_space<vmem>> -> memref<5x80xi32, #tpu.memory_space<vmem>>
        %dma_start3A_662 = arith.constant 0 : i32
        %dma_start3A_663 = arith.constant 0 : i32
        %dma_start3A_664 = tpu.memref_slice %arg3[%add3A, %add3A_655, %dma_start3A_662, %dma_start3A_663] : memref<32x25x5x80xi32, #tpu.memory_space<hbm>> -> memref<1x1x5x80xi32, #tpu.memory_space<hbm>>
        %dma_start3A_665 = tpu.memref_squeeze %dma_start3A_664 : memref<1x1x5x80xi32, #tpu.memory_space<hbm>> -> memref<5x80xi32, #tpu.memory_space<hbm>>
        %dma_start3A_666 = arith.constant 0 : i32
        %dma_start3A_667 = arith.constant 0 : i32
        %dma_start3A_668 = tpu.memref_slice %arg6[%sub3A_657, %dma_start3A_666, %dma_start3A_667] : memref<2x5x80xi32, #tpu.memory_space<vmem>> -> memref<1x5x80xi32, #tpu.memory_space<vmem>>
        %dma_start3A_669 = tpu.memref_squeeze %dma_start3A_668 : memref<1x5x80xi32, #tpu.memory_space<vmem>> -> memref<5x80xi32, #tpu.memory_space<vmem>>
        %dma_start3A_670 = arith.constant 0 : i32
        %dma_start3A_671 = arith.constant 0 : i32
        %dma_start3A_672 = tpu.memref_slice %arg3[%add3A, %add3A_655, %dma_start3A_670, %dma_start3A_671] : memref<32x25x5x80xi32, #tpu.memory_space<hbm>> -> memref<1x1x5x80xi32, #tpu.memory_space<hbm>>
        %dma_start3A_673 = tpu.memref_squeeze %dma_start3A_672 : memref<1x1x5x80xi32, #tpu.memory_space<hbm>> -> memref<5x80xi32, #tpu.memory_space<hbm>>
        tpu.enqueue_dma source(%dma_start3A_673 : memref<5x80xi32, #tpu.memory_space<hbm>>) target(%dma_start3A_669 : memref<5x80xi32, #tpu.memory_space<vmem>>) target_semaphore(%arg13 : memref<!tpu.dma_semaphore, #tpu.memory_space<semaphore_mem>>)
      } else {
      }
      %eq3A_608 = arith.constant 1 : i32
      %eq3A_609 = arith.cmpi eq, %select_n3A_573, %eq3A_608 : i32
      %add3A_610 = arith.constant 1 : i32
      %add3A_611 = arith.addi %select_n3A, %add3A_610 : i32
      %lt3A_612 = arith.constant 25 : i32
      %lt3A_613 = arith.cmpi slt, %add3A_611, %lt3A_612 : i32
      %and3A_614 = arith.andi %eq3A_609, %lt3A_613 : i1
      %convert_element_type3A_615 = arith.extui %and3A_614 : i1 to i32
      %cond3A_616 = arith.constant 0 : i32
      %cond3A_617 = arith.cmpi ne, %convert_element_type3A_615, %cond3A_616 : i32
      scf.if %cond3A_617 {
        %add3A_654 = arith.constant 1 : i32
        %add3A_655 = arith.addi %select_n3A, %add3A_654 : i32
        %sub3A_656 = arith.constant 1 : i32
        %sub3A_657 = arith.subi %sub3A_656, %and3A_575 : i32
        %dma_start3A_658 = arith.constant 0 : i32
        %dma_start3A_659 = arith.constant 0 : i32
        %dma_start3A_660 = tpu.memref_slice %arg7[%sub3A_657, %dma_start3A_658, %dma_start3A_659] : memref<2x5x80xi32, #tpu.memory_space<vmem>> -> memref<1x5x80xi32, #tpu.memory_space<vmem>>
        %dma_start3A_661 = tpu.memref_squeeze %dma_start3A_660 : memref<1x5x80xi32, #tpu.memory_space<vmem>> -> memref<5x80xi32, #tpu.memory_space<vmem>>
        %dma_start3A_662 = arith.constant 0 : i32
        %dma_start3A_663 = arith.constant 0 : i32
        %dma_start3A_664 = tpu.memref_slice %arg4[%add3A, %add3A_655, %dma_start3A_662, %dma_start3A_663] : memref<32x25x5x80xi32, #tpu.memory_space<hbm>> -> memref<1x1x5x80xi32, #tpu.memory_space<hbm>>
        %dma_start3A_665 = tpu.memref_squeeze %dma_start3A_664 : memref<1x1x5x80xi32, #tpu.memory_space<hbm>> -> memref<5x80xi32, #tpu.memory_space<hbm>>
        %dma_start3A_666 = arith.constant 0 : i32
        %dma_start3A_667 = arith.constant 0 : i32
        %dma_start3A_668 = tpu.memref_slice %arg7[%sub3A_657, %dma_start3A_666, %dma_start3A_667] : memref<2x5x80xi32, #tpu.memory_space<vmem>> -> memref<1x5x80xi32, #tpu.memory_space<vmem>>
        %dma_start3A_669 = tpu.memref_squeeze %dma_start3A_668 : memref<1x5x80xi32, #tpu.memory_space<vmem>> -> memref<5x80xi32, #tpu.memory_space<vmem>>
        %dma_start3A_670 = arith.constant 0 : i32
        %dma_start3A_671 = arith.constant 0 : i32
        %dma_start3A_672 = tpu.memref_slice %arg4[%add3A, %add3A_655, %dma_start3A_670, %dma_start3A_671] : memref<32x25x5x80xi32, #tpu.memory_space<hbm>> -> memref<1x1x5x80xi32, #tpu.memory_space<hbm>>
        %dma_start3A_673 = tpu.memref_squeeze %dma_start3A_672 : memref<1x1x5x80xi32, #tpu.memory_space<hbm>> -> memref<5x80xi32, #tpu.memory_space<hbm>>
        tpu.enqueue_dma source(%dma_start3A_673 : memref<5x80xi32, #tpu.memory_space<hbm>>) target(%dma_start3A_669 : memref<5x80xi32, #tpu.memory_space<vmem>>) target_semaphore(%arg14 : memref<!tpu.dma_semaphore, #tpu.memory_space<semaphore_mem>>)
      } else {
      }
      %eq3A_618 = arith.constant 3 : i32
      %eq3A_619 = arith.cmpi eq, %select_n3A_573, %eq3A_618 : i32
      %add3A_620 = arith.constant 1 : i32
      %add3A_621 = arith.addi %select_n3A, %add3A_620 : i32
      %lt3A_622 = arith.constant 25 : i32
      %lt3A_623 = arith.cmpi slt, %add3A_621, %lt3A_622 : i32
      %and3A_624 = arith.andi %eq3A_619, %lt3A_623 : i1
      %convert_element_type3A_625 = arith.extui %and3A_624 : i1 to i32
      %cond3A_626 = arith.constant 0 : i32
      %cond3A_627 = arith.cmpi ne, %convert_element_type3A_625, %cond3A_626 : i32
      scf.if %cond3A_627 {
        %dma_wait3A_654 = arith.constant 0 : i32
        %dma_wait3A_655 = arith.constant 0 : i32
        %dma_wait3A_656 = arith.constant 0 : i32
        %dma_wait3A_657 = arith.constant 0 : i32
        %dma_wait3A_658 = tpu.memref_slice %arg6[%dma_wait3A_655, %dma_wait3A_656, %dma_wait3A_657] : memref<2x5x80xi32, #tpu.memory_space<vmem>> -> memref<1x5x80xi32, #tpu.memory_space<vmem>>
        %dma_wait3A_659 = tpu.memref_squeeze %dma_wait3A_658 : memref<1x5x80xi32, #tpu.memory_space<vmem>> -> memref<5x80xi32, #tpu.memory_space<vmem>>
        %dma_wait3A_660 = arith.constant 0 : i32
        %dma_wait3A_661 = arith.constant 0 : i32
        %dma_wait3A_662 = tpu.memref_slice %arg3[%add3A, %dma_wait3A_654, %dma_wait3A_660, %dma_wait3A_661] : memref<32x25x5x80xi32, #tpu.memory_space<hbm>> -> memref<1x1x5x80xi32, #tpu.memory_space<hbm>>
        %dma_wait3A_663 = tpu.memref_squeeze %dma_wait3A_662 : memref<1x1x5x80xi32, #tpu.memory_space<hbm>> -> memref<5x80xi32, #tpu.memory_space<hbm>>
        %dma_wait3A_664 = arith.constant 0 : i32
        %dma_wait3A_665 = arith.constant 0 : i32
        %dma_wait3A_666 = tpu.memref_slice %arg6[%dma_wait3A_655, %dma_wait3A_664, %dma_wait3A_665] : memref<2x5x80xi32, #tpu.memory_space<vmem>> -> memref<1x5x80xi32, #tpu.memory_space<vmem>>
        %dma_wait3A_667 = tpu.memref_squeeze %dma_wait3A_666 : memref<1x5x80xi32, #tpu.memory_space<vmem>> -> memref<5x80xi32, #tpu.memory_space<vmem>>
        %dma_wait3A_668 = arith.constant 0 : i32
        %dma_wait3A_669 = arith.constant 0 : i32
        %dma_wait3A_670 = tpu.memref_slice %arg3[%add3A, %dma_wait3A_654, %dma_wait3A_668, %dma_wait3A_669] : memref<32x25x5x80xi32, #tpu.memory_space<hbm>> -> memref<1x1x5x80xi32, #tpu.memory_space<hbm>>
        %dma_wait3A_671 = tpu.memref_squeeze %dma_wait3A_670 : memref<1x1x5x80xi32, #tpu.memory_space<hbm>> -> memref<5x80xi32, #tpu.memory_space<hbm>>
        tpu.wait_dma2 semaphore(%arg13 : memref<!tpu.dma_semaphore, #tpu.memory_space<semaphore_mem>>) src(%dma_wait3A_671 : memref<5x80xi32, #tpu.memory_space<hbm>>) dst(%dma_wait3A_667 : memref<5x80xi32, #tpu.memory_space<vmem>>)
      } else {
      }
      %eq3A_628 = arith.constant 0 : i32
      %eq3A_629 = arith.cmpi eq, %select_n3A_573, %eq3A_628 : i32
      %gt3A = arith.constant 0 : i32
      %gt3A_630 = arith.cmpi sgt, %select_n3A, %gt3A : i32
      %and3A_631 = arith.andi %eq3A_629, %gt3A_630 : i1
      %convert_element_type3A_632 = arith.extui %and3A_631 : i1 to i32
      %cond3A_633 = arith.constant 0 : i32
      %cond3A_634 = arith.cmpi ne, %convert_element_type3A_632, %cond3A_633 : i32
      scf.if %cond3A_634 {
        %dma_wait3A_654 = arith.constant 0 : i32
        %dma_wait3A_655 = arith.constant 0 : i32
        %dma_wait3A_656 = arith.constant 0 : i32
        %dma_wait3A_657 = arith.constant 0 : i32
        %dma_wait3A_658 = tpu.memref_slice %arg7[%dma_wait3A_655, %dma_wait3A_656, %dma_wait3A_657] : memref<2x5x80xi32, #tpu.memory_space<vmem>> -> memref<1x5x80xi32, #tpu.memory_space<vmem>>
        %dma_wait3A_659 = tpu.memref_squeeze %dma_wait3A_658 : memref<1x5x80xi32, #tpu.memory_space<vmem>> -> memref<5x80xi32, #tpu.memory_space<vmem>>
        %dma_wait3A_660 = arith.constant 0 : i32
        %dma_wait3A_661 = arith.constant 0 : i32
        %dma_wait3A_662 = tpu.memref_slice %arg4[%add3A, %dma_wait3A_654, %dma_wait3A_660, %dma_wait3A_661] : memref<32x25x5x80xi32, #tpu.memory_space<hbm>> -> memref<1x1x5x80xi32, #tpu.memory_space<hbm>>
        %dma_wait3A_663 = tpu.memref_squeeze %dma_wait3A_662 : memref<1x1x5x80xi32, #tpu.memory_space<hbm>> -> memref<5x80xi32, #tpu.memory_space<hbm>>
        %dma_wait3A_664 = arith.constant 0 : i32
        %dma_wait3A_665 = arith.constant 0 : i32
        %dma_wait3A_666 = tpu.memref_slice %arg7[%dma_wait3A_655, %dma_wait3A_664, %dma_wait3A_665] : memref<2x5x80xi32, #tpu.memory_space<vmem>> -> memref<1x5x80xi32, #tpu.memory_space<vmem>>
        %dma_wait3A_667 = tpu.memref_squeeze %dma_wait3A_666 : memref<1x5x80xi32, #tpu.memory_space<vmem>> -> memref<5x80xi32, #tpu.memory_space<vmem>>
        %dma_wait3A_668 = arith.constant 0 : i32
        %dma_wait3A_669 = arith.constant 0 : i32
        %dma_wait3A_670 = tpu.memref_slice %arg4[%add3A, %dma_wait3A_654, %dma_wait3A_668, %dma_wait3A_669] : memref<32x25x5x80xi32, #tpu.memory_space<hbm>> -> memref<1x1x5x80xi32, #tpu.memory_space<hbm>>
        %dma_wait3A_671 = tpu.memref_squeeze %dma_wait3A_670 : memref<1x1x5x80xi32, #tpu.memory_space<hbm>> -> memref<5x80xi32, #tpu.memory_space<hbm>>
        tpu.wait_dma2 semaphore(%arg14 : memref<!tpu.dma_semaphore, #tpu.memory_space<semaphore_mem>>) src(%dma_wait3A_671 : memref<5x80xi32, #tpu.memory_space<hbm>>) dst(%dma_wait3A_667 : memref<5x80xi32, #tpu.memory_space<vmem>>)
      } else {
      }
      %add3A_635 = arith.constant 2 : i32
      %add3A_636 = arith.addi %scan3A_542, %add3A_635 : i32
      %lt3A_637 = arith.constant 125 : i32
      %lt3A_638 = arith.cmpi slt, %add3A_636, %lt3A_637 : i32
      %convert_element_type3A_639 = arith.extui %lt3A_638 : i1 to i32
      %cond3A_640 = arith.constant 0 : i32
      %cond3A_641 = arith.cmpi ne, %convert_element_type3A_639, %cond3A_640 : i32
      scf.if %cond3A_641 {
        %add3A_654 = arith.constant 2 : i32
        %add3A_655 = arith.addi %scan3A_542, %add3A_654 : i32
        %jit3A_656 = arith.constant 5 : i32
        %div3A_657 = arith.divsi %add3A_655, %jit3A_656 : i32
        %sign3A_658 = arith.constant 0 : i32
        %sign3A_659 = arith.cmpi sgt, %add3A_655, %sign3A_658 : i32
        %sign3A_660 = arith.extui %sign3A_659 : i1 to i32
        %sign3A_661 = arith.constant 0 : i32
        %sign3A_662 = arith.cmpi slt, %add3A_655, %sign3A_661 : i32
        %sign3A_663 = arith.extui %sign3A_662 : i1 to i32
        %sign3A_664 = arith.subi %sign3A_660, %sign3A_663 : i32
        %sign3A_665 = arith.constant 0 : i32
        %sign3A_666 = arith.cmpi sgt, %jit3A_656, %sign3A_665 : i32
        %sign3A_667 = arith.extui %sign3A_666 : i1 to i32
        %sign3A_668 = arith.constant 0 : i32
        %sign3A_669 = arith.cmpi slt, %jit3A_656, %sign3A_668 : i32
        %sign3A_670 = arith.extui %sign3A_669 : i1 to i32
        %sign3A_671 = arith.subi %sign3A_667, %sign3A_670 : i32
        %ne3A_672 = arith.cmpi ne, %sign3A_664, %sign3A_671 : i32
        %rem3A_673 = arith.remsi %add3A_655, %jit3A_656 : i32
        %ne3A_674 = arith.constant 0 : i32
        %ne3A_675 = arith.cmpi ne, %rem3A_673, %ne3A_674 : i32
        %and3A_676 = arith.andi %ne3A_672, %ne3A_675 : i1
        %sub3A_677 = arith.constant 1 : i32
        %sub3A_678 = arith.subi %div3A_657, %sub3A_677 : i32
        %select_n3A_679 = arith.select %and3A_676, %sub3A_678, %div3A_657 : i32
        %and3A_680 = arith.constant 1 : i32
        %and3A_681 = arith.andi %select_n3A_679, %and3A_680 : i32
        %rem3A_682 = arith.constant 5 : i32
        %rem3A_683 = arith.remsi %add3A_655, %rem3A_682 : i32
        %dma_start3A_684 = arith.constant 0 : i32
        %dma_start3A_685 = arith.constant 0 : i32
        %dma_start3A_686 = tpu.memref_slice %arg8[%rem3A_581, %dma_start3A_684, %dma_start3A_685] : memref<3x80x128xf32, #tpu.memory_space<vmem>> -> memref<1x80x128xf32, #tpu.memory_space<vmem>>
        %dma_start3A_687 = tpu.memref_squeeze %dma_start3A_686 : memref<1x80x128xf32, #tpu.memory_space<vmem>> -> memref<80x128xf32, #tpu.memory_space<vmem>>
        %dma_start3A_688 = arith.constant 0 : i32
        %dma_start3A_689 = tpu.memref_slice %arg6[%and3A_681, %rem3A_683, %dma_start3A_688] : memref<2x5x80xi32, #tpu.memory_space<vmem>> -> memref<1x1x80xi32, #tpu.memory_space<vmem>>
        %dma_start3A_690 = tpu.memref_squeeze %dma_start3A_689 : memref<1x1x80xi32, #tpu.memory_space<vmem>> -> memref<80xi32, #tpu.memory_space<vmem>>
        %dma_start3A_691 = arith.constant 0 : i32
        %dma_start3A_692 = arith.constant 0 : i32
        %dma_start3A_693 = tpu.memref_slice %arg2[%dma_start3A_691, %dma_start3A_692] : memref<10000x128xf32, #tpu.memory_space<hbm>> -> memref<10000x128xf32, #tpu.memory_space<hbm>>
        %dma_start3A_694 = tpu.memref_slice %arg11[%rem3A_581] : memref<3x!tpu.dma_semaphore, #tpu.memory_space<semaphore_mem>> -> memref<1x!tpu.dma_semaphore, #tpu.memory_space<semaphore_mem>>
        %dma_start3A_695 = tpu.memref_squeeze %dma_start3A_694 : memref<1x!tpu.dma_semaphore, #tpu.memory_space<semaphore_mem>> -> memref<!tpu.dma_semaphore, #tpu.memory_space<semaphore_mem>>
        tpu.enqueue_indirect_dma source(%dma_start3A_693 : memref<10000x128xf32, #tpu.memory_space<hbm>>) target(%dma_start3A_687 : memref<80x128xf32, #tpu.memory_space<vmem>>) offsets(%dma_start3A_690 : memref<80xi32, #tpu.memory_space<vmem>>) semaphore(%dma_start3A_695 : memref<!tpu.dma_semaphore, #tpu.memory_space<semaphore_mem>>)
      } else {
      }
      %dma_start3A_642 = arith.constant 0 : i32
      %dma_start3A_643 = arith.constant 0 : i32
      %dma_start3A_644 = tpu.memref_slice %arg8[%rem3A_577, %dma_start3A_642, %dma_start3A_643] : memref<3x80x128xf32, #tpu.memory_space<vmem>> -> memref<1x80x128xf32, #tpu.memory_space<vmem>>
      %dma_start3A_645 = tpu.memref_squeeze %dma_start3A_644 : memref<1x80x128xf32, #tpu.memory_space<vmem>> -> memref<80x128xf32, #tpu.memory_space<vmem>>
      %dma_start3A_646 = arith.constant 0 : i32
      %dma_start3A_647 = tpu.memref_slice %arg7[%and3A_575, %select_n3A_573, %dma_start3A_646] : memref<2x5x80xi32, #tpu.memory_space<vmem>> -> memref<1x1x80xi32, #tpu.memory_space<vmem>>
      %dma_start3A_648 = tpu.memref_squeeze %dma_start3A_647 : memref<1x1x80xi32, #tpu.memory_space<vmem>> -> memref<80xi32, #tpu.memory_space<vmem>>
      %dma_start3A_649 = arith.constant 0 : i32
      %dma_start3A_650 = arith.constant 0 : i32
      %dma_start3A_651 = tpu.memref_slice %arg10[%dma_start3A_649, %dma_start3A_650] : memref<10000x128xf32, #tpu.memory_space<vmem_shared>> -> memref<10000x128xf32, #tpu.memory_space<vmem_shared>>
      %dma_start3A_652 = tpu.memref_slice %arg12[%rem3A_577] : memref<3x!tpu.dma_semaphore, #tpu.memory_space<semaphore_mem>> -> memref<1x!tpu.dma_semaphore, #tpu.memory_space<semaphore_mem>>
      %dma_start3A_653 = tpu.memref_squeeze %dma_start3A_652 : memref<1x!tpu.dma_semaphore, #tpu.memory_space<semaphore_mem>> -> memref<!tpu.dma_semaphore, #tpu.memory_space<semaphore_mem>>
      tpu.enqueue_indirect_dma source(%dma_start3A_645 : memref<80x128xf32, #tpu.memory_space<vmem>>) target(%dma_start3A_651 : memref<10000x128xf32, #tpu.memory_space<vmem_shared>>) offsets(%dma_start3A_648 : memref<80xi32, #tpu.memory_space<vmem>>) semaphore(%dma_start3A_653 : memref<!tpu.dma_semaphore, #tpu.memory_space<semaphore_mem>>) {add = true}
    }
    %scan3A_517 = arith.constant 125 : i32
    %dma_wait3A_518 = arith.constant 1 : i32
    %dma_wait3A_519 = arith.constant 1 : i32
    %dma_wait3A_520 = arith.constant 0 : i32
    %dma_wait3A_521 = arith.constant 0 : i32
    %dma_wait3A_522 = tpu.memref_slice %arg8[%dma_wait3A_518, %dma_wait3A_520, %dma_wait3A_521] : memref<3x80x128xf32, #tpu.memory_space<vmem>> -> memref<1x80x128xf32, #tpu.memory_space<vmem>>
    %dma_wait3A_523 = tpu.memref_squeeze %dma_wait3A_522 : memref<1x80x128xf32, #tpu.memory_space<vmem>> -> memref<80x128xf32, #tpu.memory_space<vmem>>
    %dma_wait3A_524 = arith.constant 0 : i32
    %dma_wait3A_525 = arith.constant 0 : i32
    %dma_wait3A_526 = tpu.memref_slice %arg10[%dma_wait3A_524, %dma_wait3A_525] : memref<10000x128xf32, #tpu.memory_space<vmem_shared>> -> memref<80x128xf32, #tpu.memory_space<vmem_shared>>
    %dma_wait3A_527 = tpu.memref_slice %arg12[%dma_wait3A_519] : memref<3x!tpu.dma_semaphore, #tpu.memory_space<semaphore_mem>> -> memref<1x!tpu.dma_semaphore, #tpu.memory_space<semaphore_mem>>
    %dma_wait3A_528 = tpu.memref_squeeze %dma_wait3A_527 : memref<1x!tpu.dma_semaphore, #tpu.memory_space<semaphore_mem>> -> memref<!tpu.dma_semaphore, #tpu.memory_space<semaphore_mem>>
    %dma_wait3A_529 = arith.constant 0 : i32
    %dma_wait3A_530 = arith.constant 0 : i32
    %dma_wait3A_531 = tpu.memref_slice %arg10[%dma_wait3A_529, %dma_wait3A_530] : memref<10000x128xf32, #tpu.memory_space<vmem_shared>> -> memref<80x128xf32, #tpu.memory_space<vmem_shared>>
    %dma_wait3A_532 = arith.constant 0 : i32
    %dma_wait3A_533 = arith.constant 0 : i32
    %dma_wait3A_534 = tpu.memref_slice %arg8[%dma_wait3A_518, %dma_wait3A_532, %dma_wait3A_533] : memref<3x80x128xf32, #tpu.memory_space<vmem>> -> memref<1x80x128xf32, #tpu.memory_space<vmem>>
    %dma_wait3A_535 = tpu.memref_squeeze %dma_wait3A_534 : memref<1x80x128xf32, #tpu.memory_space<vmem>> -> memref<80x128xf32, #tpu.memory_space<vmem>>
    tpu.wait_dma2 semaphore(%dma_wait3A_528 : memref<!tpu.dma_semaphore, #tpu.memory_space<semaphore_mem>>) src(%dma_wait3A_535 : memref<80x128xf32, #tpu.memory_space<vmem>>) dst(%dma_wait3A_531 : memref<80x128xf32, #tpu.memory_space<vmem_shared>>)
    %barrier3A_536 = arith.constant 0 : index
    tpu.barrier barrier_id(%barrier3A_536)
    "tpu.region"() ({
      %run_scoped3A_542 = tpu.sem_alloc : memref<!tpu.dma_semaphore, #tpu.memory_space<semaphore_mem>>
      %dma_start3A_543 = arith.constant 0 : i32
      %dma_start3A_544 = tpu.memref_slice %arg5[%arg0, %multiple_of3A, %dma_start3A_543] : memref<2x10000x128xf32, #tpu.memory_space<hbm>> -> memref<1x624x128xf32, #tpu.memory_space<hbm>>
      %dma_start3A_545 = tpu.memref_squeeze %dma_start3A_544 : memref<1x624x128xf32, #tpu.memory_space<hbm>> -> memref<624x128xf32, #tpu.memory_space<hbm>>
      %dma_start3A_546 = arith.constant 0 : i32
      %dma_start3A_547 = tpu.memref_slice %arg10[%multiple_of3A, %dma_start3A_546] : memref<10000x128xf32, #tpu.memory_space<vmem_shared>> -> memref<624x128xf32, #tpu.memory_space<vmem_shared>>
      tpu.enqueue_dma source(%dma_start3A_547 : memref<624x128xf32, #tpu.memory_space<vmem_shared>>) target(%dma_start3A_545 : memref<624x128xf32, #tpu.memory_space<hbm>>) target_semaphore(%run_scoped3A_542 : memref<!tpu.dma_semaphore, #tpu.memory_space<semaphore_mem>>)
      %dma_wait3A_548 = arith.constant 0 : i32
      %dma_wait3A_549 = tpu.memref_slice %arg5[%arg0, %multiple_of3A, %dma_wait3A_548] : memref<2x10000x128xf32, #tpu.memory_space<hbm>> -> memref<1x624x128xf32, #tpu.memory_space<hbm>>
      %dma_wait3A_550 = tpu.memref_squeeze %dma_wait3A_549 : memref<1x624x128xf32, #tpu.memory_space<hbm>> -> memref<624x128xf32, #tpu.memory_space<hbm>>
      %dma_wait3A_551 = arith.constant 0 : i32
      %dma_wait3A_552 = tpu.memref_slice %arg10[%multiple_of3A, %dma_wait3A_551] : memref<10000x128xf32, #tpu.memory_space<vmem_shared>> -> memref<624x128xf32, #tpu.memory_space<vmem_shared>>
      tpu.wait_dma2 semaphore(%run_scoped3A_542 : memref<!tpu.dma_semaphore, #tpu.memory_space<semaphore_mem>>) src(%dma_wait3A_552 : memref<624x128xf32, #tpu.memory_space<vmem_shared>>) dst(%dma_wait3A_550 : memref<624x128xf32, #tpu.memory_space<hbm>>)
      tpu.yield
    }) : () -> ()
    %eq3A_537 = arith.constant 15 : i32
    %eq3A_538 = arith.cmpi eq, %arg1, %eq3A_537 : i32
    %convert_element_type3A_539 = arith.extui %eq3A_538 : i1 to i32
    %cond3A_540 = arith.constant 0 : i32
    %cond3A_541 = arith.cmpi ne, %convert_element_type3A_539, %cond3A_540 : i32
    scf.if %cond3A_541 {
      "tpu.region"() ({
        %run_scoped3A_542 = tpu.sem_alloc : memref<!tpu.dma_semaphore, #tpu.memory_space<semaphore_mem>>
        %dma_start3A_543 = arith.constant 9984 : i32
        %dma_start3A_544 = arith.constant 0 : i32
        %dma_start3A_545 = tpu.memref_slice %arg5[%arg0, %dma_start3A_543, %dma_start3A_544] : memref<2x10000x128xf32, #tpu.memory_space<hbm>> -> memref<1x16x128xf32, #tpu.memory_space<hbm>>
        %dma_start3A_546 = tpu.memref_squeeze %dma_start3A_545 : memref<1x16x128xf32, #tpu.memory_space<hbm>> -> memref<16x128xf32, #tpu.memory_space<hbm>>
        %dma_start3A_547 = arith.constant 9984 : i32
        %dma_start3A_548 = arith.constant 0 : i32
        %dma_start3A_549 = tpu.memref_slice %arg10[%dma_start3A_547, %dma_start3A_548] : memref<10000x128xf32, #tpu.memory_space<vmem_shared>> -> memref<16x128xf32, #tpu.memory_space<vmem_shared>>
        tpu.enqueue_dma source(%dma_start3A_549 : memref<16x128xf32, #tpu.memory_space<vmem_shared>>) target(%dma_start3A_546 : memref<16x128xf32, #tpu.memory_space<hbm>>) target_semaphore(%run_scoped3A_542 : memref<!tpu.dma_semaphore, #tpu.memory_space<semaphore_mem>>)
        %dma_wait3A_550 = arith.constant 9984 : i32
        %dma_wait3A_551 = arith.constant 0 : i32
        %dma_wait3A_552 = tpu.memref_slice %arg5[%arg0, %dma_wait3A_550, %dma_wait3A_551] : memref<2x10000x128xf32, #tpu.memory_space<hbm>> -> memref<1x16x128xf32, #tpu.memory_space<hbm>>
        %dma_wait3A_553 = tpu.memref_squeeze %dma_wait3A_552 : memref<1x16x128xf32, #tpu.memory_space<hbm>> -> memref<16x128xf32, #tpu.memory_space<hbm>>
        %dma_wait3A_554 = arith.constant 9984 : i32
        %dma_wait3A_555 = arith.constant 0 : i32
        %dma_wait3A_556 = tpu.memref_slice %arg10[%dma_wait3A_554, %dma_wait3A_555] : memref<10000x128xf32, #tpu.memory_space<vmem_shared>> -> memref<16x128xf32, #tpu.memory_space<vmem_shared>>
        tpu.wait_dma2 semaphore(%run_scoped3A_542 : memref<!tpu.dma_semaphore, #tpu.memory_space<semaphore_mem>>) src(%dma_wait3A_556 : memref<16x128xf32, #tpu.memory_space<vmem_shared>>) dst(%dma_wait3A_553 : memref<16x128xf32, #tpu.memory_space<hbm>>)
        tpu.yield
      }) : () -> ()
    } else {
    }
    return
  }
}

module attributes {stable_mosaic.version = 14 : i64} {
  func.func @body(%arg0: memref<32x10000xf32, #tpu.memory_space<vmem>>, %arg1: memref<10000x128xf32, #tpu.memory_space<vmem>>, %arg2: memref<10000x128xf32, #tpu.memory_space<vmem>>, %arg3: memref<10000x1xf32, #tpu.memory_space<vmem>>, %arg4: memref<10000x1xf32, #tpu.memory_space<vmem>>) attributes {dimension_semantics = [], scalar_prefetch = 0 : i64, scratch_operands = 0 : i64, tpu.core_type = #tpu.core_type<tc>} {
    %get3A = arith.constant 0 : index
    %get3A_0 = arith.constant 0 : index
    %get3A_1 = vector.load %arg0[%get3A, %get3A_0] : memref<32x10000xf32, #tpu.memory_space<vmem>>, vector<32x10000xf32>
    %reduce_sum3A = arith.constant dense<0.000000e+00> : vector<10000xf32>
    %reduce_sum3A_2 = vector.multi_reduction <add>, %get3A_1, %reduce_sum3A [0] : vector<32x10000xf32> to vector<10000xf32>
    %broadcast_in_dim3A = vector.shape_cast %reduce_sum3A_2 : vector<10000xf32> to vector<1x10000xf32>
    %add3A = arith.constant 1.000000e+00 : f32
    %add3A_3 = vector.broadcast %add3A : f32 to vector<1x10000xf32>
    %add3A_4 = arith.addf %broadcast_in_dim3A, %add3A_3 : vector<1x10000xf32>
    %rsqrt3A = math.rsqrt %add3A_4 : vector<1x10000xf32>
    %transpose3A = tpu.transpose %rsqrt3A, [1, 0] : vector<1x10000xf32> -> vector<10000x1xf32>
    %swap3A = arith.constant 0 : index
    %swap3A_5 = arith.constant 0 : index
    %swap3A_6 = vector.load %arg3[%swap3A, %swap3A_5] : memref<10000x1xf32, #tpu.memory_space<vmem>>, vector<10000x1xf32>
    tpu.vector_store %arg3[%swap3A, %swap3A_5], %transpose3A {strides = array<i32>} : memref<10000x1xf32, #tpu.memory_space<vmem>>, vector<10000x1xf32>,
    %div3A = arith.constant 1.000000e+00 : f32
    %div3A_7 = vector.broadcast %div3A : f32 to vector<1x10000xf32>
    %div3A_8 = arith.divf %div3A_7, %add3A_4 : vector<1x10000xf32>
    %transpose3A_9 = tpu.transpose %div3A_8, [1, 0] : vector<1x10000xf32> -> vector<10000x1xf32>
    %swap3A_10 = arith.constant 0 : index
    %swap3A_11 = arith.constant 0 : index
    %swap3A_12 = vector.load %arg4[%swap3A_10, %swap3A_11] : memref<10000x1xf32, #tpu.memory_space<vmem>>, vector<10000x1xf32>
    tpu.vector_store %arg4[%swap3A_10, %swap3A_11], %transpose3A_9 {strides = array<i32>} : memref<10000x1xf32, #tpu.memory_space<vmem>>, vector<10000x1xf32>,
    %get3A_13 = arith.constant 0 : index
    %get3A_14 = arith.constant 0 : index
    %get3A_15 = vector.load %arg1[%get3A_13, %get3A_14] : memref<10000x128xf32, #tpu.memory_space<vmem>>, vector<10000x128xf32>
    %mul3A = vector.broadcast %transpose3A : vector<10000x1xf32> to vector<10000x128xf32>
    %mul3A_16 = arith.mulf %get3A_15, %mul3A : vector<10000x128xf32>
    %swap3A_17 = arith.constant 0 : index
    %swap3A_18 = arith.constant 0 : index
    %swap3A_19 = vector.load %arg2[%swap3A_17, %swap3A_18] : memref<10000x128xf32, #tpu.memory_space<vmem>>, vector<10000x128xf32>
    tpu.vector_store %arg2[%swap3A_17, %swap3A_18], %mul3A_16 {strides = array<i32>} : memref<10000x128xf32, #tpu.memory_space<vmem>>, vector<10000x128xf32>,
    return
  }
}

module attributes {stable_mosaic.version = 14 : i64} {
  func.func @body(%arg0: i32, %arg1: memref<2000x128xf32, #tpu.memory_space<vmem>>, %arg2: memref<2000x128xf32, #tpu.memory_space<vmem>>, %arg3: memref<2000x128xf32, #tpu.memory_space<vmem>>, %arg4: memref<2000x1xf32, #tpu.memory_space<vmem>>, %arg5: memref<128x128xf32, #tpu.memory_space<vmem>>, %arg6: memref<1x128xf32, #tpu.memory_space<vmem>>, %arg7: memref<2000x128xf32, #tpu.memory_space<vmem>>) attributes {dimension_semantics = [#tpu.dimension_semantics<arbitrary>], iteration_bounds = array<i64: 5>, scalar_prefetch = 0 : i64, scratch_operands = 0 : i64, tpu.core_type = #tpu.core_type<tc>, window_params = [{transform_indices = @transform_0, window_bounds = array<i64: 2000, 128>}, {transform_indices = @transform_1, window_bounds = array<i64: 2000, 128>}, {transform_indices = @transform_2, window_bounds = array<i64: 2000, 128>}, {transform_indices = @transform_3, window_bounds = array<i64: 2000, 1>}, {pipeline_mode = #tpu.pipeline_mode<synchronous>, transform_indices = @transform_4, window_bounds = array<i64: 128, 128>}, {pipeline_mode = #tpu.pipeline_mode<synchronous>, transform_indices = @transform_5, window_bounds = array<i64: 1, 128>}, {transform_indices = @transform_6, window_bounds = array<i64: 2000, 128>}]} {
    %get3A = arith.constant 0 : index
    %get3A_0 = arith.constant 0 : index
    %get3A_1 = vector.load %arg1[%get3A, %get3A_0] : memref<2000x128xf32, #tpu.memory_space<vmem>>, vector<2000x128xf32>
    %get3A_2 = arith.constant 0 : index
    %get3A_3 = arith.constant 0 : index
    %get3A_4 = vector.load %arg2[%get3A_2, %get3A_3] : memref<2000x128xf32, #tpu.memory_space<vmem>>, vector<2000x128xf32>
    %add3A = arith.addf %get3A_1, %get3A_4 : vector<2000x128xf32>
    %get3A_5 = arith.constant 0 : index
    %get3A_6 = arith.constant 0 : index
    %get3A_7 = vector.load %arg3[%get3A_5, %get3A_6] : memref<2000x128xf32, #tpu.memory_space<vmem>>, vector<2000x128xf32>
    %add3A_8 = arith.addf %add3A, %get3A_7 : vector<2000x128xf32>
    %get3A_9 = arith.constant 0 : index
    %get3A_10 = arith.constant 0 : index
    %get3A_11 = vector.load %arg4[%get3A_9, %get3A_10] : memref<2000x1xf32, #tpu.memory_space<vmem>>, vector<2000x1xf32>
    %mul3A = vector.broadcast %get3A_11 : vector<2000x1xf32> to vector<2000x128xf32>
    %mul3A_12 = arith.mulf %add3A_8, %mul3A : vector<2000x128xf32>
    %get3A_13 = arith.constant 0 : index
    %get3A_14 = arith.constant 0 : index
    %get3A_15 = vector.load %arg5[%get3A_13, %get3A_14] : memref<128x128xf32, #tpu.memory_space<vmem>>, vector<128x128xf32>
    %dot_general3A = arith.constant dense<0.000000e+00> : vector<2000x128xf32>
    %dot_general3A_16 = tpu.matmul %mul3A_12, %get3A_15, %dot_general3A {dimension_numbers = #tpu.dot_dimension_numbers<[1], [0], [0], [1], [0, 0, 1, 1], [], []>, transpose_lhs_hint = false} : vector<2000x128xf32>, vector<128x128xf32>, vector<2000x128xf32> -> vector<2000x128xf32>
    %get3A_17 = arith.constant 0 : index
    %get3A_18 = arith.constant 0 : index
    %get3A_19 = vector.load %arg6[%get3A_17, %get3A_18] : memref<1x128xf32, #tpu.memory_space<vmem>>, vector<1x128xf32>
    %add3A_20 = vector.broadcast %get3A_19 : vector<1x128xf32> to vector<2000x128xf32>
    %add3A_21 = arith.addf %dot_general3A_16, %add3A_20 : vector<2000x128xf32>
    %swap3A = arith.constant 0 : index
    %swap3A_22 = arith.constant 0 : index
    %swap3A_23 = vector.load %arg7[%swap3A, %swap3A_22] : memref<2000x128xf32, #tpu.memory_space<vmem>>, vector<2000x128xf32>
    tpu.vector_store %arg7[%swap3A, %swap3A_22], %add3A_21 {strides = array<i32>} : memref<2000x128xf32, #tpu.memory_space<vmem>>, vector<2000x128xf32>,
    return
  }
  func.func @transform_0(%arg0: i32) -> (i32, i32) {
    %c0_i32 = arith.constant 0 : i32
    %c0_i32_0 = arith.constant 0 : i32
    return %arg0, %c0_i32 : i32, i32
  }
  func.func @transform_1(%arg0: i32) -> (i32, i32) {
    %c0_i32 = arith.constant 0 : i32
    %c0_i32_0 = arith.constant 0 : i32
    return %arg0, %c0_i32 : i32, i32
  }
  func.func @transform_2(%arg0: i32) -> (i32, i32) {
    %c0_i32 = arith.constant 0 : i32
    %c0_i32_0 = arith.constant 0 : i32
    return %arg0, %c0_i32 : i32, i32
  }
  func.func @transform_3(%arg0: i32) -> (i32, i32) {
    %c0_i32 = arith.constant 0 : i32
    %c0_i32_0 = arith.constant 0 : i32
    return %arg0, %c0_i32 : i32, i32
  }
  func.func @transform_4(%arg0: i32) -> (i32, i32) {
    %c0_i32 = arith.constant 0 : i32
    %c0_i32_0 = arith.constant 0 : i32
    %c0_i32_1 = arith.constant 0 : i32
    return %c0_i32, %c0_i32_0 : i32, i32
  }
  func.func @transform_5(%arg0: i32) -> (i32, i32) {
    %c0_i32 = arith.constant 0 : i32
    %c0_i32_0 = arith.constant 0 : i32
    %c0_i32_1 = arith.constant 0 : i32
    return %c0_i32, %c0_i32_0 : i32, i32
  }
  func.func @transform_6(%arg0: i32) -> (i32, i32) {
    %c0_i32 = arith.constant 0 : i32
    %c0_i32_0 = arith.constant 0 : i32
    return %arg0, %c0_i32 : i32, i32
  }
}

module attributes {stable_mosaic.version = 14 : i64} {
  func.func @body(%arg0: i32, %arg1: memref<2000x1xf32, #tpu.memory_space<vmem>>, %arg2: memref<2000x128xf32, #tpu.memory_space<vmem>>, %arg3: memref<2000x128xf32, #tpu.memory_space<vmem>>, %arg4: memref<2000x128xf32, #tpu.memory_space<vmem>>, %arg5: memref<2000x128xf32, #tpu.memory_space<vmem>>) attributes {dimension_semantics = [#tpu.dimension_semantics<arbitrary>], iteration_bounds = array<i64: 5>, scalar_prefetch = 0 : i64, scratch_operands = 0 : i64, tpu.core_type = #tpu.core_type<tc>, window_params = [{transform_indices = @transform_0, window_bounds = array<i64: 2000, 1>}, {transform_indices = @transform_1, window_bounds = array<i64: 2000, 128>}, {transform_indices = @transform_2, window_bounds = array<i64: 2000, 128>}, {transform_indices = @transform_3, window_bounds = array<i64: 2000, 128>}, {transform_indices = @transform_4, window_bounds = array<i64: 2000, 128>}]} {
    %get3A = arith.constant 0 : index
    %get3A_0 = arith.constant 0 : index
    %get3A_1 = vector.load %arg2[%get3A, %get3A_0] : memref<2000x128xf32, #tpu.memory_space<vmem>>, vector<2000x128xf32>
    %get3A_2 = arith.constant 0 : index
    %get3A_3 = arith.constant 0 : index
    %get3A_4 = vector.load %arg3[%get3A_2, %get3A_3] : memref<2000x128xf32, #tpu.memory_space<vmem>>, vector<2000x128xf32>
    %add3A = arith.addf %get3A_1, %get3A_4 : vector<2000x128xf32>
    %get3A_5 = arith.constant 0 : index
    %get3A_6 = arith.constant 0 : index
    %get3A_7 = vector.load %arg4[%get3A_5, %get3A_6] : memref<2000x128xf32, #tpu.memory_space<vmem>>, vector<2000x128xf32>
    %add3A_8 = arith.addf %add3A, %get3A_7 : vector<2000x128xf32>
    %get3A_9 = arith.constant 0 : index
    %get3A_10 = arith.constant 0 : index
    %get3A_11 = vector.load %arg1[%get3A_9, %get3A_10] : memref<2000x1xf32, #tpu.memory_space<vmem>>, vector<2000x1xf32>
    %mul3A = vector.broadcast %get3A_11 : vector<2000x1xf32> to vector<2000x128xf32>
    %mul3A_12 = arith.mulf %add3A_8, %mul3A : vector<2000x128xf32>
    %swap3A = arith.constant 0 : index
    %swap3A_13 = arith.constant 0 : index
    %swap3A_14 = vector.load %arg5[%swap3A, %swap3A_13] : memref<2000x128xf32, #tpu.memory_space<vmem>>, vector<2000x128xf32>
    tpu.vector_store %arg5[%swap3A, %swap3A_13], %mul3A_12 {strides = array<i32>} : memref<2000x128xf32, #tpu.memory_space<vmem>>, vector<2000x128xf32>,
    return
  }
  func.func @transform_0(%arg0: i32) -> (i32, i32) {
    %c0_i32 = arith.constant 0 : i32
    %c0_i32_0 = arith.constant 0 : i32
    return %arg0, %c0_i32 : i32, i32
  }
  func.func @transform_1(%arg0: i32) -> (i32, i32) {
    %c0_i32 = arith.constant 0 : i32
    %c0_i32_0 = arith.constant 0 : i32
    return %arg0, %c0_i32 : i32, i32
  }
  func.func @transform_2(%arg0: i32) -> (i32, i32) {
    %c0_i32 = arith.constant 0 : i32
    %c0_i32_0 = arith.constant 0 : i32
    return %arg0, %c0_i32 : i32, i32
  }
  func.func @transform_3(%arg0: i32) -> (i32, i32) {
    %c0_i32 = arith.constant 0 : i32
    %c0_i32_0 = arith.constant 0 : i32
    return %arg0, %c0_i32 : i32, i32
  }
  func.func @transform_4(%arg0: i32) -> (i32, i32) {
    %c0_i32 = arith.constant 0 : i32
    %c0_i32_0 = arith.constant 0 : i32
    return %arg0, %c0_i32 : i32, i32
  }
}

</mosaic_0001>

<sc_bundles>
// kernel: kernel.10.cloned.1.call-start
scs
__scs_entry_jumppad:
0x0: {  	(pc) =	sbr.rel $0x88, $3  }
0x1: {  	(tag) =	ssettag $0x0;
	lr =	simm.s32 $0x1  }
0x2: {  	[smem:$0x3F9D] =	sst lr;
	_ =	strace $0xD0000000  }
0x3: {  	_ = 	snop  }
0x4: {  	_ = 	snop  }
0x5: {  	_ = 	snop  }
0x6: {  	_ = 	snop  }
0x7: {  	_ = 	snop  }
__scs_overlays_trampoline_lowered:
0x8: {  	[smem:$0x3FAC] =	sst s0  }
0x9: {  	[smem:$0x3FAD] =	sst s1  }
0xa: {  	[smem:$0x3FAE] =	sst s2  }
0xb: {  	[smem:$0x3FAF] =	sst s3  }
0xc: {  	[smem:$0x3FB0] =	sst s4  }
0xd: {  	[smem:$0x3FB1] =	sst s5  }
0xe: {  	[smem:$0x3FB2] =	sst s6  }
0xf: {  	[smem:$0x3FB3] =	sst s7  }
0x10: {  	[smem:$0x3FB4] =	sst s8  }
0x11: {  	[smem:$0x3FB5] =	sst s9;
	s0 =	simm.s32 @!p0 $0x0  }
0x12: {  	s1 =	sld [smem:$0x3F9B];
	s0 =	simm.s32 @p0 $0x1  }
0x13: {  	[smem:$0x3FB6] =	sst s0;
	s0 =	simm.s32 @!p1 $0x0  }
0x14: {  	s2 =	sld [smem:$0x3F9A];
	s0 =	simm.s32 @p1 $0x1  }
0x15: {  	[smem:$0x3FB7] =	sst s0;
	s0 =	simm.s32 @!p2 $0x0  }
0x16: {  	s3 =	sld [smem:$0x3FDB];
	s0 =	simm.s32 @p2 $0x1  }
0x17: {  	s4 =	simm.s32 $0x1BF5;
	[smem:$0x3FB9] =	sst s0  }
0x18: {  	s0 =	sld [smem:$0x3F9C];
	_ =	swait.ge [sflag:s4], $0x0  }
0x19: {  	s7 =	sld [smem:$0x3F9D]  }
0x1a: {  	s8 =	sadd.s32 $0xFFFFE003, lr  }
0x1b: {  	s9 =	sadd.s32 $0xFFFFFEF7, lr;
	s5 =	simm.s32 $0xFFFFFFFF;
	p2 =	slt.u32 s8, $0xFFFFF086  }
0x1c: {  	p1 =	slt.u32 s9, $0xF7A;
	s5 =	simm.s32 @!p2 $0x0  }
0x1d: {  	s5 =	simm.s32 @p1 $0x1;
	p0 =	seq.s32 s7, s2  }
0x1e: {  	s7 =	smul.u32 @!p0 $0xF7A, s2;
	p2 =	seq.s32 @!p0 s5, $0x0  }
0x1f: {  	s9 =	smul.u32 $0xF7A, s1;
	s8 =	simm.s32 @!p0 $0x1BF5;
	p2 =	por !p2, p0  }
0x20: {  	[sflag:s8] =	ssyncset.s32 @!p0 $0xFFFFF086;
	s6 =	sadd.s32 @!p0 s3, s7;
	s7 =	simm.s32 @!p0 $0x108  }
0x21: {  	s3 =	sadd.s32 s3, s9;
	s6 =	sadd.s32 @!p0 $0x88, s6;
	s7 =	simm.s32 @p2 $0x1082  }
0x22: {  	[simem:s7], [sflag:s8] =	dma.local @!p0 [hbm:s6], $0xF7A  }
0x23: {  	s9 =	sor.u32 $0xD0000000, s2;
	s6 =	simm.s32 $0x108;
	_ =	swait.ge @!p0 [sflag:s8], $0x0  }
0x24: {  	s3 =	sadd.s32 $0x88, s3;
	s6 =	simm.s32 @!p1 $0x1082;
	[sflag:s4] =	ssyncset.s32 $0xFFFFF086  }
0x25: {  	[simem:s6], [sflag:s4] =	dma.local [hbm:s3], $0xF7A  }
0x26: {  	[smem:$0x3F9D] =	sst s1;
	(tag) =	ssettag s2;
	_ =	strace s9  }
0x27: {  	s1 =	sld [smem:$0x3FAD]  }
0x28: {  	s2 =	sld [smem:$0x3FAE]  }
0x29: {  	s4 =	sld [smem:$0x3FB0]  }
0x2a: {  	p0 =	seq.s32 s5, $0x0;
	s5 =	sld [smem:$0x3FB1]  }
0x2b: {  	s6 =	sld [smem:$0x3FB2]  }
0x2c: {  	s7 =	sld [smem:$0x3FB3]  }
0x2d: {  	s3 =	simm.s32 $0x108;
	s8 =	sld [smem:$0x3FB4]  }
0x2e: {  	s3 =	simm.s32 @!p0 $0x1082;
	s9 =	sld [smem:$0x3FB5]  }
0x2f: {  	lr =	sadd.s32 s0, s3;
	s0 =	sld [smem:$0x3FAC]  }
0x30: {  	s3 =	sld [smem:$0x3FAF]  }
0x31: {  	[smem:$0x3FB8] =	sst s10  }
0x32: {  	s10 =	sld [smem:$0x3FB6];
	_ =	sdelay $0x3  }
0x33: {  	p0 =	seq.s32 s10, $0x1;
	s10 =	sld [smem:$0x3FB8];
	_ =	sdelay $0x3  }
0x34: {  	[smem:$0x3FB8] =	sst s10  }
0x35: {  	s10 =	sld [smem:$0x3FB7];
	_ =	sdelay $0x3  }
0x36: {  	p1 =	seq.s32 s10, $0x1;
	s10 =	sld [smem:$0x3FB8];
	_ =	sdelay $0x3  }
0x37: {  	[smem:$0x3FB8] =	sst s10  }
0x38: {  	s10 =	sld [smem:$0x3FB9]  }
0x39: {  	_ = 	snop;
	(pc) =	sbr.ind lr, $3  }
0x3a: {  	_ = 	snop  }
0x3b: {  	_ = 	snop  }
0x3c: {  	p2 =	seq.s32 s10, $0x1;
	s10 =	sld [smem:$0x3FB8]  }
0x3d: {  	_ =	shalt  }
0x3e: {  	_ =	shalt  }
0x3f: {  	_ =	shalt  }
0x40: {  	_ =	shalt  }
0x41: {  	_ =	shalt  }
0x42: {  	_ =	shalt  }
0x43: {  	_ =	shalt  }
0x44: {  	_ =	shalt  }
0x45: {  	_ =	shalt  }
0x46: {  	_ =	shalt  }
0x47: {  	_ =	shalt  }
0x48: {  	_ =	shalt  }
0x49: {  	_ =	shalt  }
0x4a: {  	_ =	shalt  }
0x4b: {  	_ =	shalt  }
0x4c: {  	_ =	shalt  }
0x4d: {  	_ =	shalt  }
0x4e: {  	_ =	shalt  }
0x4f: {  	_ =	shalt  }
0x50: {  	_ =	shalt  }
0x51: {  	_ =	shalt  }
0x52: {  	_ =	shalt  }
0x53: {  	_ =	shalt  }
0x54: {  	_ =	shalt  }
0x55: {  	_ =	shalt  }
0x56: {  	_ =	shalt  }
0x57: {  	_ =	shalt  }
0x58: {  	_ =	shalt  }
0x59: {  	_ =	shalt  }
0x5a: {  	_ =	shalt  }
0x5b: {  	_ =	shalt  }
0x5c: {  	_ =	shalt  }
0x5d: {  	_ =	shalt  }
0x5e: {  	_ =	shalt  }
0x5f: {  	_ =	shalt  }
0x60: {  	_ =	shalt  }
0x61: {  	_ =	shalt  }
0x62: {  	_ =	shalt  }
0x63: {  	_ =	shalt  }
0x64: {  	_ =	shalt  }
0x65: {  	_ =	shalt  }
0x66: {  	_ =	shalt  }
0x67: {  	_ =	shalt  }
0x68: {  	_ =	shalt  }
0x69: {  	_ =	shalt  }
0x6a: {  	_ =	shalt  }
0x6b: {  	_ =	shalt  }
0x6c: {  	_ =	shalt  }
0x6d: {  	_ =	shalt  }
0x6e: {  	_ =	shalt  }
0x6f: {  	_ =	shalt  }
0x70: {  	_ =	shalt  }
0x71: {  	_ =	shalt  }
0x72: {  	_ =	shalt  }
0x73: {  	_ =	shalt  }
0x74: {  	_ =	shalt  }
0x75: {  	_ =	shalt  }
0x76: {  	_ =	shalt  }
0x77: {  	_ =	shalt  }
0x78: {  	_ =	shalt  }
0x79: {  	_ =	shalt  }
0x7a: {  	_ =	shalt  }
0x7b: {  	_ =	shalt  }
0x7c: {  	_ =	shalt  }
0x7d: {  	_ =	shalt  }
0x7e: {  	_ =	shalt  }
0x7f: {  	_ =	shalt  }
0x80: {  	_ =	shalt  }
0x81: {  	_ =	shalt  }
0x82: {  	_ =	shalt  }
0x83: {  	_ =	shalt  }
0x84: {  	_ =	shalt  }
0x85: {  	_ =	shalt  }
0x86: {  	_ =	shalt  }
0x87: {  	_ =	shalt  }
.Lfunc_end0:
.L_simem_size_0:
called_computation_lowered:
.L_overlay_start_0:
0x88: {  	s2 =	sld [smem:$0x3FD9]  }
0x89: {  	s3 =	sld [smem:$0x3FFE];
	_ =	sdelay $0x1  }
0x8a: {  	s1 =	srdreg.scid  }
0x8b: {  	s0 =	sand.u32 $0x1, s1  }
0x8c: {  	s17 =	sshll.u32 s0, $0xA;
	s2 =	sadd.s32 s3, s2  }
0x8d: {  	s2 =	sadd.s32 s2, s17  }
0x8e: {  	[smem:$0x3FC4] =	sst s2  }
0x8f: {  	_ = 	snop  }
0x90: {  	s2 =	sld [smem:$0x3FD0];
	(tm) =	ssettm $0x1  }
0x91: {  	s18 =	sld [smem:$0x3FFB];
	_ =	sdelay $0x3  }
0x92: {  	_ =	strace s18  }
0x93: {  	s3 =	sld [smem:$0x3FFC];
	_ =	sdelay $0x3  }
0x94: {  	_ =	strace s3  }
0x95: {  	s3 =	sld [smem:$0x3FFD];
	_ =	sdelay $0x3  }
0x96: {  	_ =	strace s3  }
0x97: {  	_ =	strace $0x8FFFFFFF  }
0x98: {  	s19 =	sld [smem:$0x3FDB];
	_ =	sdelay $0x1  }
0x99: {  	s4 =	simm.s32 $_scs_section_size  }
0x9a: {  	s5 =	simm.s32 $_size__tile_overlayer_lowered;
	s6 =	simm.s32 $_tile_overlayer_lowered  }
0x9b: {  	s22 =	simm.s32 $0x1BFF;
	s21 =	sshll.u32 s6, $0x1;
	s3 =	sadd.s32 s4, s19  }
0x9c: {  	s7 =	simm.s32 $0x0;
	s20 =	sshll.u32 s5, $0x1;
	s5 =	sadd.s32 s21, s3  }
0x9d: {  	[timem:s7], [sflag:s22] =	dma.local [hbm:s5], s20  }
0x9e: {  	_ =	swait.ge [sflag:s22], s20  }
0x9f: {  	s4 =	ssub.s32 $0x0, s20;
	[sflag:s22] =	ssyncset.done $0x0  }
0xa0: {  	[sflag:s22] =	ssyncadd.s32 s4;
	_ =	sdelay $0x1  }
0xa1: {  	s23 =	simm.s32 $0x1B8B  }
0xa2: {  	_ =	swait.ge [sflag:s23], $0x1  }
0xa3: {  	[sflag:s23] =	ssyncset.done $0x0  }
0xa4: {  	s25 =	simm.s32 $0x1B8E;
	s24 =	sld [smem:$0x3FFE];
	[sflag:s23] =	ssyncadd.s32 $0xFFFFFFFF  }
0xa5: {  	s26 =	simm.s32 $execute0_lowered;
	[smem:$0x3FD2] =	sst s25  }
0xa6: {  	s5 =	sshll.u32 s26, $0x1;
	_ =	strace $0x80000046;
	[dreg:$0x1] =	wrdreg $0xFFFFFFFF  }
0xa7: {  	s28 =	simm.s32 $_size_execute0_lowered;
	s3 =	sadd.s32 s3, s5;
	[dreg:$0x0] =	wrdreg $0x0  }
0xa8: {  	s5 =	sshll.u32 s28, $0x1;
	[dreg:$0x2] =	wrdreg s3  }
0xa9: {  	[dreg:$0x3] =	wrdreg s5  }
0xaa: {  	[dreg:$0x4] =	wrdreg $0xC0  }
0xab: {  	_ =	task [dreg:s7], $0x5FFFF  }
0xac: {  	[dreg:$0x1] =	wrdreg $0xFFFFFFFF  }
0xad: {  	[dreg:$0x0] =	wrdreg $0x60  }
0xae: {  	[dreg:$0x2] =	wrdreg s2  }
0xaf: {  	[dreg:$0x3] =	wrdreg s24  }
0xb0: {  	[dreg:$0x4] =	wrdreg $0x9  }
0xb1: {  	_ =	task.clear_ibuf [dreg:s7], $0x5FFFF;
	_ =	strace $0x90000046  }
0xb2: {  	s29 =	simm.s32 $0x9;
	_ =	strace $0x80000048  }
0xb3: {  	_ =	swait.ge [sflag:s29], $0x1  }
0xb4: {  	[sflag:s29] =	ssyncadd.s32 $0xFFFFFFFF  }
0xb5: {  	_ =	strace $0x90000048  }
0xb6: {  	_ =	sfence  }
0xb7: {  	s30 =	sld [smem:$0x0];
	_ =	sdelay $0x2  }
0xb8: {  	s31 =	sshll.u32 s1, $0xD;
	s1 =	sshrl.u32 s1, $0x2  }
0xb9: {  	s3 =	sand.u32 $0x4000, s31;
	s1 =	sadd.s32 s1, s30  }
0xba: {  	s0 =	sor.u32 s3, s0;
	s1 =	sshll.u32 s1, $0x11  }
0xbb: {  	s0 =	sor.u32 s1, s0  }
0xbc: {  	s0 =	sadd.s32 $0x8F2B, s0  }
0xbd: {  	[sflag:s0] =	ssyncadd.remote.s32 $0x1  }
0xbe: {  	_ =	sfence.sel $0xFFFF  }
0xbf: {  	[dreg:$0x0] =	wrdreg $0xFFFFFFFF;
	(pc) =	sbr.abs _section_cstart, $3  }
0xc0: {  	[dreg:$0x1] =	wrdreg $0xFFFFFFFF  }
0xc1: {  	_ =	task.clear_ibuf [dreg:s7], $0x2FFFF;
	_ =	strace $0x9FFFFFFF  }
0xc2: {  	(tm) =	ssettm $0x7FFFFFFF  }
0xc3: {  	_ =	shalt  }
tec
execute0_lowered:
.L_overlay_start_1:
0x0: {  	(tag) =	ssettag $0x1  }
0x1: {  	s0 =	srdreg.scid;
	s3 =	rddreg [dreg:$0x0]  }
0x2: {  	s5 =	rddreg [dreg:$0x1];
	s1 =	stileid.u32;
	s4 =	sand.u32 $0x1, s0  }
0x3: {  	s2 =	simm.s32 $0x0;
	s0 =	rddreg [dreg:$0x2];
	s6 =	sshll.u32 s4, $0x4  }
0x4: {  	[smem:$0x7FF] =	sst s2;
	s4 =	ssub.s32 $0x2, s4;
	s6 =	sor.u32 s1, s6  }
0x5: {  	_ =	strace $0x80000047;
	s8 =	sshrl.u32 s4, $0x1;
	s7 =	smul.u32 $0x4F0, s6  }
0x6: {  	s30 =	ssub.s32 s4, s8;
	s31 =	sshll.u32 s6, $0xB;
	s6 =	simm.s32 $0x1  }
0x7: {  	s8 =	simm.s32 $0x0;
	s3 =	sadd.s32 s3, s31;
	s5 =	sadd.s32 s7, s5  }
0x8: {  	v0 =	vimm.f32 $0.0e+00;
	v1 =	vimm.f32 $1.000000000e+00;
	s7 =	simm.s32 $0x4000;
	s4 =	sadd.s32 $0x2A00, s5;
	s5 =	smax.u32 s30, $0x1  }
.LBB2_1:
0x9: {  	s9 =	simm.s32 $0x40;
	s10 =	simm.s32 $0x0  }
.LBB2_2:
0xa: {  	p0 =	sne.s32 s9, $0x9C00;
	[tilespmem:s10+$0x4000] =	vst v0;
	s10 =	smov.u32 s9;
	s9 =	sadd.s32 $0x40, s9  }
.Ltmp0:
0xb: {  	(pc) =	sbr.rel @p0 .LBB2_2-.Ltmp0, $2  }
0xc: {  	_ =	sdelay $0x2  }
0xd: {  	s10 =	sshra.s32 s10, $0x2  }
0xe: {  	[tilespmem:s10+$0x4000] =	vst v0;
	s9 =	simm.s32 $0x0  }
0xf: {  	[tilespmem:s9], [sflag:$0x1] =	stream.linear.gather [hbm4b:s3+s9], $0x3E80, $0x38;
	[tilespmem:$0x6780] =	vst v63  }
0x10: {  	_ =	swait.ge [sflag:s6], $0x3E80  }
0x11: {  	[sflag:s6] =	ssyncset.done $0x0  }
0x12: {  	[sflag:s6] =	ssyncadd.s32 $0xFFFFC180  }
.LBB2_4:
0x13: {  	s10 =	sshra.s32 s9, $0x2  }
0x14: {  	v2 =	vld [tilespmem:s10+$0x0];
	_ =	sdelay $0x7  }
0x15: {  	[tilespmem:v2+s7+$0x0] =	vst.idx.add.f32.msk $0xffff, v1  }
0x16: {  	v2 =	vld [tilespmem:s10+$0x10];
	_ =	sdelay $0x7  }
0x17: {  	[tilespmem:v2+s7+$0x0] =	vst.idx.add.f32.msk $0xffff, v1  }
0x18: {  	v2 =	vld [tilespmem:s10+$0x20];
	_ =	sdelay $0x7  }
0x19: {  	[tilespmem:v2+s7+$0x0] =	vst.idx.add.f32.msk $0xffff, v1  }
0x1a: {  	v2 =	vld [tilespmem:s10+$0x30];
	_ =	sdelay $0x7  }
0x1b: {  	[tilespmem:v2+s7+$0x0] =	vst.idx.add.f32.msk $0xffff, v1  }
0x1c: {  	v2 =	vld [tilespmem:s10+$0x40];
	_ =	sdelay $0x2  }
0x1d: {  	p0 =	sne.s32 s9, $0xF800  }
.Ltmp1:
0x1e: {  	_ = 	snop;
	(pc) =	sbr.rel @p0 .LBB2_4-.Ltmp1, $2  }
0x1f: {  	_ =	sdelay $0x2  }
0x20: {  	s9 =	sadd.s32 $0x200, s9;
	[tilespmem:v2+s7+$0x0] =	vst.idx.add.f32.msk $0xffff, v1  }
0x21: {  	s8 =	sadd.s32 $0x1, s8  }
0x22: {  	p0 =	sne.s32 s8, s5  }
.Ltmp2:
0x23: {  	_ = 	snop;
	(pc) =	sbr.rel @p0 .LBB2_1-.Ltmp2, $4  }
0x24: {  	[hbm4b:s4+s2] =	stream.linear.scatter [tilespmem:s7], [sflag:$0x1], $0x2780, $0x38;
	[tilespmem:$0x6780] =	vst v63  }
0x25: {  	_ =	swait.ge [sflag:s6], $0x2780  }
0x26: {  	[sflag:s6] =	ssyncset.done $0x0  }
0x27: {  	[sflag:s6] =	ssyncadd.s32 $0xFFFFD880  }
0x28: {  	_ =	sfence.sel $0x180000  }
0x29: {  	[bflag:$0x0] =	sbarrier.arrive $0xFFFF  }
0x2a: {  	p0 =	sne.s32 s1, $0x0;
	_ =	strace $0x90000047  }
0x2b: {  	s0 =	sadd.s32 @!p0 $0x100000, s0;
	[bflag:$0x2] =	sbarrier.arrive $0xFFFF  }
0x2c: {  	[sflag:s0] =	ssyncadd.tile.s32 @!p0 $0x1;
	_ =	shalt  }
.Lfunc_end2:
_tile_overlayer_lowered:
.L_overlay_start_2:
0x2d: {  	(tag) =	ssettag $0x2  }
0x2e: {  	s0 =	rddreg [dreg:$0x0];
	s2 =	stileid.u32  }
0x2f: {  	s1 =	rddreg [dreg:$0x1];
	p0 =	sne.s32 s2, $0x0  }
0x30: {  	s3 =	rddreg [dreg:$0x2];
	[bflag:$0x3] =	sbarrier.arrive $0xFFFF;
	s2 =	simm.s32 @!p0 $0x1C01  }
0x31: {  	[timem:s3], [sflag:s2] =	dma.local @!p0 [hbm:s0], s1  }
0x32: {  	s0 =	simm.s32 @!p0 $0x1  }
0x33: {  	_ =	swait.ge @!p0 [sflag:s0], s1  }
0x34: {  	s1 =	ssub.s32 @!p0 $0x0, s1;
	[sflag:s0] =	ssyncset.done @!p0 $0x0  }
0x35: {  	[sflag:s0] =	ssyncadd.s32 @!p0 s1  }
0x36: {  	[bflag:$0x3] =	sbarrier.arrive $0xFFFF  }
0x37: {  	_ =	shalt  }

// kernel: kernel.13.cloned.1.call-start
scs
__scs_entry_jumppad:
0x0: {  	(pc) =	sbr.rel $0x88, $3  }
0x1: {  	(tag) =	ssettag $0x0;
	lr =	simm.s32 $0x1  }
0x2: {  	[smem:$0x3F9D] =	sst lr;
	_ =	strace $0xD0000000  }
0x3: {  	_ = 	snop  }
0x4: {  	_ = 	snop  }
0x5: {  	_ = 	snop  }
0x6: {  	_ = 	snop  }
0x7: {  	_ = 	snop  }
__scs_overlays_trampoline_lowered:
0x8: {  	[smem:$0x3FAC] =	sst s0  }
0x9: {  	[smem:$0x3FAD] =	sst s1  }
0xa: {  	[smem:$0x3FAE] =	sst s2  }
0xb: {  	[smem:$0x3FAF] =	sst s3  }
0xc: {  	[smem:$0x3FB0] =	sst s4  }
0xd: {  	[smem:$0x3FB1] =	sst s5  }
0xe: {  	[smem:$0x3FB2] =	sst s6  }
0xf: {  	[smem:$0x3FB3] =	sst s7  }
0x10: {  	[smem:$0x3FB4] =	sst s8  }
0x11: {  	[smem:$0x3FB5] =	sst s9;
	s0 =	simm.s32 @!p0 $0x0  }
0x12: {  	s1 =	sld [smem:$0x3F9B];
	s0 =	simm.s32 @p0 $0x1  }
0x13: {  	[smem:$0x3FB6] =	sst s0;
	s0 =	simm.s32 @!p1 $0x0  }
0x14: {  	s2 =	sld [smem:$0x3F9A];
	s0 =	simm.s32 @p1 $0x1  }
0x15: {  	[smem:$0x3FB7] =	sst s0;
	s0 =	simm.s32 @!p2 $0x0  }
0x16: {  	s3 =	sld [smem:$0x3FDB];
	s0 =	simm.s32 @p2 $0x1  }
0x17: {  	s4 =	simm.s32 $0x1BF5;
	[smem:$0x3FB9] =	sst s0  }
0x18: {  	s0 =	sld [smem:$0x3F9C];
	_ =	swait.ge [sflag:s4], $0x0  }
0x19: {  	s7 =	sld [smem:$0x3F9D]  }
0x1a: {  	s8 =	sadd.s32 $0xFFFFE003, lr  }
0x1b: {  	s9 =	sadd.s32 $0xFFFFFEF7, lr;
	s5 =	simm.s32 $0xFFFFFFFF;
	p2 =	slt.u32 s8, $0xFFFFF086  }
0x1c: {  	p1 =	slt.u32 s9, $0xF7A;
	s5 =	simm.s32 @!p2 $0x0  }
0x1d: {  	s5 =	simm.s32 @p1 $0x1;
	p0 =	seq.s32 s7, s2  }
0x1e: {  	s7 =	smul.u32 @!p0 $0xF7A, s2;
	p2 =	seq.s32 @!p0 s5, $0x0  }
0x1f: {  	s9 =	smul.u32 $0xF7A, s1;
	s8 =	simm.s32 @!p0 $0x1BF5;
	p2 =	por !p2, p0  }
0x20: {  	[sflag:s8] =	ssyncset.s32 @!p0 $0xFFFFF086;
	s6 =	sadd.s32 @!p0 s3, s7;
	s7 =	simm.s32 @!p0 $0x108  }
0x21: {  	s3 =	sadd.s32 s3, s9;
	s6 =	sadd.s32 @!p0 $0x88, s6;
	s7 =	simm.s32 @p2 $0x1082  }
0x22: {  	[simem:s7], [sflag:s8] =	dma.local @!p0 [hbm:s6], $0xF7A  }
0x23: {  	s9 =	sor.u32 $0xD0000000, s2;
	s6 =	simm.s32 $0x108;
	_ =	swait.ge @!p0 [sflag:s8], $0x0  }
0x24: {  	s3 =	sadd.s32 $0x88, s3;
	s6 =	simm.s32 @!p1 $0x1082;
	[sflag:s4] =	ssyncset.s32 $0xFFFFF086  }
0x25: {  	[simem:s6], [sflag:s4] =	dma.local [hbm:s3], $0xF7A  }
0x26: {  	[smem:$0x3F9D] =	sst s1;
	(tag) =	ssettag s2;
	_ =	strace s9  }
0x27: {  	s1 =	sld [smem:$0x3FAD]  }
0x28: {  	s2 =	sld [smem:$0x3FAE]  }
0x29: {  	s4 =	sld [smem:$0x3FB0]  }
0x2a: {  	p0 =	seq.s32 s5, $0x0;
	s5 =	sld [smem:$0x3FB1]  }
0x2b: {  	s6 =	sld [smem:$0x3FB2]  }
0x2c: {  	s7 =	sld [smem:$0x3FB3]  }
0x2d: {  	s3 =	simm.s32 $0x108;
	s8 =	sld [smem:$0x3FB4]  }
0x2e: {  	s3 =	simm.s32 @!p0 $0x1082;
	s9 =	sld [smem:$0x3FB5]  }
0x2f: {  	lr =	sadd.s32 s0, s3;
	s0 =	sld [smem:$0x3FAC]  }
0x30: {  	s3 =	sld [smem:$0x3FAF]  }
0x31: {  	[smem:$0x3FB8] =	sst s10  }
0x32: {  	s10 =	sld [smem:$0x3FB6];
	_ =	sdelay $0x3  }
0x33: {  	p0 =	seq.s32 s10, $0x1;
	s10 =	sld [smem:$0x3FB8];
	_ =	sdelay $0x3  }
0x34: {  	[smem:$0x3FB8] =	sst s10  }
0x35: {  	s10 =	sld [smem:$0x3FB7];
	_ =	sdelay $0x3  }
0x36: {  	p1 =	seq.s32 s10, $0x1;
	s10 =	sld [smem:$0x3FB8];
	_ =	sdelay $0x3  }
0x37: {  	[smem:$0x3FB8] =	sst s10  }
0x38: {  	s10 =	sld [smem:$0x3FB9]  }
0x39: {  	_ = 	snop;
	(pc) =	sbr.ind lr, $3  }
0x3a: {  	_ = 	snop  }
0x3b: {  	_ = 	snop  }
0x3c: {  	p2 =	seq.s32 s10, $0x1;
	s10 =	sld [smem:$0x3FB8]  }
0x3d: {  	_ =	shalt  }
0x3e: {  	_ =	shalt  }
0x3f: {  	_ =	shalt  }
0x40: {  	_ =	shalt  }
0x41: {  	_ =	shalt  }
0x42: {  	_ =	shalt  }
0x43: {  	_ =	shalt  }
0x44: {  	_ =	shalt  }
0x45: {  	_ =	shalt  }
0x46: {  	_ =	shalt  }
0x47: {  	_ =	shalt  }
0x48: {  	_ =	shalt  }
0x49: {  	_ =	shalt  }
0x4a: {  	_ =	shalt  }
0x4b: {  	_ =	shalt  }
0x4c: {  	_ =	shalt  }
0x4d: {  	_ =	shalt  }
0x4e: {  	_ =	shalt  }
0x4f: {  	_ =	shalt  }
0x50: {  	_ =	shalt  }
0x51: {  	_ =	shalt  }
0x52: {  	_ =	shalt  }
0x53: {  	_ =	shalt  }
0x54: {  	_ =	shalt  }
0x55: {  	_ =	shalt  }
0x56: {  	_ =	shalt  }
0x57: {  	_ =	shalt  }
0x58: {  	_ =	shalt  }
0x59: {  	_ =	shalt  }
0x5a: {  	_ =	shalt  }
0x5b: {  	_ =	shalt  }
0x5c: {  	_ =	shalt  }
0x5d: {  	_ =	shalt  }
0x5e: {  	_ =	shalt  }
0x5f: {  	_ =	shalt  }
0x60: {  	_ =	shalt  }
0x61: {  	_ =	shalt  }
0x62: {  	_ =	shalt  }
0x63: {  	_ =	shalt  }
0x64: {  	_ =	shalt  }
0x65: {  	_ =	shalt  }
0x66: {  	_ =	shalt  }
0x67: {  	_ =	shalt  }
0x68: {  	_ =	shalt  }
0x69: {  	_ =	shalt  }
0x6a: {  	_ =	shalt  }
0x6b: {  	_ =	shalt  }
0x6c: {  	_ =	shalt  }
0x6d: {  	_ =	shalt  }
0x6e: {  	_ =	shalt  }
0x6f: {  	_ =	shalt  }
0x70: {  	_ =	shalt  }
0x71: {  	_ =	shalt  }
0x72: {  	_ =	shalt  }
0x73: {  	_ =	shalt  }
0x74: {  	_ =	shalt  }
0x75: {  	_ =	shalt  }
0x76: {  	_ =	shalt  }
0x77: {  	_ =	shalt  }
0x78: {  	_ =	shalt  }
0x79: {  	_ =	shalt  }
0x7a: {  	_ =	shalt  }
0x7b: {  	_ =	shalt  }
0x7c: {  	_ =	shalt  }
0x7d: {  	_ =	shalt  }
0x7e: {  	_ =	shalt  }
0x7f: {  	_ =	shalt  }
0x80: {  	_ =	shalt  }
0x81: {  	_ =	shalt  }
0x82: {  	_ =	shalt  }
0x83: {  	_ =	shalt  }
0x84: {  	_ =	shalt  }
0x85: {  	_ =	shalt  }
0x86: {  	_ =	shalt  }
0x87: {  	_ =	shalt  }
.Lfunc_end0:
.L_simem_size_0:
called_computation.1_lowered:
.L_overlay_start_0:
0x88: {  	s2 =	sld [smem:$0x3FD9]  }
0x89: {  	s3 =	sld [smem:$0x3FFE];
	_ =	sdelay $0x1  }
0x8a: {  	s1 =	srdreg.scid  }
0x8b: {  	s0 =	sand.u32 $0x1, s1  }
0x8c: {  	s17 =	sshll.u32 s0, $0xA;
	s2 =	sadd.s32 s3, s2  }
0x8d: {  	s2 =	sadd.s32 s2, s17  }
0x8e: {  	[smem:$0x3FC4] =	sst s2  }
0x8f: {  	_ = 	snop  }
0x90: {  	s2 =	sld [smem:$0x3FD0];
	(tm) =	ssettm $0x1  }
0x91: {  	s18 =	sld [smem:$0x3FFB];
	_ =	sdelay $0x3  }
0x92: {  	_ =	strace s18  }
0x93: {  	s3 =	sld [smem:$0x3FFC];
	_ =	sdelay $0x3  }
0x94: {  	_ =	strace s3  }
0x95: {  	s3 =	sld [smem:$0x3FFD];
	_ =	sdelay $0x3  }
0x96: {  	_ =	strace s3  }
0x97: {  	_ =	strace $0x8FFFFFFF  }
0x98: {  	s19 =	sld [smem:$0x3FDB];
	_ =	sdelay $0x1  }
0x99: {  	s4 =	simm.s32 $_scs_section_size  }
0x9a: {  	s5 =	simm.s32 $_size__tile_overlayer_lowered;
	s6 =	simm.s32 $_tile_overlayer_lowered  }
0x9b: {  	s22 =	simm.s32 $0x1BFF;
	s21 =	sshll.u32 s6, $0x1;
	s3 =	sadd.s32 s4, s19  }
0x9c: {  	s7 =	simm.s32 $0x0;
	s20 =	sshll.u32 s5, $0x1;
	s5 =	sadd.s32 s21, s3  }
0x9d: {  	[timem:s7], [sflag:s22] =	dma.local [hbm:s5], s20  }
0x9e: {  	_ =	swait.ge [sflag:s22], s20  }
0x9f: {  	s4 =	ssub.s32 $0x0, s20;
	[sflag:s22] =	ssyncset.done $0x0  }
0xa0: {  	[sflag:s22] =	ssyncadd.s32 s4;
	_ =	sdelay $0x1  }
0xa1: {  	s23 =	simm.s32 $0x1B8B  }
0xa2: {  	_ =	swait.ge [sflag:s23], $0x1  }
0xa3: {  	[sflag:s23] =	ssyncset.done $0x0  }
0xa4: {  	s25 =	simm.s32 $0x1B8E;
	s24 =	sld [smem:$0x3FFE];
	[sflag:s23] =	ssyncadd.s32 $0xFFFFFFFF  }
0xa5: {  	s26 =	simm.s32 $execute0_lowered;
	[smem:$0x3FD2] =	sst s25  }
0xa6: {  	s5 =	sshll.u32 s26, $0x1;
	_ =	strace $0x80000049;
	[dreg:$0x1] =	wrdreg $0xFFFFFFFF  }
0xa7: {  	s28 =	simm.s32 $_size_execute0_lowered;
	s3 =	sadd.s32 s3, s5;
	[dreg:$0x0] =	wrdreg $0x0  }
0xa8: {  	s5 =	sshll.u32 s28, $0x1;
	[dreg:$0x2] =	wrdreg s3  }
0xa9: {  	[dreg:$0x3] =	wrdreg s5  }
0xaa: {  	[dreg:$0x4] =	wrdreg $0xC0  }
0xab: {  	_ =	task [dreg:s7], $0x5FFFF  }
0xac: {  	[dreg:$0x1] =	wrdreg $0xFFFFFFFF  }
0xad: {  	[dreg:$0x0] =	wrdreg $0x60  }
0xae: {  	[dreg:$0x2] =	wrdreg s2  }
0xaf: {  	[dreg:$0x3] =	wrdreg s24  }
0xb0: {  	[dreg:$0x4] =	wrdreg $0x90000  }
0xb1: {  	[dreg:$0x5] =	wrdreg $0x9  }
0xb2: {  	_ =	task.clear_ibuf [dreg:s7], $0x6FFFF;
	_ =	strace $0x90000049  }
0xb3: {  	s29 =	simm.s32 $0x9;
	_ =	strace $0x8000004B  }
0xb4: {  	_ =	swait.ge [sflag:s29], $0x1  }
0xb5: {  	[sflag:s29] =	ssyncadd.s32 $0xFFFFFFFF  }
0xb6: {  	_ =	strace $0x9000004B  }
0xb7: {  	_ =	sfence  }
0xb8: {  	s30 =	sld [smem:$0x0];
	_ =	sdelay $0x2  }
0xb9: {  	s31 =	sshll.u32 s1, $0xD;
	s1 =	sshrl.u32 s1, $0x2  }
0xba: {  	s3 =	sand.u32 $0x4000, s31;
	s1 =	sadd.s32 s1, s30  }
0xbb: {  	s0 =	sor.u32 s3, s0;
	s1 =	sshll.u32 s1, $0x11  }
0xbc: {  	s0 =	sor.u32 s1, s0  }
0xbd: {  	s0 =	sadd.s32 $0x8F2B, s0  }
0xbe: {  	[sflag:s0] =	ssyncadd.remote.s32 $0x1  }
0xbf: {  	_ =	sfence.sel $0xFFFF  }
0xc0: {  	[dreg:$0x0] =	wrdreg $0xFFFFFFFF;
	(pc) =	sbr.abs _section_cstart, $3  }
0xc1: {  	[dreg:$0x1] =	wrdreg $0xFFFFFFFF  }
0xc2: {  	_ =	task.clear_ibuf [dreg:s7], $0x2FFFF;
	_ =	strace $0x9FFFFFFF  }
0xc3: {  	(tm) =	ssettm $0x7FFFFFFF  }
tec
execute0_lowered:
.L_overlay_start_1:
0x0: {  	(tag) =	ssettag $0x1  }
0x1: {  	s1 =	srdreg.scid;
	s12 =	stileid.u32  }
0x2: {  	s0 =	rddreg [dreg:$0x0];
	s1 =	sand.u32 $0x1, s1;
	s8 =	smul.u32 $0x4E000, s12  }
0x3: {  	s2 =	rddreg [dreg:$0x1];
	s9 =	ssub.s32 $0x2, s1  }
0x4: {  	s3 =	rddreg [dreg:$0x2];
	s10 =	sshrl.u32 s9, $0x1;
	s8 =	sshrl.u32 s8, $0x2  }
0x5: {  	s4 =	simm.s32 $0x0;
	s10 =	ssub.s32 s9, s10;
	s9 =	sadd.s32 s8, s3  }
0x6: {  	[smem:$0x7FF] =	sst s4;
	s14 =	sadd.s32 $0x800, s9  }
0x7: {  	_ =	strace $0x8000004A;
	s15 =	sadd.s32 $0x1000, s9;
	[dreg:$0x6] =	wrdreg s14  }
0x8: {  	s6 =	sadd.s32 $0x25800, s2;
	s16 =	sadd.s32 $0x1800, s9;
	[dreg:$0x7] =	wrdreg s15  }
0x9: {  	s7 =	sadd.s32 $0xC800, s2;
	s17 =	sadd.s32 $0x2000, s9;
	[dreg:$0x8] =	wrdreg s16  }
0xa: {  	s2 =	sadd.s32 $0x3E800, s2;
	s18 =	sadd.s32 $0x2800, s9;
	[dreg:$0x9] =	wrdreg s17  }
0xb: {  	s20 =	smul.u32 $0x13800, s12;
	s19 =	sadd.s32 $0x3000, s9;
	[dreg:$0xa] =	wrdreg s18  }
0xc: {  	p0 =	sne.s32 s12, $0xF;
	s21 =	sadd.s32 $0x3800, s9;
	[dreg:$0xb] =	wrdreg s19  }
0xd: {  	s5 =	sshll.u32 s1, $0x4;
	s22 =	sadd.s32 $0x4000, s9;
	[dreg:$0xc] =	wrdreg s21  }
0xe: {  	s1 =	smul.u32 $0x138800, s1;
	s23 =	sadd.s32 $0x4800, s9;
	[dreg:$0xd] =	wrdreg s22  }
0xf: {  	s5 =	sor.u32 s12, s5;
	s24 =	sadd.s32 $0x5000, s9;
	[dreg:$0xe] =	wrdreg s23  }
0x10: {  	s8 =	sadd.s32 s20, s1;
	s25 =	sadd.s32 $0x5800, s9;
	[dreg:$0xf] =	wrdreg s24  }
0x11: {  	s1 =	sshrl.u32 s1, $0x3;
	s12 =	sadd.s32 $0x8000, s9;
	[dreg:$0x10] =	wrdreg s25  }
0x12: {  	s8 =	sshrl.u32 s8, $0x3;
	s20 =	sadd.s32 $0xC000, s9;
	[dreg:$0x18] =	wrdreg s12  }
0x13: {  	s1 =	sadd.s32 s2, s1;
	s2 =	sadd.s32 s2, s8;
	[smem:$0x7F7] =	sst s20  }
0x14: {  	s1 =	sadd.s32 $0x27000, s1;
	[dreg:$0x11] =	wrdreg s2  }
0x15: {  	s8 =	sadd.s32 $0x6800, s9;
	[dreg:$0x13] =	wrdreg s1  }
0x16: {  	s14 =	sadd.s32 $0x9000, s9;
	[dreg:$0x15] =	wrdreg s8  }
0x17: {  	s15 =	sadd.s32 $0x9800, s9;
	[dreg:$0x1a] =	wrdreg s14  }
0x18: {  	s16 =	sadd.s32 $0xA000, s9;
	[dreg:$0x1b] =	wrdreg s15  }
0x19: {  	s30 =	simm.s32 $0x9;
	s17 =	sadd.s32 $0xA800, s9;
	[dreg:$0x1c] =	wrdreg s16  }
0x1a: {  	s31 =	simm.s32 $0x50;
	s18 =	sadd.s32 $0xB000, s9;
	[dreg:$0x1d] =	wrdreg s17  }
0x1b: {  	s29 =	sadd.s32 $0x138000, s3;
	s19 =	sadd.s32 $0xB800, s9;
	[dreg:$0x1e] =	wrdreg s18  }
0x1c: {  	s5 =	smul.u32 $0x6400, s5;
	s21 =	sadd.s32 $0xC800, s9;
	[dreg:$0x1f] =	wrdreg s19  }
0x1d: {  	s28 =	sadd.s32 $0x13000, s9;
	s22 =	sadd.s32 $0xD000, s9;
	[smem:$0x7F8] =	sst s21  }
0x1e: {  	s11 =	sshrl.u32 s5, $0x3;
	s23 =	sadd.s32 $0xD800, s9;
	[smem:$0x7F9] =	sst s22  }
0x1f: {  	s24 =	sadd.s32 $0xE000, s9;
	s25 =	sadd.s32 $0xE800, s9;
	[smem:$0x7FA] =	sst s23  }
0x20: {  	s20 =	sadd.s32 $0xF800, s9;
	s26 =	sadd.s32 s6, s11;
	[smem:$0x7FB] =	sst s24  }
0x21: {  	s13 =	sadd.s32 s7, s11;
	s2 =	smax.u32 s10, $0x1;
	[smem:$0x7FC] =	sst s25  }
0x22: {  	s10 =	sadd.s32 $0x7000, s9;
	s11 =	sadd.s32 $0x7800, s9;
	[dreg:$0x4] =	wrdreg s26  }
0x23: {  	s21 =	sadd.s32 $0x10000, s9;
	s22 =	sadd.s32 $0x10800, s9;
	[dreg:$0x5] =	wrdreg s13  }
0x24: {  	s23 =	sadd.s32 $0x11000, s9;
	s24 =	sadd.s32 $0x11800, s9;
	[dreg:$0x14] =	wrdreg s2  }
.Ltmp0:
0x25: {  	s25 =	sadd.s32 $0x12000, s9;
	[dreg:$0x16] =	wrdreg s10;
	(pc) =	sbr.rel .LBB2_1-.Ltmp0, $4  }
0x26: {  	s1 =	simm.s32 $0x8800;
	s26 =	sadd.s32 $0x6000, s9;
	[dreg:$0x17] =	wrdreg s11  }
0x27: {  	s8 =	simm.s32 $0x5;
	s13 =	sadd.s32 $0x8800, s9;
	[dreg:$0x12] =	wrdreg s26  }
0x28: {  	s2 =	simm.s32 $0x7;
	[dreg:$0x19] =	wrdreg s13;
	s26 =	sadd.s32 $0xF000, s9  }
0x29: {  	v0 =	vimm.f32 $0.0e+00;
	s10 =	simm.s32 $0x0;
	[smem:$0x7FD] =	sst s26;
	s26 =	sadd.s32 $0x12800, s9  }
.LBB2_13:
0x2a: {  	_ =	swait.ge [sflag:s8], $0x2800  }
0x2b: {  	[sflag:s8] =	ssyncset.done $0x0  }
0x2c: {  	s11 =	stileid.u32;
	[sflag:s8] =	ssyncadd.s32 $0xFFFFD800  }
0x2d: {  	s11 =	sshll.u32 s11, $0x6;
	[bflag:$0x0] =	sbarrier.arrive $0xFFFF  }
0x2e: {  	s12 =	sshrl.u32 s9, $0x3;
	s11 =	sor.u32 $0x1C09, s11;
	s13 =	rddreg [dreg:$0x11]  }
0x2f: {  	[hbm:s13], [sflag:s11] =	dma.local [spmem:s12], $0x2700  }
0x30: {  	_ =	swait.ge [sflag:s30], $0x2700  }
0x31: {  	[sflag:s30] =	ssyncset.done $0x0  }
0x32: {  	s12 =	sshrl.u32 @!p0 s29, $0x3;
	s13 =	rddreg [dreg:$0x13];
	[sflag:s30] =	ssyncadd.s32 $0xFFFFD900  }
0x33: {  	[hbm:s13], [sflag:s11] =	dma.local @!p0 [spmem:s12], $0x100  }
0x34: {  	s11 =	simm.s32 @!p0 $0x9  }
0x35: {  	_ =	swait.ge @!p0 [sflag:s11], $0x100  }
0x36: {  	s10 =	sadd.s32 $0x1, s10;
	s19 =	rddreg [dreg:$0x14]  }
0x37: {  	p1 =	sne.s32 s10, s19  }
.Ltmp1:
0x38: {  	_ = 	snop;
	(pc) =	sbr.rel @!p1 .LBB2_14-.Ltmp1, $3  }
0x39: {  	_ =	sdelay $0x1  }
0x3a: {  	[sflag:s11] =	ssyncset.done @!p0 $0x0  }
0x3b: {  	[sflag:s11] =	ssyncadd.s32 @!p0 $0xFFFFFF00  }
.LBB2_1:
0x3c: {  	s11 =	rddreg [dreg:$0x4]  }
0x3d: {  	[tilespmem:s4], [sflag:$0x9] =	stream.linear.gather [hbm4b:s11+s4], $0x280, $0x38;
	[tilespmem:$0x1C880] =	vst v63  }
0x3e: {  	_ =	swait.ge [sflag:s30], $0x280  }
0x3f: {  	[sflag:s30] =	ssyncset.done $0x0  }
0x40: {  	s12 =	simm.s32 $0x800;
	s16 =	rddreg [dreg:$0x5];
	[sflag:s30] =	ssyncadd.s32 $0xFFFFFD80  }
0x41: {  	[tilespmem:s12], [sflag:$0x9] =	stream.linear.gather [hbm4b:s16+s4], $0x280, $0x38;
	[tilespmem:$0x1C880] =	vst v63  }
0x42: {  	_ =	swait.ge [sflag:s30], $0x280  }
0x43: {  	[sflag:s30] =	ssyncset.done $0x0  }
0x44: {  	s17 =	simm.s32 $0x1000;
	s18 =	simm.s32 $0x80;
	[sflag:s30] =	ssyncadd.s32 $0xFFFFFD80  }
0x45: {  	[tilespmem:s17], [sflag:$0x1] =	stream.indirect.gather [hbm4b:s0+s31], $0x80, s4, s31, $0xb8;
	[tilespmem:$0x1C880] =	vst v63  }
0x46: {  	s19 =	simm.s32 $0x3800;
	s11 =	simm.s32 $0x0;
	s12 =	simm.s32 $0x200  }
0x47: {  	[tilespmem:s19], [sflag:$0x2] =	stream.indirect.gather [hbm4b:s0+s31], $0x80, s18, s31, $0xb8;
	[tilespmem:$0x1C880] =	vst v63  }
.LBB2_2:
0x48: {  	p1 =	sne.s32 s12, $0x1E00;
	[tilespmem:s11+$0x8870] =	vst v0  }
0x49: {  	[tilespmem:s11+$0x8800] =	vst v0  }
0x4a: {  	[tilespmem:s11+$0x8810] =	vst v0  }
.Ltmp2:
0x4b: {  	[tilespmem:s11+$0x8820] =	vst v0;
	(pc) =	sbr.rel @p1 .LBB2_2-.Ltmp2, $4  }
0x4c: {  	[tilespmem:s11+$0x8830] =	vst v0  }
0x4d: {  	[tilespmem:s11+$0x8840] =	vst v0  }
0x4e: {  	[tilespmem:s11+$0x8850] =	vst v0  }
0x4f: {  	[tilespmem:s11+$0x8860] =	vst v0;
	s11 =	sshra.s32 s12, $0x2;
	s12 =	sadd.s32 $0x200, s12  }
0x50: {  	[tilespmem:s11+$0x8870] =	vst v0  }
0x51: {  	[tilespmem:s11+$0x8800] =	vst v0  }
0x52: {  	[tilespmem:s11+$0x8810] =	vst v0  }
0x53: {  	[tilespmem:s11+$0x8820] =	vst v0  }
0x54: {  	[tilespmem:s11+$0x8830] =	vst v0  }
0x55: {  	[tilespmem:s11+$0x8840] =	vst v0  }
0x56: {  	[tilespmem:s11+$0x8850] =	vst v0  }
0x57: {  	[tilespmem:s11+$0x8860] =	vst v0;
	s14 =	rddreg [dreg:$0x6]  }
0x58: {  	[spmem:s9] =	stream.linear.scatter [tilespmem:s1], [sflag:$0x7], $0x800, $0x38;
	[tilespmem:$0x1C880] =	vst v63  }
0x59: {  	s15 =	rddreg [dreg:$0x7]  }
0x5a: {  	[spmem:s14] =	stream.linear.scatter [tilespmem:s1], [sflag:$0x7], $0x800, $0x38;
	[tilespmem:$0x1C880] =	vst v63  }
0x5b: {  	s16 =	rddreg [dreg:$0x8]  }
0x5c: {  	[spmem:s15] =	stream.linear.scatter [tilespmem:s1], [sflag:$0x7], $0x800, $0x38;
	[tilespmem:$0x1C880] =	vst v63  }
0x5d: {  	s17 =	rddreg [dreg:$0x9]  }
0x5e: {  	[spmem:s16] =	stream.linear.scatter [tilespmem:s1], [sflag:$0x7], $0x800, $0x38;
	[tilespmem:$0x1C880] =	vst v63  }
0x5f: {  	s18 =	rddreg [dreg:$0xa]  }
0x60: {  	[spmem:s17] =	stream.linear.scatter [tilespmem:s1], [sflag:$0x7], $0x800, $0x38;
	[tilespmem:$0x1C880] =	vst v63  }
0x61: {  	s19 =	rddreg [dreg:$0xb]  }
0x62: {  	[spmem:s18] =	stream.linear.scatter [tilespmem:s1], [sflag:$0x7], $0x800, $0x38;
	[tilespmem:$0x1C880] =	vst v63  }
0x63: {  	s12 =	rddreg [dreg:$0xc]  }
0x64: {  	[spmem:s19] =	stream.linear.scatter [tilespmem:s1], [sflag:$0x7], $0x800, $0x38;
	[tilespmem:$0x1C880] =	vst v63  }
0x65: {  	s13 =	rddreg [dreg:$0xd]  }
0x66: {  	[spmem:s12] =	stream.linear.scatter [tilespmem:s1], [sflag:$0x7], $0x800, $0x38;
	[tilespmem:$0x1C880] =	vst v63  }
0x67: {  	s14 =	rddreg [dreg:$0xe]  }
0x68: {  	[spmem:s13] =	stream.linear.scatter [tilespmem:s1], [sflag:$0x7], $0x800, $0x38;
	[tilespmem:$0x1C880] =	vst v63  }
0x69: {  	s15 =	rddreg [dreg:$0xf]  }
0x6a: {  	[spmem:s14] =	stream.linear.scatter [tilespmem:s1], [sflag:$0x7], $0x800, $0x38;
	[tilespmem:$0x1C880] =	vst v63  }
0x6b: {  	s16 =	rddreg [dreg:$0x10]  }
0x6c: {  	[spmem:s15] =	stream.linear.scatter [tilespmem:s1], [sflag:$0x7], $0x800, $0x38;
	[tilespmem:$0x1C880] =	vst v63  }
0x6d: {  	s17 =	rddreg [dreg:$0x12]  }
0x6e: {  	[spmem:s16] =	stream.linear.scatter [tilespmem:s1], [sflag:$0x7], $0x800, $0x38;
	[tilespmem:$0x1C880] =	vst v63  }
0x6f: {  	s18 =	rddreg [dreg:$0x15]  }
0x70: {  	[spmem:s17] =	stream.linear.scatter [tilespmem:s1], [sflag:$0x7], $0x800, $0x38;
	[tilespmem:$0x1C880] =	vst v63  }
0x71: {  	s19 =	rddreg [dreg:$0x16]  }
0x72: {  	[spmem:s18] =	stream.linear.scatter [tilespmem:s1], [sflag:$0x7], $0x800, $0x38;
	[tilespmem:$0x1C880] =	vst v63  }
0x73: {  	s12 =	rddreg [dreg:$0x17]  }
0x74: {  	[spmem:s19] =	stream.linear.scatter [tilespmem:s1], [sflag:$0x7], $0x800, $0x38;
	[tilespmem:$0x1C880] =	vst v63  }
0x75: {  	s13 =	rddreg [dreg:$0x18]  }
0x76: {  	[spmem:s12] =	stream.linear.scatter [tilespmem:s1], [sflag:$0x7], $0x800, $0x38;
	[tilespmem:$0x1C880] =	vst v63  }
0x77: {  	s14 =	rddreg [dreg:$0x19]  }
0x78: {  	[spmem:s13] =	stream.linear.scatter [tilespmem:s1], [sflag:$0x7], $0x800, $0x38;
	[tilespmem:$0x1C880] =	vst v63  }
0x79: {  	s15 =	rddreg [dreg:$0x1a]  }
0x7a: {  	[spmem:s14] =	stream.linear.scatter [tilespmem:s1], [sflag:$0x7], $0x800, $0x38;
	[tilespmem:$0x1C880] =	vst v63  }
0x7b: {  	s16 =	rddreg [dreg:$0x1b]  }
0x7c: {  	[spmem:s15] =	stream.linear.scatter [tilespmem:s1], [sflag:$0x7], $0x800, $0x38;
	[tilespmem:$0x1C880] =	vst v63  }
0x7d: {  	s17 =	rddreg [dreg:$0x1c]  }
0x7e: {  	[spmem:s16] =	stream.linear.scatter [tilespmem:s1], [sflag:$0x7], $0x800, $0x38;
	[tilespmem:$0x1C880] =	vst v63  }
0x7f: {  	s18 =	rddreg [dreg:$0x1d]  }
0x80: {  	[spmem:s17] =	stream.linear.scatter [tilespmem:s1], [sflag:$0x7], $0x800, $0x38;
	[tilespmem:$0x1C880] =	vst v63  }
0x81: {  	s19 =	rddreg [dreg:$0x1e]  }
0x82: {  	[spmem:s18] =	stream.linear.scatter [tilespmem:s1], [sflag:$0x7], $0x800, $0x38;
	[tilespmem:$0x1C880] =	vst v63  }
0x83: {  	s12 =	rddreg [dreg:$0x1f]  }
0x84: {  	[spmem:s19] =	stream.linear.scatter [tilespmem:s1], [sflag:$0x7], $0x800, $0x38;
	[tilespmem:$0x1C880] =	vst v63  }
0x85: {  	s13 =	sld [smem:$0x7F7]  }
0x86: {  	[spmem:s12] =	stream.linear.scatter [tilespmem:s1], [sflag:$0x7], $0x800, $0x38;
	[tilespmem:$0x1C880] =	vst v63  }
0x87: {  	s14 =	sld [smem:$0x7F8]  }
0x88: {  	[spmem:s13] =	stream.linear.scatter [tilespmem:s1], [sflag:$0x7], $0x800, $0x38;
	[tilespmem:$0x1C880] =	vst v63  }
0x89: {  	s15 =	sld [smem:$0x7F9]  }
0x8a: {  	[spmem:s14] =	stream.linear.scatter [tilespmem:s1], [sflag:$0x7], $0x800, $0x38;
	[tilespmem:$0x1C880] =	vst v63  }
0x8b: {  	s16 =	sld [smem:$0x7FA]  }
0x8c: {  	[spmem:s15] =	stream.linear.scatter [tilespmem:s1], [sflag:$0x7], $0x800, $0x38;
	[tilespmem:$0x1C880] =	vst v63  }
0x8d: {  	s17 =	sld [smem:$0x7FB]  }
0x8e: {  	[spmem:s16] =	stream.linear.scatter [tilespmem:s1], [sflag:$0x7], $0x800, $0x38;
	[tilespmem:$0x1C880] =	vst v63  }
0x8f: {  	s18 =	sld [smem:$0x7FC]  }
0x90: {  	[spmem:s17] =	stream.linear.scatter [tilespmem:s1], [sflag:$0x7], $0x800, $0x38;
	[tilespmem:$0x1C880] =	vst v63  }
0x91: {  	s19 =	sld [smem:$0x7FD]  }
0x92: {  	[spmem:s18] =	stream.linear.scatter [tilespmem:s1], [sflag:$0x7], $0x800, $0x38;
	[tilespmem:$0x1C880] =	vst v63  }
0x93: {  	_ = 	snop  }
0x94: {  	[spmem:s19] =	stream.linear.scatter [tilespmem:s1], [sflag:$0x7], $0x800, $0x38;
	[tilespmem:$0x1C880] =	vst v63  }
0x95: {  	_ = 	snop  }
0x96: {  	[spmem:s20] =	stream.linear.scatter [tilespmem:s1], [sflag:$0x7], $0x800, $0x38;
	[tilespmem:$0x1C880] =	vst v63  }
0x97: {  	_ = 	snop  }
0x98: {  	[spmem:s21] =	stream.linear.scatter [tilespmem:s1], [sflag:$0x7], $0x800, $0x38;
	[tilespmem:$0x1C880] =	vst v63  }
0x99: {  	_ = 	snop  }
0x9a: {  	[spmem:s22] =	stream.linear.scatter [tilespmem:s1], [sflag:$0x7], $0x800, $0x38;
	[tilespmem:$0x1C880] =	vst v63  }
0x9b: {  	_ = 	snop  }
0x9c: {  	[spmem:s23] =	stream.linear.scatter [tilespmem:s1], [sflag:$0x7], $0x800, $0x38;
	[tilespmem:$0x1C880] =	vst v63  }
0x9d: {  	_ = 	snop  }
0x9e: {  	[spmem:s24] =	stream.linear.scatter [tilespmem:s1], [sflag:$0x7], $0x800, $0x38;
	[tilespmem:$0x1C880] =	vst v63  }
0x9f: {  	_ = 	snop  }
0xa0: {  	[spmem:s25] =	stream.linear.scatter [tilespmem:s1], [sflag:$0x7], $0x800, $0x38;
	[tilespmem:$0x1C880] =	vst v63  }
0xa1: {  	_ = 	snop  }
0xa2: {  	[spmem:s26] =	stream.linear.scatter [tilespmem:s1], [sflag:$0x7], $0x800, $0x38;
	[tilespmem:$0x1C880] =	vst v63  }
0xa3: {  	_ = 	snop  }
0xa4: {  	[spmem:s28] =	stream.linear.scatter [tilespmem:s1], [sflag:$0x7], $0x800, $0x38;
	[tilespmem:$0x1C880] =	vst v63  }
0xa5: {  	s11 =	simm.s32 @!p0 $0x8800  }
0xa6: {  	[spmem:s29] =	stream.linear.scatter @!p0 [tilespmem:s11], [sflag:$0x9], $0x800, $0x38;
	[tilespmem:$0x1C880] =	vst v63  }
0xa7: {  	s11 =	simm.s32 @!p0 $0x9  }
0xa8: {  	_ =	swait.ge @!p0 [sflag:s11], $0x800  }
0xa9: {  	[sflag:s11] =	ssyncset.done @!p0 $0x0  }
0xaa: {  	[sflag:s11] =	ssyncadd.s32 @!p0 $0xFFFFF800  }
0xab: {  	_ =	swait.ge [sflag:s2], $0x800  }
0xac: {  	[sflag:s2] =	ssyncset.done $0x0  }
0xad: {  	[sflag:s2] =	ssyncadd.s32 $0xFFFFF800  }
0xae: {  	_ =	swait.ge [sflag:s2], $0x800  }
0xaf: {  	[sflag:s2] =	ssyncset.done $0x0  }
0xb0: {  	[sflag:s2] =	ssyncadd.s32 $0xFFFFF800  }
0xb1: {  	_ =	swait.ge [sflag:s2], $0x800  }
0xb2: {  	[sflag:s2] =	ssyncset.done $0x0  }
0xb3: {  	[sflag:s2] =	ssyncadd.s32 $0xFFFFF800  }
0xb4: {  	_ =	swait.ge [sflag:s2], $0x800  }
0xb5: {  	[sflag:s2] =	ssyncset.done $0x0  }
0xb6: {  	[sflag:s2] =	ssyncadd.s32 $0xFFFFF800  }
0xb7: {  	_ =	swait.ge [sflag:s2], $0x800  }
0xb8: {  	[sflag:s2] =	ssyncset.done $0x0  }
0xb9: {  	[sflag:s2] =	ssyncadd.s32 $0xFFFFF800  }
0xba: {  	_ =	swait.ge [sflag:s2], $0x800  }
0xbb: {  	[sflag:s2] =	ssyncset.done $0x0  }
0xbc: {  	[sflag:s2] =	ssyncadd.s32 $0xFFFFF800  }
0xbd: {  	_ =	swait.ge [sflag:s2], $0x800  }
0xbe: {  	[sflag:s2] =	ssyncset.done $0x0  }
0xbf: {  	[sflag:s2] =	ssyncadd.s32 $0xFFFFF800  }
0xc0: {  	_ =	swait.ge [sflag:s2], $0x800  }
0xc1: {  	[sflag:s2] =	ssyncset.done $0x0  }
0xc2: {  	[sflag:s2] =	ssyncadd.s32 $0xFFFFF800  }
0xc3: {  	_ =	swait.ge [sflag:s2], $0x800  }
0xc4: {  	[sflag:s2] =	ssyncset.done $0x0  }
0xc5: {  	[sflag:s2] =	ssyncadd.s32 $0xFFFFF800  }
0xc6: {  	_ =	swait.ge [sflag:s2], $0x800  }
0xc7: {  	[sflag:s2] =	ssyncset.done $0x0  }
0xc8: {  	[sflag:s2] =	ssyncadd.s32 $0xFFFFF800  }
0xc9: {  	_ =	swait.ge [sflag:s2], $0x800  }
0xca: {  	[sflag:s2] =	ssyncset.done $0x0  }
0xcb: {  	[sflag:s2] =	ssyncadd.s32 $0xFFFFF800  }
0xcc: {  	_ =	swait.ge [sflag:s2], $0x800  }
0xcd: {  	[sflag:s2] =	ssyncset.done $0x0  }
0xce: {  	[sflag:s2] =	ssyncadd.s32 $0xFFFFF800  }
0xcf: {  	_ =	swait.ge [sflag:s2], $0x800  }
0xd0: {  	[sflag:s2] =	ssyncset.done $0x0  }
0xd1: {  	[sflag:s2] =	ssyncadd.s32 $0xFFFFF800  }
0xd2: {  	_ =	swait.ge [sflag:s2], $0x800  }
0xd3: {  	[sflag:s2] =	ssyncset.done $0x0  }
0xd4: {  	[sflag:s2] =	ssyncadd.s32 $0xFFFFF800  }
0xd5: {  	_ =	swait.ge [sflag:s2], $0x800  }
0xd6: {  	[sflag:s2] =	ssyncset.done $0x0  }
0xd7: {  	[sflag:s2] =	ssyncadd.s32 $0xFFFFF800  }
0xd8: {  	_ =	swait.ge [sflag:s2], $0x800  }
0xd9: {  	[sflag:s2] =	ssyncset.done $0x0  }
0xda: {  	[sflag:s2] =	ssyncadd.s32 $0xFFFFF800  }
0xdb: {  	_ =	swait.ge [sflag:s2], $0x800  }
0xdc: {  	[sflag:s2] =	ssyncset.done $0x0  }
0xdd: {  	[sflag:s2] =	ssyncadd.s32 $0xFFFFF800  }
0xde: {  	_ =	swait.ge [sflag:s2], $0x800  }
0xdf: {  	[sflag:s2] =	ssyncset.done $0x0  }
0xe0: {  	[sflag:s2] =	ssyncadd.s32 $0xFFFFF800  }
0xe1: {  	_ =	swait.ge [sflag:s2], $0x800  }
0xe2: {  	[sflag:s2] =	ssyncset.done $0x0  }
0xe3: {  	[sflag:s2] =	ssyncadd.s32 $0xFFFFF800  }
0xe4: {  	_ =	swait.ge [sflag:s2], $0x800  }
0xe5: {  	[sflag:s2] =	ssyncset.done $0x0  }
0xe6: {  	[sflag:s2] =	ssyncadd.s32 $0xFFFFF800  }
0xe7: {  	_ =	swait.ge [sflag:s2], $0x800  }
0xe8: {  	[sflag:s2] =	ssyncset.done $0x0  }
0xe9: {  	[sflag:s2] =	ssyncadd.s32 $0xFFFFF800  }
0xea: {  	_ =	swait.ge [sflag:s2], $0x800  }
0xeb: {  	[sflag:s2] =	ssyncset.done $0x0  }
0xec: {  	[sflag:s2] =	ssyncadd.s32 $0xFFFFF800  }
0xed: {  	_ =	swait.ge [sflag:s2], $0x800  }
0xee: {  	[sflag:s2] =	ssyncset.done $0x0  }
0xef: {  	[sflag:s2] =	ssyncadd.s32 $0xFFFFF800  }
0xf0: {  	_ =	swait.ge [sflag:s2], $0x800  }
0xf1: {  	[sflag:s2] =	ssyncset.done $0x0  }
0xf2: {  	[sflag:s2] =	ssyncadd.s32 $0xFFFFF800  }
0xf3: {  	_ =	swait.ge [sflag:s2], $0x800  }
0xf4: {  	[sflag:s2] =	ssyncset.done $0x0  }
0xf5: {  	[sflag:s2] =	ssyncadd.s32 $0xFFFFF800  }
0xf6: {  	_ =	swait.ge [sflag:s2], $0x800  }
0xf7: {  	[sflag:s2] =	ssyncset.done $0x0  }
0xf8: {  	[sflag:s2] =	ssyncadd.s32 $0xFFFFF800  }
0xf9: {  	_ =	swait.ge [sflag:s2], $0x800  }
0xfa: {  	[sflag:s2] =	ssyncset.done $0x0  }
0xfb: {  	[sflag:s2] =	ssyncadd.s32 $0xFFFFF800  }
0xfc: {  	_ =	swait.ge [sflag:s2], $0x800  }
0xfd: {  	[sflag:s2] =	ssyncset.done $0x0  }
0xfe: {  	[sflag:s2] =	ssyncadd.s32 $0xFFFFF800  }
0xff: {  	_ =	swait.ge [sflag:s2], $0x800  }
0x100: {  	[sflag:s2] =	ssyncset.done $0x0  }
0x101: {  	[sflag:s2] =	ssyncadd.s32 $0xFFFFF800  }
0x102: {  	_ =	swait.ge [sflag:s2], $0x800  }
0x103: {  	[sflag:s2] =	ssyncset.done $0x0  }
0x104: {  	[sflag:s2] =	ssyncadd.s32 $0xFFFFF800  }
0x105: {  	_ =	swait.ge [sflag:s2], $0x800  }
0x106: {  	[sflag:s2] =	ssyncset.done $0x0  }
0x107: {  	[sflag:s2] =	ssyncadd.s32 $0xFFFFF800  }
0x108: {  	_ =	swait.ge [sflag:s2], $0x800  }
0x109: {  	[sflag:s2] =	ssyncset.done $0x0  }
0x10a: {  	[sflag:s2] =	ssyncadd.s32 $0xFFFFF800  }
0x10b: {  	_ =	swait.ge [sflag:s2], $0x800  }
0x10c: {  	[sflag:s2] =	ssyncset.done $0x0  }
0x10d: {  	[sflag:s2] =	ssyncadd.s32 $0xFFFFF800  }
0x10e: {  	_ =	swait.ge [sflag:s2], $0x800  }
0x10f: {  	[sflag:s2] =	ssyncset.done $0x0  }
0x110: {  	[sflag:s2] =	ssyncadd.s32 $0xFFFFF800  }
0x111: {  	_ =	swait.ge [sflag:s2], $0x800  }
0x112: {  	[sflag:s2] =	ssyncset.done $0x0  }
0x113: {  	[sflag:s2] =	ssyncadd.s32 $0xFFFFF800  }
0x114: {  	_ =	swait.ge [sflag:s2], $0x800  }
0x115: {  	[sflag:s2] =	ssyncset.done $0x0  }
0x116: {  	[sflag:s2] =	ssyncadd.s32 $0xFFFFF800  }
0x117: {  	_ =	swait.ge [sflag:s2], $0x800  }
0x118: {  	[sflag:s2] =	ssyncset.done $0x0  }
0x119: {  	[sflag:s2] =	ssyncadd.s32 $0xFFFFF800  }
0x11a: {  	_ =	swait.ge [sflag:s2], $0x800  }
0x11b: {  	[sflag:s2] =	ssyncset.done $0x0  }
0x11c: {  	[sflag:s2] =	ssyncadd.s32 $0xFFFFF800  }
.Ltmp3:
0x11d: {  	_ =	swait.ge [sflag:s2], $0x800;
	(pc) =	sbr.rel .LBB2_4-.Ltmp3, $4  }
0x11e: {  	[sflag:s2] =	ssyncset.done $0x0  }
0x11f: {  	[sflag:s2] =	ssyncadd.s32 $0xFFFFF800  }
0x120: {  	[bflag:$0x0] =	sbarrier.arrive $0xFFFF  }
0x121: {  	s11 =	simm.s32 $0x0  }
.LBB2_7:
0x122: {  	p2 =	sne.s32 @!p1 s18, $0x1  }
0x123: {  	p2 =	por p1, p2  }
.Ltmp4:
0x124: {  	_ = 	snop;
	(pc) =	sbr.rel @p2 .LBB2_9-.Ltmp4, $1  }
0x125: {  	_ =	sdelay $0x3  }
0x126: {  	s18 =	sshll.u32 s19, $0xA  }
0x127: {  	s19 =	sshll.u32 s17, $0xA;
	s18 =	sadd.s32 s5, s18  }
0x128: {  	s19 =	sxor.u32 $0x400, s19;
	s18 =	sshrl.u32 s18, $0x3  }
0x129: {  	s19 =	sor.u32 $0x800, s19;
	s18 =	sadd.s32 s7, s18  }
0x12a: {  	[tilespmem:s19], [sflag:$0x8] =	stream.linear.gather [hbm4b:s18+s4], $0x280, $0x38;
	[tilespmem:$0x1C880] =	vst v63  }
.LBB2_11:
0x12b: {  	s15 =	smul.u32 $0xCD, s15;
	_ =	sdelay $0x1  }
0x12c: {  	s18 =	sshrl.u32 s15, $0xA  }
0x12d: {  	s18 =	smul.u32 $0x5, s18;
	_ =	sdelay $0x1  }
0x12e: {  	s19 =	smul.u32 $0xA000, s16;
	s13 =	ssub.s32 s13, s18  }
0x12f: {  	s13 =	sand.u32 $0xFF, s13  }
0x130: {  	s15 =	sand.u32 $0x400, s15;
	s18 =	sshrl.u32 s19, $0x2;
	s13 =	sshll.u32 s13, $0x7  }
0x131: {  	s19 =	sadd.s32 $0x1, s16;
	s18 =	sadd.s32 $0x1000, s18;
	s13 =	sor.u32 s13, s15  }
0x132: {  	[tilespmem:s18], [sflag:s19] =	stream.indirect.gather [hbm4b:s0+s31], $0x80, s13, s31, $0xb8;
	[tilespmem:$0x1C880] =	vst v63  }
.LBB2_12:
0x133: {  	s11 =	sadd.s32 $0x1, s11  }
0x134: {  	s18 =	smul.u32 $0xA000, s12;
	p1 =	sne.s32 s11, $0x7D  }
.Ltmp5:
0x135: {  	s13 =	sand.u32 $0xFF, s14;
	(pc) =	sbr.rel @!p1 .LBB2_13-.Ltmp5, $4  }
0x136: {  	s15 =	sshll.u32 s17, $0xA;
	s13 =	sshll.u32 s13, $0x7  }
0x137: {  	s14 =	sshrl.u32 s18, $0x2;
	s13 =	sadd.s32 s13, s15  }
0x138: {  	s19 =	sadd.s32 $0x4, s12;
	s14 =	sadd.s32 $0x1000, s14;
	s13 =	sadd.s32 $0x800, s13  }
0x139: {  	[spmem:s3] =	stream.indirect.scatter.add.f32 [tilespmem:s14], [sflag:s19], $0x80, s13, s31, $0xb8;
	[tilespmem:$0x1C880] =	vst v63  }
.LBB2_4:
0x13a: {  	s12 =	sand.u32 $0xFF, s11  }
0x13b: {  	s13 =	sadd.s32 $0x2, s11;
	s14 =	smul.u32 $0xAB, s12  }
0x13c: {  	s15 =	sand.u32 $0xFF, s13  }
0x13d: {  	s16 =	smul.u32 $0xAB, s15;
	s14 =	sshrl.u32 s14, $0x9  }
0x13e: {  	s14 =	smul.u32 $0x3, s14  }
0x13f: {  	s12 =	smul.u32 $0xCD, s12;
	s16 =	sshrl.u32 s16, $0x9  }
0x140: {  	s18 =	smul.u32 $0x3, s16;
	s17 =	ssub.s32 s11, s14  }
0x141: {  	s19 =	sshrl.u32 s12, $0xA;
	s12 =	sand.u32 $0xFF, s17  }
0x142: {  	s16 =	smul.u32 $0x5, s19;
	s17 =	ssub.s32 s13, s18;
	s18 =	sadd.s32 $0x1, s12  }
0x143: {  	_ =	swait.ge [sflag:s18], $0x2800  }
0x144: {  	p1 =	sgt.u32 s11, $0x77;
	s14 =	ssub.s32 s11, s16;
	[sflag:s18] =	ssyncset.done $0x0  }
0x145: {  	[sflag:s18] =	ssyncadd.s32 $0xFFFFD800;
	s18 =	sand.u32 @!p1 $0xFF, s14  }
0x146: {  	p3 =	sne.s32 @!p1 s18, $0x0  }
0x147: {  	p3 =	por p1, p3  }
.Ltmp6:
0x148: {  	p2 =	seq.s32 s11, $0x0;
	s16 =	sand.u32 $0xFF, s17;
	(pc) =	sbr.rel @p3 .LBB2_7-.Ltmp6, $4  }
0x149: {  	s17 =	sadd.s32 @!p2 $0x4, s16  }
0x14a: {  	_ =	swait.ge @!p2 [sflag:s17], $0x2800  }
0x14b: {  	[sflag:s17] =	ssyncset.done @!p2 $0x0  }
0x14c: {  	[sflag:s17] =	ssyncadd.s32 @!p2 $0xFFFFD800;
	s17 =	sand.u32 $0x1, s19;
	s19 =	sadd.s32 $0x1, s19  }
0x14d: {  	s18 =	sshll.u32 s19, $0xA  }
0x14e: {  	s18 =	sadd.s32 s5, s18  }
0x14f: {  	s19 =	sshll.u32 s17, $0xA;
	s18 =	sshrl.u32 s18, $0x3  }
0x150: {  	s19 =	sxor.u32 $0x400, s19;
	s18 =	sadd.s32 s6, s18  }
0x151: {  	[tilespmem:s19], [sflag:$0x7] =	stream.linear.gather [hbm4b:s18+s4], $0x280, $0x38;
	[tilespmem:$0x1C880] =	vst v63  }
.LBB2_6:
0x152: {  	p1 =	slt.u32 s11, $0x5  }
0x153: {  	s18 =	sand.u32 @!p1 $0xFF, s14  }
0x154: {  	p2 =	sne.s32 @!p1 s18, $0x0  }
0x155: {  	p1 =	por p2, p1;
	p2 =	sgt.u32 s11, $0x7A  }
.Ltmp7:
0x156: {  	_ = 	snop;
	(pc) =	sbr.rel @p2 .LBB2_12-.Ltmp7, $4  }
.Ltmp8:
0x157: {  	s18 =	simm.s32 @!p1 $0x8;
	(pc) =	sbr.rel @!p2 .LBB2_11-.Ltmp8, $4  }
0x158: {  	_ =	swait.ge @!p1 [sflag:s18], $0x280  }
0x159: {  	[sflag:s18] =	ssyncset.done @!p1 $0x0  }
0x15a: {  	[sflag:s18] =	ssyncadd.s32 @!p1 $0xFFFFFD80  }
0x15b: {  	_ = 	snop  }
.LBB2_9:
0x15c: {  	p2 =	sne.s32 @!p1 s18, $0x3  }
0x15d: {  	p1 =	por p1, p2  }
.Ltmp9:
0x15e: {  	_ = 	snop;
	(pc) =	sbr.rel @p1 .LBB2_6-.Ltmp9, $1  }
0x15f: {  	_ =	sdelay $0x3  }
.Ltmp10:
0x160: {  	(pc) =	sbr.rel .LBB2_11-.Ltmp10, $4  }
0x161: {  	_ = 	snop  }
0x162: {  	_ =	swait.ge [sflag:s2], $0x280  }
0x163: {  	[sflag:s2] =	ssyncset.done $0x0  }
0x164: {  	[sflag:s2] =	ssyncadd.s32 $0xFFFFFD80  }
.LBB2_14:
0x165: {  	_ =	sfence.sel $0x180000  }
0x166: {  	[bflag:$0x0] =	sbarrier.arrive $0xFFFF  }
0x167: {  	_ =	strace $0x9000004A  }
0x168: {  	s0 =	stileid.u32;
	[bflag:$0x2] =	sbarrier.arrive $0xFFFF  }
0x169: {  	p0 =	sne.s32 s0, $0x0;
	s0 =	rddreg [dreg:$0x3]  }
0x16a: {  	s0 =	sadd.s32 @!p0 $0x100000, s0  }
0x16b: {  	[sflag:s0] =	ssyncadd.tile.s32 @!p0 $0x1;
	_ =	shalt  }
.Lfunc_end2:
_tile_overlayer_lowered:
.L_overlay_start_2:
0x16c: {  	(tag) =	ssettag $0x2  }
0x16d: {  	s0 =	rddreg [dreg:$0x0];
	s2 =	stileid.u32  }
0x16e: {  	s1 =	rddreg [dreg:$0x1];
	p0 =	sne.s32 s2, $0x0  }
0x16f: {  	s3 =	rddreg [dreg:$0x2];
	[bflag:$0x3] =	sbarrier.arrive $0xFFFF;
	s2 =	simm.s32 @!p0 $0x1C09  }
0x170: {  	[timem:s3], [sflag:s2] =	dma.local @!p0 [hbm:s0], s1  }
0x171: {  	s0 =	simm.s32 @!p0 $0x9  }
0x172: {  	_ =	swait.ge @!p0 [sflag:s0], s1  }
0x173: {  	s1 =	ssub.s32 @!p0 $0x0, s1;
	[sflag:s0] =	ssyncset.done @!p0 $0x0  }
0x174: {  	[sflag:s0] =	ssyncadd.s32 @!p0 s1  }
0x175: {  	[bflag:$0x3] =	sbarrier.arrive $0xFFFF  }
0x176: {  	_ =	shalt  }

// kernel: kernel.16.cloned.1.call-start
scs
__scs_entry_jumppad:
0x0: {  	(pc) =	sbr.rel $0x88, $3  }
0x1: {  	(tag) =	ssettag $0x0;
	lr =	simm.s32 $0x1  }
0x2: {  	[smem:$0x3F9D] =	sst lr;
	_ =	strace $0xD0000000  }
0x3: {  	_ = 	snop  }
0x4: {  	_ = 	snop  }
0x5: {  	_ = 	snop  }
0x6: {  	_ = 	snop  }
0x7: {  	_ = 	snop  }
__scs_overlays_trampoline_lowered:
0x8: {  	[smem:$0x3FAC] =	sst s0  }
0x9: {  	[smem:$0x3FAD] =	sst s1  }
0xa: {  	[smem:$0x3FAE] =	sst s2  }
0xb: {  	[smem:$0x3FAF] =	sst s3  }
0xc: {  	[smem:$0x3FB0] =	sst s4  }
0xd: {  	[smem:$0x3FB1] =	sst s5  }
0xe: {  	[smem:$0x3FB2] =	sst s6  }
0xf: {  	[smem:$0x3FB3] =	sst s7  }
0x10: {  	[smem:$0x3FB4] =	sst s8  }
0x11: {  	[smem:$0x3FB5] =	sst s9;
	s0 =	simm.s32 @!p0 $0x0  }
0x12: {  	s1 =	sld [smem:$0x3F9B];
	s0 =	simm.s32 @p0 $0x1  }
0x13: {  	[smem:$0x3FB6] =	sst s0;
	s0 =	simm.s32 @!p1 $0x0  }
0x14: {  	s2 =	sld [smem:$0x3F9A];
	s0 =	simm.s32 @p1 $0x1  }
0x15: {  	[smem:$0x3FB7] =	sst s0;
	s0 =	simm.s32 @!p2 $0x0  }
0x16: {  	s3 =	sld [smem:$0x3FDB];
	s0 =	simm.s32 @p2 $0x1  }
0x17: {  	s4 =	simm.s32 $0x1BF5;
	[smem:$0x3FB9] =	sst s0  }
0x18: {  	s0 =	sld [smem:$0x3F9C];
	_ =	swait.ge [sflag:s4], $0x0  }
0x19: {  	s7 =	sld [smem:$0x3F9D]  }
0x1a: {  	s8 =	sadd.s32 $0xFFFFE003, lr  }
0x1b: {  	s9 =	sadd.s32 $0xFFFFFEF7, lr;
	s5 =	simm.s32 $0xFFFFFFFF;
	p2 =	slt.u32 s8, $0xFFFFF086  }
0x1c: {  	p1 =	slt.u32 s9, $0xF7A;
	s5 =	simm.s32 @!p2 $0x0  }
0x1d: {  	s5 =	simm.s32 @p1 $0x1;
	p0 =	seq.s32 s7, s2  }
0x1e: {  	s7 =	smul.u32 @!p0 $0xF7A, s2;
	p2 =	seq.s32 @!p0 s5, $0x0  }
0x1f: {  	s9 =	smul.u32 $0xF7A, s1;
	s8 =	simm.s32 @!p0 $0x1BF5;
	p2 =	por !p2, p0  }
0x20: {  	[sflag:s8] =	ssyncset.s32 @!p0 $0xFFFFF086;
	s6 =	sadd.s32 @!p0 s3, s7;
	s7 =	simm.s32 @!p0 $0x108  }
0x21: {  	s3 =	sadd.s32 s3, s9;
	s6 =	sadd.s32 @!p0 $0x88, s6;
	s7 =	simm.s32 @p2 $0x1082  }
0x22: {  	[simem:s7], [sflag:s8] =	dma.local @!p0 [hbm:s6], $0xF7A  }
0x23: {  	s9 =	sor.u32 $0xD0000000, s2;
	s6 =	simm.s32 $0x108;
	_ =	swait.ge @!p0 [sflag:s8], $0x0  }
0x24: {  	s3 =	sadd.s32 $0x88, s3;
	s6 =	simm.s32 @!p1 $0x1082;
	[sflag:s4] =	ssyncset.s32 $0xFFFFF086  }
0x25: {  	[simem:s6], [sflag:s4] =	dma.local [hbm:s3], $0xF7A  }
0x26: {  	[smem:$0x3F9D] =	sst s1;
	(tag) =	ssettag s2;
	_ =	strace s9  }
0x27: {  	s1 =	sld [smem:$0x3FAD]  }
0x28: {  	s2 =	sld [smem:$0x3FAE]  }
0x29: {  	s4 =	sld [smem:$0x3FB0]  }
0x2a: {  	p0 =	seq.s32 s5, $0x0;
	s5 =	sld [smem:$0x3FB1]  }
0x2b: {  	s6 =	sld [smem:$0x3FB2]  }
0x2c: {  	s7 =	sld [smem:$0x3FB3]  }
0x2d: {  	s3 =	simm.s32 $0x108;
	s8 =	sld [smem:$0x3FB4]  }
0x2e: {  	s3 =	simm.s32 @!p0 $0x1082;
	s9 =	sld [smem:$0x3FB5]  }
0x2f: {  	lr =	sadd.s32 s0, s3;
	s0 =	sld [smem:$0x3FAC]  }
0x30: {  	s3 =	sld [smem:$0x3FAF]  }
0x31: {  	[smem:$0x3FB8] =	sst s10  }
0x32: {  	s10 =	sld [smem:$0x3FB6];
	_ =	sdelay $0x3  }
0x33: {  	p0 =	seq.s32 s10, $0x1;
	s10 =	sld [smem:$0x3FB8];
	_ =	sdelay $0x3  }
0x34: {  	[smem:$0x3FB8] =	sst s10  }
0x35: {  	s10 =	sld [smem:$0x3FB7];
	_ =	sdelay $0x3  }
0x36: {  	p1 =	seq.s32 s10, $0x1;
	s10 =	sld [smem:$0x3FB8];
	_ =	sdelay $0x3  }
0x37: {  	[smem:$0x3FB8] =	sst s10  }
0x38: {  	s10 =	sld [smem:$0x3FB9]  }
0x39: {  	_ = 	snop;
	(pc) =	sbr.ind lr, $3  }
0x3a: {  	_ = 	snop  }
0x3b: {  	_ = 	snop  }
0x3c: {  	p2 =	seq.s32 s10, $0x1;
	s10 =	sld [smem:$0x3FB8]  }
0x3d: {  	_ =	shalt  }
0x3e: {  	_ =	shalt  }
0x3f: {  	_ =	shalt  }
0x40: {  	_ =	shalt  }
0x41: {  	_ =	shalt  }
0x42: {  	_ =	shalt  }
0x43: {  	_ =	shalt  }
0x44: {  	_ =	shalt  }
0x45: {  	_ =	shalt  }
0x46: {  	_ =	shalt  }
0x47: {  	_ =	shalt  }
0x48: {  	_ =	shalt  }
0x49: {  	_ =	shalt  }
0x4a: {  	_ =	shalt  }
0x4b: {  	_ =	shalt  }
0x4c: {  	_ =	shalt  }
0x4d: {  	_ =	shalt  }
0x4e: {  	_ =	shalt  }
0x4f: {  	_ =	shalt  }
0x50: {  	_ =	shalt  }
0x51: {  	_ =	shalt  }
0x52: {  	_ =	shalt  }
0x53: {  	_ =	shalt  }
0x54: {  	_ =	shalt  }
0x55: {  	_ =	shalt  }
0x56: {  	_ =	shalt  }
0x57: {  	_ =	shalt  }
0x58: {  	_ =	shalt  }
0x59: {  	_ =	shalt  }
0x5a: {  	_ =	shalt  }
0x5b: {  	_ =	shalt  }
0x5c: {  	_ =	shalt  }
0x5d: {  	_ =	shalt  }
0x5e: {  	_ =	shalt  }
0x5f: {  	_ =	shalt  }
0x60: {  	_ =	shalt  }
0x61: {  	_ =	shalt  }
0x62: {  	_ =	shalt  }
0x63: {  	_ =	shalt  }
0x64: {  	_ =	shalt  }
0x65: {  	_ =	shalt  }
0x66: {  	_ =	shalt  }
0x67: {  	_ =	shalt  }
0x68: {  	_ =	shalt  }
0x69: {  	_ =	shalt  }
0x6a: {  	_ =	shalt  }
0x6b: {  	_ =	shalt  }
0x6c: {  	_ =	shalt  }
0x6d: {  	_ =	shalt  }
0x6e: {  	_ =	shalt  }
0x6f: {  	_ =	shalt  }
0x70: {  	_ =	shalt  }
0x71: {  	_ =	shalt  }
0x72: {  	_ =	shalt  }
0x73: {  	_ =	shalt  }
0x74: {  	_ =	shalt  }
0x75: {  	_ =	shalt  }
0x76: {  	_ =	shalt  }
0x77: {  	_ =	shalt  }
0x78: {  	_ =	shalt  }
0x79: {  	_ =	shalt  }
0x7a: {  	_ =	shalt  }
0x7b: {  	_ =	shalt  }
0x7c: {  	_ =	shalt  }
0x7d: {  	_ =	shalt  }
0x7e: {  	_ =	shalt  }
0x7f: {  	_ =	shalt  }
0x80: {  	_ =	shalt  }
0x81: {  	_ =	shalt  }
0x82: {  	_ =	shalt  }
0x83: {  	_ =	shalt  }
0x84: {  	_ =	shalt  }
0x85: {  	_ =	shalt  }
0x86: {  	_ =	shalt  }
0x87: {  	_ =	shalt  }
.Lfunc_end0:
.L_simem_size_0:
called_computation.2_lowered:
.L_overlay_start_0:
0x88: {  	s2 =	sld [smem:$0x3FD9]  }
0x89: {  	s3 =	sld [smem:$0x3FFE];
	_ =	sdelay $0x1  }
0x8a: {  	s1 =	srdreg.scid  }
0x8b: {  	s0 =	sand.u32 $0x1, s1  }
0x8c: {  	s17 =	sshll.u32 s0, $0xA;
	s2 =	sadd.s32 s3, s2  }
0x8d: {  	s2 =	sadd.s32 s2, s17  }
0x8e: {  	[smem:$0x3FC4] =	sst s2  }
0x8f: {  	_ = 	snop  }
0x90: {  	s2 =	sld [smem:$0x3FD0];
	(tm) =	ssettm $0x1  }
0x91: {  	s18 =	sld [smem:$0x3FFB];
	_ =	sdelay $0x3  }
0x92: {  	_ =	strace s18  }
0x93: {  	s3 =	sld [smem:$0x3FFC];
	_ =	sdelay $0x3  }
0x94: {  	_ =	strace s3  }
0x95: {  	s3 =	sld [smem:$0x3FFD];
	_ =	sdelay $0x3  }
0x96: {  	_ =	strace s3  }
0x97: {  	_ =	strace $0x8FFFFFFF  }
0x98: {  	s19 =	sld [smem:$0x3FDB];
	_ =	sdelay $0x1  }
0x99: {  	s4 =	simm.s32 $_scs_section_size  }
0x9a: {  	s5 =	simm.s32 $_size__tile_overlayer_lowered;
	s6 =	simm.s32 $_tile_overlayer_lowered  }
0x9b: {  	s22 =	simm.s32 $0x1BFF;
	s21 =	sshll.u32 s6, $0x1;
	s3 =	sadd.s32 s4, s19  }
0x9c: {  	s7 =	simm.s32 $0x0;
	s20 =	sshll.u32 s5, $0x1;
	s5 =	sadd.s32 s21, s3  }
0x9d: {  	[timem:s7], [sflag:s22] =	dma.local [hbm:s5], s20  }
0x9e: {  	_ =	swait.ge [sflag:s22], s20  }
0x9f: {  	s4 =	ssub.s32 $0x0, s20;
	[sflag:s22] =	ssyncset.done $0x0  }
0xa0: {  	[sflag:s22] =	ssyncadd.s32 s4;
	_ =	sdelay $0x1  }
0xa1: {  	s23 =	simm.s32 $0x1B8B  }
0xa2: {  	_ =	swait.ge [sflag:s23], $0x1  }
0xa3: {  	[sflag:s23] =	ssyncset.done $0x0  }
0xa4: {  	s25 =	simm.s32 $0x1B8E;
	s24 =	sld [smem:$0x3FFE];
	[sflag:s23] =	ssyncadd.s32 $0xFFFFFFFF  }
0xa5: {  	s26 =	simm.s32 $execute0_lowered;
	[smem:$0x3FD2] =	sst s25  }
0xa6: {  	s5 =	sshll.u32 s26, $0x1;
	_ =	strace $0x8000004C;
	[dreg:$0x1] =	wrdreg $0xFFFFFFFF  }
0xa7: {  	s28 =	simm.s32 $_size_execute0_lowered;
	s3 =	sadd.s32 s3, s5;
	[dreg:$0x0] =	wrdreg $0x0  }
0xa8: {  	s5 =	sshll.u32 s28, $0x1;
	[dreg:$0x2] =	wrdreg s3  }
0xa9: {  	[dreg:$0x3] =	wrdreg s5  }
0xaa: {  	[dreg:$0x4] =	wrdreg $0xC0  }
0xab: {  	_ =	task [dreg:s7], $0x5FFFF  }
0xac: {  	[dreg:$0x1] =	wrdreg $0xFFFFFFFF  }
0xad: {  	[dreg:$0x0] =	wrdreg $0x60  }
0xae: {  	[dreg:$0x2] =	wrdreg s2  }
0xaf: {  	[dreg:$0x3] =	wrdreg s24  }
0xb0: {  	[dreg:$0x4] =	wrdreg $0x90000  }
0xb1: {  	[dreg:$0x5] =	wrdreg $0x9  }
0xb2: {  	_ =	task.clear_ibuf [dreg:s7], $0x6FFFF;
	_ =	strace $0x9000004C  }
0xb3: {  	s29 =	simm.s32 $0x9;
	_ =	strace $0x8000004E  }
0xb4: {  	_ =	swait.ge [sflag:s29], $0x1  }
0xb5: {  	[sflag:s29] =	ssyncadd.s32 $0xFFFFFFFF  }
0xb6: {  	_ =	strace $0x9000004E  }
0xb7: {  	_ =	sfence  }
0xb8: {  	s30 =	sld [smem:$0x0];
	_ =	sdelay $0x2  }
0xb9: {  	s31 =	sshll.u32 s1, $0xD;
	s1 =	sshrl.u32 s1, $0x2  }
0xba: {  	s3 =	sand.u32 $0x4000, s31;
	s1 =	sadd.s32 s1, s30  }
0xbb: {  	s0 =	sor.u32 s3, s0;
	s1 =	sshll.u32 s1, $0x11  }
0xbc: {  	s0 =	sor.u32 s1, s0  }
0xbd: {  	s0 =	sadd.s32 $0x8F2B, s0  }
0xbe: {  	[sflag:s0] =	ssyncadd.remote.s32 $0x1  }
0xbf: {  	_ =	sfence.sel $0xFFFF  }
0xc0: {  	[dreg:$0x0] =	wrdreg $0xFFFFFFFF;
	(pc) =	sbr.abs _section_cstart, $3  }
0xc1: {  	[dreg:$0x1] =	wrdreg $0xFFFFFFFF  }
0xc2: {  	_ =	task.clear_ibuf [dreg:s7], $0x2FFFF;
	_ =	strace $0x9FFFFFFF  }
0xc3: {  	(tm) =	ssettm $0x7FFFFFFF  }
tec
execute0_lowered:
.L_overlay_start_1:
0x0: {  	(tag) =	ssettag $0x1  }
0x1: {  	s1 =	srdreg.scid;
	s12 =	stileid.u32  }
0x2: {  	s0 =	rddreg [dreg:$0x0];
	s1 =	sand.u32 $0x1, s1;
	s8 =	smul.u32 $0x4E000, s12  }
0x3: {  	s2 =	rddreg [dreg:$0x1];
	s9 =	ssub.s32 $0x2, s1  }
0x4: {  	s3 =	rddreg [dreg:$0x2];
	s10 =	sshrl.u32 s9, $0x1;
	s8 =	sshrl.u32 s8, $0x2  }
0x5: {  	s4 =	simm.s32 $0x0;
	s10 =	ssub.s32 s9, s10;
	s9 =	sadd.s32 s8, s3  }
0x6: {  	[smem:$0x7FF] =	sst s4;
	s14 =	sadd.s32 $0x800, s9  }
0x7: {  	_ =	strace $0x8000004D;
	s15 =	sadd.s32 $0x1000, s9;
	[dreg:$0x6] =	wrdreg s14  }
0x8: {  	s6 =	sadd.s32 $0x25800, s2;
	s16 =	sadd.s32 $0x1800, s9;
	[dreg:$0x7] =	wrdreg s15  }
0x9: {  	s7 =	sadd.s32 $0xC800, s2;
	s17 =	sadd.s32 $0x2000, s9;
	[dreg:$0x8] =	wrdreg s16  }
0xa: {  	s2 =	sadd.s32 $0x3E800, s2;
	s18 =	sadd.s32 $0x2800, s9;
	[dreg:$0x9] =	wrdreg s17  }
0xb: {  	s20 =	smul.u32 $0x13800, s12;
	s19 =	sadd.s32 $0x3000, s9;
	[dreg:$0xa] =	wrdreg s18  }
0xc: {  	p0 =	sne.s32 s12, $0xF;
	s21 =	sadd.s32 $0x3800, s9;
	[dreg:$0xb] =	wrdreg s19  }
0xd: {  	s5 =	sshll.u32 s1, $0x4;
	s22 =	sadd.s32 $0x4000, s9;
	[dreg:$0xc] =	wrdreg s21  }
0xe: {  	s1 =	smul.u32 $0x138800, s1;
	s23 =	sadd.s32 $0x4800, s9;
	[dreg:$0xd] =	wrdreg s22  }
0xf: {  	s5 =	sor.u32 s12, s5;
	s24 =	sadd.s32 $0x5000, s9;
	[dreg:$0xe] =	wrdreg s23  }
0x10: {  	s8 =	sadd.s32 s20, s1;
	s25 =	sadd.s32 $0x5800, s9;
	[dreg:$0xf] =	wrdreg s24  }
0x11: {  	s1 =	sshrl.u32 s1, $0x3;
	s12 =	sadd.s32 $0x8000, s9;
	[dreg:$0x10] =	wrdreg s25  }
0x12: {  	s8 =	sshrl.u32 s8, $0x3;
	s20 =	sadd.s32 $0xC000, s9;
	[dreg:$0x18] =	wrdreg s12  }
0x13: {  	s1 =	sadd.s32 s2, s1;
	s2 =	sadd.s32 s2, s8;
	[smem:$0x7F7] =	sst s20  }
0x14: {  	s1 =	sadd.s32 $0x27000, s1;
	[dreg:$0x11] =	wrdreg s2  }
0x15: {  	s8 =	sadd.s32 $0x6800, s9;
	[dreg:$0x13] =	wrdreg s1  }
0x16: {  	s14 =	sadd.s32 $0x9000, s9;
	[dreg:$0x15] =	wrdreg s8  }
0x17: {  	s15 =	sadd.s32 $0x9800, s9;
	[dreg:$0x1a] =	wrdreg s14  }
0x18: {  	s16 =	sadd.s32 $0xA000, s9;
	[dreg:$0x1b] =	wrdreg s15  }
0x19: {  	s30 =	simm.s32 $0x9;
	s17 =	sadd.s32 $0xA800, s9;
	[dreg:$0x1c] =	wrdreg s16  }
0x1a: {  	s31 =	simm.s32 $0x50;
	s18 =	sadd.s32 $0xB000, s9;
	[dreg:$0x1d] =	wrdreg s17  }
0x1b: {  	s29 =	sadd.s32 $0x138000, s3;
	s19 =	sadd.s32 $0xB800, s9;
	[dreg:$0x1e] =	wrdreg s18  }
0x1c: {  	s5 =	smul.u32 $0x6400, s5;
	s21 =	sadd.s32 $0xC800, s9;
	[dreg:$0x1f] =	wrdreg s19  }
0x1d: {  	s28 =	sadd.s32 $0x13000, s9;
	s22 =	sadd.s32 $0xD000, s9;
	[smem:$0x7F8] =	sst s21  }
0x1e: {  	s11 =	sshrl.u32 s5, $0x3;
	s23 =	sadd.s32 $0xD800, s9;
	[smem:$0x7F9] =	sst s22  }
0x1f: {  	s24 =	sadd.s32 $0xE000, s9;
	s25 =	sadd.s32 $0xE800, s9;
	[smem:$0x7FA] =	sst s23  }
0x20: {  	s20 =	sadd.s32 $0xF800, s9;
	s26 =	sadd.s32 s6, s11;
	[smem:$0x7FB] =	sst s24  }
0x21: {  	s13 =	sadd.s32 s7, s11;
	s2 =	smax.u32 s10, $0x1;
	[smem:$0x7FC] =	sst s25  }
0x22: {  	s10 =	sadd.s32 $0x7000, s9;
	s11 =	sadd.s32 $0x7800, s9;
	[dreg:$0x4] =	wrdreg s26  }
0x23: {  	s21 =	sadd.s32 $0x10000, s9;
	s22 =	sadd.s32 $0x10800, s9;
	[dreg:$0x5] =	wrdreg s13  }
0x24: {  	s23 =	sadd.s32 $0x11000, s9;
	s24 =	sadd.s32 $0x11800, s9;
	[dreg:$0x14] =	wrdreg s2  }
.Ltmp0:
0x25: {  	s25 =	sadd.s32 $0x12000, s9;
	[dreg:$0x16] =	wrdreg s10;
	(pc) =	sbr.rel .LBB2_1-.Ltmp0, $4  }
0x26: {  	s1 =	simm.s32 $0x8800;
	s26 =	sadd.s32 $0x6000, s9;
	[dreg:$0x17] =	wrdreg s11  }
0x27: {  	s8 =	simm.s32 $0x5;
	s13 =	sadd.s32 $0x8800, s9;
	[dreg:$0x12] =	wrdreg s26  }
0x28: {  	s2 =	simm.s32 $0x7;
	[dreg:$0x19] =	wrdreg s13;
	s26 =	sadd.s32 $0xF000, s9  }
0x29: {  	v0 =	vimm.f32 $0.0e+00;
	s10 =	simm.s32 $0x0;
	[smem:$0x7FD] =	sst s26;
	s26 =	sadd.s32 $0x12800, s9  }
.LBB2_13:
0x2a: {  	_ =	swait.ge [sflag:s8], $0x2800  }
0x2b: {  	[sflag:s8] =	ssyncset.done $0x0  }
0x2c: {  	s11 =	stileid.u32;
	[sflag:s8] =	ssyncadd.s32 $0xFFFFD800  }
0x2d: {  	s11 =	sshll.u32 s11, $0x6;
	[bflag:$0x0] =	sbarrier.arrive $0xFFFF  }
0x2e: {  	s12 =	sshrl.u32 s9, $0x3;
	s11 =	sor.u32 $0x1C09, s11;
	s13 =	rddreg [dreg:$0x11]  }
0x2f: {  	[hbm:s13], [sflag:s11] =	dma.local [spmem:s12], $0x2700  }
0x30: {  	_ =	swait.ge [sflag:s30], $0x2700  }
0x31: {  	[sflag:s30] =	ssyncset.done $0x0  }
0x32: {  	s12 =	sshrl.u32 @!p0 s29, $0x3;
	s13 =	rddreg [dreg:$0x13];
	[sflag:s30] =	ssyncadd.s32 $0xFFFFD900  }
0x33: {  	[hbm:s13], [sflag:s11] =	dma.local @!p0 [spmem:s12], $0x100  }
0x34: {  	s11 =	simm.s32 @!p0 $0x9  }
0x35: {  	_ =	swait.ge @!p0 [sflag:s11], $0x100  }
0x36: {  	s10 =	sadd.s32 $0x1, s10;
	s19 =	rddreg [dreg:$0x14]  }
0x37: {  	p1 =	sne.s32 s10, s19  }
.Ltmp1:
0x38: {  	_ = 	snop;
	(pc) =	sbr.rel @!p1 .LBB2_14-.Ltmp1, $3  }
0x39: {  	_ =	sdelay $0x1  }
0x3a: {  	[sflag:s11] =	ssyncset.done @!p0 $0x0  }
0x3b: {  	[sflag:s11] =	ssyncadd.s32 @!p0 $0xFFFFFF00  }
.LBB2_1:
0x3c: {  	s11 =	rddreg [dreg:$0x4]  }
0x3d: {  	[tilespmem:s4], [sflag:$0x9] =	stream.linear.gather [hbm4b:s11+s4], $0x280, $0x38;
	[tilespmem:$0x1C880] =	vst v63  }
0x3e: {  	_ =	swait.ge [sflag:s30], $0x280  }
0x3f: {  	[sflag:s30] =	ssyncset.done $0x0  }
0x40: {  	s12 =	simm.s32 $0x800;
	s16 =	rddreg [dreg:$0x5];
	[sflag:s30] =	ssyncadd.s32 $0xFFFFFD80  }
0x41: {  	[tilespmem:s12], [sflag:$0x9] =	stream.linear.gather [hbm4b:s16+s4], $0x280, $0x38;
	[tilespmem:$0x1C880] =	vst v63  }
0x42: {  	_ =	swait.ge [sflag:s30], $0x280  }
0x43: {  	[sflag:s30] =	ssyncset.done $0x0  }
0x44: {  	s17 =	simm.s32 $0x1000;
	s18 =	simm.s32 $0x80;
	[sflag:s30] =	ssyncadd.s32 $0xFFFFFD80  }
0x45: {  	[tilespmem:s17], [sflag:$0x1] =	stream.indirect.gather [hbm4b:s0+s31], $0x80, s4, s31, $0xb8;
	[tilespmem:$0x1C880] =	vst v63  }
0x46: {  	s19 =	simm.s32 $0x3800;
	s11 =	simm.s32 $0x0;
	s12 =	simm.s32 $0x200  }
0x47: {  	[tilespmem:s19], [sflag:$0x2] =	stream.indirect.gather [hbm4b:s0+s31], $0x80, s18, s31, $0xb8;
	[tilespmem:$0x1C880] =	vst v63  }
.LBB2_2:
0x48: {  	p1 =	sne.s32 s12, $0x1E00;
	[tilespmem:s11+$0x8870] =	vst v0  }
0x49: {  	[tilespmem:s11+$0x8800] =	vst v0  }
0x4a: {  	[tilespmem:s11+$0x8810] =	vst v0  }
.Ltmp2:
0x4b: {  	[tilespmem:s11+$0x8820] =	vst v0;
	(pc) =	sbr.rel @p1 .LBB2_2-.Ltmp2, $4  }
0x4c: {  	[tilespmem:s11+$0x8830] =	vst v0  }
0x4d: {  	[tilespmem:s11+$0x8840] =	vst v0  }
0x4e: {  	[tilespmem:s11+$0x8850] =	vst v0  }
0x4f: {  	[tilespmem:s11+$0x8860] =	vst v0;
	s11 =	sshra.s32 s12, $0x2;
	s12 =	sadd.s32 $0x200, s12  }
0x50: {  	[tilespmem:s11+$0x8870] =	vst v0  }
0x51: {  	[tilespmem:s11+$0x8800] =	vst v0  }
0x52: {  	[tilespmem:s11+$0x8810] =	vst v0  }
0x53: {  	[tilespmem:s11+$0x8820] =	vst v0  }
0x54: {  	[tilespmem:s11+$0x8830] =	vst v0  }
0x55: {  	[tilespmem:s11+$0x8840] =	vst v0  }
0x56: {  	[tilespmem:s11+$0x8850] =	vst v0  }
0x57: {  	[tilespmem:s11+$0x8860] =	vst v0;
	s14 =	rddreg [dreg:$0x6]  }
0x58: {  	[spmem:s9] =	stream.linear.scatter [tilespmem:s1], [sflag:$0x7], $0x800, $0x38;
	[tilespmem:$0x1C880] =	vst v63  }
0x59: {  	s15 =	rddreg [dreg:$0x7]  }
0x5a: {  	[spmem:s14] =	stream.linear.scatter [tilespmem:s1], [sflag:$0x7], $0x800, $0x38;
	[tilespmem:$0x1C880] =	vst v63  }
0x5b: {  	s16 =	rddreg [dreg:$0x8]  }
0x5c: {  	[spmem:s15] =	stream.linear.scatter [tilespmem:s1], [sflag:$0x7], $0x800, $0x38;
	[tilespmem:$0x1C880] =	vst v63  }
0x5d: {  	s17 =	rddreg [dreg:$0x9]  }
0x5e: {  	[spmem:s16] =	stream.linear.scatter [tilespmem:s1], [sflag:$0x7], $0x800, $0x38;
	[tilespmem:$0x1C880] =	vst v63  }
0x5f: {  	s18 =	rddreg [dreg:$0xa]  }
0x60: {  	[spmem:s17] =	stream.linear.scatter [tilespmem:s1], [sflag:$0x7], $0x800, $0x38;
	[tilespmem:$0x1C880] =	vst v63  }
0x61: {  	s19 =	rddreg [dreg:$0xb]  }
0x62: {  	[spmem:s18] =	stream.linear.scatter [tilespmem:s1], [sflag:$0x7], $0x800, $0x38;
	[tilespmem:$0x1C880] =	vst v63  }
0x63: {  	s12 =	rddreg [dreg:$0xc]  }
0x64: {  	[spmem:s19] =	stream.linear.scatter [tilespmem:s1], [sflag:$0x7], $0x800, $0x38;
	[tilespmem:$0x1C880] =	vst v63  }
0x65: {  	s13 =	rddreg [dreg:$0xd]  }
0x66: {  	[spmem:s12] =	stream.linear.scatter [tilespmem:s1], [sflag:$0x7], $0x800, $0x38;
	[tilespmem:$0x1C880] =	vst v63  }
0x67: {  	s14 =	rddreg [dreg:$0xe]  }
0x68: {  	[spmem:s13] =	stream.linear.scatter [tilespmem:s1], [sflag:$0x7], $0x800, $0x38;
	[tilespmem:$0x1C880] =	vst v63  }
0x69: {  	s15 =	rddreg [dreg:$0xf]  }
0x6a: {  	[spmem:s14] =	stream.linear.scatter [tilespmem:s1], [sflag:$0x7], $0x800, $0x38;
	[tilespmem:$0x1C880] =	vst v63  }
0x6b: {  	s16 =	rddreg [dreg:$0x10]  }
0x6c: {  	[spmem:s15] =	stream.linear.scatter [tilespmem:s1], [sflag:$0x7], $0x800, $0x38;
	[tilespmem:$0x1C880] =	vst v63  }
0x6d: {  	s17 =	rddreg [dreg:$0x12]  }
0x6e: {  	[spmem:s16] =	stream.linear.scatter [tilespmem:s1], [sflag:$0x7], $0x800, $0x38;
	[tilespmem:$0x1C880] =	vst v63  }
0x6f: {  	s18 =	rddreg [dreg:$0x15]  }
0x70: {  	[spmem:s17] =	stream.linear.scatter [tilespmem:s1], [sflag:$0x7], $0x800, $0x38;
	[tilespmem:$0x1C880] =	vst v63  }
0x71: {  	s19 =	rddreg [dreg:$0x16]  }
0x72: {  	[spmem:s18] =	stream.linear.scatter [tilespmem:s1], [sflag:$0x7], $0x800, $0x38;
	[tilespmem:$0x1C880] =	vst v63  }
0x73: {  	s12 =	rddreg [dreg:$0x17]  }
0x74: {  	[spmem:s19] =	stream.linear.scatter [tilespmem:s1], [sflag:$0x7], $0x800, $0x38;
	[tilespmem:$0x1C880] =	vst v63  }
0x75: {  	s13 =	rddreg [dreg:$0x18]  }
0x76: {  	[spmem:s12] =	stream.linear.scatter [tilespmem:s1], [sflag:$0x7], $0x800, $0x38;
	[tilespmem:$0x1C880] =	vst v63  }
0x77: {  	s14 =	rddreg [dreg:$0x19]  }
0x78: {  	[spmem:s13] =	stream.linear.scatter [tilespmem:s1], [sflag:$0x7], $0x800, $0x38;
	[tilespmem:$0x1C880] =	vst v63  }
0x79: {  	s15 =	rddreg [dreg:$0x1a]  }
0x7a: {  	[spmem:s14] =	stream.linear.scatter [tilespmem:s1], [sflag:$0x7], $0x800, $0x38;
	[tilespmem:$0x1C880] =	vst v63  }
0x7b: {  	s16 =	rddreg [dreg:$0x1b]  }
0x7c: {  	[spmem:s15] =	stream.linear.scatter [tilespmem:s1], [sflag:$0x7], $0x800, $0x38;
	[tilespmem:$0x1C880] =	vst v63  }
0x7d: {  	s17 =	rddreg [dreg:$0x1c]  }
0x7e: {  	[spmem:s16] =	stream.linear.scatter [tilespmem:s1], [sflag:$0x7], $0x800, $0x38;
	[tilespmem:$0x1C880] =	vst v63  }
0x7f: {  	s18 =	rddreg [dreg:$0x1d]  }
0x80: {  	[spmem:s17] =	stream.linear.scatter [tilespmem:s1], [sflag:$0x7], $0x800, $0x38;
	[tilespmem:$0x1C880] =	vst v63  }
0x81: {  	s19 =	rddreg [dreg:$0x1e]  }
0x82: {  	[spmem:s18] =	stream.linear.scatter [tilespmem:s1], [sflag:$0x7], $0x800, $0x38;
	[tilespmem:$0x1C880] =	vst v63  }
0x83: {  	s12 =	rddreg [dreg:$0x1f]  }
0x84: {  	[spmem:s19] =	stream.linear.scatter [tilespmem:s1], [sflag:$0x7], $0x800, $0x38;
	[tilespmem:$0x1C880] =	vst v63  }
0x85: {  	s13 =	sld [smem:$0x7F7]  }
0x86: {  	[spmem:s12] =	stream.linear.scatter [tilespmem:s1], [sflag:$0x7], $0x800, $0x38;
	[tilespmem:$0x1C880] =	vst v63  }
0x87: {  	s14 =	sld [smem:$0x7F8]  }
0x88: {  	[spmem:s13] =	stream.linear.scatter [tilespmem:s1], [sflag:$0x7], $0x800, $0x38;
	[tilespmem:$0x1C880] =	vst v63  }
0x89: {  	s15 =	sld [smem:$0x7F9]  }
0x8a: {  	[spmem:s14] =	stream.linear.scatter [tilespmem:s1], [sflag:$0x7], $0x800, $0x38;
	[tilespmem:$0x1C880] =	vst v63  }
0x8b: {  	s16 =	sld [smem:$0x7FA]  }
0x8c: {  	[spmem:s15] =	stream.linear.scatter [tilespmem:s1], [sflag:$0x7], $0x800, $0x38;
	[tilespmem:$0x1C880] =	vst v63  }
0x8d: {  	s17 =	sld [smem:$0x7FB]  }
0x8e: {  	[spmem:s16] =	stream.linear.scatter [tilespmem:s1], [sflag:$0x7], $0x800, $0x38;
	[tilespmem:$0x1C880] =	vst v63  }
0x8f: {  	s18 =	sld [smem:$0x7FC]  }
0x90: {  	[spmem:s17] =	stream.linear.scatter [tilespmem:s1], [sflag:$0x7], $0x800, $0x38;
	[tilespmem:$0x1C880] =	vst v63  }
0x91: {  	s19 =	sld [smem:$0x7FD]  }
0x92: {  	[spmem:s18] =	stream.linear.scatter [tilespmem:s1], [sflag:$0x7], $0x800, $0x38;
	[tilespmem:$0x1C880] =	vst v63  }
0x93: {  	_ = 	snop  }
0x94: {  	[spmem:s19] =	stream.linear.scatter [tilespmem:s1], [sflag:$0x7], $0x800, $0x38;
	[tilespmem:$0x1C880] =	vst v63  }
0x95: {  	_ = 	snop  }
0x96: {  	[spmem:s20] =	stream.linear.scatter [tilespmem:s1], [sflag:$0x7], $0x800, $0x38;
	[tilespmem:$0x1C880] =	vst v63  }
0x97: {  	_ = 	snop  }
0x98: {  	[spmem:s21] =	stream.linear.scatter [tilespmem:s1], [sflag:$0x7], $0x800, $0x38;
	[tilespmem:$0x1C880] =	vst v63  }
0x99: {  	_ = 	snop  }
0x9a: {  	[spmem:s22] =	stream.linear.scatter [tilespmem:s1], [sflag:$0x7], $0x800, $0x38;
	[tilespmem:$0x1C880] =	vst v63  }
0x9b: {  	_ = 	snop  }
0x9c: {  	[spmem:s23] =	stream.linear.scatter [tilespmem:s1], [sflag:$0x7], $0x800, $0x38;
	[tilespmem:$0x1C880] =	vst v63  }
0x9d: {  	_ = 	snop  }
0x9e: {  	[spmem:s24] =	stream.linear.scatter [tilespmem:s1], [sflag:$0x7], $0x800, $0x38;
	[tilespmem:$0x1C880] =	vst v63  }
0x9f: {  	_ = 	snop  }
0xa0: {  	[spmem:s25] =	stream.linear.scatter [tilespmem:s1], [sflag:$0x7], $0x800, $0x38;
	[tilespmem:$0x1C880] =	vst v63  }
0xa1: {  	_ = 	snop  }
0xa2: {  	[spmem:s26] =	stream.linear.scatter [tilespmem:s1], [sflag:$0x7], $0x800, $0x38;
	[tilespmem:$0x1C880] =	vst v63  }
0xa3: {  	_ = 	snop  }
0xa4: {  	[spmem:s28] =	stream.linear.scatter [tilespmem:s1], [sflag:$0x7], $0x800, $0x38;
	[tilespmem:$0x1C880] =	vst v63  }
0xa5: {  	s11 =	simm.s32 @!p0 $0x8800  }
0xa6: {  	[spmem:s29] =	stream.linear.scatter @!p0 [tilespmem:s11], [sflag:$0x9], $0x800, $0x38;
	[tilespmem:$0x1C880] =	vst v63  }
0xa7: {  	s11 =	simm.s32 @!p0 $0x9  }
0xa8: {  	_ =	swait.ge @!p0 [sflag:s11], $0x800  }
0xa9: {  	[sflag:s11] =	ssyncset.done @!p0 $0x0  }
0xaa: {  	[sflag:s11] =	ssyncadd.s32 @!p0 $0xFFFFF800  }
0xab: {  	_ =	swait.ge [sflag:s2], $0x800  }
0xac: {  	[sflag:s2] =	ssyncset.done $0x0  }
0xad: {  	[sflag:s2] =	ssyncadd.s32 $0xFFFFF800  }
0xae: {  	_ =	swait.ge [sflag:s2], $0x800  }
0xaf: {  	[sflag:s2] =	ssyncset.done $0x0  }
0xb0: {  	[sflag:s2] =	ssyncadd.s32 $0xFFFFF800  }
0xb1: {  	_ =	swait.ge [sflag:s2], $0x800  }
0xb2: {  	[sflag:s2] =	ssyncset.done $0x0  }
0xb3: {  	[sflag:s2] =	ssyncadd.s32 $0xFFFFF800  }
0xb4: {  	_ =	swait.ge [sflag:s2], $0x800  }
0xb5: {  	[sflag:s2] =	ssyncset.done $0x0  }
0xb6: {  	[sflag:s2] =	ssyncadd.s32 $0xFFFFF800  }
0xb7: {  	_ =	swait.ge [sflag:s2], $0x800  }
0xb8: {  	[sflag:s2] =	ssyncset.done $0x0  }
0xb9: {  	[sflag:s2] =	ssyncadd.s32 $0xFFFFF800  }
0xba: {  	_ =	swait.ge [sflag:s2], $0x800  }
0xbb: {  	[sflag:s2] =	ssyncset.done $0x0  }
0xbc: {  	[sflag:s2] =	ssyncadd.s32 $0xFFFFF800  }
0xbd: {  	_ =	swait.ge [sflag:s2], $0x800  }
0xbe: {  	[sflag:s2] =	ssyncset.done $0x0  }
0xbf: {  	[sflag:s2] =	ssyncadd.s32 $0xFFFFF800  }
0xc0: {  	_ =	swait.ge [sflag:s2], $0x800  }
0xc1: {  	[sflag:s2] =	ssyncset.done $0x0  }
0xc2: {  	[sflag:s2] =	ssyncadd.s32 $0xFFFFF800  }
0xc3: {  	_ =	swait.ge [sflag:s2], $0x800  }
0xc4: {  	[sflag:s2] =	ssyncset.done $0x0  }
0xc5: {  	[sflag:s2] =	ssyncadd.s32 $0xFFFFF800  }
0xc6: {  	_ =	swait.ge [sflag:s2], $0x800  }
0xc7: {  	[sflag:s2] =	ssyncset.done $0x0  }
0xc8: {  	[sflag:s2] =	ssyncadd.s32 $0xFFFFF800  }
0xc9: {  	_ =	swait.ge [sflag:s2], $0x800  }
0xca: {  	[sflag:s2] =	ssyncset.done $0x0  }
0xcb: {  	[sflag:s2] =	ssyncadd.s32 $0xFFFFF800  }
0xcc: {  	_ =	swait.ge [sflag:s2], $0x800  }
0xcd: {  	[sflag:s2] =	ssyncset.done $0x0  }
0xce: {  	[sflag:s2] =	ssyncadd.s32 $0xFFFFF800  }
0xcf: {  	_ =	swait.ge [sflag:s2], $0x800  }
0xd0: {  	[sflag:s2] =	ssyncset.done $0x0  }
0xd1: {  	[sflag:s2] =	ssyncadd.s32 $0xFFFFF800  }
0xd2: {  	_ =	swait.ge [sflag:s2], $0x800  }
0xd3: {  	[sflag:s2] =	ssyncset.done $0x0  }
0xd4: {  	[sflag:s2] =	ssyncadd.s32 $0xFFFFF800  }
0xd5: {  	_ =	swait.ge [sflag:s2], $0x800  }
0xd6: {  	[sflag:s2] =	ssyncset.done $0x0  }
0xd7: {  	[sflag:s2] =	ssyncadd.s32 $0xFFFFF800  }
0xd8: {  	_ =	swait.ge [sflag:s2], $0x800  }
0xd9: {  	[sflag:s2] =	ssyncset.done $0x0  }
0xda: {  	[sflag:s2] =	ssyncadd.s32 $0xFFFFF800  }
0xdb: {  	_ =	swait.ge [sflag:s2], $0x800  }
0xdc: {  	[sflag:s2] =	ssyncset.done $0x0  }
0xdd: {  	[sflag:s2] =	ssyncadd.s32 $0xFFFFF800  }
0xde: {  	_ =	swait.ge [sflag:s2], $0x800  }
0xdf: {  	[sflag:s2] =	ssyncset.done $0x0  }
0xe0: {  	[sflag:s2] =	ssyncadd.s32 $0xFFFFF800  }
0xe1: {  	_ =	swait.ge [sflag:s2], $0x800  }
0xe2: {  	[sflag:s2] =	ssyncset.done $0x0  }
0xe3: {  	[sflag:s2] =	ssyncadd.s32 $0xFFFFF800  }
0xe4: {  	_ =	swait.ge [sflag:s2], $0x800  }
0xe5: {  	[sflag:s2] =	ssyncset.done $0x0  }
0xe6: {  	[sflag:s2] =	ssyncadd.s32 $0xFFFFF800  }
0xe7: {  	_ =	swait.ge [sflag:s2], $0x800  }
0xe8: {  	[sflag:s2] =	ssyncset.done $0x0  }
0xe9: {  	[sflag:s2] =	ssyncadd.s32 $0xFFFFF800  }
0xea: {  	_ =	swait.ge [sflag:s2], $0x800  }
0xeb: {  	[sflag:s2] =	ssyncset.done $0x0  }
0xec: {  	[sflag:s2] =	ssyncadd.s32 $0xFFFFF800  }
0xed: {  	_ =	swait.ge [sflag:s2], $0x800  }
0xee: {  	[sflag:s2] =	ssyncset.done $0x0  }
0xef: {  	[sflag:s2] =	ssyncadd.s32 $0xFFFFF800  }
0xf0: {  	_ =	swait.ge [sflag:s2], $0x800  }
0xf1: {  	[sflag:s2] =	ssyncset.done $0x0  }
0xf2: {  	[sflag:s2] =	ssyncadd.s32 $0xFFFFF800  }
0xf3: {  	_ =	swait.ge [sflag:s2], $0x800  }
0xf4: {  	[sflag:s2] =	ssyncset.done $0x0  }
0xf5: {  	[sflag:s2] =	ssyncadd.s32 $0xFFFFF800  }
0xf6: {  	_ =	swait.ge [sflag:s2], $0x800  }
0xf7: {  	[sflag:s2] =	ssyncset.done $0x0  }
0xf8: {  	[sflag:s2] =	ssyncadd.s32 $0xFFFFF800  }
0xf9: {  	_ =	swait.ge [sflag:s2], $0x800  }
0xfa: {  	[sflag:s2] =	ssyncset.done $0x0  }
0xfb: {  	[sflag:s2] =	ssyncadd.s32 $0xFFFFF800  }
0xfc: {  	_ =	swait.ge [sflag:s2], $0x800  }
0xfd: {  	[sflag:s2] =	ssyncset.done $0x0  }
0xfe: {  	[sflag:s2] =	ssyncadd.s32 $0xFFFFF800  }
0xff: {  	_ =	swait.ge [sflag:s2], $0x800  }
0x100: {  	[sflag:s2] =	ssyncset.done $0x0  }
0x101: {  	[sflag:s2] =	ssyncadd.s32 $0xFFFFF800  }
0x102: {  	_ =	swait.ge [sflag:s2], $0x800  }
0x103: {  	[sflag:s2] =	ssyncset.done $0x0  }
0x104: {  	[sflag:s2] =	ssyncadd.s32 $0xFFFFF800  }
0x105: {  	_ =	swait.ge [sflag:s2], $0x800  }
0x106: {  	[sflag:s2] =	ssyncset.done $0x0  }
0x107: {  	[sflag:s2] =	ssyncadd.s32 $0xFFFFF800  }
0x108: {  	_ =	swait.ge [sflag:s2], $0x800  }
0x109: {  	[sflag:s2] =	ssyncset.done $0x0  }
0x10a: {  	[sflag:s2] =	ssyncadd.s32 $0xFFFFF800  }
0x10b: {  	_ =	swait.ge [sflag:s2], $0x800  }
0x10c: {  	[sflag:s2] =	ssyncset.done $0x0  }
0x10d: {  	[sflag:s2] =	ssyncadd.s32 $0xFFFFF800  }
0x10e: {  	_ =	swait.ge [sflag:s2], $0x800  }
0x10f: {  	[sflag:s2] =	ssyncset.done $0x0  }
0x110: {  	[sflag:s2] =	ssyncadd.s32 $0xFFFFF800  }
0x111: {  	_ =	swait.ge [sflag:s2], $0x800  }
0x112: {  	[sflag:s2] =	ssyncset.done $0x0  }
0x113: {  	[sflag:s2] =	ssyncadd.s32 $0xFFFFF800  }
0x114: {  	_ =	swait.ge [sflag:s2], $0x800  }
0x115: {  	[sflag:s2] =	ssyncset.done $0x0  }
0x116: {  	[sflag:s2] =	ssyncadd.s32 $0xFFFFF800  }
0x117: {  	_ =	swait.ge [sflag:s2], $0x800  }
0x118: {  	[sflag:s2] =	ssyncset.done $0x0  }
0x119: {  	[sflag:s2] =	ssyncadd.s32 $0xFFFFF800  }
0x11a: {  	_ =	swait.ge [sflag:s2], $0x800  }
0x11b: {  	[sflag:s2] =	ssyncset.done $0x0  }
0x11c: {  	[sflag:s2] =	ssyncadd.s32 $0xFFFFF800  }
.Ltmp3:
0x11d: {  	_ =	swait.ge [sflag:s2], $0x800;
	(pc) =	sbr.rel .LBB2_4-.Ltmp3, $4  }
0x11e: {  	[sflag:s2] =	ssyncset.done $0x0  }
0x11f: {  	[sflag:s2] =	ssyncadd.s32 $0xFFFFF800  }
0x120: {  	[bflag:$0x0] =	sbarrier.arrive $0xFFFF  }
0x121: {  	s11 =	simm.s32 $0x0  }
.LBB2_7:
0x122: {  	p2 =	sne.s32 @!p1 s18, $0x1  }
0x123: {  	p2 =	por p1, p2  }
.Ltmp4:
0x124: {  	_ = 	snop;
	(pc) =	sbr.rel @p2 .LBB2_9-.Ltmp4, $1  }
0x125: {  	_ =	sdelay $0x3  }
0x126: {  	s18 =	sshll.u32 s19, $0xA  }
0x127: {  	s19 =	sshll.u32 s17, $0xA;
	s18 =	sadd.s32 s5, s18  }
0x128: {  	s19 =	sxor.u32 $0x400, s19;
	s18 =	sshrl.u32 s18, $0x3  }
0x129: {  	s19 =	sor.u32 $0x800, s19;
	s18 =	sadd.s32 s7, s18  }
0x12a: {  	[tilespmem:s19], [sflag:$0x8] =	stream.linear.gather [hbm4b:s18+s4], $0x280, $0x38;
	[tilespmem:$0x1C880] =	vst v63  }
.LBB2_11:
0x12b: {  	s15 =	smul.u32 $0xCD, s15;
	_ =	sdelay $0x1  }
0x12c: {  	s18 =	sshrl.u32 s15, $0xA  }
0x12d: {  	s18 =	smul.u32 $0x5, s18;
	_ =	sdelay $0x1  }
0x12e: {  	s19 =	smul.u32 $0xA000, s16;
	s13 =	ssub.s32 s13, s18  }
0x12f: {  	s13 =	sand.u32 $0xFF, s13  }
0x130: {  	s15 =	sand.u32 $0x400, s15;
	s18 =	sshrl.u32 s19, $0x2;
	s13 =	sshll.u32 s13, $0x7  }
0x131: {  	s19 =	sadd.s32 $0x1, s16;
	s18 =	sadd.s32 $0x1000, s18;
	s13 =	sor.u32 s13, s15  }
0x132: {  	[tilespmem:s18], [sflag:s19] =	stream.indirect.gather [hbm4b:s0+s31], $0x80, s13, s31, $0xb8;
	[tilespmem:$0x1C880] =	vst v63  }
.LBB2_12:
0x133: {  	s11 =	sadd.s32 $0x1, s11  }
0x134: {  	s18 =	smul.u32 $0xA000, s12;
	p1 =	sne.s32 s11, $0x7D  }
.Ltmp5:
0x135: {  	s13 =	sand.u32 $0xFF, s14;
	(pc) =	sbr.rel @!p1 .LBB2_13-.Ltmp5, $4  }
0x136: {  	s15 =	sshll.u32 s17, $0xA;
	s13 =	sshll.u32 s13, $0x7  }
0x137: {  	s14 =	sshrl.u32 s18, $0x2;
	s13 =	sadd.s32 s13, s15  }
0x138: {  	s19 =	sadd.s32 $0x4, s12;
	s14 =	sadd.s32 $0x1000, s14;
	s13 =	sadd.s32 $0x800, s13  }
0x139: {  	[spmem:s3] =	stream.indirect.scatter.add.f32 [tilespmem:s14], [sflag:s19], $0x80, s13, s31, $0xb8;
	[tilespmem:$0x1C880] =	vst v63  }
.LBB2_4:
0x13a: {  	s12 =	sand.u32 $0xFF, s11  }
0x13b: {  	s13 =	sadd.s32 $0x2, s11;
	s14 =	smul.u32 $0xAB, s12  }
0x13c: {  	s15 =	sand.u32 $0xFF, s13  }
0x13d: {  	s16 =	smul.u32 $0xAB, s15;
	s14 =	sshrl.u32 s14, $0x9  }
0x13e: {  	s14 =	smul.u32 $0x3, s14  }
0x13f: {  	s12 =	smul.u32 $0xCD, s12;
	s16 =	sshrl.u32 s16, $0x9  }
0x140: {  	s18 =	smul.u32 $0x3, s16;
	s17 =	ssub.s32 s11, s14  }
0x141: {  	s19 =	sshrl.u32 s12, $0xA;
	s12 =	sand.u32 $0xFF, s17  }
0x142: {  	s16 =	smul.u32 $0x5, s19;
	s17 =	ssub.s32 s13, s18;
	s18 =	sadd.s32 $0x1, s12  }
0x143: {  	_ =	swait.ge [sflag:s18], $0x2800  }
0x144: {  	p1 =	sgt.u32 s11, $0x77;
	s14 =	ssub.s32 s11, s16;
	[sflag:s18] =	ssyncset.done $0x0  }
0x145: {  	[sflag:s18] =	ssyncadd.s32 $0xFFFFD800;
	s18 =	sand.u32 @!p1 $0xFF, s14  }
0x146: {  	p3 =	sne.s32 @!p1 s18, $0x0  }
0x147: {  	p3 =	por p1, p3  }
.Ltmp6:
0x148: {  	p2 =	seq.s32 s11, $0x0;
	s16 =	sand.u32 $0xFF, s17;
	(pc) =	sbr.rel @p3 .LBB2_7-.Ltmp6, $4  }
0x149: {  	s17 =	sadd.s32 @!p2 $0x4, s16  }
0x14a: {  	_ =	swait.ge @!p2 [sflag:s17], $0x2800  }
0x14b: {  	[sflag:s17] =	ssyncset.done @!p2 $0x0  }
0x14c: {  	[sflag:s17] =	ssyncadd.s32 @!p2 $0xFFFFD800;
	s17 =	sand.u32 $0x1, s19;
	s19 =	sadd.s32 $0x1, s19  }
0x14d: {  	s18 =	sshll.u32 s19, $0xA  }
0x14e: {  	s18 =	sadd.s32 s5, s18  }
0x14f: {  	s19 =	sshll.u32 s17, $0xA;
	s18 =	sshrl.u32 s18, $0x3  }
0x150: {  	s19 =	sxor.u32 $0x400, s19;
	s18 =	sadd.s32 s6, s18  }
0x151: {  	[tilespmem:s19], [sflag:$0x7] =	stream.linear.gather [hbm4b:s18+s4], $0x280, $0x38;
	[tilespmem:$0x1C880] =	vst v63  }
.LBB2_6:
0x152: {  	p1 =	slt.u32 s11, $0x5  }
0x153: {  	s18 =	sand.u32 @!p1 $0xFF, s14  }
0x154: {  	p2 =	sne.s32 @!p1 s18, $0x0  }
0x155: {  	p1 =	por p2, p1;
	p2 =	sgt.u32 s11, $0x7A  }
.Ltmp7:
0x156: {  	_ = 	snop;
	(pc) =	sbr.rel @p2 .LBB2_12-.Ltmp7, $4  }
.Ltmp8:
0x157: {  	s18 =	simm.s32 @!p1 $0x8;
	(pc) =	sbr.rel @!p2 .LBB2_11-.Ltmp8, $4  }
0x158: {  	_ =	swait.ge @!p1 [sflag:s18], $0x280  }
0x159: {  	[sflag:s18] =	ssyncset.done @!p1 $0x0  }
0x15a: {  	[sflag:s18] =	ssyncadd.s32 @!p1 $0xFFFFFD80  }
0x15b: {  	_ = 	snop  }
.LBB2_9:
0x15c: {  	p2 =	sne.s32 @!p1 s18, $0x3  }
0x15d: {  	p1 =	por p1, p2  }
.Ltmp9:
0x15e: {  	_ = 	snop;
	(pc) =	sbr.rel @p1 .LBB2_6-.Ltmp9, $1  }
0x15f: {  	_ =	sdelay $0x3  }
.Ltmp10:
0x160: {  	(pc) =	sbr.rel .LBB2_11-.Ltmp10, $4  }
0x161: {  	_ = 	snop  }
0x162: {  	_ =	swait.ge [sflag:s2], $0x280  }
0x163: {  	[sflag:s2] =	ssyncset.done $0x0  }
0x164: {  	[sflag:s2] =	ssyncadd.s32 $0xFFFFFD80  }
.LBB2_14:
0x165: {  	_ =	sfence.sel $0x180000  }
0x166: {  	[bflag:$0x0] =	sbarrier.arrive $0xFFFF  }
0x167: {  	_ =	strace $0x9000004D  }
0x168: {  	s0 =	stileid.u32;
	[bflag:$0x2] =	sbarrier.arrive $0xFFFF  }
0x169: {  	p0 =	sne.s32 s0, $0x0;
	s0 =	rddreg [dreg:$0x3]  }
0x16a: {  	s0 =	sadd.s32 @!p0 $0x100000, s0  }
0x16b: {  	[sflag:s0] =	ssyncadd.tile.s32 @!p0 $0x1;
	_ =	shalt  }
.Lfunc_end2:
_tile_overlayer_lowered:
.L_overlay_start_2:
0x16c: {  	(tag) =	ssettag $0x2  }
0x16d: {  	s0 =	rddreg [dreg:$0x0];
	s2 =	stileid.u32  }
0x16e: {  	s1 =	rddreg [dreg:$0x1];
	p0 =	sne.s32 s2, $0x0  }
0x16f: {  	s3 =	rddreg [dreg:$0x2];
	[bflag:$0x3] =	sbarrier.arrive $0xFFFF;
	s2 =	simm.s32 @!p0 $0x1C09  }
0x170: {  	[timem:s3], [sflag:s2] =	dma.local @!p0 [hbm:s0], s1  }
0x171: {  	s0 =	simm.s32 @!p0 $0x9  }
0x172: {  	_ =	swait.ge @!p0 [sflag:s0], s1  }
0x173: {  	s1 =	ssub.s32 @!p0 $0x0, s1;
	[sflag:s0] =	ssyncset.done @!p0 $0x0  }
0x174: {  	[sflag:s0] =	ssyncadd.s32 @!p0 s1  }
0x175: {  	[bflag:$0x3] =	sbarrier.arrive $0xFFFF  }
0x176: {  	_ =	shalt  }

// kernel: kernel.19.cloned.1.call-start
scs
__scs_entry_jumppad:
0x0: {  	(pc) =	sbr.rel $0x88, $3  }
0x1: {  	(tag) =	ssettag $0x0;
	lr =	simm.s32 $0x1  }
0x2: {  	[smem:$0x3F9D] =	sst lr;
	_ =	strace $0xD0000000  }
0x3: {  	_ = 	snop  }
0x4: {  	_ = 	snop  }
0x5: {  	_ = 	snop  }
0x6: {  	_ = 	snop  }
0x7: {  	_ = 	snop  }
__scs_overlays_trampoline_lowered:
0x8: {  	[smem:$0x3FAC] =	sst s0  }
0x9: {  	[smem:$0x3FAD] =	sst s1  }
0xa: {  	[smem:$0x3FAE] =	sst s2  }
0xb: {  	[smem:$0x3FAF] =	sst s3  }
0xc: {  	[smem:$0x3FB0] =	sst s4  }
0xd: {  	[smem:$0x3FB1] =	sst s5  }
0xe: {  	[smem:$0x3FB2] =	sst s6  }
0xf: {  	[smem:$0x3FB3] =	sst s7  }
0x10: {  	[smem:$0x3FB4] =	sst s8  }
0x11: {  	[smem:$0x3FB5] =	sst s9;
	s0 =	simm.s32 @!p0 $0x0  }
0x12: {  	s1 =	sld [smem:$0x3F9B];
	s0 =	simm.s32 @p0 $0x1  }
0x13: {  	[smem:$0x3FB6] =	sst s0;
	s0 =	simm.s32 @!p1 $0x0  }
0x14: {  	s2 =	sld [smem:$0x3F9A];
	s0 =	simm.s32 @p1 $0x1  }
0x15: {  	[smem:$0x3FB7] =	sst s0;
	s0 =	simm.s32 @!p2 $0x0  }
0x16: {  	s3 =	sld [smem:$0x3FDB];
	s0 =	simm.s32 @p2 $0x1  }
0x17: {  	s4 =	simm.s32 $0x1BF5;
	[smem:$0x3FB9] =	sst s0  }
0x18: {  	s0 =	sld [smem:$0x3F9C];
	_ =	swait.ge [sflag:s4], $0x0  }
0x19: {  	s7 =	sld [smem:$0x3F9D]  }
0x1a: {  	s8 =	sadd.s32 $0xFFFFE003, lr  }
0x1b: {  	s9 =	sadd.s32 $0xFFFFFEF7, lr;
	s5 =	simm.s32 $0xFFFFFFFF;
	p2 =	slt.u32 s8, $0xFFFFF086  }
0x1c: {  	p1 =	slt.u32 s9, $0xF7A;
	s5 =	simm.s32 @!p2 $0x0  }
0x1d: {  	s5 =	simm.s32 @p1 $0x1;
	p0 =	seq.s32 s7, s2  }
0x1e: {  	s7 =	smul.u32 @!p0 $0xF7A, s2;
	p2 =	seq.s32 @!p0 s5, $0x0  }
0x1f: {  	s9 =	smul.u32 $0xF7A, s1;
	s8 =	simm.s32 @!p0 $0x1BF5;
	p2 =	por !p2, p0  }
0x20: {  	[sflag:s8] =	ssyncset.s32 @!p0 $0xFFFFF086;
	s6 =	sadd.s32 @!p0 s3, s7;
	s7 =	simm.s32 @!p0 $0x108  }
0x21: {  	s3 =	sadd.s32 s3, s9;
	s6 =	sadd.s32 @!p0 $0x88, s6;
	s7 =	simm.s32 @p2 $0x1082  }
0x22: {  	[simem:s7], [sflag:s8] =	dma.local @!p0 [hbm:s6], $0xF7A  }
0x23: {  	s9 =	sor.u32 $0xD0000000, s2;
	s6 =	simm.s32 $0x108;
	_ =	swait.ge @!p0 [sflag:s8], $0x0  }
0x24: {  	s3 =	sadd.s32 $0x88, s3;
	s6 =	simm.s32 @!p1 $0x1082;
	[sflag:s4] =	ssyncset.s32 $0xFFFFF086  }
0x25: {  	[simem:s6], [sflag:s4] =	dma.local [hbm:s3], $0xF7A  }
0x26: {  	[smem:$0x3F9D] =	sst s1;
	(tag) =	ssettag s2;
	_ =	strace s9  }
0x27: {  	s1 =	sld [smem:$0x3FAD]  }
0x28: {  	s2 =	sld [smem:$0x3FAE]  }
0x29: {  	s4 =	sld [smem:$0x3FB0]  }
0x2a: {  	p0 =	seq.s32 s5, $0x0;
	s5 =	sld [smem:$0x3FB1]  }
0x2b: {  	s6 =	sld [smem:$0x3FB2]  }
0x2c: {  	s7 =	sld [smem:$0x3FB3]  }
0x2d: {  	s3 =	simm.s32 $0x108;
	s8 =	sld [smem:$0x3FB4]  }
0x2e: {  	s3 =	simm.s32 @!p0 $0x1082;
	s9 =	sld [smem:$0x3FB5]  }
0x2f: {  	lr =	sadd.s32 s0, s3;
	s0 =	sld [smem:$0x3FAC]  }
0x30: {  	s3 =	sld [smem:$0x3FAF]  }
0x31: {  	[smem:$0x3FB8] =	sst s10  }
0x32: {  	s10 =	sld [smem:$0x3FB6];
	_ =	sdelay $0x3  }
0x33: {  	p0 =	seq.s32 s10, $0x1;
	s10 =	sld [smem:$0x3FB8];
	_ =	sdelay $0x3  }
0x34: {  	[smem:$0x3FB8] =	sst s10  }
0x35: {  	s10 =	sld [smem:$0x3FB7];
	_ =	sdelay $0x3  }
0x36: {  	p1 =	seq.s32 s10, $0x1;
	s10 =	sld [smem:$0x3FB8];
	_ =	sdelay $0x3  }
0x37: {  	[smem:$0x3FB8] =	sst s10  }
0x38: {  	s10 =	sld [smem:$0x3FB9]  }
0x39: {  	_ = 	snop;
	(pc) =	sbr.ind lr, $3  }
0x3a: {  	_ = 	snop  }
0x3b: {  	_ = 	snop  }
0x3c: {  	p2 =	seq.s32 s10, $0x1;
	s10 =	sld [smem:$0x3FB8]  }
0x3d: {  	_ =	shalt  }
0x3e: {  	_ =	shalt  }
0x3f: {  	_ =	shalt  }
0x40: {  	_ =	shalt  }
0x41: {  	_ =	shalt  }
0x42: {  	_ =	shalt  }
0x43: {  	_ =	shalt  }
0x44: {  	_ =	shalt  }
0x45: {  	_ =	shalt  }
0x46: {  	_ =	shalt  }
0x47: {  	_ =	shalt  }
0x48: {  	_ =	shalt  }
0x49: {  	_ =	shalt  }
0x4a: {  	_ =	shalt  }
0x4b: {  	_ =	shalt  }
0x4c: {  	_ =	shalt  }
0x4d: {  	_ =	shalt  }
0x4e: {  	_ =	shalt  }
0x4f: {  	_ =	shalt  }
0x50: {  	_ =	shalt  }
0x51: {  	_ =	shalt  }
0x52: {  	_ =	shalt  }
0x53: {  	_ =	shalt  }
0x54: {  	_ =	shalt  }
0x55: {  	_ =	shalt  }
0x56: {  	_ =	shalt  }
0x57: {  	_ =	shalt  }
0x58: {  	_ =	shalt  }
0x59: {  	_ =	shalt  }
0x5a: {  	_ =	shalt  }
0x5b: {  	_ =	shalt  }
0x5c: {  	_ =	shalt  }
0x5d: {  	_ =	shalt  }
0x5e: {  	_ =	shalt  }
0x5f: {  	_ =	shalt  }
0x60: {  	_ =	shalt  }
0x61: {  	_ =	shalt  }
0x62: {  	_ =	shalt  }
0x63: {  	_ =	shalt  }
0x64: {  	_ =	shalt  }
0x65: {  	_ =	shalt  }
0x66: {  	_ =	shalt  }
0x67: {  	_ =	shalt  }
0x68: {  	_ =	shalt  }
0x69: {  	_ =	shalt  }
0x6a: {  	_ =	shalt  }
0x6b: {  	_ =	shalt  }
0x6c: {  	_ =	shalt  }
0x6d: {  	_ =	shalt  }
0x6e: {  	_ =	shalt  }
0x6f: {  	_ =	shalt  }
0x70: {  	_ =	shalt  }
0x71: {  	_ =	shalt  }
0x72: {  	_ =	shalt  }
0x73: {  	_ =	shalt  }
0x74: {  	_ =	shalt  }
0x75: {  	_ =	shalt  }
0x76: {  	_ =	shalt  }
0x77: {  	_ =	shalt  }
0x78: {  	_ =	shalt  }
0x79: {  	_ =	shalt  }
0x7a: {  	_ =	shalt  }
0x7b: {  	_ =	shalt  }
0x7c: {  	_ =	shalt  }
0x7d: {  	_ =	shalt  }
0x7e: {  	_ =	shalt  }
0x7f: {  	_ =	shalt  }
0x80: {  	_ =	shalt  }
0x81: {  	_ =	shalt  }
0x82: {  	_ =	shalt  }
0x83: {  	_ =	shalt  }
0x84: {  	_ =	shalt  }
0x85: {  	_ =	shalt  }
0x86: {  	_ =	shalt  }
0x87: {  	_ =	shalt  }
.Lfunc_end0:
.L_simem_size_0:
called_computation.3_lowered:
.L_overlay_start_0:
0x88: {  	s2 =	sld [smem:$0x3FD9]  }
0x89: {  	s3 =	sld [smem:$0x3FFE];
	_ =	sdelay $0x1  }
0x8a: {  	s1 =	srdreg.scid  }
0x8b: {  	s0 =	sand.u32 $0x1, s1  }
0x8c: {  	s17 =	sshll.u32 s0, $0xA;
	s2 =	sadd.s32 s3, s2  }
0x8d: {  	s2 =	sadd.s32 s2, s17  }
0x8e: {  	[smem:$0x3FC4] =	sst s2  }
0x8f: {  	_ = 	snop  }
0x90: {  	s2 =	sld [smem:$0x3FD0];
	(tm) =	ssettm $0x1  }
0x91: {  	s18 =	sld [smem:$0x3FFB];
	_ =	sdelay $0x3  }
0x92: {  	_ =	strace s18  }
0x93: {  	s3 =	sld [smem:$0x3FFC];
	_ =	sdelay $0x3  }
0x94: {  	_ =	strace s3  }
0x95: {  	s3 =	sld [smem:$0x3FFD];
	_ =	sdelay $0x3  }
0x96: {  	_ =	strace s3  }
0x97: {  	_ =	strace $0x8FFFFFFF  }
0x98: {  	s19 =	sld [smem:$0x3FDB];
	_ =	sdelay $0x1  }
0x99: {  	s4 =	simm.s32 $_scs_section_size  }
0x9a: {  	s5 =	simm.s32 $_size__tile_overlayer_lowered;
	s6 =	simm.s32 $_tile_overlayer_lowered  }
0x9b: {  	s22 =	simm.s32 $0x1BFF;
	s21 =	sshll.u32 s6, $0x1;
	s3 =	sadd.s32 s4, s19  }
0x9c: {  	s7 =	simm.s32 $0x0;
	s20 =	sshll.u32 s5, $0x1;
	s5 =	sadd.s32 s21, s3  }
0x9d: {  	[timem:s7], [sflag:s22] =	dma.local [hbm:s5], s20  }
0x9e: {  	_ =	swait.ge [sflag:s22], s20  }
0x9f: {  	s4 =	ssub.s32 $0x0, s20;
	[sflag:s22] =	ssyncset.done $0x0  }
0xa0: {  	[sflag:s22] =	ssyncadd.s32 s4;
	_ =	sdelay $0x1  }
0xa1: {  	s23 =	simm.s32 $0x1B8B  }
0xa2: {  	_ =	swait.ge [sflag:s23], $0x1  }
0xa3: {  	[sflag:s23] =	ssyncset.done $0x0  }
0xa4: {  	s25 =	simm.s32 $0x1B8E;
	s24 =	sld [smem:$0x3FFE];
	[sflag:s23] =	ssyncadd.s32 $0xFFFFFFFF  }
0xa5: {  	s26 =	simm.s32 $execute0_lowered;
	[smem:$0x3FD2] =	sst s25  }
0xa6: {  	s5 =	sshll.u32 s26, $0x1;
	_ =	strace $0x8000004F;
	[dreg:$0x1] =	wrdreg $0xFFFFFFFF  }
0xa7: {  	s28 =	simm.s32 $_size_execute0_lowered;
	s3 =	sadd.s32 s3, s5;
	[dreg:$0x0] =	wrdreg $0x0  }
0xa8: {  	s5 =	sshll.u32 s28, $0x1;
	[dreg:$0x2] =	wrdreg s3  }
0xa9: {  	[dreg:$0x3] =	wrdreg s5  }
0xaa: {  	[dreg:$0x4] =	wrdreg $0xC0  }
0xab: {  	_ =	task [dreg:s7], $0x5FFFF  }
0xac: {  	[dreg:$0x1] =	wrdreg $0xFFFFFFFF  }
0xad: {  	[dreg:$0x0] =	wrdreg $0x60  }
0xae: {  	[dreg:$0x2] =	wrdreg s2  }
0xaf: {  	[dreg:$0x3] =	wrdreg s24  }
0xb0: {  	[dreg:$0x4] =	wrdreg $0x90000  }
0xb1: {  	[dreg:$0x5] =	wrdreg $0x9  }
0xb2: {  	_ =	task.clear_ibuf [dreg:s7], $0x6FFFF;
	_ =	strace $0x9000004F  }
0xb3: {  	s29 =	simm.s32 $0x9;
	_ =	strace $0x80000051  }
0xb4: {  	_ =	swait.ge [sflag:s29], $0x1  }
0xb5: {  	[sflag:s29] =	ssyncadd.s32 $0xFFFFFFFF  }
0xb6: {  	_ =	strace $0x90000051  }
0xb7: {  	_ =	sfence  }
0xb8: {  	s30 =	sld [smem:$0x0];
	_ =	sdelay $0x2  }
0xb9: {  	s31 =	sshll.u32 s1, $0xD;
	s1 =	sshrl.u32 s1, $0x2  }
0xba: {  	s3 =	sand.u32 $0x4000, s31;
	s1 =	sadd.s32 s1, s30  }
0xbb: {  	s0 =	sor.u32 s3, s0;
	s1 =	sshll.u32 s1, $0x11  }
0xbc: {  	s0 =	sor.u32 s1, s0  }
0xbd: {  	s0 =	sadd.s32 $0x8F2B, s0  }
0xbe: {  	[sflag:s0] =	ssyncadd.remote.s32 $0x1  }
0xbf: {  	_ =	sfence.sel $0xFFFF  }
0xc0: {  	[dreg:$0x0] =	wrdreg $0xFFFFFFFF;
	(pc) =	sbr.abs _section_cstart, $3  }
0xc1: {  	[dreg:$0x1] =	wrdreg $0xFFFFFFFF  }
0xc2: {  	_ =	task.clear_ibuf [dreg:s7], $0x2FFFF;
	_ =	strace $0x9FFFFFFF  }
0xc3: {  	(tm) =	ssettm $0x7FFFFFFF  }
tec
execute0_lowered:
.L_overlay_start_1:
0x0: {  	(tag) =	ssettag $0x1  }
0x1: {  	s1 =	srdreg.scid;
	s12 =	stileid.u32  }
0x2: {  	s0 =	rddreg [dreg:$0x0];
	s1 =	sand.u32 $0x1, s1;
	s8 =	smul.u32 $0x4E000, s12  }
0x3: {  	s2 =	rddreg [dreg:$0x1];
	s9 =	ssub.s32 $0x2, s1  }
0x4: {  	s3 =	rddreg [dreg:$0x2];
	s10 =	sshrl.u32 s9, $0x1;
	s8 =	sshrl.u32 s8, $0x2  }
0x5: {  	s4 =	simm.s32 $0x0;
	s10 =	ssub.s32 s9, s10;
	s9 =	sadd.s32 s8, s3  }
0x6: {  	[smem:$0x7FF] =	sst s4;
	s14 =	sadd.s32 $0x800, s9  }
0x7: {  	_ =	strace $0x80000050;
	s15 =	sadd.s32 $0x1000, s9;
	[dreg:$0x6] =	wrdreg s14  }
0x8: {  	s6 =	sadd.s32 $0x25800, s2;
	s16 =	sadd.s32 $0x1800, s9;
	[dreg:$0x7] =	wrdreg s15  }
0x9: {  	s7 =	sadd.s32 $0xC800, s2;
	s17 =	sadd.s32 $0x2000, s9;
	[dreg:$0x8] =	wrdreg s16  }
0xa: {  	s2 =	sadd.s32 $0x3E800, s2;
	s18 =	sadd.s32 $0x2800, s9;
	[dreg:$0x9] =	wrdreg s17  }
0xb: {  	s20 =	smul.u32 $0x13800, s12;
	s19 =	sadd.s32 $0x3000, s9;
	[dreg:$0xa] =	wrdreg s18  }
0xc: {  	p0 =	sne.s32 s12, $0xF;
	s21 =	sadd.s32 $0x3800, s9;
	[dreg:$0xb] =	wrdreg s19  }
0xd: {  	s5 =	sshll.u32 s1, $0x4;
	s22 =	sadd.s32 $0x4000, s9;
	[dreg:$0xc] =	wrdreg s21  }
0xe: {  	s1 =	smul.u32 $0x138800, s1;
	s23 =	sadd.s32 $0x4800, s9;
	[dreg:$0xd] =	wrdreg s22  }
0xf: {  	s5 =	sor.u32 s12, s5;
	s24 =	sadd.s32 $0x5000, s9;
	[dreg:$0xe] =	wrdreg s23  }
0x10: {  	s8 =	sadd.s32 s20, s1;
	s25 =	sadd.s32 $0x5800, s9;
	[dreg:$0xf] =	wrdreg s24  }
0x11: {  	s1 =	sshrl.u32 s1, $0x3;
	s12 =	sadd.s32 $0x8000, s9;
	[dreg:$0x10] =	wrdreg s25  }
0x12: {  	s8 =	sshrl.u32 s8, $0x3;
	s20 =	sadd.s32 $0xC000, s9;
	[dreg:$0x18] =	wrdreg s12  }
0x13: {  	s1 =	sadd.s32 s2, s1;
	s2 =	sadd.s32 s2, s8;
	[smem:$0x7F7] =	sst s20  }
0x14: {  	s1 =	sadd.s32 $0x27000, s1;
	[dreg:$0x11] =	wrdreg s2  }
0x15: {  	s8 =	sadd.s32 $0x6800, s9;
	[dreg:$0x13] =	wrdreg s1  }
0x16: {  	s14 =	sadd.s32 $0x9000, s9;
	[dreg:$0x15] =	wrdreg s8  }
0x17: {  	s15 =	sadd.s32 $0x9800, s9;
	[dreg:$0x1a] =	wrdreg s14  }
0x18: {  	s16 =	sadd.s32 $0xA000, s9;
	[dreg:$0x1b] =	wrdreg s15  }
0x19: {  	s30 =	simm.s32 $0x9;
	s17 =	sadd.s32 $0xA800, s9;
	[dreg:$0x1c] =	wrdreg s16  }
0x1a: {  	s31 =	simm.s32 $0x50;
	s18 =	sadd.s32 $0xB000, s9;
	[dreg:$0x1d] =	wrdreg s17  }
0x1b: {  	s29 =	sadd.s32 $0x138000, s3;
	s19 =	sadd.s32 $0xB800, s9;
	[dreg:$0x1e] =	wrdreg s18  }
0x1c: {  	s5 =	smul.u32 $0x6400, s5;
	s21 =	sadd.s32 $0xC800, s9;
	[dreg:$0x1f] =	wrdreg s19  }
0x1d: {  	s28 =	sadd.s32 $0x13000, s9;
	s22 =	sadd.s32 $0xD000, s9;
	[smem:$0x7F8] =	sst s21  }
0x1e: {  	s11 =	sshrl.u32 s5, $0x3;
	s23 =	sadd.s32 $0xD800, s9;
	[smem:$0x7F9] =	sst s22  }
0x1f: {  	s24 =	sadd.s32 $0xE000, s9;
	s25 =	sadd.s32 $0xE800, s9;
	[smem:$0x7FA] =	sst s23  }
0x20: {  	s20 =	sadd.s32 $0xF800, s9;
	s26 =	sadd.s32 s6, s11;
	[smem:$0x7FB] =	sst s24  }
0x21: {  	s13 =	sadd.s32 s7, s11;
	s2 =	smax.u32 s10, $0x1;
	[smem:$0x7FC] =	sst s25  }
0x22: {  	s10 =	sadd.s32 $0x7000, s9;
	s11 =	sadd.s32 $0x7800, s9;
	[dreg:$0x4] =	wrdreg s26  }
0x23: {  	s21 =	sadd.s32 $0x10000, s9;
	s22 =	sadd.s32 $0x10800, s9;
	[dreg:$0x5] =	wrdreg s13  }
0x24: {  	s23 =	sadd.s32 $0x11000, s9;
	s24 =	sadd.s32 $0x11800, s9;
	[dreg:$0x14] =	wrdreg s2  }
.Ltmp0:
0x25: {  	s25 =	sadd.s32 $0x12000, s9;
	[dreg:$0x16] =	wrdreg s10;
	(pc) =	sbr.rel .LBB2_1-.Ltmp0, $4  }
0x26: {  	s1 =	simm.s32 $0x8800;
	s26 =	sadd.s32 $0x6000, s9;
	[dreg:$0x17] =	wrdreg s11  }
0x27: {  	s8 =	simm.s32 $0x5;
	s13 =	sadd.s32 $0x8800, s9;
	[dreg:$0x12] =	wrdreg s26  }
0x28: {  	s2 =	simm.s32 $0x7;
	[dreg:$0x19] =	wrdreg s13;
	s26 =	sadd.s32 $0xF000, s9  }
0x29: {  	v0 =	vimm.f32 $0.0e+00;
	s10 =	simm.s32 $0x0;
	[smem:$0x7FD] =	sst s26;
	s26 =	sadd.s32 $0x12800, s9  }
.LBB2_13:
0x2a: {  	_ =	swait.ge [sflag:s8], $0x2800  }
0x2b: {  	[sflag:s8] =	ssyncset.done $0x0  }
0x2c: {  	s11 =	stileid.u32;
	[sflag:s8] =	ssyncadd.s32 $0xFFFFD800  }
0x2d: {  	s11 =	sshll.u32 s11, $0x6;
	[bflag:$0x0] =	sbarrier.arrive $0xFFFF  }
0x2e: {  	s12 =	sshrl.u32 s9, $0x3;
	s11 =	sor.u32 $0x1C09, s11;
	s13 =	rddreg [dreg:$0x11]  }
0x2f: {  	[hbm:s13], [sflag:s11] =	dma.local [spmem:s12], $0x2700  }
0x30: {  	_ =	swait.ge [sflag:s30], $0x2700  }
0x31: {  	[sflag:s30] =	ssyncset.done $0x0  }
0x32: {  	s12 =	sshrl.u32 @!p0 s29, $0x3;
	s13 =	rddreg [dreg:$0x13];
	[sflag:s30] =	ssyncadd.s32 $0xFFFFD900  }
0x33: {  	[hbm:s13], [sflag:s11] =	dma.local @!p0 [spmem:s12], $0x100  }
0x34: {  	s11 =	simm.s32 @!p0 $0x9  }
0x35: {  	_ =	swait.ge @!p0 [sflag:s11], $0x100  }
0x36: {  	s10 =	sadd.s32 $0x1, s10;
	s19 =	rddreg [dreg:$0x14]  }
0x37: {  	p1 =	sne.s32 s10, s19  }
.Ltmp1:
0x38: {  	_ = 	snop;
	(pc) =	sbr.rel @!p1 .LBB2_14-.Ltmp1, $3  }
0x39: {  	_ =	sdelay $0x1  }
0x3a: {  	[sflag:s11] =	ssyncset.done @!p0 $0x0  }
0x3b: {  	[sflag:s11] =	ssyncadd.s32 @!p0 $0xFFFFFF00  }
.LBB2_1:
0x3c: {  	s11 =	rddreg [dreg:$0x4]  }
0x3d: {  	[tilespmem:s4], [sflag:$0x9] =	stream.linear.gather [hbm4b:s11+s4], $0x280, $0x38;
	[tilespmem:$0x1C880] =	vst v63  }
0x3e: {  	_ =	swait.ge [sflag:s30], $0x280  }
0x3f: {  	[sflag:s30] =	ssyncset.done $0x0  }
0x40: {  	s12 =	simm.s32 $0x800;
	s16 =	rddreg [dreg:$0x5];
	[sflag:s30] =	ssyncadd.s32 $0xFFFFFD80  }
0x41: {  	[tilespmem:s12], [sflag:$0x9] =	stream.linear.gather [hbm4b:s16+s4], $0x280, $0x38;
	[tilespmem:$0x1C880] =	vst v63  }
0x42: {  	_ =	swait.ge [sflag:s30], $0x280  }
0x43: {  	[sflag:s30] =	ssyncset.done $0x0  }
0x44: {  	s17 =	simm.s32 $0x1000;
	s18 =	simm.s32 $0x80;
	[sflag:s30] =	ssyncadd.s32 $0xFFFFFD80  }
0x45: {  	[tilespmem:s17], [sflag:$0x1] =	stream.indirect.gather [hbm4b:s0+s31], $0x80, s4, s31, $0xb8;
	[tilespmem:$0x1C880] =	vst v63  }
0x46: {  	s19 =	simm.s32 $0x3800;
	s11 =	simm.s32 $0x0;
	s12 =	simm.s32 $0x200  }
0x47: {  	[tilespmem:s19], [sflag:$0x2] =	stream.indirect.gather [hbm4b:s0+s31], $0x80, s18, s31, $0xb8;
	[tilespmem:$0x1C880] =	vst v63  }
.LBB2_2:
0x48: {  	p1 =	sne.s32 s12, $0x1E00;
	[tilespmem:s11+$0x8870] =	vst v0  }
0x49: {  	[tilespmem:s11+$0x8800] =	vst v0  }
0x4a: {  	[tilespmem:s11+$0x8810] =	vst v0  }
.Ltmp2:
0x4b: {  	[tilespmem:s11+$0x8820] =	vst v0;
	(pc) =	sbr.rel @p1 .LBB2_2-.Ltmp2, $4  }
0x4c: {  	[tilespmem:s11+$0x8830] =	vst v0  }
0x4d: {  	[tilespmem:s11+$0x8840] =	vst v0  }
0x4e: {  	[tilespmem:s11+$0x8850] =	vst v0  }
0x4f: {  	[tilespmem:s11+$0x8860] =	vst v0;
	s11 =	sshra.s32 s12, $0x2;
	s12 =	sadd.s32 $0x200, s12  }
0x50: {  	[tilespmem:s11+$0x8870] =	vst v0  }
0x51: {  	[tilespmem:s11+$0x8800] =	vst v0  }
0x52: {  	[tilespmem:s11+$0x8810] =	vst v0  }
0x53: {  	[tilespmem:s11+$0x8820] =	vst v0  }
0x54: {  	[tilespmem:s11+$0x8830] =	vst v0  }
0x55: {  	[tilespmem:s11+$0x8840] =	vst v0  }
0x56: {  	[tilespmem:s11+$0x8850] =	vst v0  }
0x57: {  	[tilespmem:s11+$0x8860] =	vst v0;
	s14 =	rddreg [dreg:$0x6]  }
0x58: {  	[spmem:s9] =	stream.linear.scatter [tilespmem:s1], [sflag:$0x7], $0x800, $0x38;
	[tilespmem:$0x1C880] =	vst v63  }
0x59: {  	s15 =	rddreg [dreg:$0x7]  }
0x5a: {  	[spmem:s14] =	stream.linear.scatter [tilespmem:s1], [sflag:$0x7], $0x800, $0x38;
	[tilespmem:$0x1C880] =	vst v63  }
0x5b: {  	s16 =	rddreg [dreg:$0x8]  }
0x5c: {  	[spmem:s15] =	stream.linear.scatter [tilespmem:s1], [sflag:$0x7], $0x800, $0x38;
	[tilespmem:$0x1C880] =	vst v63  }
0x5d: {  	s17 =	rddreg [dreg:$0x9]  }
0x5e: {  	[spmem:s16] =	stream.linear.scatter [tilespmem:s1], [sflag:$0x7], $0x800, $0x38;
	[tilespmem:$0x1C880] =	vst v63  }
0x5f: {  	s18 =	rddreg [dreg:$0xa]  }
0x60: {  	[spmem:s17] =	stream.linear.scatter [tilespmem:s1], [sflag:$0x7], $0x800, $0x38;
	[tilespmem:$0x1C880] =	vst v63  }
0x61: {  	s19 =	rddreg [dreg:$0xb]  }
0x62: {  	[spmem:s18] =	stream.linear.scatter [tilespmem:s1], [sflag:$0x7], $0x800, $0x38;
	[tilespmem:$0x1C880] =	vst v63  }
0x63: {  	s12 =	rddreg [dreg:$0xc]  }
0x64: {  	[spmem:s19] =	stream.linear.scatter [tilespmem:s1], [sflag:$0x7], $0x800, $0x38;
	[tilespmem:$0x1C880] =	vst v63  }
0x65: {  	s13 =	rddreg [dreg:$0xd]  }
0x66: {  	[spmem:s12] =	stream.linear.scatter [tilespmem:s1], [sflag:$0x7], $0x800, $0x38;
	[tilespmem:$0x1C880] =	vst v63  }
0x67: {  	s14 =	rddreg [dreg:$0xe]  }
0x68: {  	[spmem:s13] =	stream.linear.scatter [tilespmem:s1], [sflag:$0x7], $0x800, $0x38;
	[tilespmem:$0x1C880] =	vst v63  }
0x69: {  	s15 =	rddreg [dreg:$0xf]  }
0x6a: {  	[spmem:s14] =	stream.linear.scatter [tilespmem:s1], [sflag:$0x7], $0x800, $0x38;
	[tilespmem:$0x1C880] =	vst v63  }
0x6b: {  	s16 =	rddreg [dreg:$0x10]  }
0x6c: {  	[spmem:s15] =	stream.linear.scatter [tilespmem:s1], [sflag:$0x7], $0x800, $0x38;
	[tilespmem:$0x1C880] =	vst v63  }
0x6d: {  	s17 =	rddreg [dreg:$0x12]  }
0x6e: {  	[spmem:s16] =	stream.linear.scatter [tilespmem:s1], [sflag:$0x7], $0x800, $0x38;
	[tilespmem:$0x1C880] =	vst v63  }
0x6f: {  	s18 =	rddreg [dreg:$0x15]  }
0x70: {  	[spmem:s17] =	stream.linear.scatter [tilespmem:s1], [sflag:$0x7], $0x800, $0x38;
	[tilespmem:$0x1C880] =	vst v63  }
0x71: {  	s19 =	rddreg [dreg:$0x16]  }
0x72: {  	[spmem:s18] =	stream.linear.scatter [tilespmem:s1], [sflag:$0x7], $0x800, $0x38;
	[tilespmem:$0x1C880] =	vst v63  }
0x73: {  	s12 =	rddreg [dreg:$0x17]  }
0x74: {  	[spmem:s19] =	stream.linear.scatter [tilespmem:s1], [sflag:$0x7], $0x800, $0x38;
	[tilespmem:$0x1C880] =	vst v63  }
0x75: {  	s13 =	rddreg [dreg:$0x18]  }
0x76: {  	[spmem:s12] =	stream.linear.scatter [tilespmem:s1], [sflag:$0x7], $0x800, $0x38;
	[tilespmem:$0x1C880] =	vst v63  }
0x77: {  	s14 =	rddreg [dreg:$0x19]  }
0x78: {  	[spmem:s13] =	stream.linear.scatter [tilespmem:s1], [sflag:$0x7], $0x800, $0x38;
	[tilespmem:$0x1C880] =	vst v63  }
0x79: {  	s15 =	rddreg [dreg:$0x1a]  }
0x7a: {  	[spmem:s14] =	stream.linear.scatter [tilespmem:s1], [sflag:$0x7], $0x800, $0x38;
	[tilespmem:$0x1C880] =	vst v63  }
0x7b: {  	s16 =	rddreg [dreg:$0x1b]  }
0x7c: {  	[spmem:s15] =	stream.linear.scatter [tilespmem:s1], [sflag:$0x7], $0x800, $0x38;
	[tilespmem:$0x1C880] =	vst v63  }
0x7d: {  	s17 =	rddreg [dreg:$0x1c]  }
0x7e: {  	[spmem:s16] =	stream.linear.scatter [tilespmem:s1], [sflag:$0x7], $0x800, $0x38;
	[tilespmem:$0x1C880] =	vst v63  }
0x7f: {  	s18 =	rddreg [dreg:$0x1d]  }
0x80: {  	[spmem:s17] =	stream.linear.scatter [tilespmem:s1], [sflag:$0x7], $0x800, $0x38;
	[tilespmem:$0x1C880] =	vst v63  }
0x81: {  	s19 =	rddreg [dreg:$0x1e]  }
0x82: {  	[spmem:s18] =	stream.linear.scatter [tilespmem:s1], [sflag:$0x7], $0x800, $0x38;
	[tilespmem:$0x1C880] =	vst v63  }
0x83: {  	s12 =	rddreg [dreg:$0x1f]  }
0x84: {  	[spmem:s19] =	stream.linear.scatter [tilespmem:s1], [sflag:$0x7], $0x800, $0x38;
	[tilespmem:$0x1C880] =	vst v63  }
0x85: {  	s13 =	sld [smem:$0x7F7]  }
0x86: {  	[spmem:s12] =	stream.linear.scatter [tilespmem:s1], [sflag:$0x7], $0x800, $0x38;
	[tilespmem:$0x1C880] =	vst v63  }
0x87: {  	s14 =	sld [smem:$0x7F8]  }
0x88: {  	[spmem:s13] =	stream.linear.scatter [tilespmem:s1], [sflag:$0x7], $0x800, $0x38;
	[tilespmem:$0x1C880] =	vst v63  }
0x89: {  	s15 =	sld [smem:$0x7F9]  }
0x8a: {  	[spmem:s14] =	stream.linear.scatter [tilespmem:s1], [sflag:$0x7], $0x800, $0x38;
	[tilespmem:$0x1C880] =	vst v63  }
0x8b: {  	s16 =	sld [smem:$0x7FA]  }
0x8c: {  	[spmem:s15] =	stream.linear.scatter [tilespmem:s1], [sflag:$0x7], $0x800, $0x38;
	[tilespmem:$0x1C880] =	vst v63  }
0x8d: {  	s17 =	sld [smem:$0x7FB]  }
0x8e: {  	[spmem:s16] =	stream.linear.scatter [tilespmem:s1], [sflag:$0x7], $0x800, $0x38;
	[tilespmem:$0x1C880] =	vst v63  }
0x8f: {  	s18 =	sld [smem:$0x7FC]  }
0x90: {  	[spmem:s17] =	stream.linear.scatter [tilespmem:s1], [sflag:$0x7], $0x800, $0x38;
	[tilespmem:$0x1C880] =	vst v63  }
0x91: {  	s19 =	sld [smem:$0x7FD]  }
0x92: {  	[spmem:s18] =	stream.linear.scatter [tilespmem:s1], [sflag:$0x7], $0x800, $0x38;
	[tilespmem:$0x1C880] =	vst v63  }
0x93: {  	_ = 	snop  }
0x94: {  	[spmem:s19] =	stream.linear.scatter [tilespmem:s1], [sflag:$0x7], $0x800, $0x38;
	[tilespmem:$0x1C880] =	vst v63  }
0x95: {  	_ = 	snop  }
0x96: {  	[spmem:s20] =	stream.linear.scatter [tilespmem:s1], [sflag:$0x7], $0x800, $0x38;
	[tilespmem:$0x1C880] =	vst v63  }
0x97: {  	_ = 	snop  }
0x98: {  	[spmem:s21] =	stream.linear.scatter [tilespmem:s1], [sflag:$0x7], $0x800, $0x38;
	[tilespmem:$0x1C880] =	vst v63  }
0x99: {  	_ = 	snop  }
0x9a: {  	[spmem:s22] =	stream.linear.scatter [tilespmem:s1], [sflag:$0x7], $0x800, $0x38;
	[tilespmem:$0x1C880] =	vst v63  }
0x9b: {  	_ = 	snop  }
0x9c: {  	[spmem:s23] =	stream.linear.scatter [tilespmem:s1], [sflag:$0x7], $0x800, $0x38;
	[tilespmem:$0x1C880] =	vst v63  }
0x9d: {  	_ = 	snop  }
0x9e: {  	[spmem:s24] =	stream.linear.scatter [tilespmem:s1], [sflag:$0x7], $0x800, $0x38;
	[tilespmem:$0x1C880] =	vst v63  }
0x9f: {  	_ = 	snop  }
0xa0: {  	[spmem:s25] =	stream.linear.scatter [tilespmem:s1], [sflag:$0x7], $0x800, $0x38;
	[tilespmem:$0x1C880] =	vst v63  }
0xa1: {  	_ = 	snop  }
0xa2: {  	[spmem:s26] =	stream.linear.scatter [tilespmem:s1], [sflag:$0x7], $0x800, $0x38;
	[tilespmem:$0x1C880] =	vst v63  }
0xa3: {  	_ = 	snop  }
0xa4: {  	[spmem:s28] =	stream.linear.scatter [tilespmem:s1], [sflag:$0x7], $0x800, $0x38;
	[tilespmem:$0x1C880] =	vst v63  }
0xa5: {  	s11 =	simm.s32 @!p0 $0x8800  }
0xa6: {  	[spmem:s29] =	stream.linear.scatter @!p0 [tilespmem:s11], [sflag:$0x9], $0x800, $0x38;
	[tilespmem:$0x1C880] =	vst v63  }
0xa7: {  	s11 =	simm.s32 @!p0 $0x9  }
0xa8: {  	_ =	swait.ge @!p0 [sflag:s11], $0x800  }
0xa9: {  	[sflag:s11] =	ssyncset.done @!p0 $0x0  }
0xaa: {  	[sflag:s11] =	ssyncadd.s32 @!p0 $0xFFFFF800  }
0xab: {  	_ =	swait.ge [sflag:s2], $0x800  }
0xac: {  	[sflag:s2] =	ssyncset.done $0x0  }
0xad: {  	[sflag:s2] =	ssyncadd.s32 $0xFFFFF800  }
0xae: {  	_ =	swait.ge [sflag:s2], $0x800  }
0xaf: {  	[sflag:s2] =	ssyncset.done $0x0  }
0xb0: {  	[sflag:s2] =	ssyncadd.s32 $0xFFFFF800  }
0xb1: {  	_ =	swait.ge [sflag:s2], $0x800  }
0xb2: {  	[sflag:s2] =	ssyncset.done $0x0  }
0xb3: {  	[sflag:s2] =	ssyncadd.s32 $0xFFFFF800  }
0xb4: {  	_ =	swait.ge [sflag:s2], $0x800  }
0xb5: {  	[sflag:s2] =	ssyncset.done $0x0  }
0xb6: {  	[sflag:s2] =	ssyncadd.s32 $0xFFFFF800  }
0xb7: {  	_ =	swait.ge [sflag:s2], $0x800  }
0xb8: {  	[sflag:s2] =	ssyncset.done $0x0  }
0xb9: {  	[sflag:s2] =	ssyncadd.s32 $0xFFFFF800  }
0xba: {  	_ =	swait.ge [sflag:s2], $0x800  }
0xbb: {  	[sflag:s2] =	ssyncset.done $0x0  }
0xbc: {  	[sflag:s2] =	ssyncadd.s32 $0xFFFFF800  }
0xbd: {  	_ =	swait.ge [sflag:s2], $0x800  }
0xbe: {  	[sflag:s2] =	ssyncset.done $0x0  }
0xbf: {  	[sflag:s2] =	ssyncadd.s32 $0xFFFFF800  }
0xc0: {  	_ =	swait.ge [sflag:s2], $0x800  }
0xc1: {  	[sflag:s2] =	ssyncset.done $0x0  }
0xc2: {  	[sflag:s2] =	ssyncadd.s32 $0xFFFFF800  }
0xc3: {  	_ =	swait.ge [sflag:s2], $0x800  }
0xc4: {  	[sflag:s2] =	ssyncset.done $0x0  }
0xc5: {  	[sflag:s2] =	ssyncadd.s32 $0xFFFFF800  }
0xc6: {  	_ =	swait.ge [sflag:s2], $0x800  }
0xc7: {  	[sflag:s2] =	ssyncset.done $0x0  }
0xc8: {  	[sflag:s2] =	ssyncadd.s32 $0xFFFFF800  }
0xc9: {  	_ =	swait.ge [sflag:s2], $0x800  }
0xca: {  	[sflag:s2] =	ssyncset.done $0x0  }
0xcb: {  	[sflag:s2] =	ssyncadd.s32 $0xFFFFF800  }
0xcc: {  	_ =	swait.ge [sflag:s2], $0x800  }
0xcd: {  	[sflag:s2] =	ssyncset.done $0x0  }
0xce: {  	[sflag:s2] =	ssyncadd.s32 $0xFFFFF800  }
0xcf: {  	_ =	swait.ge [sflag:s2], $0x800  }
0xd0: {  	[sflag:s2] =	ssyncset.done $0x0  }
0xd1: {  	[sflag:s2] =	ssyncadd.s32 $0xFFFFF800  }
0xd2: {  	_ =	swait.ge [sflag:s2], $0x800  }
0xd3: {  	[sflag:s2] =	ssyncset.done $0x0  }
0xd4: {  	[sflag:s2] =	ssyncadd.s32 $0xFFFFF800  }
0xd5: {  	_ =	swait.ge [sflag:s2], $0x800  }
0xd6: {  	[sflag:s2] =	ssyncset.done $0x0  }
0xd7: {  	[sflag:s2] =	ssyncadd.s32 $0xFFFFF800  }
0xd8: {  	_ =	swait.ge [sflag:s2], $0x800  }
0xd9: {  	[sflag:s2] =	ssyncset.done $0x0  }
0xda: {  	[sflag:s2] =	ssyncadd.s32 $0xFFFFF800  }
0xdb: {  	_ =	swait.ge [sflag:s2], $0x800  }
0xdc: {  	[sflag:s2] =	ssyncset.done $0x0  }
0xdd: {  	[sflag:s2] =	ssyncadd.s32 $0xFFFFF800  }
0xde: {  	_ =	swait.ge [sflag:s2], $0x800  }
0xdf: {  	[sflag:s2] =	ssyncset.done $0x0  }
0xe0: {  	[sflag:s2] =	ssyncadd.s32 $0xFFFFF800  }
0xe1: {  	_ =	swait.ge [sflag:s2], $0x800  }
0xe2: {  	[sflag:s2] =	ssyncset.done $0x0  }
0xe3: {  	[sflag:s2] =	ssyncadd.s32 $0xFFFFF800  }
0xe4: {  	_ =	swait.ge [sflag:s2], $0x800  }
0xe5: {  	[sflag:s2] =	ssyncset.done $0x0  }
0xe6: {  	[sflag:s2] =	ssyncadd.s32 $0xFFFFF800  }
0xe7: {  	_ =	swait.ge [sflag:s2], $0x800  }
0xe8: {  	[sflag:s2] =	ssyncset.done $0x0  }
0xe9: {  	[sflag:s2] =	ssyncadd.s32 $0xFFFFF800  }
0xea: {  	_ =	swait.ge [sflag:s2], $0x800  }
0xeb: {  	[sflag:s2] =	ssyncset.done $0x0  }
0xec: {  	[sflag:s2] =	ssyncadd.s32 $0xFFFFF800  }
0xed: {  	_ =	swait.ge [sflag:s2], $0x800  }
0xee: {  	[sflag:s2] =	ssyncset.done $0x0  }
0xef: {  	[sflag:s2] =	ssyncadd.s32 $0xFFFFF800  }
0xf0: {  	_ =	swait.ge [sflag:s2], $0x800  }
0xf1: {  	[sflag:s2] =	ssyncset.done $0x0  }
0xf2: {  	[sflag:s2] =	ssyncadd.s32 $0xFFFFF800  }
0xf3: {  	_ =	swait.ge [sflag:s2], $0x800  }
0xf4: {  	[sflag:s2] =	ssyncset.done $0x0  }
0xf5: {  	[sflag:s2] =	ssyncadd.s32 $0xFFFFF800  }
0xf6: {  	_ =	swait.ge [sflag:s2], $0x800  }
0xf7: {  	[sflag:s2] =	ssyncset.done $0x0  }
0xf8: {  	[sflag:s2] =	ssyncadd.s32 $0xFFFFF800  }
0xf9: {  	_ =	swait.ge [sflag:s2], $0x800  }
0xfa: {  	[sflag:s2] =	ssyncset.done $0x0  }
0xfb: {  	[sflag:s2] =	ssyncadd.s32 $0xFFFFF800  }
0xfc: {  	_ =	swait.ge [sflag:s2], $0x800  }
0xfd: {  	[sflag:s2] =	ssyncset.done $0x0  }
0xfe: {  	[sflag:s2] =	ssyncadd.s32 $0xFFFFF800  }
0xff: {  	_ =	swait.ge [sflag:s2], $0x800  }
0x100: {  	[sflag:s2] =	ssyncset.done $0x0  }
0x101: {  	[sflag:s2] =	ssyncadd.s32 $0xFFFFF800  }
0x102: {  	_ =	swait.ge [sflag:s2], $0x800  }
0x103: {  	[sflag:s2] =	ssyncset.done $0x0  }
0x104: {  	[sflag:s2] =	ssyncadd.s32 $0xFFFFF800  }
0x105: {  	_ =	swait.ge [sflag:s2], $0x800  }
0x106: {  	[sflag:s2] =	ssyncset.done $0x0  }
0x107: {  	[sflag:s2] =	ssyncadd.s32 $0xFFFFF800  }
0x108: {  	_ =	swait.ge [sflag:s2], $0x800  }
0x109: {  	[sflag:s2] =	ssyncset.done $0x0  }
0x10a: {  	[sflag:s2] =	ssyncadd.s32 $0xFFFFF800  }
0x10b: {  	_ =	swait.ge [sflag:s2], $0x800  }
0x10c: {  	[sflag:s2] =	ssyncset.done $0x0  }
0x10d: {  	[sflag:s2] =	ssyncadd.s32 $0xFFFFF800  }
0x10e: {  	_ =	swait.ge [sflag:s2], $0x800  }
0x10f: {  	[sflag:s2] =	ssyncset.done $0x0  }
0x110: {  	[sflag:s2] =	ssyncadd.s32 $0xFFFFF800  }
0x111: {  	_ =	swait.ge [sflag:s2], $0x800  }
0x112: {  	[sflag:s2] =	ssyncset.done $0x0  }
0x113: {  	[sflag:s2] =	ssyncadd.s32 $0xFFFFF800  }
0x114: {  	_ =	swait.ge [sflag:s2], $0x800  }
0x115: {  	[sflag:s2] =	ssyncset.done $0x0  }
0x116: {  	[sflag:s2] =	ssyncadd.s32 $0xFFFFF800  }
0x117: {  	_ =	swait.ge [sflag:s2], $0x800  }
0x118: {  	[sflag:s2] =	ssyncset.done $0x0  }
0x119: {  	[sflag:s2] =	ssyncadd.s32 $0xFFFFF800  }
0x11a: {  	_ =	swait.ge [sflag:s2], $0x800  }
0x11b: {  	[sflag:s2] =	ssyncset.done $0x0  }
0x11c: {  	[sflag:s2] =	ssyncadd.s32 $0xFFFFF800  }
.Ltmp3:
0x11d: {  	_ =	swait.ge [sflag:s2], $0x800;
	(pc) =	sbr.rel .LBB2_4-.Ltmp3, $4  }
0x11e: {  	[sflag:s2] =	ssyncset.done $0x0  }
0x11f: {  	[sflag:s2] =	ssyncadd.s32 $0xFFFFF800  }
0x120: {  	[bflag:$0x0] =	sbarrier.arrive $0xFFFF  }
0x121: {  	s11 =	simm.s32 $0x0  }
.LBB2_7:
0x122: {  	p2 =	sne.s32 @!p1 s18, $0x1  }
0x123: {  	p2 =	por p1, p2  }
.Ltmp4:
0x124: {  	_ = 	snop;
	(pc) =	sbr.rel @p2 .LBB2_9-.Ltmp4, $1  }
0x125: {  	_ =	sdelay $0x3  }
0x126: {  	s18 =	sshll.u32 s19, $0xA  }
0x127: {  	s19 =	sshll.u32 s17, $0xA;
	s18 =	sadd.s32 s5, s18  }
0x128: {  	s19 =	sxor.u32 $0x400, s19;
	s18 =	sshrl.u32 s18, $0x3  }
0x129: {  	s19 =	sor.u32 $0x800, s19;
	s18 =	sadd.s32 s7, s18  }
0x12a: {  	[tilespmem:s19], [sflag:$0x8] =	stream.linear.gather [hbm4b:s18+s4], $0x280, $0x38;
	[tilespmem:$0x1C880] =	vst v63  }
.LBB2_11:
0x12b: {  	s15 =	smul.u32 $0xCD, s15;
	_ =	sdelay $0x1  }
0x12c: {  	s18 =	sshrl.u32 s15, $0xA  }
0x12d: {  	s18 =	smul.u32 $0x5, s18;
	_ =	sdelay $0x1  }
0x12e: {  	s19 =	smul.u32 $0xA000, s16;
	s13 =	ssub.s32 s13, s18  }
0x12f: {  	s13 =	sand.u32 $0xFF, s13  }
0x130: {  	s15 =	sand.u32 $0x400, s15;
	s18 =	sshrl.u32 s19, $0x2;
	s13 =	sshll.u32 s13, $0x7  }
0x131: {  	s19 =	sadd.s32 $0x1, s16;
	s18 =	sadd.s32 $0x1000, s18;
	s13 =	sor.u32 s13, s15  }
0x132: {  	[tilespmem:s18], [sflag:s19] =	stream.indirect.gather [hbm4b:s0+s31], $0x80, s13, s31, $0xb8;
	[tilespmem:$0x1C880] =	vst v63  }
.LBB2_12:
0x133: {  	s11 =	sadd.s32 $0x1, s11  }
0x134: {  	s18 =	smul.u32 $0xA000, s12;
	p1 =	sne.s32 s11, $0x7D  }
.Ltmp5:
0x135: {  	s13 =	sand.u32 $0xFF, s14;
	(pc) =	sbr.rel @!p1 .LBB2_13-.Ltmp5, $4  }
0x136: {  	s15 =	sshll.u32 s17, $0xA;
	s13 =	sshll.u32 s13, $0x7  }
0x137: {  	s14 =	sshrl.u32 s18, $0x2;
	s13 =	sadd.s32 s13, s15  }
0x138: {  	s19 =	sadd.s32 $0x4, s12;
	s14 =	sadd.s32 $0x1000, s14;
	s13 =	sadd.s32 $0x800, s13  }
0x139: {  	[spmem:s3] =	stream.indirect.scatter.add.f32 [tilespmem:s14], [sflag:s19], $0x80, s13, s31, $0xb8;
	[tilespmem:$0x1C880] =	vst v63  }
.LBB2_4:
0x13a: {  	s12 =	sand.u32 $0xFF, s11  }
0x13b: {  	s13 =	sadd.s32 $0x2, s11;
	s14 =	smul.u32 $0xAB, s12  }
0x13c: {  	s15 =	sand.u32 $0xFF, s13  }
0x13d: {  	s16 =	smul.u32 $0xAB, s15;
	s14 =	sshrl.u32 s14, $0x9  }
0x13e: {  	s14 =	smul.u32 $0x3, s14  }
0x13f: {  	s12 =	smul.u32 $0xCD, s12;
	s16 =	sshrl.u32 s16, $0x9  }
0x140: {  	s18 =	smul.u32 $0x3, s16;
	s17 =	ssub.s32 s11, s14  }
0x141: {  	s19 =	sshrl.u32 s12, $0xA;
	s12 =	sand.u32 $0xFF, s17  }
0x142: {  	s16 =	smul.u32 $0x5, s19;
	s17 =	ssub.s32 s13, s18;
	s18 =	sadd.s32 $0x1, s12  }
0x143: {  	_ =	swait.ge [sflag:s18], $0x2800  }
0x144: {  	p1 =	sgt.u32 s11, $0x77;
	s14 =	ssub.s32 s11, s16;
	[sflag:s18] =	ssyncset.done $0x0  }
0x145: {  	[sflag:s18] =	ssyncadd.s32 $0xFFFFD800;
	s18 =	sand.u32 @!p1 $0xFF, s14  }
0x146: {  	p3 =	sne.s32 @!p1 s18, $0x0  }
0x147: {  	p3 =	por p1, p3  }
.Ltmp6:
0x148: {  	p2 =	seq.s32 s11, $0x0;
	s16 =	sand.u32 $0xFF, s17;
	(pc) =	sbr.rel @p3 .LBB2_7-.Ltmp6, $4  }
0x149: {  	s17 =	sadd.s32 @!p2 $0x4, s16  }
0x14a: {  	_ =	swait.ge @!p2 [sflag:s17], $0x2800  }
0x14b: {  	[sflag:s17] =	ssyncset.done @!p2 $0x0  }
0x14c: {  	[sflag:s17] =	ssyncadd.s32 @!p2 $0xFFFFD800;
	s17 =	sand.u32 $0x1, s19;
	s19 =	sadd.s32 $0x1, s19  }
0x14d: {  	s18 =	sshll.u32 s19, $0xA  }
0x14e: {  	s18 =	sadd.s32 s5, s18  }
0x14f: {  	s19 =	sshll.u32 s17, $0xA;
	s18 =	sshrl.u32 s18, $0x3  }
0x150: {  	s19 =	sxor.u32 $0x400, s19;
	s18 =	sadd.s32 s6, s18  }
0x151: {  	[tilespmem:s19], [sflag:$0x7] =	stream.linear.gather [hbm4b:s18+s4], $0x280, $0x38;
	[tilespmem:$0x1C880] =	vst v63  }
.LBB2_6:
0x152: {  	p1 =	slt.u32 s11, $0x5  }
0x153: {  	s18 =	sand.u32 @!p1 $0xFF, s14  }
0x154: {  	p2 =	sne.s32 @!p1 s18, $0x0  }
0x155: {  	p1 =	por p2, p1;
	p2 =	sgt.u32 s11, $0x7A  }
.Ltmp7:
0x156: {  	_ = 	snop;
	(pc) =	sbr.rel @p2 .LBB2_12-.Ltmp7, $4  }
.Ltmp8:
0x157: {  	s18 =	simm.s32 @!p1 $0x8;
	(pc) =	sbr.rel @!p2 .LBB2_11-.Ltmp8, $4  }
0x158: {  	_ =	swait.ge @!p1 [sflag:s18], $0x280  }
0x159: {  	[sflag:s18] =	ssyncset.done @!p1 $0x0  }
0x15a: {  	[sflag:s18] =	ssyncadd.s32 @!p1 $0xFFFFFD80  }
0x15b: {  	_ = 	snop  }
.LBB2_9:
0x15c: {  	p2 =	sne.s32 @!p1 s18, $0x3  }
0x15d: {  	p1 =	por p1, p2  }
.Ltmp9:
0x15e: {  	_ = 	snop;
	(pc) =	sbr.rel @p1 .LBB2_6-.Ltmp9, $1  }
0x15f: {  	_ =	sdelay $0x3  }
.Ltmp10:
0x160: {  	(pc) =	sbr.rel .LBB2_11-.Ltmp10, $4  }
0x161: {  	_ = 	snop  }
0x162: {  	_ =	swait.ge [sflag:s2], $0x280  }
0x163: {  	[sflag:s2] =	ssyncset.done $0x0  }
0x164: {  	[sflag:s2] =	ssyncadd.s32 $0xFFFFFD80  }
.LBB2_14:
0x165: {  	_ =	sfence.sel $0x180000  }
0x166: {  	[bflag:$0x0] =	sbarrier.arrive $0xFFFF  }
0x167: {  	_ =	strace $0x90000050  }
0x168: {  	s0 =	stileid.u32;
	[bflag:$0x2] =	sbarrier.arrive $0xFFFF  }
0x169: {  	p0 =	sne.s32 s0, $0x0;
	s0 =	rddreg [dreg:$0x3]  }
0x16a: {  	s0 =	sadd.s32 @!p0 $0x100000, s0  }
0x16b: {  	[sflag:s0] =	ssyncadd.tile.s32 @!p0 $0x1;
	_ =	shalt  }
.Lfunc_end2:
_tile_overlayer_lowered:
.L_overlay_start_2:
0x16c: {  	(tag) =	ssettag $0x2  }
0x16d: {  	s0 =	rddreg [dreg:$0x0];
	s2 =	stileid.u32  }
0x16e: {  	s1 =	rddreg [dreg:$0x1];
	p0 =	sne.s32 s2, $0x0  }
0x16f: {  	s3 =	rddreg [dreg:$0x2];
	[bflag:$0x3] =	sbarrier.arrive $0xFFFF;
	s2 =	simm.s32 @!p0 $0x1C09  }
0x170: {  	[timem:s3], [sflag:s2] =	dma.local @!p0 [hbm:s0], s1  }
0x171: {  	s0 =	simm.s32 @!p0 $0x9  }
0x172: {  	_ =	swait.ge @!p0 [sflag:s0], s1  }
0x173: {  	s1 =	ssub.s32 @!p0 $0x0, s1;
	[sflag:s0] =	ssyncset.done @!p0 $0x0  }
0x174: {  	[sflag:s0] =	ssyncadd.s32 @!p0 s1  }
0x175: {  	[bflag:$0x3] =	sbarrier.arrive $0xFFFF  }
0x176: {  	_ =	shalt  }

</sc_bundles>
